<compile_context>
chip_gen: v7x
topology: tpu7x:2x2x1
jax: 0.10.2.dev20260603
libtpu: 0.0.44.dev20260713+nightly
codegen_flags: <defaults>
</compile_context>

<pallas_src>
import jax
import jax.numpy as jnp
from jax import lax
from jax.experimental import pallas as pl
from jax.experimental.pallas import tpu as pltpu
from jax.experimental.pallas import tpu_sc as plsc

B_SZ = 4
C_SZ = 3
H = 128
W = 128
N_K = 32
OUT_H = 124
OUT_W = 124
PLANE = OUT_H * OUT_W
X_PER_B = C_SZ * H * W
N_WORKERS = 32
K_PER_W = N_K * B_SZ // N_WORKERS
_COL_STARTS = (0, 16, 32, 48, 64, 80, 96, 108)


def _body(x_hbm, idx_hbm, w_hbm,
          out_hbm, x_v, idx_v, w_v, plane_v0, plane_v1, plane_v2, plane_v3,
          dma_sem, x_sem):
    planes = (plane_v0, plane_v1, plane_v2, plane_v3)
    wid = lax.axis_index("s") * 2 + lax.axis_index("c")
    b = wid // 8
    k0 = (wid % 8) * K_PER_W

    x_copy = pltpu.async_copy(x_hbm.at[pl.ds(b * X_PER_B, X_PER_B)], x_v,
                              x_sem)
    pltpu.sync_copy(idx_hbm, idx_v.at[pl.ds(0, 6 * N_K)])
    pltpu.sync_copy(w_hbm, w_v)

    it = lax.iota(jnp.int32, 16)
    t11 = (it & 1).astype(jnp.float32)
    t10 = ((it >> 1) & 1).astype(jnp.float32)
    t01 = ((it >> 2) & 1).astype(jnp.float32)
    t00 = ((it >> 3) & 1).astype(jnp.float32)
    m0 = t00
    m1 = t10 - t00
    m2 = t01 - t00
    m3 = t11 - t10 - t01 + t00

    def vsum(v):
        for sh in (8, 4, 2, 1):
            v = v + v.at[(it + sh) & 15].get(mode="promise_in_bounds")
        return v

    def sget(i):
        return idx_v[pl.ds(i, 16)][0]

    params = []
    for j in range(K_PER_W):
        k = k0 + j
        ra = sget(k)
        wa = sget(N_K + k)
        ca = sget(2 * N_K + k)
        rb = sget(3 * N_K + k)
        wb = sget(4 * N_K + k)
        cb = sget(5 * N_K + k)
        base_a = ca * (H * W) + ra * W + wa
        base_b = cb * (H * W) + rb * W + wb
        wrow = w_v[pl.ds(k * 16, 16)]
        params.append((base_a, base_b, vsum(wrow * m0), vsum(wrow * m1),
                       vsum(wrow * m2), vsum(wrow * m3)))
    x_copy.wait()

    copies = []
    for j in range(K_PER_W):
        k = k0 + j
        plane_v = planes[j]
        base_a, base_b, c0, c1, c2, c3 = params[j]

        @plsc.parallel_loop(0, OUT_H, unroll=2)
        def row(h, base_a=base_a, base_b=base_b, plane_v=plane_v,
                c0=c0, c1=c1, c2=c2, c3=c3):
            oa = base_a + h * W
            ob = base_b + h * W
            for cs in _COL_STARTS:
                av = x_v[pl.ds(oa + cs, 16)]
                bv = x_v[pl.ds(ob + cs, 16)]
                plane_v[h, pl.ds(cs, 16)] = (c0 + c1 * av) + bv * (c2 + c3 * av)

        copies.append(pltpu.async_copy(plane_v, out_hbm.at[b, k], dma_sem))
    for c in copies:
        c.wait()


@jax.jit
def _run(x, idx6, w):
    f = pl.kernel(
        _body,
        out_type=jax.ShapeDtypeStruct((B_SZ, N_K, OUT_H, OUT_W), jnp.float32),
        mesh=plsc.VectorSubcoreMesh(core_axis_name="c", subcore_axis_name="s"),
        scratch_types=[
            pltpu.VMEM((X_PER_B,), jnp.float32),
            pltpu.VMEM((6 * N_K + 16,), jnp.int32),
            pltpu.VMEM((N_K * 16,), jnp.float32),
            pltpu.VMEM((OUT_H, OUT_W), jnp.float32),
            pltpu.VMEM((OUT_H, OUT_W), jnp.float32),
            pltpu.VMEM((OUT_H, OUT_W), jnp.float32),
            pltpu.VMEM((OUT_H, OUT_W), jnp.float32),
            pltpu.SemaphoreType.DMA,
            pltpu.SemaphoreType.DMA,
        ],
    )
    return f(x, idx6, w)


def kernel(input, a_h, a_w, a_c, b_h, b_w, b_c, weights):
    idx6 = jnp.concatenate([a_h[0], a_w[0], a_c[0], b_h[0], b_w[0], b_c[0]])
    return _run(input.reshape(-1), idx6, weights.reshape(-1))

# --- scband reference (transcript-rebuilt; emitter-appended) ---
"""Pipeline reference for scband-logic-conv-explicit-indices-6897717477607 (READ-ONLY COPY).

The authoritative reference and input builder live on the scoring server;
editing this copy changes nothing except your own understanding.
"""

import jax, jax.numpy as jnp
import numpy as np

RCF_H, RCF_W = 5, 5
H, W = 128, 128
N_KERNELS = 32
OUT_H = H - RCF_H + 1
OUT_W = W - RCF_W + 1


def _make_buffers():
    ks = np.arange(N_KERNELS)
    pa = np.stack([ks % 5, (ks // 5) % 5, ks % 3], axis=-1)
    pb = np.stack([(ks + 2) % 5, (2 * ks + 1) % 5, (ks + 1) % 3], axis=-1)
    hg, wg = np.meshgrid(np.arange(OUT_H), np.arange(OUT_W), indexing='ij')
    hg = hg.reshape(-1, 1)
    wg = wg.reshape(-1, 1)
    a_h = pa[None, :, 0] + hg
    a_w = pa[None, :, 1] + wg
    a_c = np.broadcast_to(pa[None, :, 2], a_h.shape).copy()
    b_h = pb[None, :, 0] + hg
    b_w = pb[None, :, 1] + wg
    b_c = np.broadcast_to(pb[None, :, 2], b_h.shape).copy()
    weights = np.zeros((N_KERNELS, 16), dtype=np.float32)
    weights[ks, ks % 16] = 0.1
    return a_h, a_w, a_c, b_h, b_w, b_c, weights


def setup_inputs(seed: int = 0):
    key = jax.random.key(seed)
    x = jax.random.uniform(key, (4, 3, H, W), dtype=jnp.float32)
    a_h, a_w, a_c, b_h, b_w, b_c, weights = _make_buffers()
    return {
        'input': x,
        'a_h': jnp.asarray(a_h, jnp.int32),
        'a_w': jnp.asarray(a_w, jnp.int32),
        'a_c': jnp.asarray(a_c, jnp.int32),
        'b_h': jnp.asarray(b_h, jnp.int32),
        'b_w': jnp.asarray(b_w, jnp.int32),
        'b_c': jnp.asarray(b_c, jnp.int32),
        'weights': jnp.asarray(weights, jnp.float32),
    }


def reference(input, a_h, a_w, a_c, b_h, b_w, b_c, weights):
    # gather a/b operand planes: (B, P, K)
    a = input[:, a_c, a_h, a_w]
    b = input[:, b_c, b_h, b_w]
    a = jnp.transpose(a, (0, 2, 1))  # (B, K, P)
    b = jnp.transpose(b, (0, 2, 1))
    ab = a * b
    apb = a + b
    aob = apb - ab
    ops = jnp.stack([
        jnp.zeros_like(a), ab, a - ab, a, b - ab, b,
        apb - 2 * ab, aob, 1 - aob, 1 - (apb - 2 * ab),
        1 - b, 1 - b + ab, 1 - a, 1 - a + ab, 1 - ab,
        jnp.ones_like(a)
    ], axis=-1)  # (B, K, P, 16)
    out = (ops * weights[None, :, None, :]).sum(axis=-1)
    return out.reshape(input.shape[0], N_KERNELS, OUT_H, OUT_W)

if __name__ == "__main__":
    import jax
    _d = setup_inputs()
    print(jax.jit(kernel)(*tuple(_d.values())))

</pallas_src>

<mosaic_0001>
#map = affine_map<(d0, d1) -> (0)>
#map1 = affine_map<(d0, d1) -> (0, 0, 0, 0)>
module attributes {stable_mosaic.version = 14 : i64} {
  func.func @_body(%arg0: i32, %arg1: i32, %arg2: memref<196608xf32, #tpu.memory_space<hbm>>, %arg3: memref<192xi32, #tpu.memory_space<hbm>>, %arg4: memref<512xf32, #tpu.memory_space<hbm>>, %arg5: memref<4x32x124x124xf32, #tpu.memory_space<hbm>>, %arg6: memref<49152xf32, #tpu.memory_space<vmem>>, %arg7: memref<208xi32, #tpu.memory_space<vmem>>, %arg8: memref<512xf32, #tpu.memory_space<vmem>>, %arg9: memref<124x124xf32, #tpu.memory_space<vmem>>, %arg10: memref<124x124xf32, #tpu.memory_space<vmem>>, %arg11: memref<124x124xf32, #tpu.memory_space<vmem>>, %arg12: memref<124x124xf32, #tpu.memory_space<vmem>>, %arg13: memref<!tpu.dma_semaphore, #tpu.memory_space<semaphore_mem>>, %arg14: memref<!tpu.dma_semaphore, #tpu.memory_space<semaphore_mem>>) attributes {dimension_semantics = [#tpu.dimension_semantics<core_parallel>, #tpu.dimension_semantics<subcore_parallel>], iteration_bounds = array<i64: 2, 16>, scalar_prefetch = 0 : i64, scratch_operands = 9 : i64, tpu.core_type = #tpu.core_type<sc_vector_subcore>, window_params = [{transform_indices = #map}, {transform_indices = #map}, {transform_indices = #map}, {transform_indices = #map1}]} {
    %mul3A = arith.constant 2 : i32
    %mul3A_0 = arith.muli %arg1, %mul3A : i32
    %add3A = arith.addi %mul3A_0, %arg0 : i32
    %jit3A = arith.constant 8 : i32
    %div3A = arith.divsi %add3A, %jit3A : i32
    %sign3A = arith.constant 0 : i32
    %sign3A_1 = arith.cmpi sgt, %add3A, %sign3A : i32
    %sign3A_2 = arith.extui %sign3A_1 : i1 to i32
    %sign3A_3 = arith.constant 0 : i32
    %sign3A_4 = arith.cmpi slt, %add3A, %sign3A_3 : i32
    %sign3A_5 = arith.extui %sign3A_4 : i1 to i32
    %sign3A_6 = arith.subi %sign3A_2, %sign3A_5 : i32
    %sign3A_7 = arith.constant 0 : i32
    %sign3A_8 = arith.cmpi sgt, %jit3A, %sign3A_7 : i32
    %sign3A_9 = arith.extui %sign3A_8 : i1 to i32
    %sign3A_10 = arith.constant 0 : i32
    %sign3A_11 = arith.cmpi slt, %jit3A, %sign3A_10 : i32
    %sign3A_12 = arith.extui %sign3A_11 : i1 to i32
    %sign3A_13 = arith.subi %sign3A_9, %sign3A_12 : i32
    %ne3A = arith.cmpi ne, %sign3A_6, %sign3A_13 : i32
    %rem3A = arith.remsi %add3A, %jit3A : i32
    %ne3A_14 = arith.constant 0 : i32
    %ne3A_15 = arith.cmpi ne, %rem3A, %ne3A_14 : i32
    %and3A = arith.andi %ne3A, %ne3A_15 : i1
    %sub3A = arith.constant 1 : i32
    %sub3A_16 = arith.subi %div3A, %sub3A : i32
    %select_n3A = arith.select %and3A, %sub3A_16, %div3A : i32
    %jit3A_17 = arith.constant 8 : i32
    %eq3A = arith.constant 0 : i32
    %eq3A_18 = arith.cmpi eq, %jit3A_17, %eq3A : i32
    %jit3A_19 = arith.constant 1 : i32
    %select_n3A_20 = arith.select %eq3A_18, %jit3A_19, %jit3A_17 : i32
    %rem3A_21 = arith.remsi %add3A, %select_n3A_20 : i32
    %ne3A_22 = arith.constant 0 : i32
    %ne3A_23 = arith.cmpi ne, %rem3A_21, %ne3A_22 : i32
    %lt3A = arith.constant 0 : i32
    %lt3A_24 = arith.cmpi slt, %rem3A_21, %lt3A : i32
    %lt3A_25 = arith.constant 0 : i32
    %lt3A_26 = arith.cmpi slt, %select_n3A_20, %lt3A_25 : i32
    %ne3A_27 = arith.xori %lt3A_24, %lt3A_26 : i1
    %and3A_28 = arith.andi %ne3A_27, %ne3A_23 : i1
    %add3A_29 = arith.addi %rem3A_21, %select_n3A_20 : i32
    %select_n3A_30 = arith.select %and3A_28, %add3A_29, %rem3A_21 : i32
    %mul3A_31 = arith.constant 4 : i32
    %mul3A_32 = arith.muli %select_n3A_30, %mul3A_31 : i32
    %mul3A_33 = arith.constant 49152 : i32
    %mul3A_34 = arith.muli %select_n3A, %mul3A_33 : i32
    %dma_start3A = tpu.memref_slice %arg2[%mul3A_34] : memref<196608xf32, #tpu.memory_space<hbm>> -> memref<49152xf32, #tpu.memory_space<hbm>>
    %dma_start3A_35 = tpu.memref_slice %arg2[%mul3A_34] : memref<196608xf32, #tpu.memory_space<hbm>> -> memref<49152xf32, #tpu.memory_space<hbm>>
    tpu.enqueue_dma source(%dma_start3A_35 : memref<49152xf32, #tpu.memory_space<hbm>>) target(%arg6 : memref<49152xf32, #tpu.memory_space<vmem>>) target_semaphore(%arg14 : memref<!tpu.dma_semaphore, #tpu.memory_space<semaphore_mem>>)
    "tpu.region"() ({
      %run_scoped3A = tpu.sem_alloc : memref<!tpu.dma_semaphore, #tpu.memory_space<semaphore_mem>>
      %dma_start3A_1483 = arith.constant 0 : i32
      %dma_start3A_1484 = tpu.memref_slice %arg7[%dma_start3A_1483] : memref<208xi32, #tpu.memory_space<vmem>> -> memref<192xi32, #tpu.memory_space<vmem>>
      %dma_start3A_1485 = arith.constant 0 : i32
      %dma_start3A_1486 = tpu.memref_slice %arg7[%dma_start3A_1485] : memref<208xi32, #tpu.memory_space<vmem>> -> memref<192xi32, #tpu.memory_space<vmem>>
      tpu.enqueue_dma source(%arg3 : memref<192xi32, #tpu.memory_space<hbm>>) target(%dma_start3A_1486 : memref<192xi32, #tpu.memory_space<vmem>>) target_semaphore(%run_scoped3A : memref<!tpu.dma_semaphore, #tpu.memory_space<semaphore_mem>>)
      %dma_wait3A_1487 = arith.constant 0 : i32
      %dma_wait3A_1488 = tpu.memref_slice %arg7[%dma_wait3A_1487] : memref<208xi32, #tpu.memory_space<vmem>> -> memref<192xi32, #tpu.memory_space<vmem>>
      %dma_wait3A_1489 = arith.constant 0 : i32
      %dma_wait3A_1490 = tpu.memref_slice %arg7[%dma_wait3A_1489] : memref<208xi32, #tpu.memory_space<vmem>> -> memref<192xi32, #tpu.memory_space<vmem>>
      tpu.wait_dma2 semaphore(%run_scoped3A : memref<!tpu.dma_semaphore, #tpu.memory_space<semaphore_mem>>) src(%arg3 : memref<192xi32, #tpu.memory_space<hbm>>) dst(%dma_wait3A_1490 : memref<192xi32, #tpu.memory_space<vmem>>)
      tpu.yield
    }) : () -> ()
    "tpu.region"() ({
      %run_scoped3A = tpu.sem_alloc : memref<!tpu.dma_semaphore, #tpu.memory_space<semaphore_mem>>
      tpu.enqueue_dma source(%arg4 : memref<512xf32, #tpu.memory_space<hbm>>) target(%arg8 : memref<512xf32, #tpu.memory_space<vmem>>) target_semaphore(%run_scoped3A : memref<!tpu.dma_semaphore, #tpu.memory_space<semaphore_mem>>)
      tpu.wait_dma2 semaphore(%run_scoped3A : memref<!tpu.dma_semaphore, #tpu.memory_space<semaphore_mem>>) src(%arg4 : memref<512xf32, #tpu.memory_space<hbm>>) dst(%arg8 : memref<512xf32, #tpu.memory_space<vmem>>)
      tpu.yield
    }) : () -> ()
    %iota3A = tpu.iota {dimensions = array<i32: 0>} : vector<16xi32>
    %and3A_36 = arith.constant 1 : i32
    %and3A_37 = vector.broadcast %and3A_36 : i32 to vector<16xi32>
    %and3A_38 = arith.andi %iota3A, %and3A_37 : vector<16xi32>
    %convert_element_type3A = arith.sitofp %and3A_38 : vector<16xi32> to vector<16xf32>
    %shift_right_arithmetic3A = arith.constant 1 : i32
    %shift_right_arithmetic3A_39 = vector.broadcast %shift_right_arithmetic3A : i32 to vector<16xi32>
    %shift_right_arithmetic3A_40 = arith.shrsi %iota3A, %shift_right_arithmetic3A_39 : vector<16xi32>
    %and3A_41 = arith.constant 1 : i32
    %and3A_42 = vector.broadcast %and3A_41 : i32 to vector<16xi32>
    %and3A_43 = arith.andi %shift_right_arithmetic3A_40, %and3A_42 : vector<16xi32>
    %convert_element_type3A_44 = arith.sitofp %and3A_43 : vector<16xi32> to vector<16xf32>
    %shift_right_arithmetic3A_45 = arith.constant 2 : i32
    %shift_right_arithmetic3A_46 = vector.broadcast %shift_right_arithmetic3A_45 : i32 to vector<16xi32>
    %shift_right_arithmetic3A_47 = arith.shrsi %iota3A, %shift_right_arithmetic3A_46 : vector<16xi32>
    %and3A_48 = arith.constant 1 : i32
    %and3A_49 = vector.broadcast %and3A_48 : i32 to vector<16xi32>
    %and3A_50 = arith.andi %shift_right_arithmetic3A_47, %and3A_49 : vector<16xi32>
    %convert_element_type3A_51 = arith.sitofp %and3A_50 : vector<16xi32> to vector<16xf32>
    %shift_right_arithmetic3A_52 = arith.constant 3 : i32
    %shift_right_arithmetic3A_53 = vector.broadcast %shift_right_arithmetic3A_52 : i32 to vector<16xi32>
    %shift_right_arithmetic3A_54 = arith.shrsi %iota3A, %shift_right_arithmetic3A_53 : vector<16xi32>
    %and3A_55 = arith.constant 1 : i32
    %and3A_56 = vector.broadcast %and3A_55 : i32 to vector<16xi32>
    %and3A_57 = arith.andi %shift_right_arithmetic3A_54, %and3A_56 : vector<16xi32>
    %convert_element_type3A_58 = arith.sitofp %and3A_57 : vector<16xi32> to vector<16xf32>
    %sub3A_59 = arith.subf %convert_element_type3A_44, %convert_element_type3A_58 : vector<16xf32>
    %sub3A_60 = arith.subf %convert_element_type3A_51, %convert_element_type3A_58 : vector<16xf32>
    %sub3A_61 = arith.subf %convert_element_type3A, %convert_element_type3A_44 : vector<16xf32>
    %sub3A_62 = arith.subf %sub3A_61, %convert_element_type3A_51 : vector<16xf32>
    %add3A_63 = arith.addf %sub3A_62, %convert_element_type3A_58 : vector<16xf32>
    %add3A_64 = arith.constant 0 : i32
    %add3A_65 = arith.addi %mul3A_32, %add3A_64 : i32
    %get3A = arith.index_cast %add3A_65 : i32 to index
    %get3A_66 = tpu.vector_load %arg7[%get3A] {strides = array<i32>} : memref<208xi32, #tpu.memory_space<vmem>>, vector<16xi32>,
    %get3A_67 = vector.shape_cast %get3A_66 : vector<16xi32> to vector<16xi32>
    %slice3A = vector.extract_strided_slice %get3A_67 {offsets = [0], sizes = [1], strides = [1]} : vector<16xi32> to vector<1xi32>
    %squeeze3A = vector.extract %slice3A[0] : i32 from vector<1xi32>
    %add3A_68 = arith.constant 32 : i32
    %add3A_69 = arith.addi %add3A_68, %add3A_65 : i32
    %get3A_70 = arith.index_cast %add3A_69 : i32 to index
    %get3A_71 = tpu.vector_load %arg7[%get3A_70] {strides = array<i32>} : memref<208xi32, #tpu.memory_space<vmem>>, vector<16xi32>,
    %get3A_72 = vector.shape_cast %get3A_71 : vector<16xi32> to vector<16xi32>
    %slice3A_73 = vector.extract_strided_slice %get3A_72 {offsets = [0], sizes = [1], strides = [1]} : vector<16xi32> to vector<1xi32>
    %squeeze3A_74 = vector.extract %slice3A_73[0] : i32 from vector<1xi32>
    %add3A_75 = arith.constant 64 : i32
    %add3A_76 = arith.addi %add3A_75, %add3A_65 : i32
    %get3A_77 = arith.index_cast %add3A_76 : i32 to index
    %get3A_78 = tpu.vector_load %arg7[%get3A_77] {strides = array<i32>} : memref<208xi32, #tpu.memory_space<vmem>>, vector<16xi32>,
    %get3A_79 = vector.shape_cast %get3A_78 : vector<16xi32> to vector<16xi32>
    %slice3A_80 = vector.extract_strided_slice %get3A_79 {offsets = [0], sizes = [1], strides = [1]} : vector<16xi32> to vector<1xi32>
    %squeeze3A_81 = vector.extract %slice3A_80[0] : i32 from vector<1xi32>
    %add3A_82 = arith.constant 96 : i32
    %add3A_83 = arith.addi %add3A_82, %add3A_65 : i32
    %get3A_84 = arith.index_cast %add3A_83 : i32 to index
    %get3A_85 = tpu.vector_load %arg7[%get3A_84] {strides = array<i32>} : memref<208xi32, #tpu.memory_space<vmem>>, vector<16xi32>,
    %get3A_86 = vector.shape_cast %get3A_85 : vector<16xi32> to vector<16xi32>
    %slice3A_87 = vector.extract_strided_slice %get3A_86 {offsets = [0], sizes = [1], strides = [1]} : vector<16xi32> to vector<1xi32>
    %squeeze3A_88 = vector.extract %slice3A_87[0] : i32 from vector<1xi32>
    %add3A_89 = arith.constant 128 : i32
    %add3A_90 = arith.addi %add3A_89, %add3A_65 : i32
    %get3A_91 = arith.index_cast %add3A_90 : i32 to index
    %get3A_92 = tpu.vector_load %arg7[%get3A_91] {strides = array<i32>} : memref<208xi32, #tpu.memory_space<vmem>>, vector<16xi32>,
    %get3A_93 = vector.shape_cast %get3A_92 : vector<16xi32> to vector<16xi32>
    %slice3A_94 = vector.extract_strided_slice %get3A_93 {offsets = [0], sizes = [1], strides = [1]} : vector<16xi32> to vector<1xi32>
    %squeeze3A_95 = vector.extract %slice3A_94[0] : i32 from vector<1xi32>
    %add3A_96 = arith.constant 160 : i32
    %add3A_97 = arith.addi %add3A_96, %add3A_65 : i32
    %get3A_98 = arith.index_cast %add3A_97 : i32 to index
    %get3A_99 = tpu.vector_load %arg7[%get3A_98] {strides = array<i32>} : memref<208xi32, #tpu.memory_space<vmem>>, vector<16xi32>,
    %get3A_100 = vector.shape_cast %get3A_99 : vector<16xi32> to vector<16xi32>
    %slice3A_101 = vector.extract_strided_slice %get3A_100 {offsets = [0], sizes = [1], strides = [1]} : vector<16xi32> to vector<1xi32>
    %squeeze3A_102 = vector.extract %slice3A_101[0] : i32 from vector<1xi32>
    %mul3A_103 = arith.constant 16384 : i32
    %mul3A_104 = arith.muli %squeeze3A_81, %mul3A_103 : i32
    %mul3A_105 = arith.constant 128 : i32
    %mul3A_106 = arith.muli %squeeze3A, %mul3A_105 : i32
    %add3A_107 = arith.addi %mul3A_104, %mul3A_106 : i32
    %add3A_108 = arith.addi %add3A_107, %squeeze3A_74 : i32
    %mul3A_109 = arith.constant 16384 : i32
    %mul3A_110 = arith.muli %squeeze3A_102, %mul3A_109 : i32
    %mul3A_111 = arith.constant 128 : i32
    %mul3A_112 = arith.muli %squeeze3A_88, %mul3A_111 : i32
    %add3A_113 = arith.addi %mul3A_110, %mul3A_112 : i32
    %add3A_114 = arith.addi %add3A_113, %squeeze3A_95 : i32
    %mul3A_115 = arith.constant 16 : i32
    %mul3A_116 = arith.muli %add3A_65, %mul3A_115 : i32
    %get3A_117 = arith.index_cast %mul3A_116 : i32 to index
    %get3A_118 = tpu.vector_load %arg8[%get3A_117] {strides = array<i32>} : memref<512xf32, #tpu.memory_space<vmem>>, vector<16xf32>,
    %get3A_119 = vector.shape_cast %get3A_118 : vector<16xf32> to vector<16xf32>
    %mul3A_120 = arith.mulf %get3A_119, %convert_element_type3A_58 : vector<16xf32>
    %add3A_121 = arith.constant 8 : i32
    %add3A_122 = vector.broadcast %add3A_121 : i32 to vector<16xi32>
    %add3A_123 = arith.addi %iota3A, %add3A_122 : vector<16xi32>
    %and3A_124 = arith.constant 15 : i32
    %and3A_125 = vector.broadcast %and3A_124 : i32 to vector<16xi32>
    %and3A_126 = arith.andi %add3A_123, %and3A_125 : vector<16xi32>
    %lt3A_127 = arith.constant 0 : i32
    %lt3A_128 = vector.broadcast %lt3A_127 : i32 to vector<16xi32>
    %lt3A_129 = arith.cmpi slt, %and3A_126, %lt3A_128 : vector<16xi32>
    %add3A_130 = arith.constant 16 : i32
    %add3A_131 = vector.broadcast %add3A_130 : i32 to vector<16xi32>
    %add3A_132 = arith.addi %and3A_126, %add3A_131 : vector<16xi32>
    %select_n3A_133 = arith.select %lt3A_129, %add3A_132, %and3A_126 : vector<16xi1>, vector<16xi32>
    %broadcast_in_dim3A = vector.shape_cast %select_n3A_133 : vector<16xi32> to vector<16x1xi32>
    %gather3A = vector.shape_cast %broadcast_in_dim3A : vector<16x1xi32> to vector<16xi32>
    %gather3A_134 = tpu.dynamic_gather %mul3A_120[%gather3A] in [0] : vector<16xf32>, vector<16xi32> -> vector<16xf32>
    %add3A_135 = arith.addf %mul3A_120, %gather3A_134 : vector<16xf32>
    %add3A_136 = arith.constant 4 : i32
    %add3A_137 = vector.broadcast %add3A_136 : i32 to vector<16xi32>
    %add3A_138 = arith.addi %iota3A, %add3A_137 : vector<16xi32>
    %and3A_139 = arith.constant 15 : i32
    %and3A_140 = vector.broadcast %and3A_139 : i32 to vector<16xi32>
    %and3A_141 = arith.andi %add3A_138, %and3A_140 : vector<16xi32>
    %lt3A_142 = arith.constant 0 : i32
    %lt3A_143 = vector.broadcast %lt3A_142 : i32 to vector<16xi32>
    %lt3A_144 = arith.cmpi slt, %and3A_141, %lt3A_143 : vector<16xi32>
    %add3A_145 = arith.constant 16 : i32
    %add3A_146 = vector.broadcast %add3A_145 : i32 to vector<16xi32>
    %add3A_147 = arith.addi %and3A_141, %add3A_146 : vector<16xi32>
    %select_n3A_148 = arith.select %lt3A_144, %add3A_147, %and3A_141 : vector<16xi1>, vector<16xi32>
    %broadcast_in_dim3A_149 = vector.shape_cast %select_n3A_148 : vector<16xi32> to vector<16x1xi32>
    %gather3A_150 = vector.shape_cast %broadcast_in_dim3A_149 : vector<16x1xi32> to vector<16xi32>
    %gather3A_151 = tpu.dynamic_gather %add3A_135[%gather3A_150] in [0] : vector<16xf32>, vector<16xi32> -> vector<16xf32>
    %add3A_152 = arith.addf %add3A_135, %gather3A_151 : vector<16xf32>
    %add3A_153 = arith.constant 2 : i32
    %add3A_154 = vector.broadcast %add3A_153 : i32 to vector<16xi32>
    %add3A_155 = arith.addi %iota3A, %add3A_154 : vector<16xi32>
    %and3A_156 = arith.constant 15 : i32
    %and3A_157 = vector.broadcast %and3A_156 : i32 to vector<16xi32>
    %and3A_158 = arith.andi %add3A_155, %and3A_157 : vector<16xi32>
    %lt3A_159 = arith.constant 0 : i32
    %lt3A_160 = vector.broadcast %lt3A_159 : i32 to vector<16xi32>
    %lt3A_161 = arith.cmpi slt, %and3A_158, %lt3A_160 : vector<16xi32>
    %add3A_162 = arith.constant 16 : i32
    %add3A_163 = vector.broadcast %add3A_162 : i32 to vector<16xi32>
    %add3A_164 = arith.addi %and3A_158, %add3A_163 : vector<16xi32>
    %select_n3A_165 = arith.select %lt3A_161, %add3A_164, %and3A_158 : vector<16xi1>, vector<16xi32>
    %broadcast_in_dim3A_166 = vector.shape_cast %select_n3A_165 : vector<16xi32> to vector<16x1xi32>
    %gather3A_167 = vector.shape_cast %broadcast_in_dim3A_166 : vector<16x1xi32> to vector<16xi32>
    %gather3A_168 = tpu.dynamic_gather %add3A_152[%gather3A_167] in [0] : vector<16xf32>, vector<16xi32> -> vector<16xf32>
    %add3A_169 = arith.addf %add3A_152, %gather3A_168 : vector<16xf32>
    %add3A_170 = arith.constant 1 : i32
    %add3A_171 = vector.broadcast %add3A_170 : i32 to vector<16xi32>
    %add3A_172 = arith.addi %iota3A, %add3A_171 : vector<16xi32>
    %and3A_173 = arith.constant 15 : i32
    %and3A_174 = vector.broadcast %and3A_173 : i32 to vector<16xi32>
    %and3A_175 = arith.andi %add3A_172, %and3A_174 : vector<16xi32>
    %lt3A_176 = arith.constant 0 : i32
    %lt3A_177 = vector.broadcast %lt3A_176 : i32 to vector<16xi32>
    %lt3A_178 = arith.cmpi slt, %and3A_175, %lt3A_177 : vector<16xi32>
    %add3A_179 = arith.constant 16 : i32
    %add3A_180 = vector.broadcast %add3A_179 : i32 to vector<16xi32>
    %add3A_181 = arith.addi %and3A_175, %add3A_180 : vector<16xi32>
    %select_n3A_182 = arith.select %lt3A_178, %add3A_181, %and3A_175 : vector<16xi1>, vector<16xi32>
    %broadcast_in_dim3A_183 = vector.shape_cast %select_n3A_182 : vector<16xi32> to vector<16x1xi32>
    %gather3A_184 = vector.shape_cast %broadcast_in_dim3A_183 : vector<16x1xi32> to vector<16xi32>
    %gather3A_185 = tpu.dynamic_gather %add3A_169[%gather3A_184] in [0] : vector<16xf32>, vector<16xi32> -> vector<16xf32>
    %add3A_186 = arith.addf %add3A_169, %gather3A_185 : vector<16xf32>
    %mul3A_187 = arith.mulf %get3A_119, %sub3A_59 : vector<16xf32>
    %add3A_188 = arith.constant 8 : i32
    %add3A_189 = vector.broadcast %add3A_188 : i32 to vector<16xi32>
    %add3A_190 = arith.addi %iota3A, %add3A_189 : vector<16xi32>
    %and3A_191 = arith.constant 15 : i32
    %and3A_192 = vector.broadcast %and3A_191 : i32 to vector<16xi32>
    %and3A_193 = arith.andi %add3A_190, %and3A_192 : vector<16xi32>
    %lt3A_194 = arith.constant 0 : i32
    %lt3A_195 = vector.broadcast %lt3A_194 : i32 to vector<16xi32>
    %lt3A_196 = arith.cmpi slt, %and3A_193, %lt3A_195 : vector<16xi32>
    %add3A_197 = arith.constant 16 : i32
    %add3A_198 = vector.broadcast %add3A_197 : i32 to vector<16xi32>
    %add3A_199 = arith.addi %and3A_193, %add3A_198 : vector<16xi32>
    %select_n3A_200 = arith.select %lt3A_196, %add3A_199, %and3A_193 : vector<16xi1>, vector<16xi32>
    %broadcast_in_dim3A_201 = vector.shape_cast %select_n3A_200 : vector<16xi32> to vector<16x1xi32>
    %gather3A_202 = vector.shape_cast %broadcast_in_dim3A_201 : vector<16x1xi32> to vector<16xi32>
    %gather3A_203 = tpu.dynamic_gather %mul3A_187[%gather3A_202] in [0] : vector<16xf32>, vector<16xi32> -> vector<16xf32>
    %add3A_204 = arith.addf %mul3A_187, %gather3A_203 : vector<16xf32>
    %add3A_205 = arith.constant 4 : i32
    %add3A_206 = vector.broadcast %add3A_205 : i32 to vector<16xi32>
    %add3A_207 = arith.addi %iota3A, %add3A_206 : vector<16xi32>
    %and3A_208 = arith.constant 15 : i32
    %and3A_209 = vector.broadcast %and3A_208 : i32 to vector<16xi32>
    %and3A_210 = arith.andi %add3A_207, %and3A_209 : vector<16xi32>
    %lt3A_211 = arith.constant 0 : i32
    %lt3A_212 = vector.broadcast %lt3A_211 : i32 to vector<16xi32>
    %lt3A_213 = arith.cmpi slt, %and3A_210, %lt3A_212 : vector<16xi32>
    %add3A_214 = arith.constant 16 : i32
    %add3A_215 = vector.broadcast %add3A_214 : i32 to vector<16xi32>
    %add3A_216 = arith.addi %and3A_210, %add3A_215 : vector<16xi32>
    %select_n3A_217 = arith.select %lt3A_213, %add3A_216, %and3A_210 : vector<16xi1>, vector<16xi32>
    %broadcast_in_dim3A_218 = vector.shape_cast %select_n3A_217 : vector<16xi32> to vector<16x1xi32>
    %gather3A_219 = vector.shape_cast %broadcast_in_dim3A_218 : vector<16x1xi32> to vector<16xi32>
    %gather3A_220 = tpu.dynamic_gather %add3A_204[%gather3A_219] in [0] : vector<16xf32>, vector<16xi32> -> vector<16xf32>
    %add3A_221 = arith.addf %add3A_204, %gather3A_220 : vector<16xf32>
    %add3A_222 = arith.constant 2 : i32
    %add3A_223 = vector.broadcast %add3A_222 : i32 to vector<16xi32>
    %add3A_224 = arith.addi %iota3A, %add3A_223 : vector<16xi32>
    %and3A_225 = arith.constant 15 : i32
    %and3A_226 = vector.broadcast %and3A_225 : i32 to vector<16xi32>
    %and3A_227 = arith.andi %add3A_224, %and3A_226 : vector<16xi32>
    %lt3A_228 = arith.constant 0 : i32
    %lt3A_229 = vector.broadcast %lt3A_228 : i32 to vector<16xi32>
    %lt3A_230 = arith.cmpi slt, %and3A_227, %lt3A_229 : vector<16xi32>
    %add3A_231 = arith.constant 16 : i32
    %add3A_232 = vector.broadcast %add3A_231 : i32 to vector<16xi32>
    %add3A_233 = arith.addi %and3A_227, %add3A_232 : vector<16xi32>
    %select_n3A_234 = arith.select %lt3A_230, %add3A_233, %and3A_227 : vector<16xi1>, vector<16xi32>
    %broadcast_in_dim3A_235 = vector.shape_cast %select_n3A_234 : vector<16xi32> to vector<16x1xi32>
    %gather3A_236 = vector.shape_cast %broadcast_in_dim3A_235 : vector<16x1xi32> to vector<16xi32>
    %gather3A_237 = tpu.dynamic_gather %add3A_221[%gather3A_236] in [0] : vector<16xf32>, vector<16xi32> -> vector<16xf32>
    %add3A_238 = arith.addf %add3A_221, %gather3A_237 : vector<16xf32>
    %add3A_239 = arith.constant 1 : i32
    %add3A_240 = vector.broadcast %add3A_239 : i32 to vector<16xi32>
    %add3A_241 = arith.addi %iota3A, %add3A_240 : vector<16xi32>
    %and3A_242 = arith.constant 15 : i32
    %and3A_243 = vector.broadcast %and3A_242 : i32 to vector<16xi32>
    %and3A_244 = arith.andi %add3A_241, %and3A_243 : vector<16xi32>
    %lt3A_245 = arith.constant 0 : i32
    %lt3A_246 = vector.broadcast %lt3A_245 : i32 to vector<16xi32>
    %lt3A_247 = arith.cmpi slt, %and3A_244, %lt3A_246 : vector<16xi32>
    %add3A_248 = arith.constant 16 : i32
    %add3A_249 = vector.broadcast %add3A_248 : i32 to vector<16xi32>
    %add3A_250 = arith.addi %and3A_244, %add3A_249 : vector<16xi32>
    %select_n3A_251 = arith.select %lt3A_247, %add3A_250, %and3A_244 : vector<16xi1>, vector<16xi32>
    %broadcast_in_dim3A_252 = vector.shape_cast %select_n3A_251 : vector<16xi32> to vector<16x1xi32>
    %gather3A_253 = vector.shape_cast %broadcast_in_dim3A_252 : vector<16x1xi32> to vector<16xi32>
    %gather3A_254 = tpu.dynamic_gather %add3A_238[%gather3A_253] in [0] : vector<16xf32>, vector<16xi32> -> vector<16xf32>
    %add3A_255 = arith.addf %add3A_238, %gather3A_254 : vector<16xf32>
    %mul3A_256 = arith.mulf %get3A_119, %sub3A_60 : vector<16xf32>
    %add3A_257 = arith.constant 8 : i32
    %add3A_258 = vector.broadcast %add3A_257 : i32 to vector<16xi32>
    %add3A_259 = arith.addi %iota3A, %add3A_258 : vector<16xi32>
    %and3A_260 = arith.constant 15 : i32
    %and3A_261 = vector.broadcast %and3A_260 : i32 to vector<16xi32>
    %and3A_262 = arith.andi %add3A_259, %and3A_261 : vector<16xi32>
    %lt3A_263 = arith.constant 0 : i32
    %lt3A_264 = vector.broadcast %lt3A_263 : i32 to vector<16xi32>
    %lt3A_265 = arith.cmpi slt, %and3A_262, %lt3A_264 : vector<16xi32>
    %add3A_266 = arith.constant 16 : i32
    %add3A_267 = vector.broadcast %add3A_266 : i32 to vector<16xi32>
    %add3A_268 = arith.addi %and3A_262, %add3A_267 : vector<16xi32>
    %select_n3A_269 = arith.select %lt3A_265, %add3A_268, %and3A_262 : vector<16xi1>, vector<16xi32>
    %broadcast_in_dim3A_270 = vector.shape_cast %select_n3A_269 : vector<16xi32> to vector<16x1xi32>
    %gather3A_271 = vector.shape_cast %broadcast_in_dim3A_270 : vector<16x1xi32> to vector<16xi32>
    %gather3A_272 = tpu.dynamic_gather %mul3A_256[%gather3A_271] in [0] : vector<16xf32>, vector<16xi32> -> vector<16xf32>
    %add3A_273 = arith.addf %mul3A_256, %gather3A_272 : vector<16xf32>
    %add3A_274 = arith.constant 4 : i32
    %add3A_275 = vector.broadcast %add3A_274 : i32 to vector<16xi32>
    %add3A_276 = arith.addi %iota3A, %add3A_275 : vector<16xi32>
    %and3A_277 = arith.constant 15 : i32
    %and3A_278 = vector.broadcast %and3A_277 : i32 to vector<16xi32>
    %and3A_279 = arith.andi %add3A_276, %and3A_278 : vector<16xi32>
    %lt3A_280 = arith.constant 0 : i32
    %lt3A_281 = vector.broadcast %lt3A_280 : i32 to vector<16xi32>
    %lt3A_282 = arith.cmpi slt, %and3A_279, %lt3A_281 : vector<16xi32>
    %add3A_283 = arith.constant 16 : i32
    %add3A_284 = vector.broadcast %add3A_283 : i32 to vector<16xi32>
    %add3A_285 = arith.addi %and3A_279, %add3A_284 : vector<16xi32>
    %select_n3A_286 = arith.select %lt3A_282, %add3A_285, %and3A_279 : vector<16xi1>, vector<16xi32>
    %broadcast_in_dim3A_287 = vector.shape_cast %select_n3A_286 : vector<16xi32> to vector<16x1xi32>
    %gather3A_288 = vector.shape_cast %broadcast_in_dim3A_287 : vector<16x1xi32> to vector<16xi32>
    %gather3A_289 = tpu.dynamic_gather %add3A_273[%gather3A_288] in [0] : vector<16xf32>, vector<16xi32> -> vector<16xf32>
    %add3A_290 = arith.addf %add3A_273, %gather3A_289 : vector<16xf32>
    %add3A_291 = arith.constant 2 : i32
    %add3A_292 = vector.broadcast %add3A_291 : i32 to vector<16xi32>
    %add3A_293 = arith.addi %iota3A, %add3A_292 : vector<16xi32>
    %and3A_294 = arith.constant 15 : i32
    %and3A_295 = vector.broadcast %and3A_294 : i32 to vector<16xi32>
    %and3A_296 = arith.andi %add3A_293, %and3A_295 : vector<16xi32>
    %lt3A_297 = arith.constant 0 : i32
    %lt3A_298 = vector.broadcast %lt3A_297 : i32 to vector<16xi32>
    %lt3A_299 = arith.cmpi slt, %and3A_296, %lt3A_298 : vector<16xi32>
    %add3A_300 = arith.constant 16 : i32
    %add3A_301 = vector.broadcast %add3A_300 : i32 to vector<16xi32>
    %add3A_302 = arith.addi %and3A_296, %add3A_301 : vector<16xi32>
    %select_n3A_303 = arith.select %lt3A_299, %add3A_302, %and3A_296 : vector<16xi1>, vector<16xi32>
    %broadcast_in_dim3A_304 = vector.shape_cast %select_n3A_303 : vector<16xi32> to vector<16x1xi32>
    %gather3A_305 = vector.shape_cast %broadcast_in_dim3A_304 : vector<16x1xi32> to vector<16xi32>
    %gather3A_306 = tpu.dynamic_gather %add3A_290[%gather3A_305] in [0] : vector<16xf32>, vector<16xi32> -> vector<16xf32>
    %add3A_307 = arith.addf %add3A_290, %gather3A_306 : vector<16xf32>
    %add3A_308 = arith.constant 1 : i32
    %add3A_309 = vector.broadcast %add3A_308 : i32 to vector<16xi32>
    %add3A_310 = arith.addi %iota3A, %add3A_309 : vector<16xi32>
    %and3A_311 = arith.constant 15 : i32
    %and3A_312 = vector.broadcast %and3A_311 : i32 to vector<16xi32>
    %and3A_313 = arith.andi %add3A_310, %and3A_312 : vector<16xi32>
    %lt3A_314 = arith.constant 0 : i32
    %lt3A_315 = vector.broadcast %lt3A_314 : i32 to vector<16xi32>
    %lt3A_316 = arith.cmpi slt, %and3A_313, %lt3A_315 : vector<16xi32>
    %add3A_317 = arith.constant 16 : i32
    %add3A_318 = vector.broadcast %add3A_317 : i32 to vector<16xi32>
    %add3A_319 = arith.addi %and3A_313, %add3A_318 : vector<16xi32>
    %select_n3A_320 = arith.select %lt3A_316, %add3A_319, %and3A_313 : vector<16xi1>, vector<16xi32>
    %broadcast_in_dim3A_321 = vector.shape_cast %select_n3A_320 : vector<16xi32> to vector<16x1xi32>
    %gather3A_322 = vector.shape_cast %broadcast_in_dim3A_321 : vector<16x1xi32> to vector<16xi32>
    %gather3A_323 = tpu.dynamic_gather %add3A_307[%gather3A_322] in [0] : vector<16xf32>, vector<16xi32> -> vector<16xf32>
    %add3A_324 = arith.addf %add3A_307, %gather3A_323 : vector<16xf32>
    %mul3A_325 = arith.mulf %get3A_119, %add3A_63 : vector<16xf32>
    %add3A_326 = arith.constant 8 : i32
    %add3A_327 = vector.broadcast %add3A_326 : i32 to vector<16xi32>
    %add3A_328 = arith.addi %iota3A, %add3A_327 : vector<16xi32>
    %and3A_329 = arith.constant 15 : i32
    %and3A_330 = vector.broadcast %and3A_329 : i32 to vector<16xi32>
    %and3A_331 = arith.andi %add3A_328, %and3A_330 : vector<16xi32>
    %lt3A_332 = arith.constant 0 : i32
    %lt3A_333 = vector.broadcast %lt3A_332 : i32 to vector<16xi32>
    %lt3A_334 = arith.cmpi slt, %and3A_331, %lt3A_333 : vector<16xi32>
    %add3A_335 = arith.constant 16 : i32
    %add3A_336 = vector.broadcast %add3A_335 : i32 to vector<16xi32>
    %add3A_337 = arith.addi %and3A_331, %add3A_336 : vector<16xi32>
    %select_n3A_338 = arith.select %lt3A_334, %add3A_337, %and3A_331 : vector<16xi1>, vector<16xi32>
    %broadcast_in_dim3A_339 = vector.shape_cast %select_n3A_338 : vector<16xi32> to vector<16x1xi32>
    %gather3A_340 = vector.shape_cast %broadcast_in_dim3A_339 : vector<16x1xi32> to vector<16xi32>
    %gather3A_341 = tpu.dynamic_gather %mul3A_325[%gather3A_340] in [0] : vector<16xf32>, vector<16xi32> -> vector<16xf32>
    %add3A_342 = arith.addf %mul3A_325, %gather3A_341 : vector<16xf32>
    %add3A_343 = arith.constant 4 : i32
    %add3A_344 = vector.broadcast %add3A_343 : i32 to vector<16xi32>
    %add3A_345 = arith.addi %iota3A, %add3A_344 : vector<16xi32>
    %and3A_346 = arith.constant 15 : i32
    %and3A_347 = vector.broadcast %and3A_346 : i32 to vector<16xi32>
    %and3A_348 = arith.andi %add3A_345, %and3A_347 : vector<16xi32>
    %lt3A_349 = arith.constant 0 : i32
    %lt3A_350 = vector.broadcast %lt3A_349 : i32 to vector<16xi32>
    %lt3A_351 = arith.cmpi slt, %and3A_348, %lt3A_350 : vector<16xi32>
    %add3A_352 = arith.constant 16 : i32
    %add3A_353 = vector.broadcast %add3A_352 : i32 to vector<16xi32>
    %add3A_354 = arith.addi %and3A_348, %add3A_353 : vector<16xi32>
    %select_n3A_355 = arith.select %lt3A_351, %add3A_354, %and3A_348 : vector<16xi1>, vector<16xi32>
    %broadcast_in_dim3A_356 = vector.shape_cast %select_n3A_355 : vector<16xi32> to vector<16x1xi32>
    %gather3A_357 = vector.shape_cast %broadcast_in_dim3A_356 : vector<16x1xi32> to vector<16xi32>
    %gather3A_358 = tpu.dynamic_gather %add3A_342[%gather3A_357] in [0] : vector<16xf32>, vector<16xi32> -> vector<16xf32>
    %add3A_359 = arith.addf %add3A_342, %gather3A_358 : vector<16xf32>
    %add3A_360 = arith.constant 2 : i32
    %add3A_361 = vector.broadcast %add3A_360 : i32 to vector<16xi32>
    %add3A_362 = arith.addi %iota3A, %add3A_361 : vector<16xi32>
    %and3A_363 = arith.constant 15 : i32
    %and3A_364 = vector.broadcast %and3A_363 : i32 to vector<16xi32>
    %and3A_365 = arith.andi %add3A_362, %and3A_364 : vector<16xi32>
    %lt3A_366 = arith.constant 0 : i32
    %lt3A_367 = vector.broadcast %lt3A_366 : i32 to vector<16xi32>
    %lt3A_368 = arith.cmpi slt, %and3A_365, %lt3A_367 : vector<16xi32>
    %add3A_369 = arith.constant 16 : i32
    %add3A_370 = vector.broadcast %add3A_369 : i32 to vector<16xi32>
    %add3A_371 = arith.addi %and3A_365, %add3A_370 : vector<16xi32>
    %select_n3A_372 = arith.select %lt3A_368, %add3A_371, %and3A_365 : vector<16xi1>, vector<16xi32>
    %broadcast_in_dim3A_373 = vector.shape_cast %select_n3A_372 : vector<16xi32> to vector<16x1xi32>
    %gather3A_374 = vector.shape_cast %broadcast_in_dim3A_373 : vector<16x1xi32> to vector<16xi32>
    %gather3A_375 = tpu.dynamic_gather %add3A_359[%gather3A_374] in [0] : vector<16xf32>, vector<16xi32> -> vector<16xf32>
    %add3A_376 = arith.addf %add3A_359, %gather3A_375 : vector<16xf32>
    %add3A_377 = arith.constant 1 : i32
    %add3A_378 = vector.broadcast %add3A_377 : i32 to vector<16xi32>
    %add3A_379 = arith.addi %iota3A, %add3A_378 : vector<16xi32>
    %and3A_380 = arith.constant 15 : i32
    %and3A_381 = vector.broadcast %and3A_380 : i32 to vector<16xi32>
    %and3A_382 = arith.andi %add3A_379, %and3A_381 : vector<16xi32>
    %lt3A_383 = arith.constant 0 : i32
    %lt3A_384 = vector.broadcast %lt3A_383 : i32 to vector<16xi32>
    %lt3A_385 = arith.cmpi slt, %and3A_382, %lt3A_384 : vector<16xi32>
    %add3A_386 = arith.constant 16 : i32
    %add3A_387 = vector.broadcast %add3A_386 : i32 to vector<16xi32>
    %add3A_388 = arith.addi %and3A_382, %add3A_387 : vector<16xi32>
    %select_n3A_389 = arith.select %lt3A_385, %add3A_388, %and3A_382 : vector<16xi1>, vector<16xi32>
    %broadcast_in_dim3A_390 = vector.shape_cast %select_n3A_389 : vector<16xi32> to vector<16x1xi32>
    %gather3A_391 = vector.shape_cast %broadcast_in_dim3A_390 : vector<16x1xi32> to vector<16xi32>
    %gather3A_392 = tpu.dynamic_gather %add3A_376[%gather3A_391] in [0] : vector<16xf32>, vector<16xi32> -> vector<16xf32>
    %add3A_393 = arith.addf %add3A_376, %gather3A_392 : vector<16xf32>
    %add3A_394 = arith.constant 1 : i32
    %add3A_395 = arith.addi %mul3A_32, %add3A_394 : i32
    %get3A_396 = arith.index_cast %add3A_395 : i32 to index
    %get3A_397 = tpu.vector_load %arg7[%get3A_396] {strides = array<i32>} : memref<208xi32, #tpu.memory_space<vmem>>, vector<16xi32>,
    %get3A_398 = vector.shape_cast %get3A_397 : vector<16xi32> to vector<16xi32>
    %slice3A_399 = vector.extract_strided_slice %get3A_398 {offsets = [0], sizes = [1], strides = [1]} : vector<16xi32> to vector<1xi32>
    %squeeze3A_400 = vector.extract %slice3A_399[0] : i32 from vector<1xi32>
    %add3A_401 = arith.constant 32 : i32
    %add3A_402 = arith.addi %add3A_401, %add3A_395 : i32
    %get3A_403 = arith.index_cast %add3A_402 : i32 to index
    %get3A_404 = tpu.vector_load %arg7[%get3A_403] {strides = array<i32>} : memref<208xi32, #tpu.memory_space<vmem>>, vector<16xi32>,
    %get3A_405 = vector.shape_cast %get3A_404 : vector<16xi32> to vector<16xi32>
    %slice3A_406 = vector.extract_strided_slice %get3A_405 {offsets = [0], sizes = [1], strides = [1]} : vector<16xi32> to vector<1xi32>
    %squeeze3A_407 = vector.extract %slice3A_406[0] : i32 from vector<1xi32>
    %add3A_408 = arith.constant 64 : i32
    %add3A_409 = arith.addi %add3A_408, %add3A_395 : i32
    %get3A_410 = arith.index_cast %add3A_409 : i32 to index
    %get3A_411 = tpu.vector_load %arg7[%get3A_410] {strides = array<i32>} : memref<208xi32, #tpu.memory_space<vmem>>, vector<16xi32>,
    %get3A_412 = vector.shape_cast %get3A_411 : vector<16xi32> to vector<16xi32>
    %slice3A_413 = vector.extract_strided_slice %get3A_412 {offsets = [0], sizes = [1], strides = [1]} : vector<16xi32> to vector<1xi32>
    %squeeze3A_414 = vector.extract %slice3A_413[0] : i32 from vector<1xi32>
    %add3A_415 = arith.constant 96 : i32
    %add3A_416 = arith.addi %add3A_415, %add3A_395 : i32
    %get3A_417 = arith.index_cast %add3A_416 : i32 to index
    %get3A_418 = tpu.vector_load %arg7[%get3A_417] {strides = array<i32>} : memref<208xi32, #tpu.memory_space<vmem>>, vector<16xi32>,
    %get3A_419 = vector.shape_cast %get3A_418 : vector<16xi32> to vector<16xi32>
    %slice3A_420 = vector.extract_strided_slice %get3A_419 {offsets = [0], sizes = [1], strides = [1]} : vector<16xi32> to vector<1xi32>
    %squeeze3A_421 = vector.extract %slice3A_420[0] : i32 from vector<1xi32>
    %add3A_422 = arith.constant 128 : i32
    %add3A_423 = arith.addi %add3A_422, %add3A_395 : i32
    %get3A_424 = arith.index_cast %add3A_423 : i32 to index
    %get3A_425 = tpu.vector_load %arg7[%get3A_424] {strides = array<i32>} : memref<208xi32, #tpu.memory_space<vmem>>, vector<16xi32>,
    %get3A_426 = vector.shape_cast %get3A_425 : vector<16xi32> to vector<16xi32>
    %slice3A_427 = vector.extract_strided_slice %get3A_426 {offsets = [0], sizes = [1], strides = [1]} : vector<16xi32> to vector<1xi32>
    %squeeze3A_428 = vector.extract %slice3A_427[0] : i32 from vector<1xi32>
    %add3A_429 = arith.constant 160 : i32
    %add3A_430 = arith.addi %add3A_429, %add3A_395 : i32
    %get3A_431 = arith.index_cast %add3A_430 : i32 to index
    %get3A_432 = tpu.vector_load %arg7[%get3A_431] {strides = array<i32>} : memref<208xi32, #tpu.memory_space<vmem>>, vector<16xi32>,
    %get3A_433 = vector.shape_cast %get3A_432 : vector<16xi32> to vector<16xi32>
    %slice3A_434 = vector.extract_strided_slice %get3A_433 {offsets = [0], sizes = [1], strides = [1]} : vector<16xi32> to vector<1xi32>
    %squeeze3A_435 = vector.extract %slice3A_434[0] : i32 from vector<1xi32>
    %mul3A_436 = arith.constant 16384 : i32
    %mul3A_437 = arith.muli %squeeze3A_414, %mul3A_436 : i32
    %mul3A_438 = arith.constant 128 : i32
    %mul3A_439 = arith.muli %squeeze3A_400, %mul3A_438 : i32
    %add3A_440 = arith.addi %mul3A_437, %mul3A_439 : i32
    %add3A_441 = arith.addi %add3A_440, %squeeze3A_407 : i32
    %mul3A_442 = arith.constant 16384 : i32
    %mul3A_443 = arith.muli %squeeze3A_435, %mul3A_442 : i32
    %mul3A_444 = arith.constant 128 : i32
    %mul3A_445 = arith.muli %squeeze3A_421, %mul3A_444 : i32
    %add3A_446 = arith.addi %mul3A_443, %mul3A_445 : i32
    %add3A_447 = arith.addi %add3A_446, %squeeze3A_428 : i32
    %mul3A_448 = arith.constant 16 : i32
    %mul3A_449 = arith.muli %add3A_395, %mul3A_448 : i32
    %get3A_450 = arith.index_cast %mul3A_449 : i32 to index
    %get3A_451 = tpu.vector_load %arg8[%get3A_450] {strides = array<i32>} : memref<512xf32, #tpu.memory_space<vmem>>, vector<16xf32>,
    %get3A_452 = vector.shape_cast %get3A_451 : vector<16xf32> to vector<16xf32>
    %mul3A_453 = arith.mulf %get3A_452, %convert_element_type3A_58 : vector<16xf32>
    %add3A_454 = arith.constant 8 : i32
    %add3A_455 = vector.broadcast %add3A_454 : i32 to vector<16xi32>
    %add3A_456 = arith.addi %iota3A, %add3A_455 : vector<16xi32>
    %and3A_457 = arith.constant 15 : i32
    %and3A_458 = vector.broadcast %and3A_457 : i32 to vector<16xi32>
    %and3A_459 = arith.andi %add3A_456, %and3A_458 : vector<16xi32>
    %lt3A_460 = arith.constant 0 : i32
    %lt3A_461 = vector.broadcast %lt3A_460 : i32 to vector<16xi32>
    %lt3A_462 = arith.cmpi slt, %and3A_459, %lt3A_461 : vector<16xi32>
    %add3A_463 = arith.constant 16 : i32
    %add3A_464 = vector.broadcast %add3A_463 : i32 to vector<16xi32>
    %add3A_465 = arith.addi %and3A_459, %add3A_464 : vector<16xi32>
    %select_n3A_466 = arith.select %lt3A_462, %add3A_465, %and3A_459 : vector<16xi1>, vector<16xi32>
    %broadcast_in_dim3A_467 = vector.shape_cast %select_n3A_466 : vector<16xi32> to vector<16x1xi32>
    %gather3A_468 = vector.shape_cast %broadcast_in_dim3A_467 : vector<16x1xi32> to vector<16xi32>
    %gather3A_469 = tpu.dynamic_gather %mul3A_453[%gather3A_468] in [0] : vector<16xf32>, vector<16xi32> -> vector<16xf32>
    %add3A_470 = arith.addf %mul3A_453, %gather3A_469 : vector<16xf32>
    %add3A_471 = arith.constant 4 : i32
    %add3A_472 = vector.broadcast %add3A_471 : i32 to vector<16xi32>
    %add3A_473 = arith.addi %iota3A, %add3A_472 : vector<16xi32>
    %and3A_474 = arith.constant 15 : i32
    %and3A_475 = vector.broadcast %and3A_474 : i32 to vector<16xi32>
    %and3A_476 = arith.andi %add3A_473, %and3A_475 : vector<16xi32>
    %lt3A_477 = arith.constant 0 : i32
    %lt3A_478 = vector.broadcast %lt3A_477 : i32 to vector<16xi32>
    %lt3A_479 = arith.cmpi slt, %and3A_476, %lt3A_478 : vector<16xi32>
    %add3A_480 = arith.constant 16 : i32
    %add3A_481 = vector.broadcast %add3A_480 : i32 to vector<16xi32>
    %add3A_482 = arith.addi %and3A_476, %add3A_481 : vector<16xi32>
    %select_n3A_483 = arith.select %lt3A_479, %add3A_482, %and3A_476 : vector<16xi1>, vector<16xi32>
    %broadcast_in_dim3A_484 = vector.shape_cast %select_n3A_483 : vector<16xi32> to vector<16x1xi32>
    %gather3A_485 = vector.shape_cast %broadcast_in_dim3A_484 : vector<16x1xi32> to vector<16xi32>
    %gather3A_486 = tpu.dynamic_gather %add3A_470[%gather3A_485] in [0] : vector<16xf32>, vector<16xi32> -> vector<16xf32>
    %add3A_487 = arith.addf %add3A_470, %gather3A_486 : vector<16xf32>
    %add3A_488 = arith.constant 2 : i32
    %add3A_489 = vector.broadcast %add3A_488 : i32 to vector<16xi32>
    %add3A_490 = arith.addi %iota3A, %add3A_489 : vector<16xi32>
    %and3A_491 = arith.constant 15 : i32
    %and3A_492 = vector.broadcast %and3A_491 : i32 to vector<16xi32>
    %and3A_493 = arith.andi %add3A_490, %and3A_492 : vector<16xi32>
    %lt3A_494 = arith.constant 0 : i32
    %lt3A_495 = vector.broadcast %lt3A_494 : i32 to vector<16xi32>
    %lt3A_496 = arith.cmpi slt, %and3A_493, %lt3A_495 : vector<16xi32>
    %add3A_497 = arith.constant 16 : i32
    %add3A_498 = vector.broadcast %add3A_497 : i32 to vector<16xi32>
    %add3A_499 = arith.addi %and3A_493, %add3A_498 : vector<16xi32>
    %select_n3A_500 = arith.select %lt3A_496, %add3A_499, %and3A_493 : vector<16xi1>, vector<16xi32>
    %broadcast_in_dim3A_501 = vector.shape_cast %select_n3A_500 : vector<16xi32> to vector<16x1xi32>
    %gather3A_502 = vector.shape_cast %broadcast_in_dim3A_501 : vector<16x1xi32> to vector<16xi32>
    %gather3A_503 = tpu.dynamic_gather %add3A_487[%gather3A_502] in [0] : vector<16xf32>, vector<16xi32> -> vector<16xf32>
    %add3A_504 = arith.addf %add3A_487, %gather3A_503 : vector<16xf32>
    %add3A_505 = arith.constant 1 : i32
    %add3A_506 = vector.broadcast %add3A_505 : i32 to vector<16xi32>
    %add3A_507 = arith.addi %iota3A, %add3A_506 : vector<16xi32>
    %and3A_508 = arith.constant 15 : i32
    %and3A_509 = vector.broadcast %and3A_508 : i32 to vector<16xi32>
    %and3A_510 = arith.andi %add3A_507, %and3A_509 : vector<16xi32>
    %lt3A_511 = arith.constant 0 : i32
    %lt3A_512 = vector.broadcast %lt3A_511 : i32 to vector<16xi32>
    %lt3A_513 = arith.cmpi slt, %and3A_510, %lt3A_512 : vector<16xi32>
    %add3A_514 = arith.constant 16 : i32
    %add3A_515 = vector.broadcast %add3A_514 : i32 to vector<16xi32>
    %add3A_516 = arith.addi %and3A_510, %add3A_515 : vector<16xi32>
    %select_n3A_517 = arith.select %lt3A_513, %add3A_516, %and3A_510 : vector<16xi1>, vector<16xi32>
    %broadcast_in_dim3A_518 = vector.shape_cast %select_n3A_517 : vector<16xi32> to vector<16x1xi32>
    %gather3A_519 = vector.shape_cast %broadcast_in_dim3A_518 : vector<16x1xi32> to vector<16xi32>
    %gather3A_520 = tpu.dynamic_gather %add3A_504[%gather3A_519] in [0] : vector<16xf32>, vector<16xi32> -> vector<16xf32>
    %add3A_521 = arith.addf %add3A_504, %gather3A_520 : vector<16xf32>
    %mul3A_522 = arith.mulf %get3A_452, %sub3A_59 : vector<16xf32>
    %add3A_523 = arith.constant 8 : i32
    %add3A_524 = vector.broadcast %add3A_523 : i32 to vector<16xi32>
    %add3A_525 = arith.addi %iota3A, %add3A_524 : vector<16xi32>
    %and3A_526 = arith.constant 15 : i32
    %and3A_527 = vector.broadcast %and3A_526 : i32 to vector<16xi32>
    %and3A_528 = arith.andi %add3A_525, %and3A_527 : vector<16xi32>
    %lt3A_529 = arith.constant 0 : i32
    %lt3A_530 = vector.broadcast %lt3A_529 : i32 to vector<16xi32>
    %lt3A_531 = arith.cmpi slt, %and3A_528, %lt3A_530 : vector<16xi32>
    %add3A_532 = arith.constant 16 : i32
    %add3A_533 = vector.broadcast %add3A_532 : i32 to vector<16xi32>
    %add3A_534 = arith.addi %and3A_528, %add3A_533 : vector<16xi32>
    %select_n3A_535 = arith.select %lt3A_531, %add3A_534, %and3A_528 : vector<16xi1>, vector<16xi32>
    %broadcast_in_dim3A_536 = vector.shape_cast %select_n3A_535 : vector<16xi32> to vector<16x1xi32>
    %gather3A_537 = vector.shape_cast %broadcast_in_dim3A_536 : vector<16x1xi32> to vector<16xi32>
    %gather3A_538 = tpu.dynamic_gather %mul3A_522[%gather3A_537] in [0] : vector<16xf32>, vector<16xi32> -> vector<16xf32>
    %add3A_539 = arith.addf %mul3A_522, %gather3A_538 : vector<16xf32>
    %add3A_540 = arith.constant 4 : i32
    %add3A_541 = vector.broadcast %add3A_540 : i32 to vector<16xi32>
    %add3A_542 = arith.addi %iota3A, %add3A_541 : vector<16xi32>
    %and3A_543 = arith.constant 15 : i32
    %and3A_544 = vector.broadcast %and3A_543 : i32 to vector<16xi32>
    %and3A_545 = arith.andi %add3A_542, %and3A_544 : vector<16xi32>
    %lt3A_546 = arith.constant 0 : i32
    %lt3A_547 = vector.broadcast %lt3A_546 : i32 to vector<16xi32>
    %lt3A_548 = arith.cmpi slt, %and3A_545, %lt3A_547 : vector<16xi32>
    %add3A_549 = arith.constant 16 : i32
    %add3A_550 = vector.broadcast %add3A_549 : i32 to vector<16xi32>
    %add3A_551 = arith.addi %and3A_545, %add3A_550 : vector<16xi32>
    %select_n3A_552 = arith.select %lt3A_548, %add3A_551, %and3A_545 : vector<16xi1>, vector<16xi32>
    %broadcast_in_dim3A_553 = vector.shape_cast %select_n3A_552 : vector<16xi32> to vector<16x1xi32>
    %gather3A_554 = vector.shape_cast %broadcast_in_dim3A_553 : vector<16x1xi32> to vector<16xi32>
    %gather3A_555 = tpu.dynamic_gather %add3A_539[%gather3A_554] in [0] : vector<16xf32>, vector<16xi32> -> vector<16xf32>
    %add3A_556 = arith.addf %add3A_539, %gather3A_555 : vector<16xf32>
    %add3A_557 = arith.constant 2 : i32
    %add3A_558 = vector.broadcast %add3A_557 : i32 to vector<16xi32>
    %add3A_559 = arith.addi %iota3A, %add3A_558 : vector<16xi32>
    %and3A_560 = arith.constant 15 : i32
    %and3A_561 = vector.broadcast %and3A_560 : i32 to vector<16xi32>
    %and3A_562 = arith.andi %add3A_559, %and3A_561 : vector<16xi32>
    %lt3A_563 = arith.constant 0 : i32
    %lt3A_564 = vector.broadcast %lt3A_563 : i32 to vector<16xi32>
    %lt3A_565 = arith.cmpi slt, %and3A_562, %lt3A_564 : vector<16xi32>
    %add3A_566 = arith.constant 16 : i32
    %add3A_567 = vector.broadcast %add3A_566 : i32 to vector<16xi32>
    %add3A_568 = arith.addi %and3A_562, %add3A_567 : vector<16xi32>
    %select_n3A_569 = arith.select %lt3A_565, %add3A_568, %and3A_562 : vector<16xi1>, vector<16xi32>
    %broadcast_in_dim3A_570 = vector.shape_cast %select_n3A_569 : vector<16xi32> to vector<16x1xi32>
    %gather3A_571 = vector.shape_cast %broadcast_in_dim3A_570 : vector<16x1xi32> to vector<16xi32>
    %gather3A_572 = tpu.dynamic_gather %add3A_556[%gather3A_571] in [0] : vector<16xf32>, vector<16xi32> -> vector<16xf32>
    %add3A_573 = arith.addf %add3A_556, %gather3A_572 : vector<16xf32>
    %add3A_574 = arith.constant 1 : i32
    %add3A_575 = vector.broadcast %add3A_574 : i32 to vector<16xi32>
    %add3A_576 = arith.addi %iota3A, %add3A_575 : vector<16xi32>
    %and3A_577 = arith.constant 15 : i32
    %and3A_578 = vector.broadcast %and3A_577 : i32 to vector<16xi32>
    %and3A_579 = arith.andi %add3A_576, %and3A_578 : vector<16xi32>
    %lt3A_580 = arith.constant 0 : i32
    %lt3A_581 = vector.broadcast %lt3A_580 : i32 to vector<16xi32>
    %lt3A_582 = arith.cmpi slt, %and3A_579, %lt3A_581 : vector<16xi32>
    %add3A_583 = arith.constant 16 : i32
    %add3A_584 = vector.broadcast %add3A_583 : i32 to vector<16xi32>
    %add3A_585 = arith.addi %and3A_579, %add3A_584 : vector<16xi32>
    %select_n3A_586 = arith.select %lt3A_582, %add3A_585, %and3A_579 : vector<16xi1>, vector<16xi32>
    %broadcast_in_dim3A_587 = vector.shape_cast %select_n3A_586 : vector<16xi32> to vector<16x1xi32>
    %gather3A_588 = vector.shape_cast %broadcast_in_dim3A_587 : vector<16x1xi32> to vector<16xi32>
    %gather3A_589 = tpu.dynamic_gather %add3A_573[%gather3A_588] in [0] : vector<16xf32>, vector<16xi32> -> vector<16xf32>
    %add3A_590 = arith.addf %add3A_573, %gather3A_589 : vector<16xf32>
    %mul3A_591 = arith.mulf %get3A_452, %sub3A_60 : vector<16xf32>
    %add3A_592 = arith.constant 8 : i32
    %add3A_593 = vector.broadcast %add3A_592 : i32 to vector<16xi32>
    %add3A_594 = arith.addi %iota3A, %add3A_593 : vector<16xi32>
    %and3A_595 = arith.constant 15 : i32
    %and3A_596 = vector.broadcast %and3A_595 : i32 to vector<16xi32>
    %and3A_597 = arith.andi %add3A_594, %and3A_596 : vector<16xi32>
    %lt3A_598 = arith.constant 0 : i32
    %lt3A_599 = vector.broadcast %lt3A_598 : i32 to vector<16xi32>
    %lt3A_600 = arith.cmpi slt, %and3A_597, %lt3A_599 : vector<16xi32>
    %add3A_601 = arith.constant 16 : i32
    %add3A_602 = vector.broadcast %add3A_601 : i32 to vector<16xi32>
    %add3A_603 = arith.addi %and3A_597, %add3A_602 : vector<16xi32>
    %select_n3A_604 = arith.select %lt3A_600, %add3A_603, %and3A_597 : vector<16xi1>, vector<16xi32>
    %broadcast_in_dim3A_605 = vector.shape_cast %select_n3A_604 : vector<16xi32> to vector<16x1xi32>
    %gather3A_606 = vector.shape_cast %broadcast_in_dim3A_605 : vector<16x1xi32> to vector<16xi32>
    %gather3A_607 = tpu.dynamic_gather %mul3A_591[%gather3A_606] in [0] : vector<16xf32>, vector<16xi32> -> vector<16xf32>
    %add3A_608 = arith.addf %mul3A_591, %gather3A_607 : vector<16xf32>
    %add3A_609 = arith.constant 4 : i32
    %add3A_610 = vector.broadcast %add3A_609 : i32 to vector<16xi32>
    %add3A_611 = arith.addi %iota3A, %add3A_610 : vector<16xi32>
    %and3A_612 = arith.constant 15 : i32
    %and3A_613 = vector.broadcast %and3A_612 : i32 to vector<16xi32>
    %and3A_614 = arith.andi %add3A_611, %and3A_613 : vector<16xi32>
    %lt3A_615 = arith.constant 0 : i32
    %lt3A_616 = vector.broadcast %lt3A_615 : i32 to vector<16xi32>
    %lt3A_617 = arith.cmpi slt, %and3A_614, %lt3A_616 : vector<16xi32>
    %add3A_618 = arith.constant 16 : i32
    %add3A_619 = vector.broadcast %add3A_618 : i32 to vector<16xi32>
    %add3A_620 = arith.addi %and3A_614, %add3A_619 : vector<16xi32>
    %select_n3A_621 = arith.select %lt3A_617, %add3A_620, %and3A_614 : vector<16xi1>, vector<16xi32>
    %broadcast_in_dim3A_622 = vector.shape_cast %select_n3A_621 : vector<16xi32> to vector<16x1xi32>
    %gather3A_623 = vector.shape_cast %broadcast_in_dim3A_622 : vector<16x1xi32> to vector<16xi32>
    %gather3A_624 = tpu.dynamic_gather %add3A_608[%gather3A_623] in [0] : vector<16xf32>, vector<16xi32> -> vector<16xf32>
    %add3A_625 = arith.addf %add3A_608, %gather3A_624 : vector<16xf32>
    %add3A_626 = arith.constant 2 : i32
    %add3A_627 = vector.broadcast %add3A_626 : i32 to vector<16xi32>
    %add3A_628 = arith.addi %iota3A, %add3A_627 : vector<16xi32>
    %and3A_629 = arith.constant 15 : i32
    %and3A_630 = vector.broadcast %and3A_629 : i32 to vector<16xi32>
    %and3A_631 = arith.andi %add3A_628, %and3A_630 : vector<16xi32>
    %lt3A_632 = arith.constant 0 : i32
    %lt3A_633 = vector.broadcast %lt3A_632 : i32 to vector<16xi32>
    %lt3A_634 = arith.cmpi slt, %and3A_631, %lt3A_633 : vector<16xi32>
    %add3A_635 = arith.constant 16 : i32
    %add3A_636 = vector.broadcast %add3A_635 : i32 to vector<16xi32>
    %add3A_637 = arith.addi %and3A_631, %add3A_636 : vector<16xi32>
    %select_n3A_638 = arith.select %lt3A_634, %add3A_637, %and3A_631 : vector<16xi1>, vector<16xi32>
    %broadcast_in_dim3A_639 = vector.shape_cast %select_n3A_638 : vector<16xi32> to vector<16x1xi32>
    %gather3A_640 = vector.shape_cast %broadcast_in_dim3A_639 : vector<16x1xi32> to vector<16xi32>
    %gather3A_641 = tpu.dynamic_gather %add3A_625[%gather3A_640] in [0] : vector<16xf32>, vector<16xi32> -> vector<16xf32>
    %add3A_642 = arith.addf %add3A_625, %gather3A_641 : vector<16xf32>
    %add3A_643 = arith.constant 1 : i32
    %add3A_644 = vector.broadcast %add3A_643 : i32 to vector<16xi32>
    %add3A_645 = arith.addi %iota3A, %add3A_644 : vector<16xi32>
    %and3A_646 = arith.constant 15 : i32
    %and3A_647 = vector.broadcast %and3A_646 : i32 to vector<16xi32>
    %and3A_648 = arith.andi %add3A_645, %and3A_647 : vector<16xi32>
    %lt3A_649 = arith.constant 0 : i32
    %lt3A_650 = vector.broadcast %lt3A_649 : i32 to vector<16xi32>
    %lt3A_651 = arith.cmpi slt, %and3A_648, %lt3A_650 : vector<16xi32>
    %add3A_652 = arith.constant 16 : i32
    %add3A_653 = vector.broadcast %add3A_652 : i32 to vector<16xi32>
    %add3A_654 = arith.addi %and3A_648, %add3A_653 : vector<16xi32>
    %select_n3A_655 = arith.select %lt3A_651, %add3A_654, %and3A_648 : vector<16xi1>, vector<16xi32>
    %broadcast_in_dim3A_656 = vector.shape_cast %select_n3A_655 : vector<16xi32> to vector<16x1xi32>
    %gather3A_657 = vector.shape_cast %broadcast_in_dim3A_656 : vector<16x1xi32> to vector<16xi32>
    %gather3A_658 = tpu.dynamic_gather %add3A_642[%gather3A_657] in [0] : vector<16xf32>, vector<16xi32> -> vector<16xf32>
    %add3A_659 = arith.addf %add3A_642, %gather3A_658 : vector<16xf32>
    %mul3A_660 = arith.mulf %get3A_452, %add3A_63 : vector<16xf32>
    %add3A_661 = arith.constant 8 : i32
    %add3A_662 = vector.broadcast %add3A_661 : i32 to vector<16xi32>
    %add3A_663 = arith.addi %iota3A, %add3A_662 : vector<16xi32>
    %and3A_664 = arith.constant 15 : i32
    %and3A_665 = vector.broadcast %and3A_664 : i32 to vector<16xi32>
    %and3A_666 = arith.andi %add3A_663, %and3A_665 : vector<16xi32>
    %lt3A_667 = arith.constant 0 : i32
    %lt3A_668 = vector.broadcast %lt3A_667 : i32 to vector<16xi32>
    %lt3A_669 = arith.cmpi slt, %and3A_666, %lt3A_668 : vector<16xi32>
    %add3A_670 = arith.constant 16 : i32
    %add3A_671 = vector.broadcast %add3A_670 : i32 to vector<16xi32>
    %add3A_672 = arith.addi %and3A_666, %add3A_671 : vector<16xi32>
    %select_n3A_673 = arith.select %lt3A_669, %add3A_672, %and3A_666 : vector<16xi1>, vector<16xi32>
    %broadcast_in_dim3A_674 = vector.shape_cast %select_n3A_673 : vector<16xi32> to vector<16x1xi32>
    %gather3A_675 = vector.shape_cast %broadcast_in_dim3A_674 : vector<16x1xi32> to vector<16xi32>
    %gather3A_676 = tpu.dynamic_gather %mul3A_660[%gather3A_675] in [0] : vector<16xf32>, vector<16xi32> -> vector<16xf32>
    %add3A_677 = arith.addf %mul3A_660, %gather3A_676 : vector<16xf32>
    %add3A_678 = arith.constant 4 : i32
    %add3A_679 = vector.broadcast %add3A_678 : i32 to vector<16xi32>
    %add3A_680 = arith.addi %iota3A, %add3A_679 : vector<16xi32>
    %and3A_681 = arith.constant 15 : i32
    %and3A_682 = vector.broadcast %and3A_681 : i32 to vector<16xi32>
    %and3A_683 = arith.andi %add3A_680, %and3A_682 : vector<16xi32>
    %lt3A_684 = arith.constant 0 : i32
    %lt3A_685 = vector.broadcast %lt3A_684 : i32 to vector<16xi32>
    %lt3A_686 = arith.cmpi slt, %and3A_683, %lt3A_685 : vector<16xi32>
    %add3A_687 = arith.constant 16 : i32
    %add3A_688 = vector.broadcast %add3A_687 : i32 to vector<16xi32>
    %add3A_689 = arith.addi %and3A_683, %add3A_688 : vector<16xi32>
    %select_n3A_690 = arith.select %lt3A_686, %add3A_689, %and3A_683 : vector<16xi1>, vector<16xi32>
    %broadcast_in_dim3A_691 = vector.shape_cast %select_n3A_690 : vector<16xi32> to vector<16x1xi32>
    %gather3A_692 = vector.shape_cast %broadcast_in_dim3A_691 : vector<16x1xi32> to vector<16xi32>
    %gather3A_693 = tpu.dynamic_gather %add3A_677[%gather3A_692] in [0] : vector<16xf32>, vector<16xi32> -> vector<16xf32>
    %add3A_694 = arith.addf %add3A_677, %gather3A_693 : vector<16xf32>
    %add3A_695 = arith.constant 2 : i32
    %add3A_696 = vector.broadcast %add3A_695 : i32 to vector<16xi32>
    %add3A_697 = arith.addi %iota3A, %add3A_696 : vector<16xi32>
    %and3A_698 = arith.constant 15 : i32
    %and3A_699 = vector.broadcast %and3A_698 : i32 to vector<16xi32>
    %and3A_700 = arith.andi %add3A_697, %and3A_699 : vector<16xi32>
    %lt3A_701 = arith.constant 0 : i32
    %lt3A_702 = vector.broadcast %lt3A_701 : i32 to vector<16xi32>
    %lt3A_703 = arith.cmpi slt, %and3A_700, %lt3A_702 : vector<16xi32>
    %add3A_704 = arith.constant 16 : i32
    %add3A_705 = vector.broadcast %add3A_704 : i32 to vector<16xi32>
    %add3A_706 = arith.addi %and3A_700, %add3A_705 : vector<16xi32>
    %select_n3A_707 = arith.select %lt3A_703, %add3A_706, %and3A_700 : vector<16xi1>, vector<16xi32>
    %broadcast_in_dim3A_708 = vector.shape_cast %select_n3A_707 : vector<16xi32> to vector<16x1xi32>
    %gather3A_709 = vector.shape_cast %broadcast_in_dim3A_708 : vector<16x1xi32> to vector<16xi32>
    %gather3A_710 = tpu.dynamic_gather %add3A_694[%gather3A_709] in [0] : vector<16xf32>, vector<16xi32> -> vector<16xf32>
    %add3A_711 = arith.addf %add3A_694, %gather3A_710 : vector<16xf32>
    %add3A_712 = arith.constant 1 : i32
    %add3A_713 = vector.broadcast %add3A_712 : i32 to vector<16xi32>
    %add3A_714 = arith.addi %iota3A, %add3A_713 : vector<16xi32>
    %and3A_715 = arith.constant 15 : i32
    %and3A_716 = vector.broadcast %and3A_715 : i32 to vector<16xi32>
    %and3A_717 = arith.andi %add3A_714, %and3A_716 : vector<16xi32>
    %lt3A_718 = arith.constant 0 : i32
    %lt3A_719 = vector.broadcast %lt3A_718 : i32 to vector<16xi32>
    %lt3A_720 = arith.cmpi slt, %and3A_717, %lt3A_719 : vector<16xi32>
    %add3A_721 = arith.constant 16 : i32
    %add3A_722 = vector.broadcast %add3A_721 : i32 to vector<16xi32>
    %add3A_723 = arith.addi %and3A_717, %add3A_722 : vector<16xi32>
    %select_n3A_724 = arith.select %lt3A_720, %add3A_723, %and3A_717 : vector<16xi1>, vector<16xi32>
    %broadcast_in_dim3A_725 = vector.shape_cast %select_n3A_724 : vector<16xi32> to vector<16x1xi32>
    %gather3A_726 = vector.shape_cast %broadcast_in_dim3A_725 : vector<16x1xi32> to vector<16xi32>
    %gather3A_727 = tpu.dynamic_gather %add3A_711[%gather3A_726] in [0] : vector<16xf32>, vector<16xi32> -> vector<16xf32>
    %add3A_728 = arith.addf %add3A_711, %gather3A_727 : vector<16xf32>
    %add3A_729 = arith.constant 2 : i32
    %add3A_730 = arith.addi %mul3A_32, %add3A_729 : i32
    %get3A_731 = arith.index_cast %add3A_730 : i32 to index
    %get3A_732 = tpu.vector_load %arg7[%get3A_731] {strides = array<i32>} : memref<208xi32, #tpu.memory_space<vmem>>, vector<16xi32>,
    %get3A_733 = vector.shape_cast %get3A_732 : vector<16xi32> to vector<16xi32>
    %slice3A_734 = vector.extract_strided_slice %get3A_733 {offsets = [0], sizes = [1], strides = [1]} : vector<16xi32> to vector<1xi32>
    %squeeze3A_735 = vector.extract %slice3A_734[0] : i32 from vector<1xi32>
    %add3A_736 = arith.constant 32 : i32
    %add3A_737 = arith.addi %add3A_736, %add3A_730 : i32
    %get3A_738 = arith.index_cast %add3A_737 : i32 to index
    %get3A_739 = tpu.vector_load %arg7[%get3A_738] {strides = array<i32>} : memref<208xi32, #tpu.memory_space<vmem>>, vector<16xi32>,
    %get3A_740 = vector.shape_cast %get3A_739 : vector<16xi32> to vector<16xi32>
    %slice3A_741 = vector.extract_strided_slice %get3A_740 {offsets = [0], sizes = [1], strides = [1]} : vector<16xi32> to vector<1xi32>
    %squeeze3A_742 = vector.extract %slice3A_741[0] : i32 from vector<1xi32>
    %add3A_743 = arith.constant 64 : i32
    %add3A_744 = arith.addi %add3A_743, %add3A_730 : i32
    %get3A_745 = arith.index_cast %add3A_744 : i32 to index
    %get3A_746 = tpu.vector_load %arg7[%get3A_745] {strides = array<i32>} : memref<208xi32, #tpu.memory_space<vmem>>, vector<16xi32>,
    %get3A_747 = vector.shape_cast %get3A_746 : vector<16xi32> to vector<16xi32>
    %slice3A_748 = vector.extract_strided_slice %get3A_747 {offsets = [0], sizes = [1], strides = [1]} : vector<16xi32> to vector<1xi32>
    %squeeze3A_749 = vector.extract %slice3A_748[0] : i32 from vector<1xi32>
    %add3A_750 = arith.constant 96 : i32
    %add3A_751 = arith.addi %add3A_750, %add3A_730 : i32
    %get3A_752 = arith.index_cast %add3A_751 : i32 to index
    %get3A_753 = tpu.vector_load %arg7[%get3A_752] {strides = array<i32>} : memref<208xi32, #tpu.memory_space<vmem>>, vector<16xi32>,
    %get3A_754 = vector.shape_cast %get3A_753 : vector<16xi32> to vector<16xi32>
    %slice3A_755 = vector.extract_strided_slice %get3A_754 {offsets = [0], sizes = [1], strides = [1]} : vector<16xi32> to vector<1xi32>
    %squeeze3A_756 = vector.extract %slice3A_755[0] : i32 from vector<1xi32>
    %add3A_757 = arith.constant 128 : i32
    %add3A_758 = arith.addi %add3A_757, %add3A_730 : i32
    %get3A_759 = arith.index_cast %add3A_758 : i32 to index
    %get3A_760 = tpu.vector_load %arg7[%get3A_759] {strides = array<i32>} : memref<208xi32, #tpu.memory_space<vmem>>, vector<16xi32>,
    %get3A_761 = vector.shape_cast %get3A_760 : vector<16xi32> to vector<16xi32>
    %slice3A_762 = vector.extract_strided_slice %get3A_761 {offsets = [0], sizes = [1], strides = [1]} : vector<16xi32> to vector<1xi32>
    %squeeze3A_763 = vector.extract %slice3A_762[0] : i32 from vector<1xi32>
    %add3A_764 = arith.constant 160 : i32
    %add3A_765 = arith.addi %add3A_764, %add3A_730 : i32
    %get3A_766 = arith.index_cast %add3A_765 : i32 to index
    %get3A_767 = tpu.vector_load %arg7[%get3A_766] {strides = array<i32>} : memref<208xi32, #tpu.memory_space<vmem>>, vector<16xi32>,
    %get3A_768 = vector.shape_cast %get3A_767 : vector<16xi32> to vector<16xi32>
    %slice3A_769 = vector.extract_strided_slice %get3A_768 {offsets = [0], sizes = [1], strides = [1]} : vector<16xi32> to vector<1xi32>
    %squeeze3A_770 = vector.extract %slice3A_769[0] : i32 from vector<1xi32>
    %mul3A_771 = arith.constant 16384 : i32
    %mul3A_772 = arith.muli %squeeze3A_749, %mul3A_771 : i32
    %mul3A_773 = arith.constant 128 : i32
    %mul3A_774 = arith.muli %squeeze3A_735, %mul3A_773 : i32
    %add3A_775 = arith.addi %mul3A_772, %mul3A_774 : i32
    %add3A_776 = arith.addi %add3A_775, %squeeze3A_742 : i32
    %mul3A_777 = arith.constant 16384 : i32
    %mul3A_778 = arith.muli %squeeze3A_770, %mul3A_777 : i32
    %mul3A_779 = arith.constant 128 : i32
    %mul3A_780 = arith.muli %squeeze3A_756, %mul3A_779 : i32
    %add3A_781 = arith.addi %mul3A_778, %mul3A_780 : i32
    %add3A_782 = arith.addi %add3A_781, %squeeze3A_763 : i32
    %mul3A_783 = arith.constant 16 : i32
    %mul3A_784 = arith.muli %add3A_730, %mul3A_783 : i32
    %get3A_785 = arith.index_cast %mul3A_784 : i32 to index
    %get3A_786 = tpu.vector_load %arg8[%get3A_785] {strides = array<i32>} : memref<512xf32, #tpu.memory_space<vmem>>, vector<16xf32>,
    %get3A_787 = vector.shape_cast %get3A_786 : vector<16xf32> to vector<16xf32>
    %mul3A_788 = arith.mulf %get3A_787, %convert_element_type3A_58 : vector<16xf32>
    %add3A_789 = arith.constant 8 : i32
    %add3A_790 = vector.broadcast %add3A_789 : i32 to vector<16xi32>
    %add3A_791 = arith.addi %iota3A, %add3A_790 : vector<16xi32>
    %and3A_792 = arith.constant 15 : i32
    %and3A_793 = vector.broadcast %and3A_792 : i32 to vector<16xi32>
    %and3A_794 = arith.andi %add3A_791, %and3A_793 : vector<16xi32>
    %lt3A_795 = arith.constant 0 : i32
    %lt3A_796 = vector.broadcast %lt3A_795 : i32 to vector<16xi32>
    %lt3A_797 = arith.cmpi slt, %and3A_794, %lt3A_796 : vector<16xi32>
    %add3A_798 = arith.constant 16 : i32
    %add3A_799 = vector.broadcast %add3A_798 : i32 to vector<16xi32>
    %add3A_800 = arith.addi %and3A_794, %add3A_799 : vector<16xi32>
    %select_n3A_801 = arith.select %lt3A_797, %add3A_800, %and3A_794 : vector<16xi1>, vector<16xi32>
    %broadcast_in_dim3A_802 = vector.shape_cast %select_n3A_801 : vector<16xi32> to vector<16x1xi32>
    %gather3A_803 = vector.shape_cast %broadcast_in_dim3A_802 : vector<16x1xi32> to vector<16xi32>
    %gather3A_804 = tpu.dynamic_gather %mul3A_788[%gather3A_803] in [0] : vector<16xf32>, vector<16xi32> -> vector<16xf32>
    %add3A_805 = arith.addf %mul3A_788, %gather3A_804 : vector<16xf32>
    %add3A_806 = arith.constant 4 : i32
    %add3A_807 = vector.broadcast %add3A_806 : i32 to vector<16xi32>
    %add3A_808 = arith.addi %iota3A, %add3A_807 : vector<16xi32>
    %and3A_809 = arith.constant 15 : i32
    %and3A_810 = vector.broadcast %and3A_809 : i32 to vector<16xi32>
    %and3A_811 = arith.andi %add3A_808, %and3A_810 : vector<16xi32>
    %lt3A_812 = arith.constant 0 : i32
    %lt3A_813 = vector.broadcast %lt3A_812 : i32 to vector<16xi32>
    %lt3A_814 = arith.cmpi slt, %and3A_811, %lt3A_813 : vector<16xi32>
    %add3A_815 = arith.constant 16 : i32
    %add3A_816 = vector.broadcast %add3A_815 : i32 to vector<16xi32>
    %add3A_817 = arith.addi %and3A_811, %add3A_816 : vector<16xi32>
    %select_n3A_818 = arith.select %lt3A_814, %add3A_817, %and3A_811 : vector<16xi1>, vector<16xi32>
    %broadcast_in_dim3A_819 = vector.shape_cast %select_n3A_818 : vector<16xi32> to vector<16x1xi32>
    %gather3A_820 = vector.shape_cast %broadcast_in_dim3A_819 : vector<16x1xi32> to vector<16xi32>
    %gather3A_821 = tpu.dynamic_gather %add3A_805[%gather3A_820] in [0] : vector<16xf32>, vector<16xi32> -> vector<16xf32>
    %add3A_822 = arith.addf %add3A_805, %gather3A_821 : vector<16xf32>
    %add3A_823 = arith.constant 2 : i32
    %add3A_824 = vector.broadcast %add3A_823 : i32 to vector<16xi32>
    %add3A_825 = arith.addi %iota3A, %add3A_824 : vector<16xi32>
    %and3A_826 = arith.constant 15 : i32
    %and3A_827 = vector.broadcast %and3A_826 : i32 to vector<16xi32>
    %and3A_828 = arith.andi %add3A_825, %and3A_827 : vector<16xi32>
    %lt3A_829 = arith.constant 0 : i32
    %lt3A_830 = vector.broadcast %lt3A_829 : i32 to vector<16xi32>
    %lt3A_831 = arith.cmpi slt, %and3A_828, %lt3A_830 : vector<16xi32>
    %add3A_832 = arith.constant 16 : i32
    %add3A_833 = vector.broadcast %add3A_832 : i32 to vector<16xi32>
    %add3A_834 = arith.addi %and3A_828, %add3A_833 : vector<16xi32>
    %select_n3A_835 = arith.select %lt3A_831, %add3A_834, %and3A_828 : vector<16xi1>, vector<16xi32>
    %broadcast_in_dim3A_836 = vector.shape_cast %select_n3A_835 : vector<16xi32> to vector<16x1xi32>
    %gather3A_837 = vector.shape_cast %broadcast_in_dim3A_836 : vector<16x1xi32> to vector<16xi32>
    %gather3A_838 = tpu.dynamic_gather %add3A_822[%gather3A_837] in [0] : vector<16xf32>, vector<16xi32> -> vector<16xf32>
    %add3A_839 = arith.addf %add3A_822, %gather3A_838 : vector<16xf32>
    %add3A_840 = arith.constant 1 : i32
    %add3A_841 = vector.broadcast %add3A_840 : i32 to vector<16xi32>
    %add3A_842 = arith.addi %iota3A, %add3A_841 : vector<16xi32>
    %and3A_843 = arith.constant 15 : i32
    %and3A_844 = vector.broadcast %and3A_843 : i32 to vector<16xi32>
    %and3A_845 = arith.andi %add3A_842, %and3A_844 : vector<16xi32>
    %lt3A_846 = arith.constant 0 : i32
    %lt3A_847 = vector.broadcast %lt3A_846 : i32 to vector<16xi32>
    %lt3A_848 = arith.cmpi slt, %and3A_845, %lt3A_847 : vector<16xi32>
    %add3A_849 = arith.constant 16 : i32
    %add3A_850 = vector.broadcast %add3A_849 : i32 to vector<16xi32>
    %add3A_851 = arith.addi %and3A_845, %add3A_850 : vector<16xi32>
    %select_n3A_852 = arith.select %lt3A_848, %add3A_851, %and3A_845 : vector<16xi1>, vector<16xi32>
    %broadcast_in_dim3A_853 = vector.shape_cast %select_n3A_852 : vector<16xi32> to vector<16x1xi32>
    %gather3A_854 = vector.shape_cast %broadcast_in_dim3A_853 : vector<16x1xi32> to vector<16xi32>
    %gather3A_855 = tpu.dynamic_gather %add3A_839[%gather3A_854] in [0] : vector<16xf32>, vector<16xi32> -> vector<16xf32>
    %add3A_856 = arith.addf %add3A_839, %gather3A_855 : vector<16xf32>
    %mul3A_857 = arith.mulf %get3A_787, %sub3A_59 : vector<16xf32>
    %add3A_858 = arith.constant 8 : i32
    %add3A_859 = vector.broadcast %add3A_858 : i32 to vector<16xi32>
    %add3A_860 = arith.addi %iota3A, %add3A_859 : vector<16xi32>
    %and3A_861 = arith.constant 15 : i32
    %and3A_862 = vector.broadcast %and3A_861 : i32 to vector<16xi32>
    %and3A_863 = arith.andi %add3A_860, %and3A_862 : vector<16xi32>
    %lt3A_864 = arith.constant 0 : i32
    %lt3A_865 = vector.broadcast %lt3A_864 : i32 to vector<16xi32>
    %lt3A_866 = arith.cmpi slt, %and3A_863, %lt3A_865 : vector<16xi32>
    %add3A_867 = arith.constant 16 : i32
    %add3A_868 = vector.broadcast %add3A_867 : i32 to vector<16xi32>
    %add3A_869 = arith.addi %and3A_863, %add3A_868 : vector<16xi32>
    %select_n3A_870 = arith.select %lt3A_866, %add3A_869, %and3A_863 : vector<16xi1>, vector<16xi32>
    %broadcast_in_dim3A_871 = vector.shape_cast %select_n3A_870 : vector<16xi32> to vector<16x1xi32>
    %gather3A_872 = vector.shape_cast %broadcast_in_dim3A_871 : vector<16x1xi32> to vector<16xi32>
    %gather3A_873 = tpu.dynamic_gather %mul3A_857[%gather3A_872] in [0] : vector<16xf32>, vector<16xi32> -> vector<16xf32>
    %add3A_874 = arith.addf %mul3A_857, %gather3A_873 : vector<16xf32>
    %add3A_875 = arith.constant 4 : i32
    %add3A_876 = vector.broadcast %add3A_875 : i32 to vector<16xi32>
    %add3A_877 = arith.addi %iota3A, %add3A_876 : vector<16xi32>
    %and3A_878 = arith.constant 15 : i32
    %and3A_879 = vector.broadcast %and3A_878 : i32 to vector<16xi32>
    %and3A_880 = arith.andi %add3A_877, %and3A_879 : vector<16xi32>
    %lt3A_881 = arith.constant 0 : i32
    %lt3A_882 = vector.broadcast %lt3A_881 : i32 to vector<16xi32>
    %lt3A_883 = arith.cmpi slt, %and3A_880, %lt3A_882 : vector<16xi32>
    %add3A_884 = arith.constant 16 : i32
    %add3A_885 = vector.broadcast %add3A_884 : i32 to vector<16xi32>
    %add3A_886 = arith.addi %and3A_880, %add3A_885 : vector<16xi32>
    %select_n3A_887 = arith.select %lt3A_883, %add3A_886, %and3A_880 : vector<16xi1>, vector<16xi32>
    %broadcast_in_dim3A_888 = vector.shape_cast %select_n3A_887 : vector<16xi32> to vector<16x1xi32>
    %gather3A_889 = vector.shape_cast %broadcast_in_dim3A_888 : vector<16x1xi32> to vector<16xi32>
    %gather3A_890 = tpu.dynamic_gather %add3A_874[%gather3A_889] in [0] : vector<16xf32>, vector<16xi32> -> vector<16xf32>
    %add3A_891 = arith.addf %add3A_874, %gather3A_890 : vector<16xf32>
    %add3A_892 = arith.constant 2 : i32
    %add3A_893 = vector.broadcast %add3A_892 : i32 to vector<16xi32>
    %add3A_894 = arith.addi %iota3A, %add3A_893 : vector<16xi32>
    %and3A_895 = arith.constant 15 : i32
    %and3A_896 = vector.broadcast %and3A_895 : i32 to vector<16xi32>
    %and3A_897 = arith.andi %add3A_894, %and3A_896 : vector<16xi32>
    %lt3A_898 = arith.constant 0 : i32
    %lt3A_899 = vector.broadcast %lt3A_898 : i32 to vector<16xi32>
    %lt3A_900 = arith.cmpi slt, %and3A_897, %lt3A_899 : vector<16xi32>
    %add3A_901 = arith.constant 16 : i32
    %add3A_902 = vector.broadcast %add3A_901 : i32 to vector<16xi32>
    %add3A_903 = arith.addi %and3A_897, %add3A_902 : vector<16xi32>
    %select_n3A_904 = arith.select %lt3A_900, %add3A_903, %and3A_897 : vector<16xi1>, vector<16xi32>
    %broadcast_in_dim3A_905 = vector.shape_cast %select_n3A_904 : vector<16xi32> to vector<16x1xi32>
    %gather3A_906 = vector.shape_cast %broadcast_in_dim3A_905 : vector<16x1xi32> to vector<16xi32>
    %gather3A_907 = tpu.dynamic_gather %add3A_891[%gather3A_906] in [0] : vector<16xf32>, vector<16xi32> -> vector<16xf32>
    %add3A_908 = arith.addf %add3A_891, %gather3A_907 : vector<16xf32>
    %add3A_909 = arith.constant 1 : i32
    %add3A_910 = vector.broadcast %add3A_909 : i32 to vector<16xi32>
    %add3A_911 = arith.addi %iota3A, %add3A_910 : vector<16xi32>
    %and3A_912 = arith.constant 15 : i32
    %and3A_913 = vector.broadcast %and3A_912 : i32 to vector<16xi32>
    %and3A_914 = arith.andi %add3A_911, %and3A_913 : vector<16xi32>
    %lt3A_915 = arith.constant 0 : i32
    %lt3A_916 = vector.broadcast %lt3A_915 : i32 to vector<16xi32>
    %lt3A_917 = arith.cmpi slt, %and3A_914, %lt3A_916 : vector<16xi32>
    %add3A_918 = arith.constant 16 : i32
    %add3A_919 = vector.broadcast %add3A_918 : i32 to vector<16xi32>
    %add3A_920 = arith.addi %and3A_914, %add3A_919 : vector<16xi32>
    %select_n3A_921 = arith.select %lt3A_917, %add3A_920, %and3A_914 : vector<16xi1>, vector<16xi32>
    %broadcast_in_dim3A_922 = vector.shape_cast %select_n3A_921 : vector<16xi32> to vector<16x1xi32>
    %gather3A_923 = vector.shape_cast %broadcast_in_dim3A_922 : vector<16x1xi32> to vector<16xi32>
    %gather3A_924 = tpu.dynamic_gather %add3A_908[%gather3A_923] in [0] : vector<16xf32>, vector<16xi32> -> vector<16xf32>
    %add3A_925 = arith.addf %add3A_908, %gather3A_924 : vector<16xf32>
    %mul3A_926 = arith.mulf %get3A_787, %sub3A_60 : vector<16xf32>
    %add3A_927 = arith.constant 8 : i32
    %add3A_928 = vector.broadcast %add3A_927 : i32 to vector<16xi32>
    %add3A_929 = arith.addi %iota3A, %add3A_928 : vector<16xi32>
    %and3A_930 = arith.constant 15 : i32
    %and3A_931 = vector.broadcast %and3A_930 : i32 to vector<16xi32>
    %and3A_932 = arith.andi %add3A_929, %and3A_931 : vector<16xi32>
    %lt3A_933 = arith.constant 0 : i32
    %lt3A_934 = vector.broadcast %lt3A_933 : i32 to vector<16xi32>
    %lt3A_935 = arith.cmpi slt, %and3A_932, %lt3A_934 : vector<16xi32>
    %add3A_936 = arith.constant 16 : i32
    %add3A_937 = vector.broadcast %add3A_936 : i32 to vector<16xi32>
    %add3A_938 = arith.addi %and3A_932, %add3A_937 : vector<16xi32>
    %select_n3A_939 = arith.select %lt3A_935, %add3A_938, %and3A_932 : vector<16xi1>, vector<16xi32>
    %broadcast_in_dim3A_940 = vector.shape_cast %select_n3A_939 : vector<16xi32> to vector<16x1xi32>
    %gather3A_941 = vector.shape_cast %broadcast_in_dim3A_940 : vector<16x1xi32> to vector<16xi32>
    %gather3A_942 = tpu.dynamic_gather %mul3A_926[%gather3A_941] in [0] : vector<16xf32>, vector<16xi32> -> vector<16xf32>
    %add3A_943 = arith.addf %mul3A_926, %gather3A_942 : vector<16xf32>
    %add3A_944 = arith.constant 4 : i32
    %add3A_945 = vector.broadcast %add3A_944 : i32 to vector<16xi32>
    %add3A_946 = arith.addi %iota3A, %add3A_945 : vector<16xi32>
    %and3A_947 = arith.constant 15 : i32
    %and3A_948 = vector.broadcast %and3A_947 : i32 to vector<16xi32>
    %and3A_949 = arith.andi %add3A_946, %and3A_948 : vector<16xi32>
    %lt3A_950 = arith.constant 0 : i32
    %lt3A_951 = vector.broadcast %lt3A_950 : i32 to vector<16xi32>
    %lt3A_952 = arith.cmpi slt, %and3A_949, %lt3A_951 : vector<16xi32>
    %add3A_953 = arith.constant 16 : i32
    %add3A_954 = vector.broadcast %add3A_953 : i32 to vector<16xi32>
    %add3A_955 = arith.addi %and3A_949, %add3A_954 : vector<16xi32>
    %select_n3A_956 = arith.select %lt3A_952, %add3A_955, %and3A_949 : vector<16xi1>, vector<16xi32>
    %broadcast_in_dim3A_957 = vector.shape_cast %select_n3A_956 : vector<16xi32> to vector<16x1xi32>
    %gather3A_958 = vector.shape_cast %broadcast_in_dim3A_957 : vector<16x1xi32> to vector<16xi32>
    %gather3A_959 = tpu.dynamic_gather %add3A_943[%gather3A_958] in [0] : vector<16xf32>, vector<16xi32> -> vector<16xf32>
    %add3A_960 = arith.addf %add3A_943, %gather3A_959 : vector<16xf32>
    %add3A_961 = arith.constant 2 : i32
    %add3A_962 = vector.broadcast %add3A_961 : i32 to vector<16xi32>
    %add3A_963 = arith.addi %iota3A, %add3A_962 : vector<16xi32>
    %and3A_964 = arith.constant 15 : i32
    %and3A_965 = vector.broadcast %and3A_964 : i32 to vector<16xi32>
    %and3A_966 = arith.andi %add3A_963, %and3A_965 : vector<16xi32>
    %lt3A_967 = arith.constant 0 : i32
    %lt3A_968 = vector.broadcast %lt3A_967 : i32 to vector<16xi32>
    %lt3A_969 = arith.cmpi slt, %and3A_966, %lt3A_968 : vector<16xi32>
    %add3A_970 = arith.constant 16 : i32
    %add3A_971 = vector.broadcast %add3A_970 : i32 to vector<16xi32>
    %add3A_972 = arith.addi %and3A_966, %add3A_971 : vector<16xi32>
    %select_n3A_973 = arith.select %lt3A_969, %add3A_972, %and3A_966 : vector<16xi1>, vector<16xi32>
    %broadcast_in_dim3A_974 = vector.shape_cast %select_n3A_973 : vector<16xi32> to vector<16x1xi32>
    %gather3A_975 = vector.shape_cast %broadcast_in_dim3A_974 : vector<16x1xi32> to vector<16xi32>
    %gather3A_976 = tpu.dynamic_gather %add3A_960[%gather3A_975] in [0] : vector<16xf32>, vector<16xi32> -> vector<16xf32>
    %add3A_977 = arith.addf %add3A_960, %gather3A_976 : vector<16xf32>
    %add3A_978 = arith.constant 1 : i32
    %add3A_979 = vector.broadcast %add3A_978 : i32 to vector<16xi32>
    %add3A_980 = arith.addi %iota3A, %add3A_979 : vector<16xi32>
    %and3A_981 = arith.constant 15 : i32
    %and3A_982 = vector.broadcast %and3A_981 : i32 to vector<16xi32>
    %and3A_983 = arith.andi %add3A_980, %and3A_982 : vector<16xi32>
    %lt3A_984 = arith.constant 0 : i32
    %lt3A_985 = vector.broadcast %lt3A_984 : i32 to vector<16xi32>
    %lt3A_986 = arith.cmpi slt, %and3A_983, %lt3A_985 : vector<16xi32>
    %add3A_987 = arith.constant 16 : i32
    %add3A_988 = vector.broadcast %add3A_987 : i32 to vector<16xi32>
    %add3A_989 = arith.addi %and3A_983, %add3A_988 : vector<16xi32>
    %select_n3A_990 = arith.select %lt3A_986, %add3A_989, %and3A_983 : vector<16xi1>, vector<16xi32>
    %broadcast_in_dim3A_991 = vector.shape_cast %select_n3A_990 : vector<16xi32> to vector<16x1xi32>
    %gather3A_992 = vector.shape_cast %broadcast_in_dim3A_991 : vector<16x1xi32> to vector<16xi32>
    %gather3A_993 = tpu.dynamic_gather %add3A_977[%gather3A_992] in [0] : vector<16xf32>, vector<16xi32> -> vector<16xf32>
    %add3A_994 = arith.addf %add3A_977, %gather3A_993 : vector<16xf32>
    %mul3A_995 = arith.mulf %get3A_787, %add3A_63 : vector<16xf32>
    %add3A_996 = arith.constant 8 : i32
    %add3A_997 = vector.broadcast %add3A_996 : i32 to vector<16xi32>
    %add3A_998 = arith.addi %iota3A, %add3A_997 : vector<16xi32>
    %and3A_999 = arith.constant 15 : i32
    %and3A_1000 = vector.broadcast %and3A_999 : i32 to vector<16xi32>
    %and3A_1001 = arith.andi %add3A_998, %and3A_1000 : vector<16xi32>
    %lt3A_1002 = arith.constant 0 : i32
    %lt3A_1003 = vector.broadcast %lt3A_1002 : i32 to vector<16xi32>
    %lt3A_1004 = arith.cmpi slt, %and3A_1001, %lt3A_1003 : vector<16xi32>
    %add3A_1005 = arith.constant 16 : i32
    %add3A_1006 = vector.broadcast %add3A_1005 : i32 to vector<16xi32>
    %add3A_1007 = arith.addi %and3A_1001, %add3A_1006 : vector<16xi32>
    %select_n3A_1008 = arith.select %lt3A_1004, %add3A_1007, %and3A_1001 : vector<16xi1>, vector<16xi32>
    %broadcast_in_dim3A_1009 = vector.shape_cast %select_n3A_1008 : vector<16xi32> to vector<16x1xi32>
    %gather3A_1010 = vector.shape_cast %broadcast_in_dim3A_1009 : vector<16x1xi32> to vector<16xi32>
    %gather3A_1011 = tpu.dynamic_gather %mul3A_995[%gather3A_1010] in [0] : vector<16xf32>, vector<16xi32> -> vector<16xf32>
    %add3A_1012 = arith.addf %mul3A_995, %gather3A_1011 : vector<16xf32>
    %add3A_1013 = arith.constant 4 : i32
    %add3A_1014 = vector.broadcast %add3A_1013 : i32 to vector<16xi32>
    %add3A_1015 = arith.addi %iota3A, %add3A_1014 : vector<16xi32>
    %and3A_1016 = arith.constant 15 : i32
    %and3A_1017 = vector.broadcast %and3A_1016 : i32 to vector<16xi32>
    %and3A_1018 = arith.andi %add3A_1015, %and3A_1017 : vector<16xi32>
    %lt3A_1019 = arith.constant 0 : i32
    %lt3A_1020 = vector.broadcast %lt3A_1019 : i32 to vector<16xi32>
    %lt3A_1021 = arith.cmpi slt, %and3A_1018, %lt3A_1020 : vector<16xi32>
    %add3A_1022 = arith.constant 16 : i32
    %add3A_1023 = vector.broadcast %add3A_1022 : i32 to vector<16xi32>
    %add3A_1024 = arith.addi %and3A_1018, %add3A_1023 : vector<16xi32>
    %select_n3A_1025 = arith.select %lt3A_1021, %add3A_1024, %and3A_1018 : vector<16xi1>, vector<16xi32>
    %broadcast_in_dim3A_1026 = vector.shape_cast %select_n3A_1025 : vector<16xi32> to vector<16x1xi32>
    %gather3A_1027 = vector.shape_cast %broadcast_in_dim3A_1026 : vector<16x1xi32> to vector<16xi32>
    %gather3A_1028 = tpu.dynamic_gather %add3A_1012[%gather3A_1027] in [0] : vector<16xf32>, vector<16xi32> -> vector<16xf32>
    %add3A_1029 = arith.addf %add3A_1012, %gather3A_1028 : vector<16xf32>
    %add3A_1030 = arith.constant 2 : i32
    %add3A_1031 = vector.broadcast %add3A_1030 : i32 to vector<16xi32>
    %add3A_1032 = arith.addi %iota3A, %add3A_1031 : vector<16xi32>
    %and3A_1033 = arith.constant 15 : i32
    %and3A_1034 = vector.broadcast %and3A_1033 : i32 to vector<16xi32>
    %and3A_1035 = arith.andi %add3A_1032, %and3A_1034 : vector<16xi32>
    %lt3A_1036 = arith.constant 0 : i32
    %lt3A_1037 = vector.broadcast %lt3A_1036 : i32 to vector<16xi32>
    %lt3A_1038 = arith.cmpi slt, %and3A_1035, %lt3A_1037 : vector<16xi32>
    %add3A_1039 = arith.constant 16 : i32
    %add3A_1040 = vector.broadcast %add3A_1039 : i32 to vector<16xi32>
    %add3A_1041 = arith.addi %and3A_1035, %add3A_1040 : vector<16xi32>
    %select_n3A_1042 = arith.select %lt3A_1038, %add3A_1041, %and3A_1035 : vector<16xi1>, vector<16xi32>
    %broadcast_in_dim3A_1043 = vector.shape_cast %select_n3A_1042 : vector<16xi32> to vector<16x1xi32>
    %gather3A_1044 = vector.shape_cast %broadcast_in_dim3A_1043 : vector<16x1xi32> to vector<16xi32>
    %gather3A_1045 = tpu.dynamic_gather %add3A_1029[%gather3A_1044] in [0] : vector<16xf32>, vector<16xi32> -> vector<16xf32>
    %add3A_1046 = arith.addf %add3A_1029, %gather3A_1045 : vector<16xf32>
    %add3A_1047 = arith.constant 1 : i32
    %add3A_1048 = vector.broadcast %add3A_1047 : i32 to vector<16xi32>
    %add3A_1049 = arith.addi %iota3A, %add3A_1048 : vector<16xi32>
    %and3A_1050 = arith.constant 15 : i32
    %and3A_1051 = vector.broadcast %and3A_1050 : i32 to vector<16xi32>
    %and3A_1052 = arith.andi %add3A_1049, %and3A_1051 : vector<16xi32>
    %lt3A_1053 = arith.constant 0 : i32
    %lt3A_1054 = vector.broadcast %lt3A_1053 : i32 to vector<16xi32>
    %lt3A_1055 = arith.cmpi slt, %and3A_1052, %lt3A_1054 : vector<16xi32>
    %add3A_1056 = arith.constant 16 : i32
    %add3A_1057 = vector.broadcast %add3A_1056 : i32 to vector<16xi32>
    %add3A_1058 = arith.addi %and3A_1052, %add3A_1057 : vector<16xi32>
    %select_n3A_1059 = arith.select %lt3A_1055, %add3A_1058, %and3A_1052 : vector<16xi1>, vector<16xi32>
    %broadcast_in_dim3A_1060 = vector.shape_cast %select_n3A_1059 : vector<16xi32> to vector<16x1xi32>
    %gather3A_1061 = vector.shape_cast %broadcast_in_dim3A_1060 : vector<16x1xi32> to vector<16xi32>
    %gather3A_1062 = tpu.dynamic_gather %add3A_1046[%gather3A_1061] in [0] : vector<16xf32>, vector<16xi32> -> vector<16xf32>
    %add3A_1063 = arith.addf %add3A_1046, %gather3A_1062 : vector<16xf32>
    %add3A_1064 = arith.constant 3 : i32
    %add3A_1065 = arith.addi %mul3A_32, %add3A_1064 : i32
    %get3A_1066 = arith.index_cast %add3A_1065 : i32 to index
    %get3A_1067 = tpu.vector_load %arg7[%get3A_1066] {strides = array<i32>} : memref<208xi32, #tpu.memory_space<vmem>>, vector<16xi32>,
    %get3A_1068 = vector.shape_cast %get3A_1067 : vector<16xi32> to vector<16xi32>
    %slice3A_1069 = vector.extract_strided_slice %get3A_1068 {offsets = [0], sizes = [1], strides = [1]} : vector<16xi32> to vector<1xi32>
    %squeeze3A_1070 = vector.extract %slice3A_1069[0] : i32 from vector<1xi32>
    %add3A_1071 = arith.constant 32 : i32
    %add3A_1072 = arith.addi %add3A_1071, %add3A_1065 : i32
    %get3A_1073 = arith.index_cast %add3A_1072 : i32 to index
    %get3A_1074 = tpu.vector_load %arg7[%get3A_1073] {strides = array<i32>} : memref<208xi32, #tpu.memory_space<vmem>>, vector<16xi32>,
    %get3A_1075 = vector.shape_cast %get3A_1074 : vector<16xi32> to vector<16xi32>
    %slice3A_1076 = vector.extract_strided_slice %get3A_1075 {offsets = [0], sizes = [1], strides = [1]} : vector<16xi32> to vector<1xi32>
    %squeeze3A_1077 = vector.extract %slice3A_1076[0] : i32 from vector<1xi32>
    %add3A_1078 = arith.constant 64 : i32
    %add3A_1079 = arith.addi %add3A_1078, %add3A_1065 : i32
    %get3A_1080 = arith.index_cast %add3A_1079 : i32 to index
    %get3A_1081 = tpu.vector_load %arg7[%get3A_1080] {strides = array<i32>} : memref<208xi32, #tpu.memory_space<vmem>>, vector<16xi32>,
    %get3A_1082 = vector.shape_cast %get3A_1081 : vector<16xi32> to vector<16xi32>
    %slice3A_1083 = vector.extract_strided_slice %get3A_1082 {offsets = [0], sizes = [1], strides = [1]} : vector<16xi32> to vector<1xi32>
    %squeeze3A_1084 = vector.extract %slice3A_1083[0] : i32 from vector<1xi32>
    %add3A_1085 = arith.constant 96 : i32
    %add3A_1086 = arith.addi %add3A_1085, %add3A_1065 : i32
    %get3A_1087 = arith.index_cast %add3A_1086 : i32 to index
    %get3A_1088 = tpu.vector_load %arg7[%get3A_1087] {strides = array<i32>} : memref<208xi32, #tpu.memory_space<vmem>>, vector<16xi32>,
    %get3A_1089 = vector.shape_cast %get3A_1088 : vector<16xi32> to vector<16xi32>
    %slice3A_1090 = vector.extract_strided_slice %get3A_1089 {offsets = [0], sizes = [1], strides = [1]} : vector<16xi32> to vector<1xi32>
    %squeeze3A_1091 = vector.extract %slice3A_1090[0] : i32 from vector<1xi32>
    %add3A_1092 = arith.constant 128 : i32
    %add3A_1093 = arith.addi %add3A_1092, %add3A_1065 : i32
    %get3A_1094 = arith.index_cast %add3A_1093 : i32 to index
    %get3A_1095 = tpu.vector_load %arg7[%get3A_1094] {strides = array<i32>} : memref<208xi32, #tpu.memory_space<vmem>>, vector<16xi32>,
    %get3A_1096 = vector.shape_cast %get3A_1095 : vector<16xi32> to vector<16xi32>
    %slice3A_1097 = vector.extract_strided_slice %get3A_1096 {offsets = [0], sizes = [1], strides = [1]} : vector<16xi32> to vector<1xi32>
    %squeeze3A_1098 = vector.extract %slice3A_1097[0] : i32 from vector<1xi32>
    %add3A_1099 = arith.constant 160 : i32
    %add3A_1100 = arith.addi %add3A_1099, %add3A_1065 : i32
    %get3A_1101 = arith.index_cast %add3A_1100 : i32 to index
    %get3A_1102 = tpu.vector_load %arg7[%get3A_1101] {strides = array<i32>} : memref<208xi32, #tpu.memory_space<vmem>>, vector<16xi32>,
    %get3A_1103 = vector.shape_cast %get3A_1102 : vector<16xi32> to vector<16xi32>
    %slice3A_1104 = vector.extract_strided_slice %get3A_1103 {offsets = [0], sizes = [1], strides = [1]} : vector<16xi32> to vector<1xi32>
    %squeeze3A_1105 = vector.extract %slice3A_1104[0] : i32 from vector<1xi32>
    %mul3A_1106 = arith.constant 16384 : i32
    %mul3A_1107 = arith.muli %squeeze3A_1084, %mul3A_1106 : i32
    %mul3A_1108 = arith.constant 128 : i32
    %mul3A_1109 = arith.muli %squeeze3A_1070, %mul3A_1108 : i32
    %add3A_1110 = arith.addi %mul3A_1107, %mul3A_1109 : i32
    %add3A_1111 = arith.addi %add3A_1110, %squeeze3A_1077 : i32
    %mul3A_1112 = arith.constant 16384 : i32
    %mul3A_1113 = arith.muli %squeeze3A_1105, %mul3A_1112 : i32
    %mul3A_1114 = arith.constant 128 : i32
    %mul3A_1115 = arith.muli %squeeze3A_1091, %mul3A_1114 : i32
    %add3A_1116 = arith.addi %mul3A_1113, %mul3A_1115 : i32
    %add3A_1117 = arith.addi %add3A_1116, %squeeze3A_1098 : i32
    %mul3A_1118 = arith.constant 16 : i32
    %mul3A_1119 = arith.muli %add3A_1065, %mul3A_1118 : i32
    %get3A_1120 = arith.index_cast %mul3A_1119 : i32 to index
    %get3A_1121 = tpu.vector_load %arg8[%get3A_1120] {strides = array<i32>} : memref<512xf32, #tpu.memory_space<vmem>>, vector<16xf32>,
    %get3A_1122 = vector.shape_cast %get3A_1121 : vector<16xf32> to vector<16xf32>
    %mul3A_1123 = arith.mulf %get3A_1122, %convert_element_type3A_58 : vector<16xf32>
    %add3A_1124 = arith.constant 8 : i32
    %add3A_1125 = vector.broadcast %add3A_1124 : i32 to vector<16xi32>
    %add3A_1126 = arith.addi %iota3A, %add3A_1125 : vector<16xi32>
    %and3A_1127 = arith.constant 15 : i32
    %and3A_1128 = vector.broadcast %and3A_1127 : i32 to vector<16xi32>
    %and3A_1129 = arith.andi %add3A_1126, %and3A_1128 : vector<16xi32>
    %lt3A_1130 = arith.constant 0 : i32
    %lt3A_1131 = vector.broadcast %lt3A_1130 : i32 to vector<16xi32>
    %lt3A_1132 = arith.cmpi slt, %and3A_1129, %lt3A_1131 : vector<16xi32>
    %add3A_1133 = arith.constant 16 : i32
    %add3A_1134 = vector.broadcast %add3A_1133 : i32 to vector<16xi32>
    %add3A_1135 = arith.addi %and3A_1129, %add3A_1134 : vector<16xi32>
    %select_n3A_1136 = arith.select %lt3A_1132, %add3A_1135, %and3A_1129 : vector<16xi1>, vector<16xi32>
    %broadcast_in_dim3A_1137 = vector.shape_cast %select_n3A_1136 : vector<16xi32> to vector<16x1xi32>
    %gather3A_1138 = vector.shape_cast %broadcast_in_dim3A_1137 : vector<16x1xi32> to vector<16xi32>
    %gather3A_1139 = tpu.dynamic_gather %mul3A_1123[%gather3A_1138] in [0] : vector<16xf32>, vector<16xi32> -> vector<16xf32>
    %add3A_1140 = arith.addf %mul3A_1123, %gather3A_1139 : vector<16xf32>
    %add3A_1141 = arith.constant 4 : i32
    %add3A_1142 = vector.broadcast %add3A_1141 : i32 to vector<16xi32>
    %add3A_1143 = arith.addi %iota3A, %add3A_1142 : vector<16xi32>
    %and3A_1144 = arith.constant 15 : i32
    %and3A_1145 = vector.broadcast %and3A_1144 : i32 to vector<16xi32>
    %and3A_1146 = arith.andi %add3A_1143, %and3A_1145 : vector<16xi32>
    %lt3A_1147 = arith.constant 0 : i32
    %lt3A_1148 = vector.broadcast %lt3A_1147 : i32 to vector<16xi32>
    %lt3A_1149 = arith.cmpi slt, %and3A_1146, %lt3A_1148 : vector<16xi32>
    %add3A_1150 = arith.constant 16 : i32
    %add3A_1151 = vector.broadcast %add3A_1150 : i32 to vector<16xi32>
    %add3A_1152 = arith.addi %and3A_1146, %add3A_1151 : vector<16xi32>
    %select_n3A_1153 = arith.select %lt3A_1149, %add3A_1152, %and3A_1146 : vector<16xi1>, vector<16xi32>
    %broadcast_in_dim3A_1154 = vector.shape_cast %select_n3A_1153 : vector<16xi32> to vector<16x1xi32>
    %gather3A_1155 = vector.shape_cast %broadcast_in_dim3A_1154 : vector<16x1xi32> to vector<16xi32>
    %gather3A_1156 = tpu.dynamic_gather %add3A_1140[%gather3A_1155] in [0] : vector<16xf32>, vector<16xi32> -> vector<16xf32>
    %add3A_1157 = arith.addf %add3A_1140, %gather3A_1156 : vector<16xf32>
    %add3A_1158 = arith.constant 2 : i32
    %add3A_1159 = vector.broadcast %add3A_1158 : i32 to vector<16xi32>
    %add3A_1160 = arith.addi %iota3A, %add3A_1159 : vector<16xi32>
    %and3A_1161 = arith.constant 15 : i32
    %and3A_1162 = vector.broadcast %and3A_1161 : i32 to vector<16xi32>
    %and3A_1163 = arith.andi %add3A_1160, %and3A_1162 : vector<16xi32>
    %lt3A_1164 = arith.constant 0 : i32
    %lt3A_1165 = vector.broadcast %lt3A_1164 : i32 to vector<16xi32>
    %lt3A_1166 = arith.cmpi slt, %and3A_1163, %lt3A_1165 : vector<16xi32>
    %add3A_1167 = arith.constant 16 : i32
    %add3A_1168 = vector.broadcast %add3A_1167 : i32 to vector<16xi32>
    %add3A_1169 = arith.addi %and3A_1163, %add3A_1168 : vector<16xi32>
    %select_n3A_1170 = arith.select %lt3A_1166, %add3A_1169, %and3A_1163 : vector<16xi1>, vector<16xi32>
    %broadcast_in_dim3A_1171 = vector.shape_cast %select_n3A_1170 : vector<16xi32> to vector<16x1xi32>
    %gather3A_1172 = vector.shape_cast %broadcast_in_dim3A_1171 : vector<16x1xi32> to vector<16xi32>
    %gather3A_1173 = tpu.dynamic_gather %add3A_1157[%gather3A_1172] in [0] : vector<16xf32>, vector<16xi32> -> vector<16xf32>
    %add3A_1174 = arith.addf %add3A_1157, %gather3A_1173 : vector<16xf32>
    %add3A_1175 = arith.constant 1 : i32
    %add3A_1176 = vector.broadcast %add3A_1175 : i32 to vector<16xi32>
    %add3A_1177 = arith.addi %iota3A, %add3A_1176 : vector<16xi32>
    %and3A_1178 = arith.constant 15 : i32
    %and3A_1179 = vector.broadcast %and3A_1178 : i32 to vector<16xi32>
    %and3A_1180 = arith.andi %add3A_1177, %and3A_1179 : vector<16xi32>
    %lt3A_1181 = arith.constant 0 : i32
    %lt3A_1182 = vector.broadcast %lt3A_1181 : i32 to vector<16xi32>
    %lt3A_1183 = arith.cmpi slt, %and3A_1180, %lt3A_1182 : vector<16xi32>
    %add3A_1184 = arith.constant 16 : i32
    %add3A_1185 = vector.broadcast %add3A_1184 : i32 to vector<16xi32>
    %add3A_1186 = arith.addi %and3A_1180, %add3A_1185 : vector<16xi32>
    %select_n3A_1187 = arith.select %lt3A_1183, %add3A_1186, %and3A_1180 : vector<16xi1>, vector<16xi32>
    %broadcast_in_dim3A_1188 = vector.shape_cast %select_n3A_1187 : vector<16xi32> to vector<16x1xi32>
    %gather3A_1189 = vector.shape_cast %broadcast_in_dim3A_1188 : vector<16x1xi32> to vector<16xi32>
    %gather3A_1190 = tpu.dynamic_gather %add3A_1174[%gather3A_1189] in [0] : vector<16xf32>, vector<16xi32> -> vector<16xf32>
    %add3A_1191 = arith.addf %add3A_1174, %gather3A_1190 : vector<16xf32>
    %mul3A_1192 = arith.mulf %get3A_1122, %sub3A_59 : vector<16xf32>
    %add3A_1193 = arith.constant 8 : i32
    %add3A_1194 = vector.broadcast %add3A_1193 : i32 to vector<16xi32>
    %add3A_1195 = arith.addi %iota3A, %add3A_1194 : vector<16xi32>
    %and3A_1196 = arith.constant 15 : i32
    %and3A_1197 = vector.broadcast %and3A_1196 : i32 to vector<16xi32>
    %and3A_1198 = arith.andi %add3A_1195, %and3A_1197 : vector<16xi32>
    %lt3A_1199 = arith.constant 0 : i32
    %lt3A_1200 = vector.broadcast %lt3A_1199 : i32 to vector<16xi32>
    %lt3A_1201 = arith.cmpi slt, %and3A_1198, %lt3A_1200 : vector<16xi32>
    %add3A_1202 = arith.constant 16 : i32
    %add3A_1203 = vector.broadcast %add3A_1202 : i32 to vector<16xi32>
    %add3A_1204 = arith.addi %and3A_1198, %add3A_1203 : vector<16xi32>
    %select_n3A_1205 = arith.select %lt3A_1201, %add3A_1204, %and3A_1198 : vector<16xi1>, vector<16xi32>
    %broadcast_in_dim3A_1206 = vector.shape_cast %select_n3A_1205 : vector<16xi32> to vector<16x1xi32>
    %gather3A_1207 = vector.shape_cast %broadcast_in_dim3A_1206 : vector<16x1xi32> to vector<16xi32>
    %gather3A_1208 = tpu.dynamic_gather %mul3A_1192[%gather3A_1207] in [0] : vector<16xf32>, vector<16xi32> -> vector<16xf32>
    %add3A_1209 = arith.addf %mul3A_1192, %gather3A_1208 : vector<16xf32>
    %add3A_1210 = arith.constant 4 : i32
    %add3A_1211 = vector.broadcast %add3A_1210 : i32 to vector<16xi32>
    %add3A_1212 = arith.addi %iota3A, %add3A_1211 : vector<16xi32>
    %and3A_1213 = arith.constant 15 : i32
    %and3A_1214 = vector.broadcast %and3A_1213 : i32 to vector<16xi32>
    %and3A_1215 = arith.andi %add3A_1212, %and3A_1214 : vector<16xi32>
    %lt3A_1216 = arith.constant 0 : i32
    %lt3A_1217 = vector.broadcast %lt3A_1216 : i32 to vector<16xi32>
    %lt3A_1218 = arith.cmpi slt, %and3A_1215, %lt3A_1217 : vector<16xi32>
    %add3A_1219 = arith.constant 16 : i32
    %add3A_1220 = vector.broadcast %add3A_1219 : i32 to vector<16xi32>
    %add3A_1221 = arith.addi %and3A_1215, %add3A_1220 : vector<16xi32>
    %select_n3A_1222 = arith.select %lt3A_1218, %add3A_1221, %and3A_1215 : vector<16xi1>, vector<16xi32>
    %broadcast_in_dim3A_1223 = vector.shape_cast %select_n3A_1222 : vector<16xi32> to vector<16x1xi32>
    %gather3A_1224 = vector.shape_cast %broadcast_in_dim3A_1223 : vector<16x1xi32> to vector<16xi32>
    %gather3A_1225 = tpu.dynamic_gather %add3A_1209[%gather3A_1224] in [0] : vector<16xf32>, vector<16xi32> -> vector<16xf32>
    %add3A_1226 = arith.addf %add3A_1209, %gather3A_1225 : vector<16xf32>
    %add3A_1227 = arith.constant 2 : i32
    %add3A_1228 = vector.broadcast %add3A_1227 : i32 to vector<16xi32>
    %add3A_1229 = arith.addi %iota3A, %add3A_1228 : vector<16xi32>
    %and3A_1230 = arith.constant 15 : i32
    %and3A_1231 = vector.broadcast %and3A_1230 : i32 to vector<16xi32>
    %and3A_1232 = arith.andi %add3A_1229, %and3A_1231 : vector<16xi32>
    %lt3A_1233 = arith.constant 0 : i32
    %lt3A_1234 = vector.broadcast %lt3A_1233 : i32 to vector<16xi32>
    %lt3A_1235 = arith.cmpi slt, %and3A_1232, %lt3A_1234 : vector<16xi32>
    %add3A_1236 = arith.constant 16 : i32
    %add3A_1237 = vector.broadcast %add3A_1236 : i32 to vector<16xi32>
    %add3A_1238 = arith.addi %and3A_1232, %add3A_1237 : vector<16xi32>
    %select_n3A_1239 = arith.select %lt3A_1235, %add3A_1238, %and3A_1232 : vector<16xi1>, vector<16xi32>
    %broadcast_in_dim3A_1240 = vector.shape_cast %select_n3A_1239 : vector<16xi32> to vector<16x1xi32>
    %gather3A_1241 = vector.shape_cast %broadcast_in_dim3A_1240 : vector<16x1xi32> to vector<16xi32>
    %gather3A_1242 = tpu.dynamic_gather %add3A_1226[%gather3A_1241] in [0] : vector<16xf32>, vector<16xi32> -> vector<16xf32>
    %add3A_1243 = arith.addf %add3A_1226, %gather3A_1242 : vector<16xf32>
    %add3A_1244 = arith.constant 1 : i32
    %add3A_1245 = vector.broadcast %add3A_1244 : i32 to vector<16xi32>
    %add3A_1246 = arith.addi %iota3A, %add3A_1245 : vector<16xi32>
    %and3A_1247 = arith.constant 15 : i32
    %and3A_1248 = vector.broadcast %and3A_1247 : i32 to vector<16xi32>
    %and3A_1249 = arith.andi %add3A_1246, %and3A_1248 : vector<16xi32>
    %lt3A_1250 = arith.constant 0 : i32
    %lt3A_1251 = vector.broadcast %lt3A_1250 : i32 to vector<16xi32>
    %lt3A_1252 = arith.cmpi slt, %and3A_1249, %lt3A_1251 : vector<16xi32>
    %add3A_1253 = arith.constant 16 : i32
    %add3A_1254 = vector.broadcast %add3A_1253 : i32 to vector<16xi32>
    %add3A_1255 = arith.addi %and3A_1249, %add3A_1254 : vector<16xi32>
    %select_n3A_1256 = arith.select %lt3A_1252, %add3A_1255, %and3A_1249 : vector<16xi1>, vector<16xi32>
    %broadcast_in_dim3A_1257 = vector.shape_cast %select_n3A_1256 : vector<16xi32> to vector<16x1xi32>
    %gather3A_1258 = vector.shape_cast %broadcast_in_dim3A_1257 : vector<16x1xi32> to vector<16xi32>
    %gather3A_1259 = tpu.dynamic_gather %add3A_1243[%gather3A_1258] in [0] : vector<16xf32>, vector<16xi32> -> vector<16xf32>
    %add3A_1260 = arith.addf %add3A_1243, %gather3A_1259 : vector<16xf32>
    %mul3A_1261 = arith.mulf %get3A_1122, %sub3A_60 : vector<16xf32>
    %add3A_1262 = arith.constant 8 : i32
    %add3A_1263 = vector.broadcast %add3A_1262 : i32 to vector<16xi32>
    %add3A_1264 = arith.addi %iota3A, %add3A_1263 : vector<16xi32>
    %and3A_1265 = arith.constant 15 : i32
    %and3A_1266 = vector.broadcast %and3A_1265 : i32 to vector<16xi32>
    %and3A_1267 = arith.andi %add3A_1264, %and3A_1266 : vector<16xi32>
    %lt3A_1268 = arith.constant 0 : i32
    %lt3A_1269 = vector.broadcast %lt3A_1268 : i32 to vector<16xi32>
    %lt3A_1270 = arith.cmpi slt, %and3A_1267, %lt3A_1269 : vector<16xi32>
    %add3A_1271 = arith.constant 16 : i32
    %add3A_1272 = vector.broadcast %add3A_1271 : i32 to vector<16xi32>
    %add3A_1273 = arith.addi %and3A_1267, %add3A_1272 : vector<16xi32>
    %select_n3A_1274 = arith.select %lt3A_1270, %add3A_1273, %and3A_1267 : vector<16xi1>, vector<16xi32>
    %broadcast_in_dim3A_1275 = vector.shape_cast %select_n3A_1274 : vector<16xi32> to vector<16x1xi32>
    %gather3A_1276 = vector.shape_cast %broadcast_in_dim3A_1275 : vector<16x1xi32> to vector<16xi32>
    %gather3A_1277 = tpu.dynamic_gather %mul3A_1261[%gather3A_1276] in [0] : vector<16xf32>, vector<16xi32> -> vector<16xf32>
    %add3A_1278 = arith.addf %mul3A_1261, %gather3A_1277 : vector<16xf32>
    %add3A_1279 = arith.constant 4 : i32
    %add3A_1280 = vector.broadcast %add3A_1279 : i32 to vector<16xi32>
    %add3A_1281 = arith.addi %iota3A, %add3A_1280 : vector<16xi32>
    %and3A_1282 = arith.constant 15 : i32
    %and3A_1283 = vector.broadcast %and3A_1282 : i32 to vector<16xi32>
    %and3A_1284 = arith.andi %add3A_1281, %and3A_1283 : vector<16xi32>
    %lt3A_1285 = arith.constant 0 : i32
    %lt3A_1286 = vector.broadcast %lt3A_1285 : i32 to vector<16xi32>
    %lt3A_1287 = arith.cmpi slt, %and3A_1284, %lt3A_1286 : vector<16xi32>
    %add3A_1288 = arith.constant 16 : i32
    %add3A_1289 = vector.broadcast %add3A_1288 : i32 to vector<16xi32>
    %add3A_1290 = arith.addi %and3A_1284, %add3A_1289 : vector<16xi32>
    %select_n3A_1291 = arith.select %lt3A_1287, %add3A_1290, %and3A_1284 : vector<16xi1>, vector<16xi32>
    %broadcast_in_dim3A_1292 = vector.shape_cast %select_n3A_1291 : vector<16xi32> to vector<16x1xi32>
    %gather3A_1293 = vector.shape_cast %broadcast_in_dim3A_1292 : vector<16x1xi32> to vector<16xi32>
    %gather3A_1294 = tpu.dynamic_gather %add3A_1278[%gather3A_1293] in [0] : vector<16xf32>, vector<16xi32> -> vector<16xf32>
    %add3A_1295 = arith.addf %add3A_1278, %gather3A_1294 : vector<16xf32>
    %add3A_1296 = arith.constant 2 : i32
    %add3A_1297 = vector.broadcast %add3A_1296 : i32 to vector<16xi32>
    %add3A_1298 = arith.addi %iota3A, %add3A_1297 : vector<16xi32>
    %and3A_1299 = arith.constant 15 : i32
    %and3A_1300 = vector.broadcast %and3A_1299 : i32 to vector<16xi32>
    %and3A_1301 = arith.andi %add3A_1298, %and3A_1300 : vector<16xi32>
    %lt3A_1302 = arith.constant 0 : i32
    %lt3A_1303 = vector.broadcast %lt3A_1302 : i32 to vector<16xi32>
    %lt3A_1304 = arith.cmpi slt, %and3A_1301, %lt3A_1303 : vector<16xi32>
    %add3A_1305 = arith.constant 16 : i32
    %add3A_1306 = vector.broadcast %add3A_1305 : i32 to vector<16xi32>
    %add3A_1307 = arith.addi %and3A_1301, %add3A_1306 : vector<16xi32>
    %select_n3A_1308 = arith.select %lt3A_1304, %add3A_1307, %and3A_1301 : vector<16xi1>, vector<16xi32>
    %broadcast_in_dim3A_1309 = vector.shape_cast %select_n3A_1308 : vector<16xi32> to vector<16x1xi32>
    %gather3A_1310 = vector.shape_cast %broadcast_in_dim3A_1309 : vector<16x1xi32> to vector<16xi32>
    %gather3A_1311 = tpu.dynamic_gather %add3A_1295[%gather3A_1310] in [0] : vector<16xf32>, vector<16xi32> -> vector<16xf32>
    %add3A_1312 = arith.addf %add3A_1295, %gather3A_1311 : vector<16xf32>
    %add3A_1313 = arith.constant 1 : i32
    %add3A_1314 = vector.broadcast %add3A_1313 : i32 to vector<16xi32>
    %add3A_1315 = arith.addi %iota3A, %add3A_1314 : vector<16xi32>
    %and3A_1316 = arith.constant 15 : i32
    %and3A_1317 = vector.broadcast %and3A_1316 : i32 to vector<16xi32>
    %and3A_1318 = arith.andi %add3A_1315, %and3A_1317 : vector<16xi32>
    %lt3A_1319 = arith.constant 0 : i32
    %lt3A_1320 = vector.broadcast %lt3A_1319 : i32 to vector<16xi32>
    %lt3A_1321 = arith.cmpi slt, %and3A_1318, %lt3A_1320 : vector<16xi32>
    %add3A_1322 = arith.constant 16 : i32
    %add3A_1323 = vector.broadcast %add3A_1322 : i32 to vector<16xi32>
    %add3A_1324 = arith.addi %and3A_1318, %add3A_1323 : vector<16xi32>
    %select_n3A_1325 = arith.select %lt3A_1321, %add3A_1324, %and3A_1318 : vector<16xi1>, vector<16xi32>
    %broadcast_in_dim3A_1326 = vector.shape_cast %select_n3A_1325 : vector<16xi32> to vector<16x1xi32>
    %gather3A_1327 = vector.shape_cast %broadcast_in_dim3A_1326 : vector<16x1xi32> to vector<16xi32>
    %gather3A_1328 = tpu.dynamic_gather %add3A_1312[%gather3A_1327] in [0] : vector<16xf32>, vector<16xi32> -> vector<16xf32>
    %add3A_1329 = arith.addf %add3A_1312, %gather3A_1328 : vector<16xf32>
    %mul3A_1330 = arith.mulf %get3A_1122, %add3A_63 : vector<16xf32>
    %add3A_1331 = arith.constant 8 : i32
    %add3A_1332 = vector.broadcast %add3A_1331 : i32 to vector<16xi32>
    %add3A_1333 = arith.addi %iota3A, %add3A_1332 : vector<16xi32>
    %and3A_1334 = arith.constant 15 : i32
    %and3A_1335 = vector.broadcast %and3A_1334 : i32 to vector<16xi32>
    %and3A_1336 = arith.andi %add3A_1333, %and3A_1335 : vector<16xi32>
    %lt3A_1337 = arith.constant 0 : i32
    %lt3A_1338 = vector.broadcast %lt3A_1337 : i32 to vector<16xi32>
    %lt3A_1339 = arith.cmpi slt, %and3A_1336, %lt3A_1338 : vector<16xi32>
    %add3A_1340 = arith.constant 16 : i32
    %add3A_1341 = vector.broadcast %add3A_1340 : i32 to vector<16xi32>
    %add3A_1342 = arith.addi %and3A_1336, %add3A_1341 : vector<16xi32>
    %select_n3A_1343 = arith.select %lt3A_1339, %add3A_1342, %and3A_1336 : vector<16xi1>, vector<16xi32>
    %broadcast_in_dim3A_1344 = vector.shape_cast %select_n3A_1343 : vector<16xi32> to vector<16x1xi32>
    %gather3A_1345 = vector.shape_cast %broadcast_in_dim3A_1344 : vector<16x1xi32> to vector<16xi32>
    %gather3A_1346 = tpu.dynamic_gather %mul3A_1330[%gather3A_1345] in [0] : vector<16xf32>, vector<16xi32> -> vector<16xf32>
    %add3A_1347 = arith.addf %mul3A_1330, %gather3A_1346 : vector<16xf32>
    %add3A_1348 = arith.constant 4 : i32
    %add3A_1349 = vector.broadcast %add3A_1348 : i32 to vector<16xi32>
    %add3A_1350 = arith.addi %iota3A, %add3A_1349 : vector<16xi32>
    %and3A_1351 = arith.constant 15 : i32
    %and3A_1352 = vector.broadcast %and3A_1351 : i32 to vector<16xi32>
    %and3A_1353 = arith.andi %add3A_1350, %and3A_1352 : vector<16xi32>
    %lt3A_1354 = arith.constant 0 : i32
    %lt3A_1355 = vector.broadcast %lt3A_1354 : i32 to vector<16xi32>
    %lt3A_1356 = arith.cmpi slt, %and3A_1353, %lt3A_1355 : vector<16xi32>
    %add3A_1357 = arith.constant 16 : i32
    %add3A_1358 = vector.broadcast %add3A_1357 : i32 to vector<16xi32>
    %add3A_1359 = arith.addi %and3A_1353, %add3A_1358 : vector<16xi32>
    %select_n3A_1360 = arith.select %lt3A_1356, %add3A_1359, %and3A_1353 : vector<16xi1>, vector<16xi32>
    %broadcast_in_dim3A_1361 = vector.shape_cast %select_n3A_1360 : vector<16xi32> to vector<16x1xi32>
    %gather3A_1362 = vector.shape_cast %broadcast_in_dim3A_1361 : vector<16x1xi32> to vector<16xi32>
    %gather3A_1363 = tpu.dynamic_gather %add3A_1347[%gather3A_1362] in [0] : vector<16xf32>, vector<16xi32> -> vector<16xf32>
    %add3A_1364 = arith.addf %add3A_1347, %gather3A_1363 : vector<16xf32>
    %add3A_1365 = arith.constant 2 : i32
    %add3A_1366 = vector.broadcast %add3A_1365 : i32 to vector<16xi32>
    %add3A_1367 = arith.addi %iota3A, %add3A_1366 : vector<16xi32>
    %and3A_1368 = arith.constant 15 : i32
    %and3A_1369 = vector.broadcast %and3A_1368 : i32 to vector<16xi32>
    %and3A_1370 = arith.andi %add3A_1367, %and3A_1369 : vector<16xi32>
    %lt3A_1371 = arith.constant 0 : i32
    %lt3A_1372 = vector.broadcast %lt3A_1371 : i32 to vector<16xi32>
    %lt3A_1373 = arith.cmpi slt, %and3A_1370, %lt3A_1372 : vector<16xi32>
    %add3A_1374 = arith.constant 16 : i32
    %add3A_1375 = vector.broadcast %add3A_1374 : i32 to vector<16xi32>
    %add3A_1376 = arith.addi %and3A_1370, %add3A_1375 : vector<16xi32>
    %select_n3A_1377 = arith.select %lt3A_1373, %add3A_1376, %and3A_1370 : vector<16xi1>, vector<16xi32>
    %broadcast_in_dim3A_1378 = vector.shape_cast %select_n3A_1377 : vector<16xi32> to vector<16x1xi32>
    %gather3A_1379 = vector.shape_cast %broadcast_in_dim3A_1378 : vector<16x1xi32> to vector<16xi32>
    %gather3A_1380 = tpu.dynamic_gather %add3A_1364[%gather3A_1379] in [0] : vector<16xf32>, vector<16xi32> -> vector<16xf32>
    %add3A_1381 = arith.addf %add3A_1364, %gather3A_1380 : vector<16xf32>
    %add3A_1382 = arith.constant 1 : i32
    %add3A_1383 = vector.broadcast %add3A_1382 : i32 to vector<16xi32>
    %add3A_1384 = arith.addi %iota3A, %add3A_1383 : vector<16xi32>
    %and3A_1385 = arith.constant 15 : i32
    %and3A_1386 = vector.broadcast %and3A_1385 : i32 to vector<16xi32>
    %and3A_1387 = arith.andi %add3A_1384, %and3A_1386 : vector<16xi32>
    %lt3A_1388 = arith.constant 0 : i32
    %lt3A_1389 = vector.broadcast %lt3A_1388 : i32 to vector<16xi32>
    %lt3A_1390 = arith.cmpi slt, %and3A_1387, %lt3A_1389 : vector<16xi32>
    %add3A_1391 = arith.constant 16 : i32
    %add3A_1392 = vector.broadcast %add3A_1391 : i32 to vector<16xi32>
    %add3A_1393 = arith.addi %and3A_1387, %add3A_1392 : vector<16xi32>
    %select_n3A_1394 = arith.select %lt3A_1390, %add3A_1393, %and3A_1387 : vector<16xi1>, vector<16xi32>
    %broadcast_in_dim3A_1395 = vector.shape_cast %select_n3A_1394 : vector<16xi32> to vector<16x1xi32>
    %gather3A_1396 = vector.shape_cast %broadcast_in_dim3A_1395 : vector<16x1xi32> to vector<16xi32>
    %gather3A_1397 = tpu.dynamic_gather %add3A_1381[%gather3A_1396] in [0] : vector<16xf32>, vector<16xi32> -> vector<16xf32>
    %add3A_1398 = arith.addf %add3A_1381, %gather3A_1397 : vector<16xf32>
    %dma_wait3A = tpu.memref_slice %arg2[%mul3A_34] : memref<196608xf32, #tpu.memory_space<hbm>> -> memref<49152xf32, #tpu.memory_space<hbm>>
    %dma_wait3A_1399 = tpu.memref_slice %arg2[%mul3A_34] : memref<196608xf32, #tpu.memory_space<hbm>> -> memref<49152xf32, #tpu.memory_space<hbm>>
    tpu.wait_dma2 semaphore(%arg14 : memref<!tpu.dma_semaphore, #tpu.memory_space<semaphore_mem>>) src(%dma_wait3A_1399 : memref<49152xf32, #tpu.memory_space<hbm>>) dst(%arg6 : memref<49152xf32, #tpu.memory_space<vmem>>)
    %add3A_1400 = arith.constant 0 : i32
    %add3A_1401 = arith.addi %mul3A_32, %add3A_1400 : i32
    %parallel_loop3A = arith.constant 0 : i32
    %parallel_loop3A_1402 = arith.constant 124 : i32
    %parallel_loop3A_1403 = arith.constant 1 : i32
    scf.for %parallel_loop3A_1483 = %parallel_loop3A to %parallel_loop3A_1402 step %parallel_loop3A_1403  : i32 {
      %parallel_loop3A_1484 = arith.constant 128 : i32
      %parallel_loop3A_1485 = arith.muli %parallel_loop3A_1483, %parallel_loop3A_1484 : i32
      %parallel_loop3A_1486 = arith.addi %add3A_108, %parallel_loop3A_1485 : i32
      %parallel_loop3A_1487 = arith.constant 128 : i32
      %parallel_loop3A_1488 = arith.muli %parallel_loop3A_1483, %parallel_loop3A_1487 : i32
      %parallel_loop3A_1489 = arith.addi %add3A_114, %parallel_loop3A_1488 : i32
      %parallel_loop3A_1490 = arith.constant 0 : i32
      %parallel_loop3A_1491 = arith.addi %parallel_loop3A_1486, %parallel_loop3A_1490 : i32
      %parallel_loop3A_1492 = arith.index_cast %parallel_loop3A_1491 : i32 to index
      %parallel_loop3A_1493 = tpu.vector_load %arg6[%parallel_loop3A_1492] {strides = array<i32>} : memref<49152xf32, #tpu.memory_space<vmem>>, vector<16xf32>,
      %parallel_loop3A_1494 = vector.shape_cast %parallel_loop3A_1493 : vector<16xf32> to vector<16xf32>
      %parallel_loop3A_1495 = arith.constant 0 : i32
      %parallel_loop3A_1496 = arith.addi %parallel_loop3A_1489, %parallel_loop3A_1495 : i32
      %parallel_loop3A_1497 = arith.index_cast %parallel_loop3A_1496 : i32 to index
      %parallel_loop3A_1498 = tpu.vector_load %arg6[%parallel_loop3A_1497] {strides = array<i32>} : memref<49152xf32, #tpu.memory_space<vmem>>, vector<16xf32>,
      %parallel_loop3A_1499 = vector.shape_cast %parallel_loop3A_1498 : vector<16xf32> to vector<16xf32>
      %parallel_loop3A_1500 = arith.mulf %add3A_255, %parallel_loop3A_1494 : vector<16xf32>
      %parallel_loop3A_1501 = arith.addf %add3A_186, %parallel_loop3A_1500 : vector<16xf32>
      %parallel_loop3A_1502 = arith.mulf %add3A_393, %parallel_loop3A_1494 : vector<16xf32>
      %parallel_loop3A_1503 = arith.addf %add3A_324, %parallel_loop3A_1502 : vector<16xf32>
      %parallel_loop3A_1504 = arith.mulf %parallel_loop3A_1499, %parallel_loop3A_1503 : vector<16xf32>
      %parallel_loop3A_1505 = arith.addf %parallel_loop3A_1501, %parallel_loop3A_1504 : vector<16xf32>
      %parallel_loop3A_1506 = arith.index_cast %parallel_loop3A_1483 : i32 to index
      %parallel_loop3A_1507 = arith.constant 0 : index
      %parallel_loop3A_1508 = tpu.vector_load %arg9[%parallel_loop3A_1506, %parallel_loop3A_1507] {strides = array<i32>} : memref<124x124xf32, #tpu.memory_space<vmem>>, vector<1x16xf32>,
      %parallel_loop3A_1509 = vector.shape_cast %parallel_loop3A_1508 : vector<1x16xf32> to vector<16xf32>
      %parallel_loop3A_1510 = vector.shape_cast %parallel_loop3A_1505 : vector<16xf32> to vector<1x16xf32>
      tpu.vector_store %arg9[%parallel_loop3A_1506, %parallel_loop3A_1507], %parallel_loop3A_1510 {strides = array<i32>} : memref<124x124xf32, #tpu.memory_space<vmem>>, vector<1x16xf32>,
      %parallel_loop3A_1511 = arith.constant 16 : i32
      %parallel_loop3A_1512 = arith.addi %parallel_loop3A_1486, %parallel_loop3A_1511 : i32
      %parallel_loop3A_1513 = arith.index_cast %parallel_loop3A_1512 : i32 to index
      %parallel_loop3A_1514 = tpu.vector_load %arg6[%parallel_loop3A_1513] {strides = array<i32>} : memref<49152xf32, #tpu.memory_space<vmem>>, vector<16xf32>,
      %parallel_loop3A_1515 = vector.shape_cast %parallel_loop3A_1514 : vector<16xf32> to vector<16xf32>
      %parallel_loop3A_1516 = arith.constant 16 : i32
      %parallel_loop3A_1517 = arith.addi %parallel_loop3A_1489, %parallel_loop3A_1516 : i32
      %parallel_loop3A_1518 = arith.index_cast %parallel_loop3A_1517 : i32 to index
      %parallel_loop3A_1519 = tpu.vector_load %arg6[%parallel_loop3A_1518] {strides = array<i32>} : memref<49152xf32, #tpu.memory_space<vmem>>, vector<16xf32>,
      %parallel_loop3A_1520 = vector.shape_cast %parallel_loop3A_1519 : vector<16xf32> to vector<16xf32>
      %parallel_loop3A_1521 = arith.mulf %add3A_255, %parallel_loop3A_1515 : vector<16xf32>
      %parallel_loop3A_1522 = arith.addf %add3A_186, %parallel_loop3A_1521 : vector<16xf32>
      %parallel_loop3A_1523 = arith.mulf %add3A_393, %parallel_loop3A_1515 : vector<16xf32>
      %parallel_loop3A_1524 = arith.addf %add3A_324, %parallel_loop3A_1523 : vector<16xf32>
      %parallel_loop3A_1525 = arith.mulf %parallel_loop3A_1520, %parallel_loop3A_1524 : vector<16xf32>
      %parallel_loop3A_1526 = arith.addf %parallel_loop3A_1522, %parallel_loop3A_1525 : vector<16xf32>
      %parallel_loop3A_1527 = arith.index_cast %parallel_loop3A_1483 : i32 to index
      %parallel_loop3A_1528 = arith.constant 16 : index
      %parallel_loop3A_1529 = tpu.vector_load %arg9[%parallel_loop3A_1527, %parallel_loop3A_1528] {strides = array<i32>} : memref<124x124xf32, #tpu.memory_space<vmem>>, vector<1x16xf32>,
      %parallel_loop3A_1530 = vector.shape_cast %parallel_loop3A_1529 : vector<1x16xf32> to vector<16xf32>
      %parallel_loop3A_1531 = vector.shape_cast %parallel_loop3A_1526 : vector<16xf32> to vector<1x16xf32>
      tpu.vector_store %arg9[%parallel_loop3A_1527, %parallel_loop3A_1528], %parallel_loop3A_1531 {strides = array<i32>} : memref<124x124xf32, #tpu.memory_space<vmem>>, vector<1x16xf32>,
      %parallel_loop3A_1532 = arith.constant 32 : i32
      %parallel_loop3A_1533 = arith.addi %parallel_loop3A_1486, %parallel_loop3A_1532 : i32
      %parallel_loop3A_1534 = arith.index_cast %parallel_loop3A_1533 : i32 to index
      %parallel_loop3A_1535 = tpu.vector_load %arg6[%parallel_loop3A_1534] {strides = array<i32>} : memref<49152xf32, #tpu.memory_space<vmem>>, vector<16xf32>,
      %parallel_loop3A_1536 = vector.shape_cast %parallel_loop3A_1535 : vector<16xf32> to vector<16xf32>
      %parallel_loop3A_1537 = arith.constant 32 : i32
      %parallel_loop3A_1538 = arith.addi %parallel_loop3A_1489, %parallel_loop3A_1537 : i32
      %parallel_loop3A_1539 = arith.index_cast %parallel_loop3A_1538 : i32 to index
      %parallel_loop3A_1540 = tpu.vector_load %arg6[%parallel_loop3A_1539] {strides = array<i32>} : memref<49152xf32, #tpu.memory_space<vmem>>, vector<16xf32>,
      %parallel_loop3A_1541 = vector.shape_cast %parallel_loop3A_1540 : vector<16xf32> to vector<16xf32>
      %parallel_loop3A_1542 = arith.mulf %add3A_255, %parallel_loop3A_1536 : vector<16xf32>
      %parallel_loop3A_1543 = arith.addf %add3A_186, %parallel_loop3A_1542 : vector<16xf32>
      %parallel_loop3A_1544 = arith.mulf %add3A_393, %parallel_loop3A_1536 : vector<16xf32>
      %parallel_loop3A_1545 = arith.addf %add3A_324, %parallel_loop3A_1544 : vector<16xf32>
      %parallel_loop3A_1546 = arith.mulf %parallel_loop3A_1541, %parallel_loop3A_1545 : vector<16xf32>
      %parallel_loop3A_1547 = arith.addf %parallel_loop3A_1543, %parallel_loop3A_1546 : vector<16xf32>
      %parallel_loop3A_1548 = arith.index_cast %parallel_loop3A_1483 : i32 to index
      %parallel_loop3A_1549 = arith.constant 32 : index
      %parallel_loop3A_1550 = tpu.vector_load %arg9[%parallel_loop3A_1548, %parallel_loop3A_1549] {strides = array<i32>} : memref<124x124xf32, #tpu.memory_space<vmem>>, vector<1x16xf32>,
      %parallel_loop3A_1551 = vector.shape_cast %parallel_loop3A_1550 : vector<1x16xf32> to vector<16xf32>
      %parallel_loop3A_1552 = vector.shape_cast %parallel_loop3A_1547 : vector<16xf32> to vector<1x16xf32>
      tpu.vector_store %arg9[%parallel_loop3A_1548, %parallel_loop3A_1549], %parallel_loop3A_1552 {strides = array<i32>} : memref<124x124xf32, #tpu.memory_space<vmem>>, vector<1x16xf32>,
      %parallel_loop3A_1553 = arith.constant 48 : i32
      %parallel_loop3A_1554 = arith.addi %parallel_loop3A_1486, %parallel_loop3A_1553 : i32
      %parallel_loop3A_1555 = arith.index_cast %parallel_loop3A_1554 : i32 to index
      %parallel_loop3A_1556 = tpu.vector_load %arg6[%parallel_loop3A_1555] {strides = array<i32>} : memref<49152xf32, #tpu.memory_space<vmem>>, vector<16xf32>,
      %parallel_loop3A_1557 = vector.shape_cast %parallel_loop3A_1556 : vector<16xf32> to vector<16xf32>
      %parallel_loop3A_1558 = arith.constant 48 : i32
      %parallel_loop3A_1559 = arith.addi %parallel_loop3A_1489, %parallel_loop3A_1558 : i32
      %parallel_loop3A_1560 = arith.index_cast %parallel_loop3A_1559 : i32 to index
      %parallel_loop3A_1561 = tpu.vector_load %arg6[%parallel_loop3A_1560] {strides = array<i32>} : memref<49152xf32, #tpu.memory_space<vmem>>, vector<16xf32>,
      %parallel_loop3A_1562 = vector.shape_cast %parallel_loop3A_1561 : vector<16xf32> to vector<16xf32>
      %parallel_loop3A_1563 = arith.mulf %add3A_255, %parallel_loop3A_1557 : vector<16xf32>
      %parallel_loop3A_1564 = arith.addf %add3A_186, %parallel_loop3A_1563 : vector<16xf32>
      %parallel_loop3A_1565 = arith.mulf %add3A_393, %parallel_loop3A_1557 : vector<16xf32>
      %parallel_loop3A_1566 = arith.addf %add3A_324, %parallel_loop3A_1565 : vector<16xf32>
      %parallel_loop3A_1567 = arith.mulf %parallel_loop3A_1562, %parallel_loop3A_1566 : vector<16xf32>
      %parallel_loop3A_1568 = arith.addf %parallel_loop3A_1564, %parallel_loop3A_1567 : vector<16xf32>
      %parallel_loop3A_1569 = arith.index_cast %parallel_loop3A_1483 : i32 to index
      %parallel_loop3A_1570 = arith.constant 48 : index
      %parallel_loop3A_1571 = tpu.vector_load %arg9[%parallel_loop3A_1569, %parallel_loop3A_1570] {strides = array<i32>} : memref<124x124xf32, #tpu.memory_space<vmem>>, vector<1x16xf32>,
      %parallel_loop3A_1572 = vector.shape_cast %parallel_loop3A_1571 : vector<1x16xf32> to vector<16xf32>
      %parallel_loop3A_1573 = vector.shape_cast %parallel_loop3A_1568 : vector<16xf32> to vector<1x16xf32>
      tpu.vector_store %arg9[%parallel_loop3A_1569, %parallel_loop3A_1570], %parallel_loop3A_1573 {strides = array<i32>} : memref<124x124xf32, #tpu.memory_space<vmem>>, vector<1x16xf32>,
      %parallel_loop3A_1574 = arith.constant 64 : i32
      %parallel_loop3A_1575 = arith.addi %parallel_loop3A_1486, %parallel_loop3A_1574 : i32
      %parallel_loop3A_1576 = arith.index_cast %parallel_loop3A_1575 : i32 to index
      %parallel_loop3A_1577 = tpu.vector_load %arg6[%parallel_loop3A_1576] {strides = array<i32>} : memref<49152xf32, #tpu.memory_space<vmem>>, vector<16xf32>,
      %parallel_loop3A_1578 = vector.shape_cast %parallel_loop3A_1577 : vector<16xf32> to vector<16xf32>
      %parallel_loop3A_1579 = arith.constant 64 : i32
      %parallel_loop3A_1580 = arith.addi %parallel_loop3A_1489, %parallel_loop3A_1579 : i32
      %parallel_loop3A_1581 = arith.index_cast %parallel_loop3A_1580 : i32 to index
      %parallel_loop3A_1582 = tpu.vector_load %arg6[%parallel_loop3A_1581] {strides = array<i32>} : memref<49152xf32, #tpu.memory_space<vmem>>, vector<16xf32>,
      %parallel_loop3A_1583 = vector.shape_cast %parallel_loop3A_1582 : vector<16xf32> to vector<16xf32>
      %parallel_loop3A_1584 = arith.mulf %add3A_255, %parallel_loop3A_1578 : vector<16xf32>
      %parallel_loop3A_1585 = arith.addf %add3A_186, %parallel_loop3A_1584 : vector<16xf32>
      %parallel_loop3A_1586 = arith.mulf %add3A_393, %parallel_loop3A_1578 : vector<16xf32>
      %parallel_loop3A_1587 = arith.addf %add3A_324, %parallel_loop3A_1586 : vector<16xf32>
      %parallel_loop3A_1588 = arith.mulf %parallel_loop3A_1583, %parallel_loop3A_1587 : vector<16xf32>
      %parallel_loop3A_1589 = arith.addf %parallel_loop3A_1585, %parallel_loop3A_1588 : vector<16xf32>
      %parallel_loop3A_1590 = arith.index_cast %parallel_loop3A_1483 : i32 to index
      %parallel_loop3A_1591 = arith.constant 64 : index
      %parallel_loop3A_1592 = tpu.vector_load %arg9[%parallel_loop3A_1590, %parallel_loop3A_1591] {strides = array<i32>} : memref<124x124xf32, #tpu.memory_space<vmem>>, vector<1x16xf32>,
      %parallel_loop3A_1593 = vector.shape_cast %parallel_loop3A_1592 : vector<1x16xf32> to vector<16xf32>
      %parallel_loop3A_1594 = vector.shape_cast %parallel_loop3A_1589 : vector<16xf32> to vector<1x16xf32>
      tpu.vector_store %arg9[%parallel_loop3A_1590, %parallel_loop3A_1591], %parallel_loop3A_1594 {strides = array<i32>} : memref<124x124xf32, #tpu.memory_space<vmem>>, vector<1x16xf32>,
      %parallel_loop3A_1595 = arith.constant 80 : i32
      %parallel_loop3A_1596 = arith.addi %parallel_loop3A_1486, %parallel_loop3A_1595 : i32
      %parallel_loop3A_1597 = arith.index_cast %parallel_loop3A_1596 : i32 to index
      %parallel_loop3A_1598 = tpu.vector_load %arg6[%parallel_loop3A_1597] {strides = array<i32>} : memref<49152xf32, #tpu.memory_space<vmem>>, vector<16xf32>,
      %parallel_loop3A_1599 = vector.shape_cast %parallel_loop3A_1598 : vector<16xf32> to vector<16xf32>
      %parallel_loop3A_1600 = arith.constant 80 : i32
      %parallel_loop3A_1601 = arith.addi %parallel_loop3A_1489, %parallel_loop3A_1600 : i32
      %parallel_loop3A_1602 = arith.index_cast %parallel_loop3A_1601 : i32 to index
      %parallel_loop3A_1603 = tpu.vector_load %arg6[%parallel_loop3A_1602] {strides = array<i32>} : memref<49152xf32, #tpu.memory_space<vmem>>, vector<16xf32>,
      %parallel_loop3A_1604 = vector.shape_cast %parallel_loop3A_1603 : vector<16xf32> to vector<16xf32>
      %parallel_loop3A_1605 = arith.mulf %add3A_255, %parallel_loop3A_1599 : vector<16xf32>
      %parallel_loop3A_1606 = arith.addf %add3A_186, %parallel_loop3A_1605 : vector<16xf32>
      %parallel_loop3A_1607 = arith.mulf %add3A_393, %parallel_loop3A_1599 : vector<16xf32>
      %parallel_loop3A_1608 = arith.addf %add3A_324, %parallel_loop3A_1607 : vector<16xf32>
      %parallel_loop3A_1609 = arith.mulf %parallel_loop3A_1604, %parallel_loop3A_1608 : vector<16xf32>
      %parallel_loop3A_1610 = arith.addf %parallel_loop3A_1606, %parallel_loop3A_1609 : vector<16xf32>
      %parallel_loop3A_1611 = arith.index_cast %parallel_loop3A_1483 : i32 to index
      %parallel_loop3A_1612 = arith.constant 80 : index
      %parallel_loop3A_1613 = tpu.vector_load %arg9[%parallel_loop3A_1611, %parallel_loop3A_1612] {strides = array<i32>} : memref<124x124xf32, #tpu.memory_space<vmem>>, vector<1x16xf32>,
      %parallel_loop3A_1614 = vector.shape_cast %parallel_loop3A_1613 : vector<1x16xf32> to vector<16xf32>
      %parallel_loop3A_1615 = vector.shape_cast %parallel_loop3A_1610 : vector<16xf32> to vector<1x16xf32>
      tpu.vector_store %arg9[%parallel_loop3A_1611, %parallel_loop3A_1612], %parallel_loop3A_1615 {strides = array<i32>} : memref<124x124xf32, #tpu.memory_space<vmem>>, vector<1x16xf32>,
      %parallel_loop3A_1616 = arith.constant 96 : i32
      %parallel_loop3A_1617 = arith.addi %parallel_loop3A_1486, %parallel_loop3A_1616 : i32
      %parallel_loop3A_1618 = arith.index_cast %parallel_loop3A_1617 : i32 to index
      %parallel_loop3A_1619 = tpu.vector_load %arg6[%parallel_loop3A_1618] {strides = array<i32>} : memref<49152xf32, #tpu.memory_space<vmem>>, vector<16xf32>,
      %parallel_loop3A_1620 = vector.shape_cast %parallel_loop3A_1619 : vector<16xf32> to vector<16xf32>
      %parallel_loop3A_1621 = arith.constant 96 : i32
      %parallel_loop3A_1622 = arith.addi %parallel_loop3A_1489, %parallel_loop3A_1621 : i32
      %parallel_loop3A_1623 = arith.index_cast %parallel_loop3A_1622 : i32 to index
      %parallel_loop3A_1624 = tpu.vector_load %arg6[%parallel_loop3A_1623] {strides = array<i32>} : memref<49152xf32, #tpu.memory_space<vmem>>, vector<16xf32>,
      %parallel_loop3A_1625 = vector.shape_cast %parallel_loop3A_1624 : vector<16xf32> to vector<16xf32>
      %parallel_loop3A_1626 = arith.mulf %add3A_255, %parallel_loop3A_1620 : vector<16xf32>
      %parallel_loop3A_1627 = arith.addf %add3A_186, %parallel_loop3A_1626 : vector<16xf32>
      %parallel_loop3A_1628 = arith.mulf %add3A_393, %parallel_loop3A_1620 : vector<16xf32>
      %parallel_loop3A_1629 = arith.addf %add3A_324, %parallel_loop3A_1628 : vector<16xf32>
      %parallel_loop3A_1630 = arith.mulf %parallel_loop3A_1625, %parallel_loop3A_1629 : vector<16xf32>
      %parallel_loop3A_1631 = arith.addf %parallel_loop3A_1627, %parallel_loop3A_1630 : vector<16xf32>
      %parallel_loop3A_1632 = arith.index_cast %parallel_loop3A_1483 : i32 to index
      %parallel_loop3A_1633 = arith.constant 96 : index
      %parallel_loop3A_1634 = tpu.vector_load %arg9[%parallel_loop3A_1632, %parallel_loop3A_1633] {strides = array<i32>} : memref<124x124xf32, #tpu.memory_space<vmem>>, vector<1x16xf32>,
      %parallel_loop3A_1635 = vector.shape_cast %parallel_loop3A_1634 : vector<1x16xf32> to vector<16xf32>
      %parallel_loop3A_1636 = vector.shape_cast %parallel_loop3A_1631 : vector<16xf32> to vector<1x16xf32>
      tpu.vector_store %arg9[%parallel_loop3A_1632, %parallel_loop3A_1633], %parallel_loop3A_1636 {strides = array<i32>} : memref<124x124xf32, #tpu.memory_space<vmem>>, vector<1x16xf32>,
      %parallel_loop3A_1637 = arith.constant 108 : i32
      %parallel_loop3A_1638 = arith.addi %parallel_loop3A_1486, %parallel_loop3A_1637 : i32
      %parallel_loop3A_1639 = arith.index_cast %parallel_loop3A_1638 : i32 to index
      %parallel_loop3A_1640 = tpu.vector_load %arg6[%parallel_loop3A_1639] {strides = array<i32>} : memref<49152xf32, #tpu.memory_space<vmem>>, vector<16xf32>,
      %parallel_loop3A_1641 = vector.shape_cast %parallel_loop3A_1640 : vector<16xf32> to vector<16xf32>
      %parallel_loop3A_1642 = arith.constant 108 : i32
      %parallel_loop3A_1643 = arith.addi %parallel_loop3A_1489, %parallel_loop3A_1642 : i32
      %parallel_loop3A_1644 = arith.index_cast %parallel_loop3A_1643 : i32 to index
      %parallel_loop3A_1645 = tpu.vector_load %arg6[%parallel_loop3A_1644] {strides = array<i32>} : memref<49152xf32, #tpu.memory_space<vmem>>, vector<16xf32>,
      %parallel_loop3A_1646 = vector.shape_cast %parallel_loop3A_1645 : vector<16xf32> to vector<16xf32>
      %parallel_loop3A_1647 = arith.mulf %add3A_255, %parallel_loop3A_1641 : vector<16xf32>
      %parallel_loop3A_1648 = arith.addf %add3A_186, %parallel_loop3A_1647 : vector<16xf32>
      %parallel_loop3A_1649 = arith.mulf %add3A_393, %parallel_loop3A_1641 : vector<16xf32>
      %parallel_loop3A_1650 = arith.addf %add3A_324, %parallel_loop3A_1649 : vector<16xf32>
      %parallel_loop3A_1651 = arith.mulf %parallel_loop3A_1646, %parallel_loop3A_1650 : vector<16xf32>
      %parallel_loop3A_1652 = arith.addf %parallel_loop3A_1648, %parallel_loop3A_1651 : vector<16xf32>
      %parallel_loop3A_1653 = arith.index_cast %parallel_loop3A_1483 : i32 to index
      %parallel_loop3A_1654 = arith.constant 108 : index
      %parallel_loop3A_1655 = tpu.vector_load %arg9[%parallel_loop3A_1653, %parallel_loop3A_1654] {strides = array<i32>} : memref<124x124xf32, #tpu.memory_space<vmem>>, vector<1x16xf32>,
      %parallel_loop3A_1656 = vector.shape_cast %parallel_loop3A_1655 : vector<1x16xf32> to vector<16xf32>
      %parallel_loop3A_1657 = vector.shape_cast %parallel_loop3A_1652 : vector<16xf32> to vector<1x16xf32>
      tpu.vector_store %arg9[%parallel_loop3A_1653, %parallel_loop3A_1654], %parallel_loop3A_1657 {strides = array<i32>} : memref<124x124xf32, #tpu.memory_space<vmem>>, vector<1x16xf32>,
    } {sc.loop_unroll_factor = 2 : i64, sc.parallel_access}
    %dma_start3A_1404 = arith.constant 0 : i32
    %dma_start3A_1405 = arith.constant 0 : i32
    %dma_start3A_1406 = tpu.memref_slice %arg5[%select_n3A, %add3A_1401, %dma_start3A_1404, %dma_start3A_1405] : memref<4x32x124x124xf32, #tpu.memory_space<hbm>> -> memref<1x1x124x124xf32, #tpu.memory_space<hbm>>
    %dma_start3A_1407 = tpu.memref_squeeze %dma_start3A_1406 : memref<1x1x124x124xf32, #tpu.memory_space<hbm>> -> memref<124x124xf32, #tpu.memory_space<hbm>>
    %dma_start3A_1408 = arith.constant 0 : i32
    %dma_start3A_1409 = arith.constant 0 : i32
    %dma_start3A_1410 = tpu.memref_slice %arg5[%select_n3A, %add3A_1401, %dma_start3A_1408, %dma_start3A_1409] : memref<4x32x124x124xf32, #tpu.memory_space<hbm>> -> memref<1x1x124x124xf32, #tpu.memory_space<hbm>>
    %dma_start3A_1411 = tpu.memref_squeeze %dma_start3A_1410 : memref<1x1x124x124xf32, #tpu.memory_space<hbm>> -> memref<124x124xf32, #tpu.memory_space<hbm>>
    tpu.enqueue_dma source(%arg9 : memref<124x124xf32, #tpu.memory_space<vmem>>) target(%dma_start3A_1411 : memref<124x124xf32, #tpu.memory_space<hbm>>) target_semaphore(%arg13 : memref<!tpu.dma_semaphore, #tpu.memory_space<semaphore_mem>>)
    %add3A_1412 = arith.constant 1 : i32
    %add3A_1413 = arith.addi %mul3A_32, %add3A_1412 : i32
    %parallel_loop3A_1414 = arith.constant 0 : i32
    %parallel_loop3A_1415 = arith.constant 124 : i32
    %parallel_loop3A_1416 = arith.constant 1 : i32
    scf.for %parallel_loop3A_1483 = %parallel_loop3A_1414 to %parallel_loop3A_1415 step %parallel_loop3A_1416  : i32 {
      %parallel_loop3A_1484 = arith.constant 128 : i32
      %parallel_loop3A_1485 = arith.muli %parallel_loop3A_1483, %parallel_loop3A_1484 : i32
      %parallel_loop3A_1486 = arith.addi %add3A_441, %parallel_loop3A_1485 : i32
      %parallel_loop3A_1487 = arith.constant 128 : i32
      %parallel_loop3A_1488 = arith.muli %parallel_loop3A_1483, %parallel_loop3A_1487 : i32
      %parallel_loop3A_1489 = arith.addi %add3A_447, %parallel_loop3A_1488 : i32
      %parallel_loop3A_1490 = arith.constant 0 : i32
      %parallel_loop3A_1491 = arith.addi %parallel_loop3A_1486, %parallel_loop3A_1490 : i32
      %parallel_loop3A_1492 = arith.index_cast %parallel_loop3A_1491 : i32 to index
      %parallel_loop3A_1493 = tpu.vector_load %arg6[%parallel_loop3A_1492] {strides = array<i32>} : memref<49152xf32, #tpu.memory_space<vmem>>, vector<16xf32>,
      %parallel_loop3A_1494 = vector.shape_cast %parallel_loop3A_1493 : vector<16xf32> to vector<16xf32>
      %parallel_loop3A_1495 = arith.constant 0 : i32
      %parallel_loop3A_1496 = arith.addi %parallel_loop3A_1489, %parallel_loop3A_1495 : i32
      %parallel_loop3A_1497 = arith.index_cast %parallel_loop3A_1496 : i32 to index
      %parallel_loop3A_1498 = tpu.vector_load %arg6[%parallel_loop3A_1497] {strides = array<i32>} : memref<49152xf32, #tpu.memory_space<vmem>>, vector<16xf32>,
      %parallel_loop3A_1499 = vector.shape_cast %parallel_loop3A_1498 : vector<16xf32> to vector<16xf32>
      %parallel_loop3A_1500 = arith.mulf %add3A_590, %parallel_loop3A_1494 : vector<16xf32>
      %parallel_loop3A_1501 = arith.addf %add3A_521, %parallel_loop3A_1500 : vector<16xf32>
      %parallel_loop3A_1502 = arith.mulf %add3A_728, %parallel_loop3A_1494 : vector<16xf32>
      %parallel_loop3A_1503 = arith.addf %add3A_659, %parallel_loop3A_1502 : vector<16xf32>
      %parallel_loop3A_1504 = arith.mulf %parallel_loop3A_1499, %parallel_loop3A_1503 : vector<16xf32>
      %parallel_loop3A_1505 = arith.addf %parallel_loop3A_1501, %parallel_loop3A_1504 : vector<16xf32>
      %parallel_loop3A_1506 = arith.index_cast %parallel_loop3A_1483 : i32 to index
      %parallel_loop3A_1507 = arith.constant 0 : index
      %parallel_loop3A_1508 = tpu.vector_load %arg10[%parallel_loop3A_1506, %parallel_loop3A_1507] {strides = array<i32>} : memref<124x124xf32, #tpu.memory_space<vmem>>, vector<1x16xf32>,
      %parallel_loop3A_1509 = vector.shape_cast %parallel_loop3A_1508 : vector<1x16xf32> to vector<16xf32>
      %parallel_loop3A_1510 = vector.shape_cast %parallel_loop3A_1505 : vector<16xf32> to vector<1x16xf32>
      tpu.vector_store %arg10[%parallel_loop3A_1506, %parallel_loop3A_1507], %parallel_loop3A_1510 {strides = array<i32>} : memref<124x124xf32, #tpu.memory_space<vmem>>, vector<1x16xf32>,
      %parallel_loop3A_1511 = arith.constant 16 : i32
      %parallel_loop3A_1512 = arith.addi %parallel_loop3A_1486, %parallel_loop3A_1511 : i32
      %parallel_loop3A_1513 = arith.index_cast %parallel_loop3A_1512 : i32 to index
      %parallel_loop3A_1514 = tpu.vector_load %arg6[%parallel_loop3A_1513] {strides = array<i32>} : memref<49152xf32, #tpu.memory_space<vmem>>, vector<16xf32>,
      %parallel_loop3A_1515 = vector.shape_cast %parallel_loop3A_1514 : vector<16xf32> to vector<16xf32>
      %parallel_loop3A_1516 = arith.constant 16 : i32
      %parallel_loop3A_1517 = arith.addi %parallel_loop3A_1489, %parallel_loop3A_1516 : i32
      %parallel_loop3A_1518 = arith.index_cast %parallel_loop3A_1517 : i32 to index
      %parallel_loop3A_1519 = tpu.vector_load %arg6[%parallel_loop3A_1518] {strides = array<i32>} : memref<49152xf32, #tpu.memory_space<vmem>>, vector<16xf32>,
      %parallel_loop3A_1520 = vector.shape_cast %parallel_loop3A_1519 : vector<16xf32> to vector<16xf32>
      %parallel_loop3A_1521 = arith.mulf %add3A_590, %parallel_loop3A_1515 : vector<16xf32>
      %parallel_loop3A_1522 = arith.addf %add3A_521, %parallel_loop3A_1521 : vector<16xf32>
      %parallel_loop3A_1523 = arith.mulf %add3A_728, %parallel_loop3A_1515 : vector<16xf32>
      %parallel_loop3A_1524 = arith.addf %add3A_659, %parallel_loop3A_1523 : vector<16xf32>
      %parallel_loop3A_1525 = arith.mulf %parallel_loop3A_1520, %parallel_loop3A_1524 : vector<16xf32>
      %parallel_loop3A_1526 = arith.addf %parallel_loop3A_1522, %parallel_loop3A_1525 : vector<16xf32>
      %parallel_loop3A_1527 = arith.index_cast %parallel_loop3A_1483 : i32 to index
      %parallel_loop3A_1528 = arith.constant 16 : index
      %parallel_loop3A_1529 = tpu.vector_load %arg10[%parallel_loop3A_1527, %parallel_loop3A_1528] {strides = array<i32>} : memref<124x124xf32, #tpu.memory_space<vmem>>, vector<1x16xf32>,
      %parallel_loop3A_1530 = vector.shape_cast %parallel_loop3A_1529 : vector<1x16xf32> to vector<16xf32>
      %parallel_loop3A_1531 = vector.shape_cast %parallel_loop3A_1526 : vector<16xf32> to vector<1x16xf32>
      tpu.vector_store %arg10[%parallel_loop3A_1527, %parallel_loop3A_1528], %parallel_loop3A_1531 {strides = array<i32>} : memref<124x124xf32, #tpu.memory_space<vmem>>, vector<1x16xf32>,
      %parallel_loop3A_1532 = arith.constant 32 : i32
      %parallel_loop3A_1533 = arith.addi %parallel_loop3A_1486, %parallel_loop3A_1532 : i32
      %parallel_loop3A_1534 = arith.index_cast %parallel_loop3A_1533 : i32 to index
      %parallel_loop3A_1535 = tpu.vector_load %arg6[%parallel_loop3A_1534] {strides = array<i32>} : memref<49152xf32, #tpu.memory_space<vmem>>, vector<16xf32>,
      %parallel_loop3A_1536 = vector.shape_cast %parallel_loop3A_1535 : vector<16xf32> to vector<16xf32>
      %parallel_loop3A_1537 = arith.constant 32 : i32
      %parallel_loop3A_1538 = arith.addi %parallel_loop3A_1489, %parallel_loop3A_1537 : i32
      %parallel_loop3A_1539 = arith.index_cast %parallel_loop3A_1538 : i32 to index
      %parallel_loop3A_1540 = tpu.vector_load %arg6[%parallel_loop3A_1539] {strides = array<i32>} : memref<49152xf32, #tpu.memory_space<vmem>>, vector<16xf32>,
      %parallel_loop3A_1541 = vector.shape_cast %parallel_loop3A_1540 : vector<16xf32> to vector<16xf32>
      %parallel_loop3A_1542 = arith.mulf %add3A_590, %parallel_loop3A_1536 : vector<16xf32>
      %parallel_loop3A_1543 = arith.addf %add3A_521, %parallel_loop3A_1542 : vector<16xf32>
      %parallel_loop3A_1544 = arith.mulf %add3A_728, %parallel_loop3A_1536 : vector<16xf32>
      %parallel_loop3A_1545 = arith.addf %add3A_659, %parallel_loop3A_1544 : vector<16xf32>
      %parallel_loop3A_1546 = arith.mulf %parallel_loop3A_1541, %parallel_loop3A_1545 : vector<16xf32>
      %parallel_loop3A_1547 = arith.addf %parallel_loop3A_1543, %parallel_loop3A_1546 : vector<16xf32>
      %parallel_loop3A_1548 = arith.index_cast %parallel_loop3A_1483 : i32 to index
      %parallel_loop3A_1549 = arith.constant 32 : index
      %parallel_loop3A_1550 = tpu.vector_load %arg10[%parallel_loop3A_1548, %parallel_loop3A_1549] {strides = array<i32>} : memref<124x124xf32, #tpu.memory_space<vmem>>, vector<1x16xf32>,
      %parallel_loop3A_1551 = vector.shape_cast %parallel_loop3A_1550 : vector<1x16xf32> to vector<16xf32>
      %parallel_loop3A_1552 = vector.shape_cast %parallel_loop3A_1547 : vector<16xf32> to vector<1x16xf32>
      tpu.vector_store %arg10[%parallel_loop3A_1548, %parallel_loop3A_1549], %parallel_loop3A_1552 {strides = array<i32>} : memref<124x124xf32, #tpu.memory_space<vmem>>, vector<1x16xf32>,
      %parallel_loop3A_1553 = arith.constant 48 : i32
      %parallel_loop3A_1554 = arith.addi %parallel_loop3A_1486, %parallel_loop3A_1553 : i32
      %parallel_loop3A_1555 = arith.index_cast %parallel_loop3A_1554 : i32 to index
      %parallel_loop3A_1556 = tpu.vector_load %arg6[%parallel_loop3A_1555] {strides = array<i32>} : memref<49152xf32, #tpu.memory_space<vmem>>, vector<16xf32>,
      %parallel_loop3A_1557 = vector.shape_cast %parallel_loop3A_1556 : vector<16xf32> to vector<16xf32>
      %parallel_loop3A_1558 = arith.constant 48 : i32
      %parallel_loop3A_1559 = arith.addi %parallel_loop3A_1489, %parallel_loop3A_1558 : i32
      %parallel_loop3A_1560 = arith.index_cast %parallel_loop3A_1559 : i32 to index
      %parallel_loop3A_1561 = tpu.vector_load %arg6[%parallel_loop3A_1560] {strides = array<i32>} : memref<49152xf32, #tpu.memory_space<vmem>>, vector<16xf32>,
      %parallel_loop3A_1562 = vector.shape_cast %parallel_loop3A_1561 : vector<16xf32> to vector<16xf32>
      %parallel_loop3A_1563 = arith.mulf %add3A_590, %parallel_loop3A_1557 : vector<16xf32>
      %parallel_loop3A_1564 = arith.addf %add3A_521, %parallel_loop3A_1563 : vector<16xf32>
      %parallel_loop3A_1565 = arith.mulf %add3A_728, %parallel_loop3A_1557 : vector<16xf32>
      %parallel_loop3A_1566 = arith.addf %add3A_659, %parallel_loop3A_1565 : vector<16xf32>
      %parallel_loop3A_1567 = arith.mulf %parallel_loop3A_1562, %parallel_loop3A_1566 : vector<16xf32>
      %parallel_loop3A_1568 = arith.addf %parallel_loop3A_1564, %parallel_loop3A_1567 : vector<16xf32>
      %parallel_loop3A_1569 = arith.index_cast %parallel_loop3A_1483 : i32 to index
      %parallel_loop3A_1570 = arith.constant 48 : index
      %parallel_loop3A_1571 = tpu.vector_load %arg10[%parallel_loop3A_1569, %parallel_loop3A_1570] {strides = array<i32>} : memref<124x124xf32, #tpu.memory_space<vmem>>, vector<1x16xf32>,
      %parallel_loop3A_1572 = vector.shape_cast %parallel_loop3A_1571 : vector<1x16xf32> to vector<16xf32>
      %parallel_loop3A_1573 = vector.shape_cast %parallel_loop3A_1568 : vector<16xf32> to vector<1x16xf32>
      tpu.vector_store %arg10[%parallel_loop3A_1569, %parallel_loop3A_1570], %parallel_loop3A_1573 {strides = array<i32>} : memref<124x124xf32, #tpu.memory_space<vmem>>, vector<1x16xf32>,
      %parallel_loop3A_1574 = arith.constant 64 : i32
      %parallel_loop3A_1575 = arith.addi %parallel_loop3A_1486, %parallel_loop3A_1574 : i32
      %parallel_loop3A_1576 = arith.index_cast %parallel_loop3A_1575 : i32 to index
      %parallel_loop3A_1577 = tpu.vector_load %arg6[%parallel_loop3A_1576] {strides = array<i32>} : memref<49152xf32, #tpu.memory_space<vmem>>, vector<16xf32>,
      %parallel_loop3A_1578 = vector.shape_cast %parallel_loop3A_1577 : vector<16xf32> to vector<16xf32>
      %parallel_loop3A_1579 = arith.constant 64 : i32
      %parallel_loop3A_1580 = arith.addi %parallel_loop3A_1489, %parallel_loop3A_1579 : i32
      %parallel_loop3A_1581 = arith.index_cast %parallel_loop3A_1580 : i32 to index
      %parallel_loop3A_1582 = tpu.vector_load %arg6[%parallel_loop3A_1581] {strides = array<i32>} : memref<49152xf32, #tpu.memory_space<vmem>>, vector<16xf32>,
      %parallel_loop3A_1583 = vector.shape_cast %parallel_loop3A_1582 : vector<16xf32> to vector<16xf32>
      %parallel_loop3A_1584 = arith.mulf %add3A_590, %parallel_loop3A_1578 : vector<16xf32>
      %parallel_loop3A_1585 = arith.addf %add3A_521, %parallel_loop3A_1584 : vector<16xf32>
      %parallel_loop3A_1586 = arith.mulf %add3A_728, %parallel_loop3A_1578 : vector<16xf32>
      %parallel_loop3A_1587 = arith.addf %add3A_659, %parallel_loop3A_1586 : vector<16xf32>
      %parallel_loop3A_1588 = arith.mulf %parallel_loop3A_1583, %parallel_loop3A_1587 : vector<16xf32>
      %parallel_loop3A_1589 = arith.addf %parallel_loop3A_1585, %parallel_loop3A_1588 : vector<16xf32>
      %parallel_loop3A_1590 = arith.index_cast %parallel_loop3A_1483 : i32 to index
      %parallel_loop3A_1591 = arith.constant 64 : index
      %parallel_loop3A_1592 = tpu.vector_load %arg10[%parallel_loop3A_1590, %parallel_loop3A_1591] {strides = array<i32>} : memref<124x124xf32, #tpu.memory_space<vmem>>, vector<1x16xf32>,
      %parallel_loop3A_1593 = vector.shape_cast %parallel_loop3A_1592 : vector<1x16xf32> to vector<16xf32>
      %parallel_loop3A_1594 = vector.shape_cast %parallel_loop3A_1589 : vector<16xf32> to vector<1x16xf32>
      tpu.vector_store %arg10[%parallel_loop3A_1590, %parallel_loop3A_1591], %parallel_loop3A_1594 {strides = array<i32>} : memref<124x124xf32, #tpu.memory_space<vmem>>, vector<1x16xf32>,
      %parallel_loop3A_1595 = arith.constant 80 : i32
      %parallel_loop3A_1596 = arith.addi %parallel_loop3A_1486, %parallel_loop3A_1595 : i32
      %parallel_loop3A_1597 = arith.index_cast %parallel_loop3A_1596 : i32 to index
      %parallel_loop3A_1598 = tpu.vector_load %arg6[%parallel_loop3A_1597] {strides = array<i32>} : memref<49152xf32, #tpu.memory_space<vmem>>, vector<16xf32>,
      %parallel_loop3A_1599 = vector.shape_cast %parallel_loop3A_1598 : vector<16xf32> to vector<16xf32>
      %parallel_loop3A_1600 = arith.constant 80 : i32
      %parallel_loop3A_1601 = arith.addi %parallel_loop3A_1489, %parallel_loop3A_1600 : i32
      %parallel_loop3A_1602 = arith.index_cast %parallel_loop3A_1601 : i32 to index
      %parallel_loop3A_1603 = tpu.vector_load %arg6[%parallel_loop3A_1602] {strides = array<i32>} : memref<49152xf32, #tpu.memory_space<vmem>>, vector<16xf32>,
      %parallel_loop3A_1604 = vector.shape_cast %parallel_loop3A_1603 : vector<16xf32> to vector<16xf32>
      %parallel_loop3A_1605 = arith.mulf %add3A_590, %parallel_loop3A_1599 : vector<16xf32>
      %parallel_loop3A_1606 = arith.addf %add3A_521, %parallel_loop3A_1605 : vector<16xf32>
      %parallel_loop3A_1607 = arith.mulf %add3A_728, %parallel_loop3A_1599 : vector<16xf32>
      %parallel_loop3A_1608 = arith.addf %add3A_659, %parallel_loop3A_1607 : vector<16xf32>
      %parallel_loop3A_1609 = arith.mulf %parallel_loop3A_1604, %parallel_loop3A_1608 : vector<16xf32>
      %parallel_loop3A_1610 = arith.addf %parallel_loop3A_1606, %parallel_loop3A_1609 : vector<16xf32>
      %parallel_loop3A_1611 = arith.index_cast %parallel_loop3A_1483 : i32 to index
      %parallel_loop3A_1612 = arith.constant 80 : index
      %parallel_loop3A_1613 = tpu.vector_load %arg10[%parallel_loop3A_1611, %parallel_loop3A_1612] {strides = array<i32>} : memref<124x124xf32, #tpu.memory_space<vmem>>, vector<1x16xf32>,
      %parallel_loop3A_1614 = vector.shape_cast %parallel_loop3A_1613 : vector<1x16xf32> to vector<16xf32>
      %parallel_loop3A_1615 = vector.shape_cast %parallel_loop3A_1610 : vector<16xf32> to vector<1x16xf32>
      tpu.vector_store %arg10[%parallel_loop3A_1611, %parallel_loop3A_1612], %parallel_loop3A_1615 {strides = array<i32>} : memref<124x124xf32, #tpu.memory_space<vmem>>, vector<1x16xf32>,
      %parallel_loop3A_1616 = arith.constant 96 : i32
      %parallel_loop3A_1617 = arith.addi %parallel_loop3A_1486, %parallel_loop3A_1616 : i32
      %parallel_loop3A_1618 = arith.index_cast %parallel_loop3A_1617 : i32 to index
      %parallel_loop3A_1619 = tpu.vector_load %arg6[%parallel_loop3A_1618] {strides = array<i32>} : memref<49152xf32, #tpu.memory_space<vmem>>, vector<16xf32>,
      %parallel_loop3A_1620 = vector.shape_cast %parallel_loop3A_1619 : vector<16xf32> to vector<16xf32>
      %parallel_loop3A_1621 = arith.constant 96 : i32
      %parallel_loop3A_1622 = arith.addi %parallel_loop3A_1489, %parallel_loop3A_1621 : i32
      %parallel_loop3A_1623 = arith.index_cast %parallel_loop3A_1622 : i32 to index
      %parallel_loop3A_1624 = tpu.vector_load %arg6[%parallel_loop3A_1623] {strides = array<i32>} : memref<49152xf32, #tpu.memory_space<vmem>>, vector<16xf32>,
      %parallel_loop3A_1625 = vector.shape_cast %parallel_loop3A_1624 : vector<16xf32> to vector<16xf32>
      %parallel_loop3A_1626 = arith.mulf %add3A_590, %parallel_loop3A_1620 : vector<16xf32>
      %parallel_loop3A_1627 = arith.addf %add3A_521, %parallel_loop3A_1626 : vector<16xf32>
      %parallel_loop3A_1628 = arith.mulf %add3A_728, %parallel_loop3A_1620 : vector<16xf32>
      %parallel_loop3A_1629 = arith.addf %add3A_659, %parallel_loop3A_1628 : vector<16xf32>
      %parallel_loop3A_1630 = arith.mulf %parallel_loop3A_1625, %parallel_loop3A_1629 : vector<16xf32>
      %parallel_loop3A_1631 = arith.addf %parallel_loop3A_1627, %parallel_loop3A_1630 : vector<16xf32>
      %parallel_loop3A_1632 = arith.index_cast %parallel_loop3A_1483 : i32 to index
      %parallel_loop3A_1633 = arith.constant 96 : index
      %parallel_loop3A_1634 = tpu.vector_load %arg10[%parallel_loop3A_1632, %parallel_loop3A_1633] {strides = array<i32>} : memref<124x124xf32, #tpu.memory_space<vmem>>, vector<1x16xf32>,
      %parallel_loop3A_1635 = vector.shape_cast %parallel_loop3A_1634 : vector<1x16xf32> to vector<16xf32>
      %parallel_loop3A_1636 = vector.shape_cast %parallel_loop3A_1631 : vector<16xf32> to vector<1x16xf32>
      tpu.vector_store %arg10[%parallel_loop3A_1632, %parallel_loop3A_1633], %parallel_loop3A_1636 {strides = array<i32>} : memref<124x124xf32, #tpu.memory_space<vmem>>, vector<1x16xf32>,
      %parallel_loop3A_1637 = arith.constant 108 : i32
      %parallel_loop3A_1638 = arith.addi %parallel_loop3A_1486, %parallel_loop3A_1637 : i32
      %parallel_loop3A_1639 = arith.index_cast %parallel_loop3A_1638 : i32 to index
      %parallel_loop3A_1640 = tpu.vector_load %arg6[%parallel_loop3A_1639] {strides = array<i32>} : memref<49152xf32, #tpu.memory_space<vmem>>, vector<16xf32>,
      %parallel_loop3A_1641 = vector.shape_cast %parallel_loop3A_1640 : vector<16xf32> to vector<16xf32>
      %parallel_loop3A_1642 = arith.constant 108 : i32
      %parallel_loop3A_1643 = arith.addi %parallel_loop3A_1489, %parallel_loop3A_1642 : i32
      %parallel_loop3A_1644 = arith.index_cast %parallel_loop3A_1643 : i32 to index
      %parallel_loop3A_1645 = tpu.vector_load %arg6[%parallel_loop3A_1644] {strides = array<i32>} : memref<49152xf32, #tpu.memory_space<vmem>>, vector<16xf32>,
      %parallel_loop3A_1646 = vector.shape_cast %parallel_loop3A_1645 : vector<16xf32> to vector<16xf32>
      %parallel_loop3A_1647 = arith.mulf %add3A_590, %parallel_loop3A_1641 : vector<16xf32>
      %parallel_loop3A_1648 = arith.addf %add3A_521, %parallel_loop3A_1647 : vector<16xf32>
      %parallel_loop3A_1649 = arith.mulf %add3A_728, %parallel_loop3A_1641 : vector<16xf32>
      %parallel_loop3A_1650 = arith.addf %add3A_659, %parallel_loop3A_1649 : vector<16xf32>
      %parallel_loop3A_1651 = arith.mulf %parallel_loop3A_1646, %parallel_loop3A_1650 : vector<16xf32>
      %parallel_loop3A_1652 = arith.addf %parallel_loop3A_1648, %parallel_loop3A_1651 : vector<16xf32>
      %parallel_loop3A_1653 = arith.index_cast %parallel_loop3A_1483 : i32 to index
      %parallel_loop3A_1654 = arith.constant 108 : index
      %parallel_loop3A_1655 = tpu.vector_load %arg10[%parallel_loop3A_1653, %parallel_loop3A_1654] {strides = array<i32>} : memref<124x124xf32, #tpu.memory_space<vmem>>, vector<1x16xf32>,
      %parallel_loop3A_1656 = vector.shape_cast %parallel_loop3A_1655 : vector<1x16xf32> to vector<16xf32>
      %parallel_loop3A_1657 = vector.shape_cast %parallel_loop3A_1652 : vector<16xf32> to vector<1x16xf32>
      tpu.vector_store %arg10[%parallel_loop3A_1653, %parallel_loop3A_1654], %parallel_loop3A_1657 {strides = array<i32>} : memref<124x124xf32, #tpu.memory_space<vmem>>, vector<1x16xf32>,
    } {sc.loop_unroll_factor = 2 : i64, sc.parallel_access}
    %dma_start3A_1417 = arith.constant 0 : i32
    %dma_start3A_1418 = arith.constant 0 : i32
    %dma_start3A_1419 = tpu.memref_slice %arg5[%select_n3A, %add3A_1413, %dma_start3A_1417, %dma_start3A_1418] : memref<4x32x124x124xf32, #tpu.memory_space<hbm>> -> memref<1x1x124x124xf32, #tpu.memory_space<hbm>>
    %dma_start3A_1420 = tpu.memref_squeeze %dma_start3A_1419 : memref<1x1x124x124xf32, #tpu.memory_space<hbm>> -> memref<124x124xf32, #tpu.memory_space<hbm>>
    %dma_start3A_1421 = arith.constant 0 : i32
    %dma_start3A_1422 = arith.constant 0 : i32
    %dma_start3A_1423 = tpu.memref_slice %arg5[%select_n3A, %add3A_1413, %dma_start3A_1421, %dma_start3A_1422] : memref<4x32x124x124xf32, #tpu.memory_space<hbm>> -> memref<1x1x124x124xf32, #tpu.memory_space<hbm>>
    %dma_start3A_1424 = tpu.memref_squeeze %dma_start3A_1423 : memref<1x1x124x124xf32, #tpu.memory_space<hbm>> -> memref<124x124xf32, #tpu.memory_space<hbm>>
    tpu.enqueue_dma source(%arg10 : memref<124x124xf32, #tpu.memory_space<vmem>>) target(%dma_start3A_1424 : memref<124x124xf32, #tpu.memory_space<hbm>>) target_semaphore(%arg13 : memref<!tpu.dma_semaphore, #tpu.memory_space<semaphore_mem>>)
    %add3A_1425 = arith.constant 2 : i32
    %add3A_1426 = arith.addi %mul3A_32, %add3A_1425 : i32
    %parallel_loop3A_1427 = arith.constant 0 : i32
    %parallel_loop3A_1428 = arith.constant 124 : i32
    %parallel_loop3A_1429 = arith.constant 1 : i32
    scf.for %parallel_loop3A_1483 = %parallel_loop3A_1427 to %parallel_loop3A_1428 step %parallel_loop3A_1429  : i32 {
      %parallel_loop3A_1484 = arith.constant 128 : i32
      %parallel_loop3A_1485 = arith.muli %parallel_loop3A_1483, %parallel_loop3A_1484 : i32
      %parallel_loop3A_1486 = arith.addi %add3A_776, %parallel_loop3A_1485 : i32
      %parallel_loop3A_1487 = arith.constant 128 : i32
      %parallel_loop3A_1488 = arith.muli %parallel_loop3A_1483, %parallel_loop3A_1487 : i32
      %parallel_loop3A_1489 = arith.addi %add3A_782, %parallel_loop3A_1488 : i32
      %parallel_loop3A_1490 = arith.constant 0 : i32
      %parallel_loop3A_1491 = arith.addi %parallel_loop3A_1486, %parallel_loop3A_1490 : i32
      %parallel_loop3A_1492 = arith.index_cast %parallel_loop3A_1491 : i32 to index
      %parallel_loop3A_1493 = tpu.vector_load %arg6[%parallel_loop3A_1492] {strides = array<i32>} : memref<49152xf32, #tpu.memory_space<vmem>>, vector<16xf32>,
      %parallel_loop3A_1494 = vector.shape_cast %parallel_loop3A_1493 : vector<16xf32> to vector<16xf32>
      %parallel_loop3A_1495 = arith.constant 0 : i32
      %parallel_loop3A_1496 = arith.addi %parallel_loop3A_1489, %parallel_loop3A_1495 : i32
      %parallel_loop3A_1497 = arith.index_cast %parallel_loop3A_1496 : i32 to index
      %parallel_loop3A_1498 = tpu.vector_load %arg6[%parallel_loop3A_1497] {strides = array<i32>} : memref<49152xf32, #tpu.memory_space<vmem>>, vector<16xf32>,
      %parallel_loop3A_1499 = vector.shape_cast %parallel_loop3A_1498 : vector<16xf32> to vector<16xf32>
      %parallel_loop3A_1500 = arith.mulf %add3A_925, %parallel_loop3A_1494 : vector<16xf32>
      %parallel_loop3A_1501 = arith.addf %add3A_856, %parallel_loop3A_1500 : vector<16xf32>
      %parallel_loop3A_1502 = arith.mulf %add3A_1063, %parallel_loop3A_1494 : vector<16xf32>
      %parallel_loop3A_1503 = arith.addf %add3A_994, %parallel_loop3A_1502 : vector<16xf32>
      %parallel_loop3A_1504 = arith.mulf %parallel_loop3A_1499, %parallel_loop3A_1503 : vector<16xf32>
      %parallel_loop3A_1505 = arith.addf %parallel_loop3A_1501, %parallel_loop3A_1504 : vector<16xf32>
      %parallel_loop3A_1506 = arith.index_cast %parallel_loop3A_1483 : i32 to index
      %parallel_loop3A_1507 = arith.constant 0 : index
      %parallel_loop3A_1508 = tpu.vector_load %arg11[%parallel_loop3A_1506, %parallel_loop3A_1507] {strides = array<i32>} : memref<124x124xf32, #tpu.memory_space<vmem>>, vector<1x16xf32>,
      %parallel_loop3A_1509 = vector.shape_cast %parallel_loop3A_1508 : vector<1x16xf32> to vector<16xf32>
      %parallel_loop3A_1510 = vector.shape_cast %parallel_loop3A_1505 : vector<16xf32> to vector<1x16xf32>
      tpu.vector_store %arg11[%parallel_loop3A_1506, %parallel_loop3A_1507], %parallel_loop3A_1510 {strides = array<i32>} : memref<124x124xf32, #tpu.memory_space<vmem>>, vector<1x16xf32>,
      %parallel_loop3A_1511 = arith.constant 16 : i32
      %parallel_loop3A_1512 = arith.addi %parallel_loop3A_1486, %parallel_loop3A_1511 : i32
      %parallel_loop3A_1513 = arith.index_cast %parallel_loop3A_1512 : i32 to index
      %parallel_loop3A_1514 = tpu.vector_load %arg6[%parallel_loop3A_1513] {strides = array<i32>} : memref<49152xf32, #tpu.memory_space<vmem>>, vector<16xf32>,
      %parallel_loop3A_1515 = vector.shape_cast %parallel_loop3A_1514 : vector<16xf32> to vector<16xf32>
      %parallel_loop3A_1516 = arith.constant 16 : i32
      %parallel_loop3A_1517 = arith.addi %parallel_loop3A_1489, %parallel_loop3A_1516 : i32
      %parallel_loop3A_1518 = arith.index_cast %parallel_loop3A_1517 : i32 to index
      %parallel_loop3A_1519 = tpu.vector_load %arg6[%parallel_loop3A_1518] {strides = array<i32>} : memref<49152xf32, #tpu.memory_space<vmem>>, vector<16xf32>,
      %parallel_loop3A_1520 = vector.shape_cast %parallel_loop3A_1519 : vector<16xf32> to vector<16xf32>
      %parallel_loop3A_1521 = arith.mulf %add3A_925, %parallel_loop3A_1515 : vector<16xf32>
      %parallel_loop3A_1522 = arith.addf %add3A_856, %parallel_loop3A_1521 : vector<16xf32>
      %parallel_loop3A_1523 = arith.mulf %add3A_1063, %parallel_loop3A_1515 : vector<16xf32>
      %parallel_loop3A_1524 = arith.addf %add3A_994, %parallel_loop3A_1523 : vector<16xf32>
      %parallel_loop3A_1525 = arith.mulf %parallel_loop3A_1520, %parallel_loop3A_1524 : vector<16xf32>
      %parallel_loop3A_1526 = arith.addf %parallel_loop3A_1522, %parallel_loop3A_1525 : vector<16xf32>
      %parallel_loop3A_1527 = arith.index_cast %parallel_loop3A_1483 : i32 to index
      %parallel_loop3A_1528 = arith.constant 16 : index
      %parallel_loop3A_1529 = tpu.vector_load %arg11[%parallel_loop3A_1527, %parallel_loop3A_1528] {strides = array<i32>} : memref<124x124xf32, #tpu.memory_space<vmem>>, vector<1x16xf32>,
      %parallel_loop3A_1530 = vector.shape_cast %parallel_loop3A_1529 : vector<1x16xf32> to vector<16xf32>
      %parallel_loop3A_1531 = vector.shape_cast %parallel_loop3A_1526 : vector<16xf32> to vector<1x16xf32>
      tpu.vector_store %arg11[%parallel_loop3A_1527, %parallel_loop3A_1528], %parallel_loop3A_1531 {strides = array<i32>} : memref<124x124xf32, #tpu.memory_space<vmem>>, vector<1x16xf32>,
      %parallel_loop3A_1532 = arith.constant 32 : i32
      %parallel_loop3A_1533 = arith.addi %parallel_loop3A_1486, %parallel_loop3A_1532 : i32
      %parallel_loop3A_1534 = arith.index_cast %parallel_loop3A_1533 : i32 to index
      %parallel_loop3A_1535 = tpu.vector_load %arg6[%parallel_loop3A_1534] {strides = array<i32>} : memref<49152xf32, #tpu.memory_space<vmem>>, vector<16xf32>,
      %parallel_loop3A_1536 = vector.shape_cast %parallel_loop3A_1535 : vector<16xf32> to vector<16xf32>
      %parallel_loop3A_1537 = arith.constant 32 : i32
      %parallel_loop3A_1538 = arith.addi %parallel_loop3A_1489, %parallel_loop3A_1537 : i32
      %parallel_loop3A_1539 = arith.index_cast %parallel_loop3A_1538 : i32 to index
      %parallel_loop3A_1540 = tpu.vector_load %arg6[%parallel_loop3A_1539] {strides = array<i32>} : memref<49152xf32, #tpu.memory_space<vmem>>, vector<16xf32>,
      %parallel_loop3A_1541 = vector.shape_cast %parallel_loop3A_1540 : vector<16xf32> to vector<16xf32>
      %parallel_loop3A_1542 = arith.mulf %add3A_925, %parallel_loop3A_1536 : vector<16xf32>
      %parallel_loop3A_1543 = arith.addf %add3A_856, %parallel_loop3A_1542 : vector<16xf32>
      %parallel_loop3A_1544 = arith.mulf %add3A_1063, %parallel_loop3A_1536 : vector<16xf32>
      %parallel_loop3A_1545 = arith.addf %add3A_994, %parallel_loop3A_1544 : vector<16xf32>
      %parallel_loop3A_1546 = arith.mulf %parallel_loop3A_1541, %parallel_loop3A_1545 : vector<16xf32>
      %parallel_loop3A_1547 = arith.addf %parallel_loop3A_1543, %parallel_loop3A_1546 : vector<16xf32>
      %parallel_loop3A_1548 = arith.index_cast %parallel_loop3A_1483 : i32 to index
      %parallel_loop3A_1549 = arith.constant 32 : index
      %parallel_loop3A_1550 = tpu.vector_load %arg11[%parallel_loop3A_1548, %parallel_loop3A_1549] {strides = array<i32>} : memref<124x124xf32, #tpu.memory_space<vmem>>, vector<1x16xf32>,
      %parallel_loop3A_1551 = vector.shape_cast %parallel_loop3A_1550 : vector<1x16xf32> to vector<16xf32>
      %parallel_loop3A_1552 = vector.shape_cast %parallel_loop3A_1547 : vector<16xf32> to vector<1x16xf32>
      tpu.vector_store %arg11[%parallel_loop3A_1548, %parallel_loop3A_1549], %parallel_loop3A_1552 {strides = array<i32>} : memref<124x124xf32, #tpu.memory_space<vmem>>, vector<1x16xf32>,
      %parallel_loop3A_1553 = arith.constant 48 : i32
      %parallel_loop3A_1554 = arith.addi %parallel_loop3A_1486, %parallel_loop3A_1553 : i32
      %parallel_loop3A_1555 = arith.index_cast %parallel_loop3A_1554 : i32 to index
      %parallel_loop3A_1556 = tpu.vector_load %arg6[%parallel_loop3A_1555] {strides = array<i32>} : memref<49152xf32, #tpu.memory_space<vmem>>, vector<16xf32>,
      %parallel_loop3A_1557 = vector.shape_cast %parallel_loop3A_1556 : vector<16xf32> to vector<16xf32>
      %parallel_loop3A_1558 = arith.constant 48 : i32
      %parallel_loop3A_1559 = arith.addi %parallel_loop3A_1489, %parallel_loop3A_1558 : i32
      %parallel_loop3A_1560 = arith.index_cast %parallel_loop3A_1559 : i32 to index
      %parallel_loop3A_1561 = tpu.vector_load %arg6[%parallel_loop3A_1560] {strides = array<i32>} : memref<49152xf32, #tpu.memory_space<vmem>>, vector<16xf32>,
      %parallel_loop3A_1562 = vector.shape_cast %parallel_loop3A_1561 : vector<16xf32> to vector<16xf32>
      %parallel_loop3A_1563 = arith.mulf %add3A_925, %parallel_loop3A_1557 : vector<16xf32>
      %parallel_loop3A_1564 = arith.addf %add3A_856, %parallel_loop3A_1563 : vector<16xf32>
      %parallel_loop3A_1565 = arith.mulf %add3A_1063, %parallel_loop3A_1557 : vector<16xf32>
      %parallel_loop3A_1566 = arith.addf %add3A_994, %parallel_loop3A_1565 : vector<16xf32>
      %parallel_loop3A_1567 = arith.mulf %parallel_loop3A_1562, %parallel_loop3A_1566 : vector<16xf32>
      %parallel_loop3A_1568 = arith.addf %parallel_loop3A_1564, %parallel_loop3A_1567 : vector<16xf32>
      %parallel_loop3A_1569 = arith.index_cast %parallel_loop3A_1483 : i32 to index
      %parallel_loop3A_1570 = arith.constant 48 : index
      %parallel_loop3A_1571 = tpu.vector_load %arg11[%parallel_loop3A_1569, %parallel_loop3A_1570] {strides = array<i32>} : memref<124x124xf32, #tpu.memory_space<vmem>>, vector<1x16xf32>,
      %parallel_loop3A_1572 = vector.shape_cast %parallel_loop3A_1571 : vector<1x16xf32> to vector<16xf32>
      %parallel_loop3A_1573 = vector.shape_cast %parallel_loop3A_1568 : vector<16xf32> to vector<1x16xf32>
      tpu.vector_store %arg11[%parallel_loop3A_1569, %parallel_loop3A_1570], %parallel_loop3A_1573 {strides = array<i32>} : memref<124x124xf32, #tpu.memory_space<vmem>>, vector<1x16xf32>,
      %parallel_loop3A_1574 = arith.constant 64 : i32
      %parallel_loop3A_1575 = arith.addi %parallel_loop3A_1486, %parallel_loop3A_1574 : i32
      %parallel_loop3A_1576 = arith.index_cast %parallel_loop3A_1575 : i32 to index
      %parallel_loop3A_1577 = tpu.vector_load %arg6[%parallel_loop3A_1576] {strides = array<i32>} : memref<49152xf32, #tpu.memory_space<vmem>>, vector<16xf32>,
      %parallel_loop3A_1578 = vector.shape_cast %parallel_loop3A_1577 : vector<16xf32> to vector<16xf32>
      %parallel_loop3A_1579 = arith.constant 64 : i32
      %parallel_loop3A_1580 = arith.addi %parallel_loop3A_1489, %parallel_loop3A_1579 : i32
      %parallel_loop3A_1581 = arith.index_cast %parallel_loop3A_1580 : i32 to index
      %parallel_loop3A_1582 = tpu.vector_load %arg6[%parallel_loop3A_1581] {strides = array<i32>} : memref<49152xf32, #tpu.memory_space<vmem>>, vector<16xf32>,
      %parallel_loop3A_1583 = vector.shape_cast %parallel_loop3A_1582 : vector<16xf32> to vector<16xf32>
      %parallel_loop3A_1584 = arith.mulf %add3A_925, %parallel_loop3A_1578 : vector<16xf32>
      %parallel_loop3A_1585 = arith.addf %add3A_856, %parallel_loop3A_1584 : vector<16xf32>
      %parallel_loop3A_1586 = arith.mulf %add3A_1063, %parallel_loop3A_1578 : vector<16xf32>
      %parallel_loop3A_1587 = arith.addf %add3A_994, %parallel_loop3A_1586 : vector<16xf32>
      %parallel_loop3A_1588 = arith.mulf %parallel_loop3A_1583, %parallel_loop3A_1587 : vector<16xf32>
      %parallel_loop3A_1589 = arith.addf %parallel_loop3A_1585, %parallel_loop3A_1588 : vector<16xf32>
      %parallel_loop3A_1590 = arith.index_cast %parallel_loop3A_1483 : i32 to index
      %parallel_loop3A_1591 = arith.constant 64 : index
      %parallel_loop3A_1592 = tpu.vector_load %arg11[%parallel_loop3A_1590, %parallel_loop3A_1591] {strides = array<i32>} : memref<124x124xf32, #tpu.memory_space<vmem>>, vector<1x16xf32>,
      %parallel_loop3A_1593 = vector.shape_cast %parallel_loop3A_1592 : vector<1x16xf32> to vector<16xf32>
      %parallel_loop3A_1594 = vector.shape_cast %parallel_loop3A_1589 : vector<16xf32> to vector<1x16xf32>
      tpu.vector_store %arg11[%parallel_loop3A_1590, %parallel_loop3A_1591], %parallel_loop3A_1594 {strides = array<i32>} : memref<124x124xf32, #tpu.memory_space<vmem>>, vector<1x16xf32>,
      %parallel_loop3A_1595 = arith.constant 80 : i32
      %parallel_loop3A_1596 = arith.addi %parallel_loop3A_1486, %parallel_loop3A_1595 : i32
      %parallel_loop3A_1597 = arith.index_cast %parallel_loop3A_1596 : i32 to index
      %parallel_loop3A_1598 = tpu.vector_load %arg6[%parallel_loop3A_1597] {strides = array<i32>} : memref<49152xf32, #tpu.memory_space<vmem>>, vector<16xf32>,
      %parallel_loop3A_1599 = vector.shape_cast %parallel_loop3A_1598 : vector<16xf32> to vector<16xf32>
      %parallel_loop3A_1600 = arith.constant 80 : i32
      %parallel_loop3A_1601 = arith.addi %parallel_loop3A_1489, %parallel_loop3A_1600 : i32
      %parallel_loop3A_1602 = arith.index_cast %parallel_loop3A_1601 : i32 to index
      %parallel_loop3A_1603 = tpu.vector_load %arg6[%parallel_loop3A_1602] {strides = array<i32>} : memref<49152xf32, #tpu.memory_space<vmem>>, vector<16xf32>,
      %parallel_loop3A_1604 = vector.shape_cast %parallel_loop3A_1603 : vector<16xf32> to vector<16xf32>
      %parallel_loop3A_1605 = arith.mulf %add3A_925, %parallel_loop3A_1599 : vector<16xf32>
      %parallel_loop3A_1606 = arith.addf %add3A_856, %parallel_loop3A_1605 : vector<16xf32>
      %parallel_loop3A_1607 = arith.mulf %add3A_1063, %parallel_loop3A_1599 : vector<16xf32>
      %parallel_loop3A_1608 = arith.addf %add3A_994, %parallel_loop3A_1607 : vector<16xf32>
      %parallel_loop3A_1609 = arith.mulf %parallel_loop3A_1604, %parallel_loop3A_1608 : vector<16xf32>
      %parallel_loop3A_1610 = arith.addf %parallel_loop3A_1606, %parallel_loop3A_1609 : vector<16xf32>
      %parallel_loop3A_1611 = arith.index_cast %parallel_loop3A_1483 : i32 to index
      %parallel_loop3A_1612 = arith.constant 80 : index
      %parallel_loop3A_1613 = tpu.vector_load %arg11[%parallel_loop3A_1611, %parallel_loop3A_1612] {strides = array<i32>} : memref<124x124xf32, #tpu.memory_space<vmem>>, vector<1x16xf32>,
      %parallel_loop3A_1614 = vector.shape_cast %parallel_loop3A_1613 : vector<1x16xf32> to vector<16xf32>
      %parallel_loop3A_1615 = vector.shape_cast %parallel_loop3A_1610 : vector<16xf32> to vector<1x16xf32>
      tpu.vector_store %arg11[%parallel_loop3A_1611, %parallel_loop3A_1612], %parallel_loop3A_1615 {strides = array<i32>} : memref<124x124xf32, #tpu.memory_space<vmem>>, vector<1x16xf32>,
      %parallel_loop3A_1616 = arith.constant 96 : i32
      %parallel_loop3A_1617 = arith.addi %parallel_loop3A_1486, %parallel_loop3A_1616 : i32
      %parallel_loop3A_1618 = arith.index_cast %parallel_loop3A_1617 : i32 to index
      %parallel_loop3A_1619 = tpu.vector_load %arg6[%parallel_loop3A_1618] {strides = array<i32>} : memref<49152xf32, #tpu.memory_space<vmem>>, vector<16xf32>,
      %parallel_loop3A_1620 = vector.shape_cast %parallel_loop3A_1619 : vector<16xf32> to vector<16xf32>
      %parallel_loop3A_1621 = arith.constant 96 : i32
      %parallel_loop3A_1622 = arith.addi %parallel_loop3A_1489, %parallel_loop3A_1621 : i32
      %parallel_loop3A_1623 = arith.index_cast %parallel_loop3A_1622 : i32 to index
      %parallel_loop3A_1624 = tpu.vector_load %arg6[%parallel_loop3A_1623] {strides = array<i32>} : memref<49152xf32, #tpu.memory_space<vmem>>, vector<16xf32>,
      %parallel_loop3A_1625 = vector.shape_cast %parallel_loop3A_1624 : vector<16xf32> to vector<16xf32>
      %parallel_loop3A_1626 = arith.mulf %add3A_925, %parallel_loop3A_1620 : vector<16xf32>
      %parallel_loop3A_1627 = arith.addf %add3A_856, %parallel_loop3A_1626 : vector<16xf32>
      %parallel_loop3A_1628 = arith.mulf %add3A_1063, %parallel_loop3A_1620 : vector<16xf32>
      %parallel_loop3A_1629 = arith.addf %add3A_994, %parallel_loop3A_1628 : vector<16xf32>
      %parallel_loop3A_1630 = arith.mulf %parallel_loop3A_1625, %parallel_loop3A_1629 : vector<16xf32>
      %parallel_loop3A_1631 = arith.addf %parallel_loop3A_1627, %parallel_loop3A_1630 : vector<16xf32>
      %parallel_loop3A_1632 = arith.index_cast %parallel_loop3A_1483 : i32 to index
      %parallel_loop3A_1633 = arith.constant 96 : index
      %parallel_loop3A_1634 = tpu.vector_load %arg11[%parallel_loop3A_1632, %parallel_loop3A_1633] {strides = array<i32>} : memref<124x124xf32, #tpu.memory_space<vmem>>, vector<1x16xf32>,
      %parallel_loop3A_1635 = vector.shape_cast %parallel_loop3A_1634 : vector<1x16xf32> to vector<16xf32>
      %parallel_loop3A_1636 = vector.shape_cast %parallel_loop3A_1631 : vector<16xf32> to vector<1x16xf32>
      tpu.vector_store %arg11[%parallel_loop3A_1632, %parallel_loop3A_1633], %parallel_loop3A_1636 {strides = array<i32>} : memref<124x124xf32, #tpu.memory_space<vmem>>, vector<1x16xf32>,
      %parallel_loop3A_1637 = arith.constant 108 : i32
      %parallel_loop3A_1638 = arith.addi %parallel_loop3A_1486, %parallel_loop3A_1637 : i32
      %parallel_loop3A_1639 = arith.index_cast %parallel_loop3A_1638 : i32 to index
      %parallel_loop3A_1640 = tpu.vector_load %arg6[%parallel_loop3A_1639] {strides = array<i32>} : memref<49152xf32, #tpu.memory_space<vmem>>, vector<16xf32>,
      %parallel_loop3A_1641 = vector.shape_cast %parallel_loop3A_1640 : vector<16xf32> to vector<16xf32>
      %parallel_loop3A_1642 = arith.constant 108 : i32
      %parallel_loop3A_1643 = arith.addi %parallel_loop3A_1489, %parallel_loop3A_1642 : i32
      %parallel_loop3A_1644 = arith.index_cast %parallel_loop3A_1643 : i32 to index
      %parallel_loop3A_1645 = tpu.vector_load %arg6[%parallel_loop3A_1644] {strides = array<i32>} : memref<49152xf32, #tpu.memory_space<vmem>>, vector<16xf32>,
      %parallel_loop3A_1646 = vector.shape_cast %parallel_loop3A_1645 : vector<16xf32> to vector<16xf32>
      %parallel_loop3A_1647 = arith.mulf %add3A_925, %parallel_loop3A_1641 : vector<16xf32>
      %parallel_loop3A_1648 = arith.addf %add3A_856, %parallel_loop3A_1647 : vector<16xf32>
      %parallel_loop3A_1649 = arith.mulf %add3A_1063, %parallel_loop3A_1641 : vector<16xf32>
      %parallel_loop3A_1650 = arith.addf %add3A_994, %parallel_loop3A_1649 : vector<16xf32>
      %parallel_loop3A_1651 = arith.mulf %parallel_loop3A_1646, %parallel_loop3A_1650 : vector<16xf32>
      %parallel_loop3A_1652 = arith.addf %parallel_loop3A_1648, %parallel_loop3A_1651 : vector<16xf32>
      %parallel_loop3A_1653 = arith.index_cast %parallel_loop3A_1483 : i32 to index
      %parallel_loop3A_1654 = arith.constant 108 : index
      %parallel_loop3A_1655 = tpu.vector_load %arg11[%parallel_loop3A_1653, %parallel_loop3A_1654] {strides = array<i32>} : memref<124x124xf32, #tpu.memory_space<vmem>>, vector<1x16xf32>,
      %parallel_loop3A_1656 = vector.shape_cast %parallel_loop3A_1655 : vector<1x16xf32> to vector<16xf32>
      %parallel_loop3A_1657 = vector.shape_cast %parallel_loop3A_1652 : vector<16xf32> to vector<1x16xf32>
      tpu.vector_store %arg11[%parallel_loop3A_1653, %parallel_loop3A_1654], %parallel_loop3A_1657 {strides = array<i32>} : memref<124x124xf32, #tpu.memory_space<vmem>>, vector<1x16xf32>,
    } {sc.loop_unroll_factor = 2 : i64, sc.parallel_access}
    %dma_start3A_1430 = arith.constant 0 : i32
    %dma_start3A_1431 = arith.constant 0 : i32
    %dma_start3A_1432 = tpu.memref_slice %arg5[%select_n3A, %add3A_1426, %dma_start3A_1430, %dma_start3A_1431] : memref<4x32x124x124xf32, #tpu.memory_space<hbm>> -> memref<1x1x124x124xf32, #tpu.memory_space<hbm>>
    %dma_start3A_1433 = tpu.memref_squeeze %dma_start3A_1432 : memref<1x1x124x124xf32, #tpu.memory_space<hbm>> -> memref<124x124xf32, #tpu.memory_space<hbm>>
    %dma_start3A_1434 = arith.constant 0 : i32
    %dma_start3A_1435 = arith.constant 0 : i32
    %dma_start3A_1436 = tpu.memref_slice %arg5[%select_n3A, %add3A_1426, %dma_start3A_1434, %dma_start3A_1435] : memref<4x32x124x124xf32, #tpu.memory_space<hbm>> -> memref<1x1x124x124xf32, #tpu.memory_space<hbm>>
    %dma_start3A_1437 = tpu.memref_squeeze %dma_start3A_1436 : memref<1x1x124x124xf32, #tpu.memory_space<hbm>> -> memref<124x124xf32, #tpu.memory_space<hbm>>
    tpu.enqueue_dma source(%arg11 : memref<124x124xf32, #tpu.memory_space<vmem>>) target(%dma_start3A_1437 : memref<124x124xf32, #tpu.memory_space<hbm>>) target_semaphore(%arg13 : memref<!tpu.dma_semaphore, #tpu.memory_space<semaphore_mem>>)
    %add3A_1438 = arith.constant 3 : i32
    %add3A_1439 = arith.addi %mul3A_32, %add3A_1438 : i32
    %parallel_loop3A_1440 = arith.constant 0 : i32
    %parallel_loop3A_1441 = arith.constant 124 : i32
    %parallel_loop3A_1442 = arith.constant 1 : i32
    scf.for %parallel_loop3A_1483 = %parallel_loop3A_1440 to %parallel_loop3A_1441 step %parallel_loop3A_1442  : i32 {
      %parallel_loop3A_1484 = arith.constant 128 : i32
      %parallel_loop3A_1485 = arith.muli %parallel_loop3A_1483, %parallel_loop3A_1484 : i32
      %parallel_loop3A_1486 = arith.addi %add3A_1111, %parallel_loop3A_1485 : i32
      %parallel_loop3A_1487 = arith.constant 128 : i32
      %parallel_loop3A_1488 = arith.muli %parallel_loop3A_1483, %parallel_loop3A_1487 : i32
      %parallel_loop3A_1489 = arith.addi %add3A_1117, %parallel_loop3A_1488 : i32
      %parallel_loop3A_1490 = arith.constant 0 : i32
      %parallel_loop3A_1491 = arith.addi %parallel_loop3A_1486, %parallel_loop3A_1490 : i32
      %parallel_loop3A_1492 = arith.index_cast %parallel_loop3A_1491 : i32 to index
      %parallel_loop3A_1493 = tpu.vector_load %arg6[%parallel_loop3A_1492] {strides = array<i32>} : memref<49152xf32, #tpu.memory_space<vmem>>, vector<16xf32>,
      %parallel_loop3A_1494 = vector.shape_cast %parallel_loop3A_1493 : vector<16xf32> to vector<16xf32>
      %parallel_loop3A_1495 = arith.constant 0 : i32
      %parallel_loop3A_1496 = arith.addi %parallel_loop3A_1489, %parallel_loop3A_1495 : i32
      %parallel_loop3A_1497 = arith.index_cast %parallel_loop3A_1496 : i32 to index
      %parallel_loop3A_1498 = tpu.vector_load %arg6[%parallel_loop3A_1497] {strides = array<i32>} : memref<49152xf32, #tpu.memory_space<vmem>>, vector<16xf32>,
      %parallel_loop3A_1499 = vector.shape_cast %parallel_loop3A_1498 : vector<16xf32> to vector<16xf32>
      %parallel_loop3A_1500 = arith.mulf %add3A_1260, %parallel_loop3A_1494 : vector<16xf32>
      %parallel_loop3A_1501 = arith.addf %add3A_1191, %parallel_loop3A_1500 : vector<16xf32>
      %parallel_loop3A_1502 = arith.mulf %add3A_1398, %parallel_loop3A_1494 : vector<16xf32>
      %parallel_loop3A_1503 = arith.addf %add3A_1329, %parallel_loop3A_1502 : vector<16xf32>
      %parallel_loop3A_1504 = arith.mulf %parallel_loop3A_1499, %parallel_loop3A_1503 : vector<16xf32>
      %parallel_loop3A_1505 = arith.addf %parallel_loop3A_1501, %parallel_loop3A_1504 : vector<16xf32>
      %parallel_loop3A_1506 = arith.index_cast %parallel_loop3A_1483 : i32 to index
      %parallel_loop3A_1507 = arith.constant 0 : index
      %parallel_loop3A_1508 = tpu.vector_load %arg12[%parallel_loop3A_1506, %parallel_loop3A_1507] {strides = array<i32>} : memref<124x124xf32, #tpu.memory_space<vmem>>, vector<1x16xf32>,
      %parallel_loop3A_1509 = vector.shape_cast %parallel_loop3A_1508 : vector<1x16xf32> to vector<16xf32>
      %parallel_loop3A_1510 = vector.shape_cast %parallel_loop3A_1505 : vector<16xf32> to vector<1x16xf32>
      tpu.vector_store %arg12[%parallel_loop3A_1506, %parallel_loop3A_1507], %parallel_loop3A_1510 {strides = array<i32>} : memref<124x124xf32, #tpu.memory_space<vmem>>, vector<1x16xf32>,
      %parallel_loop3A_1511 = arith.constant 16 : i32
      %parallel_loop3A_1512 = arith.addi %parallel_loop3A_1486, %parallel_loop3A_1511 : i32
      %parallel_loop3A_1513 = arith.index_cast %parallel_loop3A_1512 : i32 to index
      %parallel_loop3A_1514 = tpu.vector_load %arg6[%parallel_loop3A_1513] {strides = array<i32>} : memref<49152xf32, #tpu.memory_space<vmem>>, vector<16xf32>,
      %parallel_loop3A_1515 = vector.shape_cast %parallel_loop3A_1514 : vector<16xf32> to vector<16xf32>
      %parallel_loop3A_1516 = arith.constant 16 : i32
      %parallel_loop3A_1517 = arith.addi %parallel_loop3A_1489, %parallel_loop3A_1516 : i32
      %parallel_loop3A_1518 = arith.index_cast %parallel_loop3A_1517 : i32 to index
      %parallel_loop3A_1519 = tpu.vector_load %arg6[%parallel_loop3A_1518] {strides = array<i32>} : memref<49152xf32, #tpu.memory_space<vmem>>, vector<16xf32>,
      %parallel_loop3A_1520 = vector.shape_cast %parallel_loop3A_1519 : vector<16xf32> to vector<16xf32>
      %parallel_loop3A_1521 = arith.mulf %add3A_1260, %parallel_loop3A_1515 : vector<16xf32>
      %parallel_loop3A_1522 = arith.addf %add3A_1191, %parallel_loop3A_1521 : vector<16xf32>
      %parallel_loop3A_1523 = arith.mulf %add3A_1398, %parallel_loop3A_1515 : vector<16xf32>
      %parallel_loop3A_1524 = arith.addf %add3A_1329, %parallel_loop3A_1523 : vector<16xf32>
      %parallel_loop3A_1525 = arith.mulf %parallel_loop3A_1520, %parallel_loop3A_1524 : vector<16xf32>
      %parallel_loop3A_1526 = arith.addf %parallel_loop3A_1522, %parallel_loop3A_1525 : vector<16xf32>
      %parallel_loop3A_1527 = arith.index_cast %parallel_loop3A_1483 : i32 to index
      %parallel_loop3A_1528 = arith.constant 16 : index
      %parallel_loop3A_1529 = tpu.vector_load %arg12[%parallel_loop3A_1527, %parallel_loop3A_1528] {strides = array<i32>} : memref<124x124xf32, #tpu.memory_space<vmem>>, vector<1x16xf32>,
      %parallel_loop3A_1530 = vector.shape_cast %parallel_loop3A_1529 : vector<1x16xf32> to vector<16xf32>
      %parallel_loop3A_1531 = vector.shape_cast %parallel_loop3A_1526 : vector<16xf32> to vector<1x16xf32>
      tpu.vector_store %arg12[%parallel_loop3A_1527, %parallel_loop3A_1528], %parallel_loop3A_1531 {strides = array<i32>} : memref<124x124xf32, #tpu.memory_space<vmem>>, vector<1x16xf32>,
      %parallel_loop3A_1532 = arith.constant 32 : i32
      %parallel_loop3A_1533 = arith.addi %parallel_loop3A_1486, %parallel_loop3A_1532 : i32
      %parallel_loop3A_1534 = arith.index_cast %parallel_loop3A_1533 : i32 to index
      %parallel_loop3A_1535 = tpu.vector_load %arg6[%parallel_loop3A_1534] {strides = array<i32>} : memref<49152xf32, #tpu.memory_space<vmem>>, vector<16xf32>,
      %parallel_loop3A_1536 = vector.shape_cast %parallel_loop3A_1535 : vector<16xf32> to vector<16xf32>
      %parallel_loop3A_1537 = arith.constant 32 : i32
      %parallel_loop3A_1538 = arith.addi %parallel_loop3A_1489, %parallel_loop3A_1537 : i32
      %parallel_loop3A_1539 = arith.index_cast %parallel_loop3A_1538 : i32 to index
      %parallel_loop3A_1540 = tpu.vector_load %arg6[%parallel_loop3A_1539] {strides = array<i32>} : memref<49152xf32, #tpu.memory_space<vmem>>, vector<16xf32>,
      %parallel_loop3A_1541 = vector.shape_cast %parallel_loop3A_1540 : vector<16xf32> to vector<16xf32>
      %parallel_loop3A_1542 = arith.mulf %add3A_1260, %parallel_loop3A_1536 : vector<16xf32>
      %parallel_loop3A_1543 = arith.addf %add3A_1191, %parallel_loop3A_1542 : vector<16xf32>
      %parallel_loop3A_1544 = arith.mulf %add3A_1398, %parallel_loop3A_1536 : vector<16xf32>
      %parallel_loop3A_1545 = arith.addf %add3A_1329, %parallel_loop3A_1544 : vector<16xf32>
      %parallel_loop3A_1546 = arith.mulf %parallel_loop3A_1541, %parallel_loop3A_1545 : vector<16xf32>
      %parallel_loop3A_1547 = arith.addf %parallel_loop3A_1543, %parallel_loop3A_1546 : vector<16xf32>
      %parallel_loop3A_1548 = arith.index_cast %parallel_loop3A_1483 : i32 to index
      %parallel_loop3A_1549 = arith.constant 32 : index
      %parallel_loop3A_1550 = tpu.vector_load %arg12[%parallel_loop3A_1548, %parallel_loop3A_1549] {strides = array<i32>} : memref<124x124xf32, #tpu.memory_space<vmem>>, vector<1x16xf32>,
      %parallel_loop3A_1551 = vector.shape_cast %parallel_loop3A_1550 : vector<1x16xf32> to vector<16xf32>
      %parallel_loop3A_1552 = vector.shape_cast %parallel_loop3A_1547 : vector<16xf32> to vector<1x16xf32>
      tpu.vector_store %arg12[%parallel_loop3A_1548, %parallel_loop3A_1549], %parallel_loop3A_1552 {strides = array<i32>} : memref<124x124xf32, #tpu.memory_space<vmem>>, vector<1x16xf32>,
      %parallel_loop3A_1553 = arith.constant 48 : i32
      %parallel_loop3A_1554 = arith.addi %parallel_loop3A_1486, %parallel_loop3A_1553 : i32
      %parallel_loop3A_1555 = arith.index_cast %parallel_loop3A_1554 : i32 to index
      %parallel_loop3A_1556 = tpu.vector_load %arg6[%parallel_loop3A_1555] {strides = array<i32>} : memref<49152xf32, #tpu.memory_space<vmem>>, vector<16xf32>,
      %parallel_loop3A_1557 = vector.shape_cast %parallel_loop3A_1556 : vector<16xf32> to vector<16xf32>
      %parallel_loop3A_1558 = arith.constant 48 : i32
      %parallel_loop3A_1559 = arith.addi %parallel_loop3A_1489, %parallel_loop3A_1558 : i32
      %parallel_loop3A_1560 = arith.index_cast %parallel_loop3A_1559 : i32 to index
      %parallel_loop3A_1561 = tpu.vector_load %arg6[%parallel_loop3A_1560] {strides = array<i32>} : memref<49152xf32, #tpu.memory_space<vmem>>, vector<16xf32>,
      %parallel_loop3A_1562 = vector.shape_cast %parallel_loop3A_1561 : vector<16xf32> to vector<16xf32>
      %parallel_loop3A_1563 = arith.mulf %add3A_1260, %parallel_loop3A_1557 : vector<16xf32>
      %parallel_loop3A_1564 = arith.addf %add3A_1191, %parallel_loop3A_1563 : vector<16xf32>
      %parallel_loop3A_1565 = arith.mulf %add3A_1398, %parallel_loop3A_1557 : vector<16xf32>
      %parallel_loop3A_1566 = arith.addf %add3A_1329, %parallel_loop3A_1565 : vector<16xf32>
      %parallel_loop3A_1567 = arith.mulf %parallel_loop3A_1562, %parallel_loop3A_1566 : vector<16xf32>
      %parallel_loop3A_1568 = arith.addf %parallel_loop3A_1564, %parallel_loop3A_1567 : vector<16xf32>
      %parallel_loop3A_1569 = arith.index_cast %parallel_loop3A_1483 : i32 to index
      %parallel_loop3A_1570 = arith.constant 48 : index
      %parallel_loop3A_1571 = tpu.vector_load %arg12[%parallel_loop3A_1569, %parallel_loop3A_1570] {strides = array<i32>} : memref<124x124xf32, #tpu.memory_space<vmem>>, vector<1x16xf32>,
      %parallel_loop3A_1572 = vector.shape_cast %parallel_loop3A_1571 : vector<1x16xf32> to vector<16xf32>
      %parallel_loop3A_1573 = vector.shape_cast %parallel_loop3A_1568 : vector<16xf32> to vector<1x16xf32>
      tpu.vector_store %arg12[%parallel_loop3A_1569, %parallel_loop3A_1570], %parallel_loop3A_1573 {strides = array<i32>} : memref<124x124xf32, #tpu.memory_space<vmem>>, vector<1x16xf32>,
      %parallel_loop3A_1574 = arith.constant 64 : i32
      %parallel_loop3A_1575 = arith.addi %parallel_loop3A_1486, %parallel_loop3A_1574 : i32
      %parallel_loop3A_1576 = arith.index_cast %parallel_loop3A_1575 : i32 to index
      %parallel_loop3A_1577 = tpu.vector_load %arg6[%parallel_loop3A_1576] {strides = array<i32>} : memref<49152xf32, #tpu.memory_space<vmem>>, vector<16xf32>,
      %parallel_loop3A_1578 = vector.shape_cast %parallel_loop3A_1577 : vector<16xf32> to vector<16xf32>
      %parallel_loop3A_1579 = arith.constant 64 : i32
      %parallel_loop3A_1580 = arith.addi %parallel_loop3A_1489, %parallel_loop3A_1579 : i32
      %parallel_loop3A_1581 = arith.index_cast %parallel_loop3A_1580 : i32 to index
      %parallel_loop3A_1582 = tpu.vector_load %arg6[%parallel_loop3A_1581] {strides = array<i32>} : memref<49152xf32, #tpu.memory_space<vmem>>, vector<16xf32>,
      %parallel_loop3A_1583 = vector.shape_cast %parallel_loop3A_1582 : vector<16xf32> to vector<16xf32>
      %parallel_loop3A_1584 = arith.mulf %add3A_1260, %parallel_loop3A_1578 : vector<16xf32>
      %parallel_loop3A_1585 = arith.addf %add3A_1191, %parallel_loop3A_1584 : vector<16xf32>
      %parallel_loop3A_1586 = arith.mulf %add3A_1398, %parallel_loop3A_1578 : vector<16xf32>
      %parallel_loop3A_1587 = arith.addf %add3A_1329, %parallel_loop3A_1586 : vector<16xf32>
      %parallel_loop3A_1588 = arith.mulf %parallel_loop3A_1583, %parallel_loop3A_1587 : vector<16xf32>
      %parallel_loop3A_1589 = arith.addf %parallel_loop3A_1585, %parallel_loop3A_1588 : vector<16xf32>
      %parallel_loop3A_1590 = arith.index_cast %parallel_loop3A_1483 : i32 to index
      %parallel_loop3A_1591 = arith.constant 64 : index
      %parallel_loop3A_1592 = tpu.vector_load %arg12[%parallel_loop3A_1590, %parallel_loop3A_1591] {strides = array<i32>} : memref<124x124xf32, #tpu.memory_space<vmem>>, vector<1x16xf32>,
      %parallel_loop3A_1593 = vector.shape_cast %parallel_loop3A_1592 : vector<1x16xf32> to vector<16xf32>
      %parallel_loop3A_1594 = vector.shape_cast %parallel_loop3A_1589 : vector<16xf32> to vector<1x16xf32>
      tpu.vector_store %arg12[%parallel_loop3A_1590, %parallel_loop3A_1591], %parallel_loop3A_1594 {strides = array<i32>} : memref<124x124xf32, #tpu.memory_space<vmem>>, vector<1x16xf32>,
      %parallel_loop3A_1595 = arith.constant 80 : i32
      %parallel_loop3A_1596 = arith.addi %parallel_loop3A_1486, %parallel_loop3A_1595 : i32
      %parallel_loop3A_1597 = arith.index_cast %parallel_loop3A_1596 : i32 to index
      %parallel_loop3A_1598 = tpu.vector_load %arg6[%parallel_loop3A_1597] {strides = array<i32>} : memref<49152xf32, #tpu.memory_space<vmem>>, vector<16xf32>,
      %parallel_loop3A_1599 = vector.shape_cast %parallel_loop3A_1598 : vector<16xf32> to vector<16xf32>
      %parallel_loop3A_1600 = arith.constant 80 : i32
      %parallel_loop3A_1601 = arith.addi %parallel_loop3A_1489, %parallel_loop3A_1600 : i32
      %parallel_loop3A_1602 = arith.index_cast %parallel_loop3A_1601 : i32 to index
      %parallel_loop3A_1603 = tpu.vector_load %arg6[%parallel_loop3A_1602] {strides = array<i32>} : memref<49152xf32, #tpu.memory_space<vmem>>, vector<16xf32>,
      %parallel_loop3A_1604 = vector.shape_cast %parallel_loop3A_1603 : vector<16xf32> to vector<16xf32>
      %parallel_loop3A_1605 = arith.mulf %add3A_1260, %parallel_loop3A_1599 : vector<16xf32>
      %parallel_loop3A_1606 = arith.addf %add3A_1191, %parallel_loop3A_1605 : vector<16xf32>
      %parallel_loop3A_1607 = arith.mulf %add3A_1398, %parallel_loop3A_1599 : vector<16xf32>
      %parallel_loop3A_1608 = arith.addf %add3A_1329, %parallel_loop3A_1607 : vector<16xf32>
      %parallel_loop3A_1609 = arith.mulf %parallel_loop3A_1604, %parallel_loop3A_1608 : vector<16xf32>
      %parallel_loop3A_1610 = arith.addf %parallel_loop3A_1606, %parallel_loop3A_1609 : vector<16xf32>
      %parallel_loop3A_1611 = arith.index_cast %parallel_loop3A_1483 : i32 to index
      %parallel_loop3A_1612 = arith.constant 80 : index
      %parallel_loop3A_1613 = tpu.vector_load %arg12[%parallel_loop3A_1611, %parallel_loop3A_1612] {strides = array<i32>} : memref<124x124xf32, #tpu.memory_space<vmem>>, vector<1x16xf32>,
      %parallel_loop3A_1614 = vector.shape_cast %parallel_loop3A_1613 : vector<1x16xf32> to vector<16xf32>
      %parallel_loop3A_1615 = vector.shape_cast %parallel_loop3A_1610 : vector<16xf32> to vector<1x16xf32>
      tpu.vector_store %arg12[%parallel_loop3A_1611, %parallel_loop3A_1612], %parallel_loop3A_1615 {strides = array<i32>} : memref<124x124xf32, #tpu.memory_space<vmem>>, vector<1x16xf32>,
      %parallel_loop3A_1616 = arith.constant 96 : i32
      %parallel_loop3A_1617 = arith.addi %parallel_loop3A_1486, %parallel_loop3A_1616 : i32
      %parallel_loop3A_1618 = arith.index_cast %parallel_loop3A_1617 : i32 to index
      %parallel_loop3A_1619 = tpu.vector_load %arg6[%parallel_loop3A_1618] {strides = array<i32>} : memref<49152xf32, #tpu.memory_space<vmem>>, vector<16xf32>,
      %parallel_loop3A_1620 = vector.shape_cast %parallel_loop3A_1619 : vector<16xf32> to vector<16xf32>
      %parallel_loop3A_1621 = arith.constant 96 : i32
      %parallel_loop3A_1622 = arith.addi %parallel_loop3A_1489, %parallel_loop3A_1621 : i32
      %parallel_loop3A_1623 = arith.index_cast %parallel_loop3A_1622 : i32 to index
      %parallel_loop3A_1624 = tpu.vector_load %arg6[%parallel_loop3A_1623] {strides = array<i32>} : memref<49152xf32, #tpu.memory_space<vmem>>, vector<16xf32>,
      %parallel_loop3A_1625 = vector.shape_cast %parallel_loop3A_1624 : vector<16xf32> to vector<16xf32>
      %parallel_loop3A_1626 = arith.mulf %add3A_1260, %parallel_loop3A_1620 : vector<16xf32>
      %parallel_loop3A_1627 = arith.addf %add3A_1191, %parallel_loop3A_1626 : vector<16xf32>
      %parallel_loop3A_1628 = arith.mulf %add3A_1398, %parallel_loop3A_1620 : vector<16xf32>
      %parallel_loop3A_1629 = arith.addf %add3A_1329, %parallel_loop3A_1628 : vector<16xf32>
      %parallel_loop3A_1630 = arith.mulf %parallel_loop3A_1625, %parallel_loop3A_1629 : vector<16xf32>
      %parallel_loop3A_1631 = arith.addf %parallel_loop3A_1627, %parallel_loop3A_1630 : vector<16xf32>
      %parallel_loop3A_1632 = arith.index_cast %parallel_loop3A_1483 : i32 to index
      %parallel_loop3A_1633 = arith.constant 96 : index
      %parallel_loop3A_1634 = tpu.vector_load %arg12[%parallel_loop3A_1632, %parallel_loop3A_1633] {strides = array<i32>} : memref<124x124xf32, #tpu.memory_space<vmem>>, vector<1x16xf32>,
      %parallel_loop3A_1635 = vector.shape_cast %parallel_loop3A_1634 : vector<1x16xf32> to vector<16xf32>
      %parallel_loop3A_1636 = vector.shape_cast %parallel_loop3A_1631 : vector<16xf32> to vector<1x16xf32>
      tpu.vector_store %arg12[%parallel_loop3A_1632, %parallel_loop3A_1633], %parallel_loop3A_1636 {strides = array<i32>} : memref<124x124xf32, #tpu.memory_space<vmem>>, vector<1x16xf32>,
      %parallel_loop3A_1637 = arith.constant 108 : i32
      %parallel_loop3A_1638 = arith.addi %parallel_loop3A_1486, %parallel_loop3A_1637 : i32
      %parallel_loop3A_1639 = arith.index_cast %parallel_loop3A_1638 : i32 to index
      %parallel_loop3A_1640 = tpu.vector_load %arg6[%parallel_loop3A_1639] {strides = array<i32>} : memref<49152xf32, #tpu.memory_space<vmem>>, vector<16xf32>,
      %parallel_loop3A_1641 = vector.shape_cast %parallel_loop3A_1640 : vector<16xf32> to vector<16xf32>
      %parallel_loop3A_1642 = arith.constant 108 : i32
      %parallel_loop3A_1643 = arith.addi %parallel_loop3A_1489, %parallel_loop3A_1642 : i32
      %parallel_loop3A_1644 = arith.index_cast %parallel_loop3A_1643 : i32 to index
      %parallel_loop3A_1645 = tpu.vector_load %arg6[%parallel_loop3A_1644] {strides = array<i32>} : memref<49152xf32, #tpu.memory_space<vmem>>, vector<16xf32>,
      %parallel_loop3A_1646 = vector.shape_cast %parallel_loop3A_1645 : vector<16xf32> to vector<16xf32>
      %parallel_loop3A_1647 = arith.mulf %add3A_1260, %parallel_loop3A_1641 : vector<16xf32>
      %parallel_loop3A_1648 = arith.addf %add3A_1191, %parallel_loop3A_1647 : vector<16xf32>
      %parallel_loop3A_1649 = arith.mulf %add3A_1398, %parallel_loop3A_1641 : vector<16xf32>
      %parallel_loop3A_1650 = arith.addf %add3A_1329, %parallel_loop3A_1649 : vector<16xf32>
      %parallel_loop3A_1651 = arith.mulf %parallel_loop3A_1646, %parallel_loop3A_1650 : vector<16xf32>
      %parallel_loop3A_1652 = arith.addf %parallel_loop3A_1648, %parallel_loop3A_1651 : vector<16xf32>
      %parallel_loop3A_1653 = arith.index_cast %parallel_loop3A_1483 : i32 to index
      %parallel_loop3A_1654 = arith.constant 108 : index
      %parallel_loop3A_1655 = tpu.vector_load %arg12[%parallel_loop3A_1653, %parallel_loop3A_1654] {strides = array<i32>} : memref<124x124xf32, #tpu.memory_space<vmem>>, vector<1x16xf32>,
      %parallel_loop3A_1656 = vector.shape_cast %parallel_loop3A_1655 : vector<1x16xf32> to vector<16xf32>
      %parallel_loop3A_1657 = vector.shape_cast %parallel_loop3A_1652 : vector<16xf32> to vector<1x16xf32>
      tpu.vector_store %arg12[%parallel_loop3A_1653, %parallel_loop3A_1654], %parallel_loop3A_1657 {strides = array<i32>} : memref<124x124xf32, #tpu.memory_space<vmem>>, vector<1x16xf32>,
    } {sc.loop_unroll_factor = 2 : i64, sc.parallel_access}
    %dma_start3A_1443 = arith.constant 0 : i32
    %dma_start3A_1444 = arith.constant 0 : i32
    %dma_start3A_1445 = tpu.memref_slice %arg5[%select_n3A, %add3A_1439, %dma_start3A_1443, %dma_start3A_1444] : memref<4x32x124x124xf32, #tpu.memory_space<hbm>> -> memref<1x1x124x124xf32, #tpu.memory_space<hbm>>
    %dma_start3A_1446 = tpu.memref_squeeze %dma_start3A_1445 : memref<1x1x124x124xf32, #tpu.memory_space<hbm>> -> memref<124x124xf32, #tpu.memory_space<hbm>>
    %dma_start3A_1447 = arith.constant 0 : i32
    %dma_start3A_1448 = arith.constant 0 : i32
    %dma_start3A_1449 = tpu.memref_slice %arg5[%select_n3A, %add3A_1439, %dma_start3A_1447, %dma_start3A_1448] : memref<4x32x124x124xf32, #tpu.memory_space<hbm>> -> memref<1x1x124x124xf32, #tpu.memory_space<hbm>>
    %dma_start3A_1450 = tpu.memref_squeeze %dma_start3A_1449 : memref<1x1x124x124xf32, #tpu.memory_space<hbm>> -> memref<124x124xf32, #tpu.memory_space<hbm>>
    tpu.enqueue_dma source(%arg12 : memref<124x124xf32, #tpu.memory_space<vmem>>) target(%dma_start3A_1450 : memref<124x124xf32, #tpu.memory_space<hbm>>) target_semaphore(%arg13 : memref<!tpu.dma_semaphore, #tpu.memory_space<semaphore_mem>>)
    %dma_wait3A_1451 = arith.constant 0 : i32
    %dma_wait3A_1452 = arith.constant 0 : i32
    %dma_wait3A_1453 = tpu.memref_slice %arg5[%select_n3A, %add3A_1401, %dma_wait3A_1451, %dma_wait3A_1452] : memref<4x32x124x124xf32, #tpu.memory_space<hbm>> -> memref<1x1x124x124xf32, #tpu.memory_space<hbm>>
    %dma_wait3A_1454 = tpu.memref_squeeze %dma_wait3A_1453 : memref<1x1x124x124xf32, #tpu.memory_space<hbm>> -> memref<124x124xf32, #tpu.memory_space<hbm>>
    %dma_wait3A_1455 = arith.constant 0 : i32
    %dma_wait3A_1456 = arith.constant 0 : i32
    %dma_wait3A_1457 = tpu.memref_slice %arg5[%select_n3A, %add3A_1401, %dma_wait3A_1455, %dma_wait3A_1456] : memref<4x32x124x124xf32, #tpu.memory_space<hbm>> -> memref<1x1x124x124xf32, #tpu.memory_space<hbm>>
    %dma_wait3A_1458 = tpu.memref_squeeze %dma_wait3A_1457 : memref<1x1x124x124xf32, #tpu.memory_space<hbm>> -> memref<124x124xf32, #tpu.memory_space<hbm>>
    tpu.wait_dma2 semaphore(%arg13 : memref<!tpu.dma_semaphore, #tpu.memory_space<semaphore_mem>>) src(%arg9 : memref<124x124xf32, #tpu.memory_space<vmem>>) dst(%dma_wait3A_1458 : memref<124x124xf32, #tpu.memory_space<hbm>>)
    %dma_wait3A_1459 = arith.constant 0 : i32
    %dma_wait3A_1460 = arith.constant 0 : i32
    %dma_wait3A_1461 = tpu.memref_slice %arg5[%select_n3A, %add3A_1413, %dma_wait3A_1459, %dma_wait3A_1460] : memref<4x32x124x124xf32, #tpu.memory_space<hbm>> -> memref<1x1x124x124xf32, #tpu.memory_space<hbm>>
    %dma_wait3A_1462 = tpu.memref_squeeze %dma_wait3A_1461 : memref<1x1x124x124xf32, #tpu.memory_space<hbm>> -> memref<124x124xf32, #tpu.memory_space<hbm>>
    %dma_wait3A_1463 = arith.constant 0 : i32
    %dma_wait3A_1464 = arith.constant 0 : i32
    %dma_wait3A_1465 = tpu.memref_slice %arg5[%select_n3A, %add3A_1413, %dma_wait3A_1463, %dma_wait3A_1464] : memref<4x32x124x124xf32, #tpu.memory_space<hbm>> -> memref<1x1x124x124xf32, #tpu.memory_space<hbm>>
    %dma_wait3A_1466 = tpu.memref_squeeze %dma_wait3A_1465 : memref<1x1x124x124xf32, #tpu.memory_space<hbm>> -> memref<124x124xf32, #tpu.memory_space<hbm>>
    tpu.wait_dma2 semaphore(%arg13 : memref<!tpu.dma_semaphore, #tpu.memory_space<semaphore_mem>>) src(%arg10 : memref<124x124xf32, #tpu.memory_space<vmem>>) dst(%dma_wait3A_1466 : memref<124x124xf32, #tpu.memory_space<hbm>>)
    %dma_wait3A_1467 = arith.constant 0 : i32
    %dma_wait3A_1468 = arith.constant 0 : i32
    %dma_wait3A_1469 = tpu.memref_slice %arg5[%select_n3A, %add3A_1426, %dma_wait3A_1467, %dma_wait3A_1468] : memref<4x32x124x124xf32, #tpu.memory_space<hbm>> -> memref<1x1x124x124xf32, #tpu.memory_space<hbm>>
    %dma_wait3A_1470 = tpu.memref_squeeze %dma_wait3A_1469 : memref<1x1x124x124xf32, #tpu.memory_space<hbm>> -> memref<124x124xf32, #tpu.memory_space<hbm>>
    %dma_wait3A_1471 = arith.constant 0 : i32
    %dma_wait3A_1472 = arith.constant 0 : i32
    %dma_wait3A_1473 = tpu.memref_slice %arg5[%select_n3A, %add3A_1426, %dma_wait3A_1471, %dma_wait3A_1472] : memref<4x32x124x124xf32, #tpu.memory_space<hbm>> -> memref<1x1x124x124xf32, #tpu.memory_space<hbm>>
    %dma_wait3A_1474 = tpu.memref_squeeze %dma_wait3A_1473 : memref<1x1x124x124xf32, #tpu.memory_space<hbm>> -> memref<124x124xf32, #tpu.memory_space<hbm>>
    tpu.wait_dma2 semaphore(%arg13 : memref<!tpu.dma_semaphore, #tpu.memory_space<semaphore_mem>>) src(%arg11 : memref<124x124xf32, #tpu.memory_space<vmem>>) dst(%dma_wait3A_1474 : memref<124x124xf32, #tpu.memory_space<hbm>>)
    %dma_wait3A_1475 = arith.constant 0 : i32
    %dma_wait3A_1476 = arith.constant 0 : i32
    %dma_wait3A_1477 = tpu.memref_slice %arg5[%select_n3A, %add3A_1439, %dma_wait3A_1475, %dma_wait3A_1476] : memref<4x32x124x124xf32, #tpu.memory_space<hbm>> -> memref<1x1x124x124xf32, #tpu.memory_space<hbm>>
    %dma_wait3A_1478 = tpu.memref_squeeze %dma_wait3A_1477 : memref<1x1x124x124xf32, #tpu.memory_space<hbm>> -> memref<124x124xf32, #tpu.memory_space<hbm>>
    %dma_wait3A_1479 = arith.constant 0 : i32
    %dma_wait3A_1480 = arith.constant 0 : i32
    %dma_wait3A_1481 = tpu.memref_slice %arg5[%select_n3A, %add3A_1439, %dma_wait3A_1479, %dma_wait3A_1480] : memref<4x32x124x124xf32, #tpu.memory_space<hbm>> -> memref<1x1x124x124xf32, #tpu.memory_space<hbm>>
    %dma_wait3A_1482 = tpu.memref_squeeze %dma_wait3A_1481 : memref<1x1x124x124xf32, #tpu.memory_space<hbm>> -> memref<124x124xf32, #tpu.memory_space<hbm>>
    tpu.wait_dma2 semaphore(%arg13 : memref<!tpu.dma_semaphore, #tpu.memory_space<semaphore_mem>>) src(%arg12 : memref<124x124xf32, #tpu.memory_space<vmem>>) dst(%dma_wait3A_1482 : memref<124x124xf32, #tpu.memory_space<hbm>>)
    return
  }
}

</mosaic_0001>

<sc_bundles>
// kernel: _run.3.cloned.1.call-start
scs
__scs_entry_jumppad:
0x0: {  	(pc) =	sbr.rel $0x88, $3  }
0x1: {  	(tag) =	ssettag $0x0;
	lr =	simm.s32 $0x1  }
0x2: {  	[smem:$0x3F9E] =	sst lr;
	_ =	strace $0xD0000000  }
0x3: {  	_ = 	snop  }
0x4: {  	_ = 	snop  }
0x5: {  	_ = 	snop  }
0x6: {  	_ = 	snop  }
0x7: {  	_ = 	snop  }
__scs_overlays_trampoline_lowered:
0x8: {  	[smem:$0x3FAD] =	sst s0  }
0x9: {  	[smem:$0x3FAE] =	sst s1  }
0xa: {  	[smem:$0x3FAF] =	sst s2  }
0xb: {  	[smem:$0x3FB0] =	sst s3  }
0xc: {  	[smem:$0x3FB1] =	sst s4  }
0xd: {  	[smem:$0x3FB2] =	sst s5  }
0xe: {  	[smem:$0x3FB3] =	sst s6  }
0xf: {  	[smem:$0x3FB4] =	sst s7  }
0x10: {  	[smem:$0x3FB5] =	sst s8  }
0x11: {  	[smem:$0x3FB6] =	sst s9;
	s0 =	simm.s32 @!p0 $0x0  }
0x12: {  	s1 =	sld [smem:$0x3F9C];
	s0 =	simm.s32 @p0 $0x1  }
0x13: {  	[smem:$0x3FB7] =	sst s0;
	s0 =	simm.s32 @!p1 $0x0  }
0x14: {  	s2 =	sld [smem:$0x3F9B];
	s0 =	simm.s32 @p1 $0x1  }
0x15: {  	[smem:$0x3FB8] =	sst s0;
	s0 =	simm.s32 @!p2 $0x0  }
0x16: {  	s3 =	sld [smem:$0x3FDB];
	s0 =	simm.s32 @p2 $0x1  }
0x17: {  	s4 =	simm.s32 $0x1BF5;
	[smem:$0x3FBA] =	sst s0  }
0x18: {  	s0 =	sld [smem:$0x3F9D];
	_ =	swait.ge [sflag:s4], $0x0  }
0x19: {  	s7 =	sld [smem:$0x3F9E]  }
0x1a: {  	s8 =	sadd.s32 $0xFFFFE003, lr  }
0x1b: {  	s9 =	sadd.s32 $0xFFFFFEF7, lr;
	s5 =	simm.s32 $0xFFFFFFFF;
	p2 =	slt.u32 s8, $0xFFFFF086  }
0x1c: {  	p1 =	slt.u32 s9, $0xF7A;
	s5 =	simm.s32 @!p2 $0x0  }
0x1d: {  	s5 =	simm.s32 @p1 $0x1;
	p0 =	seq.s32 s7, s2  }
0x1e: {  	s7 =	smul.u32 @!p0 $0xF7A, s2;
	p2 =	seq.s32 @!p0 s5, $0x0  }
0x1f: {  	s9 =	smul.u32 $0xF7A, s1;
	s8 =	simm.s32 @!p0 $0x1BF5;
	p2 =	por !p2, p0  }
0x20: {  	[sflag:s8] =	ssyncset.s32 @!p0 $0xFFFFF086;
	s6 =	sadd.s32 @!p0 s3, s7;
	s7 =	simm.s32 @!p0 $0x108  }
0x21: {  	s3 =	sadd.s32 s3, s9;
	s6 =	sadd.s32 @!p0 $0x88, s6;
	s7 =	simm.s32 @p2 $0x1082  }
0x22: {  	[simem:s7], [sflag:s8] =	dma.local @!p0 [hbm:s6], $0xF7A  }
0x23: {  	s9 =	sor.u32 $0xD0000000, s2;
	s6 =	simm.s32 $0x108;
	_ =	swait.ge @!p0 [sflag:s8], $0x0  }
0x24: {  	s3 =	sadd.s32 $0x88, s3;
	s6 =	simm.s32 @!p1 $0x1082;
	[sflag:s4] =	ssyncset.s32 $0xFFFFF086  }
0x25: {  	[simem:s6], [sflag:s4] =	dma.local [hbm:s3], $0xF7A  }
0x26: {  	[smem:$0x3F9E] =	sst s1;
	(tag) =	ssettag s2;
	_ =	strace s9  }
0x27: {  	s1 =	sld [smem:$0x3FAE]  }
0x28: {  	s2 =	sld [smem:$0x3FAF]  }
0x29: {  	s4 =	sld [smem:$0x3FB1]  }
0x2a: {  	p0 =	seq.s32 s5, $0x0;
	s5 =	sld [smem:$0x3FB2]  }
0x2b: {  	s6 =	sld [smem:$0x3FB3]  }
0x2c: {  	s7 =	sld [smem:$0x3FB4]  }
0x2d: {  	s3 =	simm.s32 $0x108;
	s8 =	sld [smem:$0x3FB5]  }
0x2e: {  	s3 =	simm.s32 @!p0 $0x1082;
	s9 =	sld [smem:$0x3FB6]  }
0x2f: {  	lr =	sadd.s32 s0, s3;
	s0 =	sld [smem:$0x3FAD]  }
0x30: {  	s3 =	sld [smem:$0x3FB0]  }
0x31: {  	[smem:$0x3FB9] =	sst s10  }
0x32: {  	s10 =	sld [smem:$0x3FB7];
	_ =	sdelay $0x3  }
0x33: {  	p0 =	seq.s32 s10, $0x1;
	s10 =	sld [smem:$0x3FB9];
	_ =	sdelay $0x3  }
0x34: {  	[smem:$0x3FB9] =	sst s10  }
0x35: {  	s10 =	sld [smem:$0x3FB8];
	_ =	sdelay $0x3  }
0x36: {  	p1 =	seq.s32 s10, $0x1;
	s10 =	sld [smem:$0x3FB9];
	_ =	sdelay $0x3  }
0x37: {  	[smem:$0x3FB9] =	sst s10  }
0x38: {  	s10 =	sld [smem:$0x3FBA]  }
0x39: {  	_ = 	snop;
	(pc) =	sbr.ind lr, $3  }
0x3a: {  	_ = 	snop  }
0x3b: {  	_ = 	snop  }
0x3c: {  	p2 =	seq.s32 s10, $0x1;
	s10 =	sld [smem:$0x3FB9]  }
0x3d: {  	_ =	shalt  }
0x3e: {  	_ =	shalt  }
0x3f: {  	_ =	shalt  }
0x40: {  	_ =	shalt  }
0x41: {  	_ =	shalt  }
0x42: {  	_ =	shalt  }
0x43: {  	_ =	shalt  }
0x44: {  	_ =	shalt  }
0x45: {  	_ =	shalt  }
0x46: {  	_ =	shalt  }
0x47: {  	_ =	shalt  }
0x48: {  	_ =	shalt  }
0x49: {  	_ =	shalt  }
0x4a: {  	_ =	shalt  }
0x4b: {  	_ =	shalt  }
0x4c: {  	_ =	shalt  }
0x4d: {  	_ =	shalt  }
0x4e: {  	_ =	shalt  }
0x4f: {  	_ =	shalt  }
0x50: {  	_ =	shalt  }
0x51: {  	_ =	shalt  }
0x52: {  	_ =	shalt  }
0x53: {  	_ =	shalt  }
0x54: {  	_ =	shalt  }
0x55: {  	_ =	shalt  }
0x56: {  	_ =	shalt  }
0x57: {  	_ =	shalt  }
0x58: {  	_ =	shalt  }
0x59: {  	_ =	shalt  }
0x5a: {  	_ =	shalt  }
0x5b: {  	_ =	shalt  }
0x5c: {  	_ =	shalt  }
0x5d: {  	_ =	shalt  }
0x5e: {  	_ =	shalt  }
0x5f: {  	_ =	shalt  }
0x60: {  	_ =	shalt  }
0x61: {  	_ =	shalt  }
0x62: {  	_ =	shalt  }
0x63: {  	_ =	shalt  }
0x64: {  	_ =	shalt  }
0x65: {  	_ =	shalt  }
0x66: {  	_ =	shalt  }
0x67: {  	_ =	shalt  }
0x68: {  	_ =	shalt  }
0x69: {  	_ =	shalt  }
0x6a: {  	_ =	shalt  }
0x6b: {  	_ =	shalt  }
0x6c: {  	_ =	shalt  }
0x6d: {  	_ =	shalt  }
0x6e: {  	_ =	shalt  }
0x6f: {  	_ =	shalt  }
0x70: {  	_ =	shalt  }
0x71: {  	_ =	shalt  }
0x72: {  	_ =	shalt  }
0x73: {  	_ =	shalt  }
0x74: {  	_ =	shalt  }
0x75: {  	_ =	shalt  }
0x76: {  	_ =	shalt  }
0x77: {  	_ =	shalt  }
0x78: {  	_ =	shalt  }
0x79: {  	_ =	shalt  }
0x7a: {  	_ =	shalt  }
0x7b: {  	_ =	shalt  }
0x7c: {  	_ =	shalt  }
0x7d: {  	_ =	shalt  }
0x7e: {  	_ =	shalt  }
0x7f: {  	_ =	shalt  }
0x80: {  	_ =	shalt  }
0x81: {  	_ =	shalt  }
0x82: {  	_ =	shalt  }
0x83: {  	_ =	shalt  }
0x84: {  	_ =	shalt  }
0x85: {  	_ =	shalt  }
0x86: {  	_ =	shalt  }
0x87: {  	_ =	shalt  }
.Lfunc_end0:
.L_simem_size_0:
called_computation_lowered:
.L_overlay_start_0:
0x88: {  	s2 =	sld [smem:$0x3FD9]  }
0x89: {  	s3 =	sld [smem:$0x3FFE];
	_ =	sdelay $0x1  }
0x8a: {  	s1 =	srdreg.scid  }
0x8b: {  	s0 =	sand.u32 $0x1, s1  }
0x8c: {  	s17 =	sshll.u32 s0, $0xA;
	s2 =	sadd.s32 s3, s2  }
0x8d: {  	s2 =	sadd.s32 s2, s17  }
0x8e: {  	[smem:$0x3FC5] =	sst s2  }
0x8f: {  	_ = 	snop  }
0x90: {  	s2 =	sld [smem:$0x3FC9]  }
0x91: {  	s18 =	sld [smem:$0x3FC8]  }
0x92: {  	s4 =	sld [smem:$0x3FC7];
	(tm) =	ssettm $0x1  }
0x93: {  	s5 =	sld [smem:$0x3FFB];
	_ =	sdelay $0x3  }
0x94: {  	_ =	strace s5  }
0x95: {  	s5 =	sld [smem:$0x3FFC];
	_ =	sdelay $0x3  }
0x96: {  	_ =	strace s5  }
0x97: {  	s5 =	sld [smem:$0x3FFD];
	_ =	sdelay $0x3  }
0x98: {  	_ =	strace s5  }
0x99: {  	_ =	strace $0x8FFFFFFF  }
0x9a: {  	s19 =	sld [smem:$0x3FDB];
	_ =	sdelay $0x1  }
0x9b: {  	s6 =	simm.s32 $_scs_section_size  }
0x9c: {  	s7 =	simm.s32 $_size__tile_overlayer_lowered;
	s8 =	simm.s32 $_tile_overlayer_lowered  }
0x9d: {  	s22 =	simm.s32 $0x1BFF;
	s21 =	sshll.u32 s8, $0x1;
	s5 =	sadd.s32 s6, s19  }
0x9e: {  	s9 =	simm.s32 $0x0;
	s20 =	sshll.u32 s7, $0x1;
	s7 =	sadd.s32 s21, s5  }
0x9f: {  	[timem:s9], [sflag:s22] =	dma.local [hbm:s7], s20  }
0xa0: {  	_ =	swait.ge [sflag:s22], s20  }
0xa1: {  	s6 =	ssub.s32 $0x0, s20;
	[sflag:s22] =	ssyncset.done $0x0  }
0xa2: {  	[sflag:s22] =	ssyncadd.s32 s6;
	_ =	sdelay $0x1  }
0xa3: {  	s23 =	simm.s32 $0x1B8B  }
0xa4: {  	_ =	swait.ge [sflag:s23], $0x1  }
0xa5: {  	[sflag:s23] =	ssyncset.done $0x0  }
0xa6: {  	s25 =	simm.s32 $0x1B8E;
	s24 =	sld [smem:$0x3FFE];
	[sflag:s23] =	ssyncadd.s32 $0xFFFFFFFF  }
0xa7: {  	s26 =	simm.s32 $execute0_lowered;
	[smem:$0x3FD2] =	sst s25  }
0xa8: {  	s7 =	sshll.u32 s26, $0x1;
	_ =	strace $0x80000046;
	[dreg:$0x1] =	wrdreg $0xFFFFFFFF  }
0xa9: {  	s28 =	simm.s32 $_size_execute0_lowered;
	s5 =	sadd.s32 s5, s7;
	[dreg:$0x0] =	wrdreg $0x0  }
0xaa: {  	s7 =	sshll.u32 s28, $0x1;
	[dreg:$0x2] =	wrdreg s5  }
0xab: {  	[dreg:$0x3] =	wrdreg s7  }
0xac: {  	[dreg:$0x4] =	wrdreg $0xC0  }
0xad: {  	_ =	task [dreg:s9], $0x5FFFF  }
0xae: {  	[dreg:$0x1] =	wrdreg $0xFFFFFFFF  }
0xaf: {  	[dreg:$0x0] =	wrdreg $0x60  }
0xb0: {  	[dreg:$0x2] =	wrdreg s2  }
0xb1: {  	[dreg:$0x3] =	wrdreg s18  }
0xb2: {  	[dreg:$0x4] =	wrdreg s4  }
0xb3: {  	[dreg:$0x5] =	wrdreg s24  }
0xb4: {  	[dreg:$0x6] =	wrdreg $0x9  }
0xb5: {  	_ =	task.clear_ibuf [dreg:s9], $0x7FFFF;
	_ =	strace $0x90000046  }
0xb6: {  	s29 =	simm.s32 $0x9;
	_ =	strace $0x80000048  }
0xb7: {  	_ =	swait.ge [sflag:s29], $0x1  }
0xb8: {  	[sflag:s29] =	ssyncadd.s32 $0xFFFFFFFF  }
0xb9: {  	_ =	strace $0x90000048  }
0xba: {  	_ =	sfence  }
0xbb: {  	s30 =	sld [smem:$0x0];
	_ =	sdelay $0x2  }
0xbc: {  	s31 =	sshll.u32 s1, $0xD;
	s1 =	sshrl.u32 s1, $0x2  }
0xbd: {  	s3 =	sand.u32 $0x4000, s31;
	s1 =	sadd.s32 s1, s30  }
0xbe: {  	s0 =	sor.u32 s3, s0;
	s1 =	sshll.u32 s1, $0x11  }
0xbf: {  	s0 =	sor.u32 s1, s0  }
0xc0: {  	s0 =	sadd.s32 $0x8F2B, s0  }
0xc1: {  	[sflag:s0] =	ssyncadd.remote.s32 $0x1  }
0xc2: {  	_ =	sfence.sel $0xFFFF  }
0xc3: {  	[dreg:$0x0] =	wrdreg $0xFFFFFFFF;
	(pc) =	sbr.abs _section_cstart, $3  }
0xc4: {  	[dreg:$0x1] =	wrdreg $0xFFFFFFFF  }
0xc5: {  	_ =	task.clear_ibuf [dreg:s9], $0x2FFFF;
	_ =	strace $0x9FFFFFFF  }
0xc6: {  	(tm) =	ssettm $0x7FFFFFFF  }
0xc7: {  	_ =	shalt  }
tec
execute0_lowered:
.L_overlay_start_1:
0x0: {  	(tag) =	ssettag $0x1  }
0x1: {  	v0 =	vimm.s32 $0xFEDCBA98;
	v1 =	vimm.s32 $0x76543210  }
0x2: {  	v2 =	vimm.s32 $0x3210FEDC;
	v3 =	vimm.s32 $0xBA987654;
	vm0 =	vcmask $0x1F00  }
0x3: {  	v4 =	vimm.f32 $1.000000000e+00;
	vm12 =	vcmask $0xF08;
	vm13 =	vcmask $0x1F18  }
0x4: {  	s2 =	rddreg [dreg:$0x0];
	vm14 =	vcmask $0x2720;
	vm15 =	vcmask $0x3730;
	vm4 =	vcmask $0x1F10  }
0x5: {  	s0 =	rddreg [dreg:$0x3];
	s3 =	simm.s32 $0x0;
	s1 =	srdreg.scid;
	vm5 =	vcmask $0x2F20;
	vm6 =	vcmask $0x704;
	vm7 =	vcmask $0xB08  }
0x6: {  	s6 =	stileid.u32;
	s28 =	simm.s32 $0x1;
	s29 =	simm.s32 $0x0;
	v0 =	vunpack.c.l.s4.s8 v0;
	v2 =	vunpack.c.l.s4.s8 v2;
	v3 =	vunpack.c.l.s4.s8 v3  }
0x7: {  	vm8 =	vcmask $0x1310;
	v9 =	vimm.s32 $0x87654321;
	v1 =	vunpack.c.l.s4.s8 v1;
	[smem:$0x7FF] =	sst s3;
	s0 =	sadd.s32 $0x400, s0;
	s1 =	sand.u32 $0x1, s1  }
0x8: {  	s4 =	sshll.u32 s6, $0x1;
	s12 =	sshrl.u32 s6, $0x2;
	_ =	strace $0x80000047;
	v0 =	vunpack.c.0.s8.s32 v0;
	v2 =	vunpack.c.0.s8.s32 v2;
	v3 =	vunpack.c.0.s8.s32 v3  }
0x9: {  	vm9 =	vcmask $0x1B18;
	v9 =	vunpack.c.l.s4.s8 v9;
	s5 =	ssub.s32 $0x2, s1;
	s4 =	sand.u32 $0x6, s4;
	s7 =	smul.u32 $0x1800, s12;
	v1 =	vunpack.c.0.s8.s32 v1  }
0xa: {  	s15 =	sshll.u32 s12, $0x13;
	s20 =	sshrl.u32 s5, $0x1;
	s4 =	sor.u32 s1, s4;
	v5 =	vand.u32 $0xF, v0;
	v0 =	vsel vm0, $0x0, v4;
	v4 =	vcombine.low v3, v2  }
0xb: {  	s21 =	ssub.s32 s5, s20;
	s5 =	sshll.u32 s4, $0x2;
	s8 =	sshll.u32 s4, $0x6;
	v2 =	vimm.s32 $0x10FEDCBA;
	v1 =	vcombine.low v5, v1;
	v5 =	vimm.f32 $0.0e+00  }
0xc: {  	s6 =	sadd.s32 s2, s7;
	s11 =	sshllo.u32 s4, $0x2;
	s4 =	sshll.u32 s4, $0x10;
	v6 =	vunpack.c.l.s4.s8 v2;
	v3 =	vsel vm12, $0x3F800000, v5;
	v7 =	vsel vm4, $0x3F800000, v5  }
0xd: {  	s20 =	simm.s32 $0x3;
	s22 =	sand.u32 $0x180, s8;
	s7 =	sor.u32 $0x1, s5;
	v5 =	vsel vm6, $0x3F800000, v5;
	v2 =	vsel vm13, $0x3F800000, v3;
	v3 =	vimm.s32 $0x98765432  }
0xe: {  	vm10 =	vcmask $0x1F1C;
	s8 =	sand.u32 $0x40, s8;
	s14 =	sshll.u32 s11, $0x4;
	s4 =	sor.u32 s15, s4;
	v5 =	vsel vm7, $0xBF800000, v5;
	v3 =	vunpack.c.l.s4.s8 v3  }
0xf: {  	vm11 =	vcmask $0x2320;
	v9 =	vunpack.c.0.s8.s32 v9;
	s16 =	sshll.u32 s11, $0xE;
	s18 =	smax.u32 s21, $0x1;
	s2 =	sadd.s32 $0xC100, s22;
	v5 =	vsel vm8, $0xBF800000, v5  }
0x10: {  	s9 =	sshll.u32 s7, $0x4;
	s24 =	sand.u32 $0x70, s14;
	s25 =	sshrl.u32 s4, $0x3;
	v8 =	vunpack.c.0.s8.s32 v3;
	v3 =	vsel vm5, $0xBF800000, v7;
	v7 =	vimm.s32 $0xFEDCBA9  }
0x11: {  	s26 =	sshll.u32 s7, $0xE;
	s17 =	sor.u32 s15, s16;
	s22 =	simm.s32 $0x2;
	vm12 =	vcmask $0x2724;
	v5 =	vsel vm9, $0xC0000000, v5;
	v7 =	vunpack.c.l.s4.s8 v7  }
0x12: {  	s8 =	sor.u32 s8, s2;
	s10 =	sand.u32 $0x50, s9;
	s9 =	sor.u32 $0x2, s5;
	v4 =	vand.u32 $0xF, v4;
	v6 =	vunpack.c.0.s8.s32 v6;
	v5 =	vsel vm10, $0xBF800000, v5  }
0x13: {  	s14 =	sadd.s32 s0, s25;
	s10 =	sor.u32 s10, s2;
	s13 =	sshll.u32 s9, $0x4;
	vm13 =	vcmask $0x2F2C;
	v5 =	vsel vm11, $0x3F800000, v5;
	v7 =	vunpack.c.0.s8.s32 v7  }
0x14: {  	s30 =	sshll.u32 s9, $0xE;
	v2 =	vsel vm14, $0xBF800000, v2;
	s23 =	sand.u32 $0x60, s13;
	s13 =	sor.u32 s24, s2;
	vm14 =	vcmask $0x3734;
	v5 =	vsel vm12, $0x40000000, v5  }
0x15: {  	s4 =	sor.u32 s15, s30;
	s12 =	sor.u32 s23, s2;
	s2 =	sor.u32 s15, s26;
	v6 =	vcombine.low v8, v6;
	v5 =	vsel vm13, $0x3F800000, v5;
	v7 =	vcombine.low v9, v7  }
0x16: {  	s31 =	sshrl.u32 s17, $0x3;
	v2 =	vsel vm15, $0xBF800000, v2;
	s4 =	sshrl.u32 s4, $0x3;
	vm15 =	vcmask $0x3B38;
	s2 =	sshrl.u32 s2, $0x3;
	v8 =	vsel vm14, $0x3F800000, v5  }
0x17: {  	s17 =	sadd.s32 s0, s31;
	s16 =	sadd.s32 s0, s4;
	s15 =	sadd.s32 s0, s2;
	v5 =	vand.u32 $0xF, v6;
	v6 =	vand.u32 $0xF, v7;
	v7 =	vsel vm15, $0xBF800000, v8  }
.LBB2_1:
0x18: {  	[tilespmem:s3], [sflag:$0x2] =	stream.linear.gather [hbm4b:s6+s3], $0xC000, $0x38;
	[tilespmem:$0x1C300] =	vst v63  }
0x19: {  	s0 =	rddreg [dreg:$0x1];
	s1 =	simm.s32 $0xC000  }
0x1a: {  	[tilespmem:s1], [sflag:$0x3] =	stream.linear.gather [hbm4b:s0+s3], $0xC0, $0x38;
	[tilespmem:$0x1C300] =	vst v63  }
0x1b: {  	_ =	swait.ge [sflag:s20], $0xC0  }
0x1c: {  	[sflag:s20] =	ssyncset.done $0x0  }
0x1d: {  	[sflag:s20] =	ssyncadd.s32 $0xFFFFFF40  }
0x1e: {  	s4 =	simm.s32 $0xC100;
	s2 =	rddreg [dreg:$0x2]  }
0x1f: {  	[tilespmem:s4], [sflag:$0x3] =	stream.linear.gather [hbm4b:s2+s3], $0x200, $0x38;
	[tilespmem:$0x1C300] =	vst v63  }
0x20: {  	_ =	swait.ge [sflag:s20], $0x200  }
0x21: {  	[sflag:s20] =	ssyncset.done $0x0  }
0x22: {  	[sflag:s20] =	ssyncadd.s32 $0xFFFFFE00  }
0x23: {  	v8 =	vld [tilespmem:s5+$0xC000]  }
0x24: {  	v9 =	vld [tilespmem:s5+$0xC020]  }
0x25: {  	v10 =	vld [tilespmem:s5+$0xC040]  }
0x26: {  	v11 =	vld [tilespmem:s5+$0xC060];
	_ =	sdelay $0x1  }
0x27: {  	(v2sf) =	vpush v8, $0x0  }
0x28: {  	(v2sf) =	vpush v9, $0x0  }
0x29: {  	(v2sf) =	vpush v10, $0x0  }
0x2a: {  	(v2sf) =	vpush v11, $0x0;
	v11 =	vld [tilespmem:s11+$0xC000];
	_ =	sdelay $0x4  }
0x2b: {  	[tilespmem:$0x1FF60] =	vst v11;
	v11 =	vld [tilespmem:s5+$0xC023];
	_ =	sdelay $0x2  }
0x2c: {  	v12 =	vld [tilespmem:s5+$0xC080]  }
0x2d: {  	v13 =	vld [tilespmem:s5+$0xC0A0]  }
0x2e: {  	[tilespmem:$0x1FF70] =	vst v11;
	v11 =	vld [tilespmem:s5+$0xC043];
	_ =	sdelay $0x2  }
0x2f: {  	v41 =	vld [tilespmem:s7+$0xC000]  }
0x30: {  	v40 =	vld [tilespmem:s5+$0xC021];
	(v2sf) =	vpush v12, $0x0  }
0x31: {  	(v2sf) =	vpush v13, $0x0;
	[tilespmem:$0x1FF80] =	vst v11;
	v11 =	vld [tilespmem:s5+$0xC063]  }
0x32: {  	v8 =	vld [tilespmem:s8+$0x0]  }
0x33: {  	v39 =	vld [tilespmem:s5+$0xC041]  }
0x34: {  	v38 =	vld [tilespmem:s5+$0xC061]  }
0x35: {  	v37 =	vld [tilespmem:s5+$0xC081]  }
0x36: {  	[tilespmem:$0x1FF90] =	vst v11;
	v11 =	vld [tilespmem:s5+$0xC083]  }
0x37: {  	v36 =	vld [tilespmem:s5+$0xC0A1];
	v10 =	vmul.f32 v7, v8  }
0x38: {  	v27 =	vld [tilespmem:s9+$0xC000];
	v13 =	vmul.f32 v2, v8  }
0x39: {  	v26 =	vld [tilespmem:s5+$0xC022];
	v15 =	vmul.f32 v3, v8;
	v12 =	vperm.xlane v10, v1  }
0x3a: {  	v25 =	vld [tilespmem:s5+$0xC042];
	v8 =	vmul.f32 v0, v8  }
0x3b: {  	v16 =	vperm.xlane v13, v1;
	v17 =	vperm.xlane v15, v1;
	v10 =	vadd.f32 v12, v10;
	s24 =	spop (v2sf);
	[tilespmem:$0x1FFA0] =	vst v11;
	v11 =	vld [tilespmem:s5+$0xC0A3]  }
0x3c: {  	v24 =	vld [tilespmem:s5+$0xC062];
	v18 =	vperm.xlane v8, v1;
	s21 =	spop (v2sf)  }
0x3d: {  	v23 =	vld [tilespmem:s5+$0xC082];
	v16 =	vadd.f32 v16, v13;
	v15 =	vadd.f32 v17, v15;
	v17 =	vperm.xlane v10, v4;
	s30 =	spop (v2sf)  }
0x3e: {  	v22 =	vld [tilespmem:s5+$0xC0A2];
	v8 =	vadd.f32 v18, v8;
	s19 =	sshll.u32 s24, $0x7;
	s23 =	spop (v2sf)  }
0x3f: {  	v14 =	vld [tilespmem:s12+$0x0];
	v18 =	vperm.xlane v16, v4;
	v20 =	vperm.xlane v15, v4;
	v10 =	vadd.f32 v17, v10;
	s0 =	sadd.s32 s19, s21;
	s25 =	sshll.u32 s30, $0xE;
	s2 =	spop (v2sf)  }
0x40: {  	v19 =	vld [tilespmem:s13+$0x0];
	v17 =	vperm.xlane v8, v4;
	s1 =	sadd.s32 s25, s0;
	s19 =	sshll.u32 s23, $0x7;
	s31 =	spop (v2sf);
	[tilespmem:$0x1FFB0] =	vst v11  }
0x41: {  	v9 =	vld [tilespmem:s10+$0x0];
	v16 =	vadd.f32 v18, v16;
	v15 =	vadd.f32 v20, v15;
	v18 =	vperm.xlane v10, v5;
	s0 =	sand.u32 $0x7F, s21;
	s25 =	sadd.s32 $0x80, s1;
	_ =	swait.ge [sflag:s22], $0xC000  }
0x42: {  	v8 =	vadd.f32 v17, v8;
	s19 =	sadd.s32 s19, s2;
	s25 =	sand.u32 $0xFFFFFF80, s25;
	[sflag:s22] =	ssyncset.done $0x0  }
0x43: {  	v17 =	vperm.xlane v16, v5;
	v20 =	vperm.xlane v15, v5;
	v10 =	vadd.f32 v18, v10;
	s4 =	sshll.u32 s31, $0xE;
	s25 =	sor.u32 s25, s0;
	[sflag:s22] =	ssyncadd.s32 $0xFFFF4000  }
0x44: {  	v18 =	vperm.xlane v8, v5;
	s19 =	sadd.s32 s4, s19;
	v21 =	vld [tilespmem:s25+$0x0]  }
0x45: {  	v16 =	vadd.f32 v17, v16;
	v15 =	vadd.f32 v20, v15;
	v17 =	vperm.xlane v10, v6;
	s26 =	sadd.s32 $0x80, s19  }
0x46: {  	v8 =	vadd.f32 v18, v8;
	s4 =	sand.u32 $0x7F, s2;
	s25 =	sand.u32 $0xFFFFFF80, s26  }
0x47: {  	v18 =	vperm.xlane v16, v6;
	v20 =	vperm.xlane v15, v6;
	v47 =	vadd.f32 v17, v10;
	s25 =	sor.u32 s25, s4  }
0x48: {  	v17 =	vperm.xlane v8, v6;
	v10 =	vld [tilespmem:s25+$0x0]  }
0x49: {  	s24 =	sshll.u32 s24, $0x9;
	v45 =	vadd.f32 v18, v16;
	v46 =	vadd.f32 v20, v15;
	s26 =	sshll.u32 s30, $0x10;
	v15 =	vmul.f32 v21, v47  }
0x4a: {  	s21 =	sshll.u32 s21, $0x2;
	v16 =	vmul.f32 v0, v9;
	s24 =	sadd.s32 s24, s26  }
0x4b: {  	v44 =	vadd.f32 v17, v8;
	s21 =	sadd.s32 s21, s24;
	v8 =	vmul.f32 v21, v45;
	v15 =	vadd.f32 v15, v46  }
0x4c: {  	v17 =	vperm.xlane v16, v1;
	s21 =	sshra.s32 s21, $0x2  }
0x4d: {  	s23 =	sshll.u32 s23, $0x9;
	s25 =	sshll.u32 s31, $0x10;
	v50 =	vmov s21;
	v8 =	vadd.f32 v8, v44;
	v10 =	vmul.f32 v15, v10  }
0x4e: {  	s2 =	sshll.u32 s2, $0x2;
	s26 =	sadd.s32 s23, s25;
	v15 =	vadd.f32 v17, v16  }
0x4f: {  	s2 =	sadd.s32 s2, s26;
	v8 =	vadd.f32 v10, v8  }
0x50: {  	s30 =	simm.s32 $0x0;
	s2 =	sshra.s32 s2, $0x2;
	v10 =	vperm.xlane v15, v4  }
0x51: {  	v49 =	vmov s2;
	[tilespmem:s30+$0xC380] =	vst v8  }
0x52: {  	v8 =	vadd.f32 v10, v15;
	v10 =	vld.idx.msk [tilespmem:v50+s30+$0x90 ss:$0x1], $0xffff;
	_ =	sdelay $0x1  }
0x53: {  	v16 =	vmul.f32 v2, v9;
	v15 =	vperm.xlane v8, v5;
	_ =	sdelay $0x1  }
0x54: {  	s21 =	sand.u32 $0xFFFFFF80, s1;
	v42 =	vadd.f32 v15, v8;
	v8 =	vperm.xlane v16, v1;
	v15 =	vld.idx.msk [tilespmem:v49+s30+$0x90 ss:$0x1], $0xffff  }
0x55: {  	v18 =	vmul.f32 v3, v9;
	s2 =	sor.u32 s21, s0;
	v17 =	vmul.f32 v10, v47  }
0x56: {  	v8 =	vadd.f32 v8, v16;
	v16 =	vld [tilespmem:s2+$0x0]  }
0x57: {  	v21 =	vperm.xlane v18, v1;
	v10 =	vmul.f32 v10, v45;
	v17 =	vadd.f32 v17, v46  }
0x58: {  	s23 =	sand.u32 $0xFFFFFF80, s19;
	v9 =	vmul.f32 v7, v9;
	v20 =	vperm.xlane v8, v4  }
0x59: {  	v18 =	vadd.f32 v21, v18;
	s2 =	sor.u32 s23, s4;
	v10 =	vadd.f32 v10, v44;
	v15 =	vmul.f32 v17, v15  }
0x5a: {  	v28 =	vld [tilespmem:s2+$0x0];
	v8 =	vadd.f32 v20, v8;
	v17 =	vperm.xlane v9, v1;
	v20 =	vmul.f32 v0, v14  }
0x5b: {  	v29 =	vperm.xlane v18, v4;
	v21 =	vmul.f32 v16, v47;
	v10 =	vadd.f32 v15, v10  }
0x5c: {  	v9 =	vadd.f32 v17, v9;
	v17 =	vperm.xlane v20, v1  }
0x5d: {  	v18 =	vadd.f32 v29, v18;
	v16 =	vmul.f32 v16, v45;
	v21 =	vadd.f32 v21, v46;
	[tilespmem:s30+$0xC390] =	vst v10  }
0x5e: {  	v10 =	vperm.xlane v9, v4;
	v17 =	vadd.f32 v17, v20;
	v20 =	vmul.f32 v2, v14;
	v30 =	vld.idx.msk [tilespmem:v50+s30+$0xA0 ss:$0x1], $0xffff  }
0x5f: {  	s24 =	sadd.s32 $0x100, s1;
	v15 =	vperm.xlane v8, v5;
	v16 =	vadd.f32 v16, v44;
	v21 =	vmul.f32 v21, v28  }
0x60: {  	s1 =	sadd.s32 $0x80, s24;
	v9 =	vadd.f32 v10, v9;
	v10 =	vperm.xlane v17, v4;
	v28 =	vperm.xlane v20, v1  }
0x61: {  	s1 =	sand.u32 $0xFFFFFF80, s1;
	v48 =	vadd.f32 v15, v8;
	v8 =	vperm.xlane v18, v5;
	v15 =	vadd.f32 v21, v16  }
0x62: {  	s1 =	sor.u32 s1, s0;
	v16 =	vperm.xlane v9, v5;
	v10 =	vadd.f32 v10, v17;
	v17 =	vadd.f32 v28, v20;
	v20 =	vld.idx.msk [tilespmem:v49+s30+$0xA0 ss:$0x1], $0xffff  }
0x63: {  	v52 =	vadd.f32 v8, v18;
	v18 =	vld [tilespmem:s1+$0x0];
	[tilespmem:s30+$0xC300] =	vst v15;
	v8 =	vmul.f32 v30, v47  }
0x64: {  	v53 =	vadd.f32 v16, v9;
	v9 =	vperm.xlane v10, v5;
	v15 =	vperm.xlane v17, v4;
	v16 =	vld.idx.msk [tilespmem:v50+s30+$0x10 ss:$0x1], $0xffff  }
0x65: {  	s25 =	sadd.s32 $0x100, s19;
	v21 =	vmul.f32 v30, v45;
	v8 =	vadd.f32 v8, v46  }
0x66: {  	s19 =	sadd.s32 $0x80, s25;
	v28 =	vadd.f32 v9, v10;
	v9 =	vadd.f32 v15, v17  }
0x67: {  	s19 =	sand.u32 $0xFFFFFF80, s19;
	v10 =	vmul.f32 v3, v14;
	v15 =	vadd.f32 v21, v44;
	v8 =	vmul.f32 v8, v20  }
0x68: {  	s26 =	sand.u32 $0xFFFFFF80, s24;
	s19 =	sor.u32 s19, s4;
	v32 =	vmul.f32 v18, v47;
	v20 =	vld.idx.msk [tilespmem:v49+s30+$0x10 ss:$0x1], $0xffff  }
0x69: {  	s21 =	sor.u32 s26, s0;
	v31 =	vld [tilespmem:s19+$0x0];
	v21 =	vperm.xlane v10, v1;
	v30 =	vmul.f32 v16, v47;
	v8 =	vadd.f32 v8, v15  }
0x6a: {  	v18 =	vmul.f32 v18, v45;
	v14 =	vmul.f32 v7, v14;
	v15 =	vld [tilespmem:s21+$0x0]  }
0x6b: {  	v16 =	vmul.f32 v16, v45;
	v10 =	vadd.f32 v21, v10;
	v21 =	vadd.f32 v30, v46;
	[tilespmem:s30+$0xC3A0] =	vst v8  }
0x6c: {  	v18 =	vadd.f32 v18, v44;
	s21 =	sand.u32 $0xFFFFFF80, s25;
	v30 =	vadd.f32 v32, v46;
	v8 =	vperm.xlane v14, v1;
	v62 =	vld.idx.msk [tilespmem:v50+s30+$0xB0 ss:$0x1], $0xffff  }
0x6d: {  	v16 =	vadd.f32 v16, v44;
	s19 =	sor.u32 s21, s4;
	v33 =	vperm.xlane v10, v4;
	v20 =	vmul.f32 v21, v20  }
0x6e: {  	v17 =	vperm.xlane v9, v5;
	v21 =	vmul.f32 v30, v31;
	v8 =	vadd.f32 v8, v14;
	v14 =	vld [tilespmem:s19+$0x0]  }
0x6f: {  	v10 =	vadd.f32 v33, v10;
	v16 =	vadd.f32 v20, v16;
	v20 =	vmul.f32 v15, v47  }
0x70: {  	v15 =	vmul.f32 v15, v45;
	v18 =	vadd.f32 v21, v18;
	v21 =	vld.idx.msk [tilespmem:v49+s30+$0xB0 ss:$0x1], $0xffff;
	v30 =	vperm.xlane v8, v4  }
0x71: {  	s31 =	simm.s32 $0x100;
	v31 =	vperm.xlane v10, v5;
	[tilespmem:s30+$0xC310] =	vst v16;
	v16 =	vadd.f32 v20, v46;
	v20 =	vmul.f32 v62, v47  }
0x72: {  	v15 =	vadd.f32 v15, v44;
	[tilespmem:s31+$0xC380] =	vst v18;
	v8 =	vadd.f32 v30, v8;
	v56 =	vld.idx.msk [tilespmem:v50+s30+$0x20 ss:$0x1], $0xffff  }
0x73: {  	v18 =	vmul.f32 v62, v45;
	v14 =	vmul.f32 v16, v14;
	v16 =	vld.idx.msk [tilespmem:v50+s31+$0x90 ss:$0x1], $0xffff;
	v20 =	vadd.f32 v20, v46  }
0x74: {  	v30 =	vadd.f32 v17, v9;
	v31 =	vadd.f32 v31, v10;
	v9 =	vperm.xlane v8, v5  }
0x75: {  	v10 =	vadd.f32 v14, v15;
	v14 =	vadd.f32 v18, v44;
	v15 =	vmul.f32 v20, v21  }
0x76: {  	v63 =	vmul.f32 v2, v19;
	v34 =	vadd.f32 v9, v8;
	v8 =	vld.idx.msk [tilespmem:v49+s30+$0x20 ss:$0x1], $0xffff  }
0x77: {  	v9 =	vmul.f32 v56, v47;
	[tilespmem:s31+$0xC300] =	vst v10;
	v10 =	vld.idx.msk [tilespmem:v49+s31+$0x90 ss:$0x1], $0xffff;
	v14 =	vadd.f32 v15, v14  }
0x78: {  	v15 =	vmul.f32 v0, v19;
	v17 =	vld.idx.msk [tilespmem:v50+s31+$0x10 ss:$0x1], $0xffff;
	v18 =	vmul.f32 v16, v47  }
0x79: {  	v60 =	vmul.f32 v3, v19;
	v20 =	vmul.f32 v56, v45;
	v9 =	vadd.f32 v9, v46;
	[tilespmem:s30+$0xC3B0] =	vst v14  }
0x7a: {  	v16 =	vmul.f32 v16, v45;
	v14 =	vperm.xlane v15, v1;
	v18 =	vadd.f32 v18, v46;
	v21 =	vld.idx.msk [tilespmem:v50+s30+$0xC0 ss:$0x1], $0xffff  }
0x7b: {  	v43 =	vperm.xlane v42, v6;
	v8 =	vmul.f32 v9, v8;
	v9 =	vadd.f32 v20, v44  }
0x7c: {  	v16 =	vadd.f32 v16, v44;
	v14 =	vadd.f32 v14, v15;
	v15 =	vld.idx.msk [tilespmem:v49+s31+$0x10 ss:$0x1], $0xffff;
	v10 =	vmul.f32 v18, v10  }
0x7d: {  	v51 =	vperm.xlane v48, v6;
	v8 =	vadd.f32 v8, v9;
	v9 =	vmul.f32 v17, v47  }
0x7e: {  	v18 =	vperm.xlane v63, v1;
	v17 =	vmul.f32 v17, v45;
	v10 =	vadd.f32 v10, v16;
	v16 =	vld.idx.msk [tilespmem:v49+s30+$0xC0 ss:$0x1], $0xffff  }
0x7f: {  	v20 =	vperm.xlane v14, v4;
	[tilespmem:s30+$0xC320] =	vst v8;
	v8 =	vadd.f32 v9, v46;
	v9 =	vmul.f32 v21, v47  }
0x80: {  	v18 =	vadd.f32 v18, v63;
	v17 =	vadd.f32 v17, v44;
	v57 =	vld.idx.msk [tilespmem:v50+s30+$0x30 ss:$0x1], $0xffff;
	[tilespmem:s31+$0xC390] =	vst v10  }
0x81: {  	v8 =	vmul.f32 v8, v15;
	v10 =	vld.idx.msk [tilespmem:v50+s31+$0xA0 ss:$0x1], $0xffff;
	v15 =	vmul.f32 v21, v45;
	v9 =	vadd.f32 v9, v46  }
0x82: {  	s2 =	sadd.s32 $0x100, s24;
	v14 =	vadd.f32 v20, v14;
	v20 =	vperm.xlane v18, v4;
	v21 =	vperm.xlane v60, v1  }
0x83: {  	s23 =	sadd.s32 $0x80, s2;
	v8 =	vadd.f32 v8, v17;
	v15 =	vadd.f32 v15, v44;
	v9 =	vmul.f32 v9, v16  }
0x84: {  	s19 =	sand.u32 $0xFFFFFF80, s23;
	v17 =	vadd.f32 v20, v18;
	v18 =	vadd.f32 v21, v60;
	v20 =	vld.idx.msk [tilespmem:v49+s30+$0x30 ss:$0x1], $0xffff;
	v16 =	vperm.xlane v14, v5  }
0x85: {  	s19 =	sor.u32 s19, s0;
	v21 =	vmul.f32 v57, v47;
	[tilespmem:s31+$0xC310] =	vst v8;
	v8 =	vld.idx.msk [tilespmem:v49+s31+$0xA0 ss:$0x1], $0xffff;
	v9 =	vadd.f32 v9, v15  }
0x86: {  	v59 =	vld [tilespmem:s19+$0x0];
	v14 =	vadd.f32 v16, v14;
	v15 =	vperm.xlane v17, v5;
	v16 =	vmul.f32 v10, v47  }
0x87: {  	v58 =	vperm.xlane v18, v4;
	v57 =	vmul.f32 v57, v45;
	v56 =	vld.idx.msk [tilespmem:v50+s31+$0x20 ss:$0x1], $0xffff;
	v21 =	vadd.f32 v21, v46  }
0x88: {  	s24 =	sand.u32 $0xFFFFFF80, s2;
	[tilespmem:s30+$0xC3C0] =	vst v9;
	v15 =	vadd.f32 v15, v17;
	v9 =	vmul.f32 v10, v45;
	v10 =	vadd.f32 v16, v46  }
0x89: {  	s19 =	sadd.s32 $0x100, s25;
	s25 =	sor.u32 s24, s0;
	v11 =	vperm.xlane v14, v6;
	v60 =	vld.idx.msk [tilespmem:v50+s30+$0xD0 ss:$0x1], $0xffff;
	v20 =	vmul.f32 v21, v20  }
0x8a: {  	s26 =	sadd.s32 $0x80, s19;
	v57 =	vadd.f32 v57, v44;
	v21 =	vld [tilespmem:s25+$0x0];
	v8 =	vmul.f32 v10, v8;
	v10 =	vperm.xlane v15, v6  }
0x8b: {  	v54 =	vperm.xlane v52, v6;
	s23 =	sand.u32 $0xFFFFFF80, s26;
	v18 =	vadd.f32 v58, v18;
	[tilespmem:$0x1FFC0] =	vst v11;
	v9 =	vadd.f32 v9, v44  }
0x8c: {  	s1 =	sor.u32 s23, s4;
	v62 =	vmul.f32 v59, v47;
	v58 =	vld.idx.msk [tilespmem:v49+s31+$0x20 ss:$0x1], $0xffff;
	v20 =	vadd.f32 v20, v57;
	[tilespmem:$0x1FFD0] =	vst v10  }
0x8d: {  	s24 =	sand.u32 $0xFFFFFF80, s19;
	v61 =	vmul.f32 v56, v47;
	v10 =	vperm.xlane v18, v5;
	v8 =	vadd.f32 v8, v9;
	v57 =	vld [tilespmem:s1+$0x0]  }
0x8e: {  	s25 =	sor.u32 s24, s4;
	v9 =	vld.idx.msk [tilespmem:v49+s30+$0xD0 ss:$0x1], $0xffff;
	[tilespmem:s30+$0xC330] =	vst v20;
	v20 =	vmul.f32 v56, v45;
	v63 =	vmul.f32 v60, v47  }
0x8f: {  	v56 =	vld [tilespmem:s25+$0x0];
	v11 =	vmul.f32 v21, v47;
	[tilespmem:s31+$0xC3A0] =	vst v8;
	v8 =	vmul.f32 v59, v45  }
0x90: {  	v59 =	vadd.f32 v62, v46;
	v21 =	vmul.f32 v21, v45;
	v18 =	vadd.f32 v10, v18  }
0x91: {  	v60 =	vmul.f32 v60, v45;
	v62 =	vld.idx.msk [tilespmem:v50+s31+$0xB0 ss:$0x1], $0xffff;
	v20 =	vadd.f32 v20, v44;
	v63 =	vadd.f32 v63, v46  }
0x92: {  	v12 =	vld.idx.msk [tilespmem:v50+s30+$0x40 ss:$0x1], $0xffff;
	v11 =	vadd.f32 v11, v46;
	v8 =	vadd.f32 v8, v44;
	v57 =	vmul.f32 v59, v57  }
0x93: {  	v60 =	vadd.f32 v60, v44;
	v59 =	vadd.f32 v61, v46;
	v9 =	vmul.f32 v63, v9  }
0x94: {  	v21 =	vadd.f32 v21, v44;
	v11 =	vmul.f32 v11, v56;
	v8 =	vadd.f32 v57, v8  }
0x95: {  	s1 =	simm.s32 $0x200;
	v13 =	vperm.xlane v18, v6;
	v63 =	vld.idx.msk [tilespmem:v49+s31+$0xB0 ss:$0x1], $0xffff;
	v61 =	vmul.f32 v59, v58;
	v9 =	vadd.f32 v9, v60  }
0x96: {  	v60 =	vld.idx.msk [tilespmem:v49+s30+$0x40 ss:$0x1], $0xffff;
	v11 =	vadd.f32 v11, v21;
	[tilespmem:s1+$0xC380] =	vst v8;
	v8 =	vmul.f32 v62, v47  }
0x97: {  	v21 =	vmul.f32 v12, v47;
	v20 =	vadd.f32 v61, v20;
	[tilespmem:s30+$0xC3D0] =	vst v9;
	v56 =	vld.idx.msk [tilespmem:v50+s1+$0x90 ss:$0x1], $0xffff  }
0x98: {  	[tilespmem:s1+$0xC300] =	vst v11;
	v9 =	vmul.f32 v62, v45;
	v11 =	vld.idx.msk [tilespmem:v50+s30+$0xE0 ss:$0x1], $0xffff;
	v8 =	vadd.f32 v8, v46  }
0x99: {  	v12 =	vmul.f32 v12, v45;
	[tilespmem:s31+$0xC320] =	vst v20;
	v20 =	vadd.f32 v21, v46;
	v21 =	vld.idx.msk [tilespmem:v50+s1+$0x10 ss:$0x1], $0xffff  }
0x9a: {  	v57 =	vmul.f32 v7, v19;
	v58 =	vld.idx.msk [tilespmem:v49+s1+$0x90 ss:$0x1], $0xffff;
	v9 =	vadd.f32 v9, v44;
	v8 =	vmul.f32 v8, v63  }
0x9b: {  	v12 =	vadd.f32 v12, v44;
	v10 =	vld.idx.msk [tilespmem:v50+s31+$0x30 ss:$0x1], $0xffff;
	[tilespmem:$0x1FFE0] =	vst v13;
	v20 =	vmul.f32 v20, v60  }
0x9c: {  	v55 =	vperm.xlane v53, v6;
	v8 =	vadd.f32 v8, v9;
	v9 =	vld.idx.msk [tilespmem:v49+s30+$0xE0 ss:$0x1], $0xffff;
	v59 =	vmul.f32 v56, v47  }
0x9d: {  	v60 =	vperm.xlane v57, v1;
	v61 =	vld.idx.msk [tilespmem:v49+s1+$0x10 ss:$0x1], $0xffff;
	v12 =	vadd.f32 v20, v12;
	v20 =	vmul.f32 v11, v47  }
0x9e: {  	v56 =	vmul.f32 v56, v45;
	[tilespmem:s31+$0xC3B0] =	vst v8;
	v8 =	vmul.f32 v21, v47;
	v59 =	vadd.f32 v59, v46  }
0x9f: {  	v11 =	vmul.f32 v11, v45;
	v21 =	vmul.f32 v21, v45;
	v20 =	vadd.f32 v20, v46;
	v62 =	vld.idx.msk [tilespmem:v50+s31+$0xC0 ss:$0x1], $0xffff  }
0xa0: {  	v56 =	vadd.f32 v56, v44;
	[tilespmem:s30+$0xC340] =	vst v12;
	v8 =	vadd.f32 v8, v46;
	v58 =	vmul.f32 v59, v58  }
0xa1: {  	v11 =	vadd.f32 v11, v44;
	v12 =	vld.idx.msk [tilespmem:v50+s30+$0x50 ss:$0x1], $0xffff;
	v9 =	vmul.f32 v20, v9;
	v20 =	vadd.f32 v21, v44  }
0xa2: {  	v59 =	vld.idx.msk [tilespmem:v49+s31+$0x30 ss:$0x1], $0xffff;
	v8 =	vmul.f32 v8, v61;
	v21 =	vadd.f32 v58, v56;
	v56 =	vadd.f32 v60, v57  }
0xa3: {  	v61 =	vmul.f32 v10, v47;
	v58 =	vld.idx.msk [tilespmem:v49+s31+$0xC0 ss:$0x1], $0xffff;
	v10 =	vmul.f32 v10, v45;
	v9 =	vadd.f32 v9, v11  }
0xa4: {  	v11 =	vld.idx.msk [tilespmem:v49+s30+$0x50 ss:$0x1], $0xffff;
	v8 =	vadd.f32 v8, v20;
	[tilespmem:s1+$0xC390] =	vst v21;
	v20 =	vmul.f32 v62, v47  }
0xa5: {  	v21 =	vadd.f32 v61, v46;
	v60 =	vperm.xlane v56, v4;
	v57 =	vld.idx.msk [tilespmem:v50+s1+$0xA0 ss:$0x1], $0xffff;
	[tilespmem:s30+$0xC3E0] =	vst v9  }
0xa6: {  	[tilespmem:s1+$0xC310] =	vst v8;
	v8 =	vmul.f32 v62, v45;
	v9 =	vadd.f32 v20, v46;
	v20 =	vld.idx.msk [tilespmem:v50+s30+$0xEC ss:$0x1], $0xffff  }
0xa7: {  	s24 =	sadd.s32 $0x100, s2;
	v10 =	vadd.f32 v10, v44;
	v61 =	vmul.f32 v12, v47;
	v21 =	vmul.f32 v21, v59;
	v62 =	vld.idx.msk [tilespmem:v50+s1+$0x20 ss:$0x1], $0xffff  }
0xa8: {  	s2 =	sand.u32 $0xFFFFFF80, s24;
	v56 =	vadd.f32 v60, v56;
	v60 =	vld.idx.msk [tilespmem:v49+s30+$0xEC ss:$0x1], $0xffff;
	v8 =	vadd.f32 v8, v44;
	v9 =	vmul.f32 v9, v58  }
0xa9: {  	v29 =	vperm.xlane v28, v6;
	s26 =	sadd.s32 $0x80, s24;
	s2 =	sor.u32 s2, s0;
	v12 =	vmul.f32 v12, v45;
	v59 =	vadd.f32 v61, v46;
	v58 =	vld.idx.msk [tilespmem:v49+s1+$0xA0 ss:$0x1], $0xffff  }
0xaa: {  	s21 =	sand.u32 $0xFFFFFF80, s26;
	v10 =	vadd.f32 v21, v10;
	v8 =	vadd.f32 v9, v8;
	v9 =	vld [tilespmem:s2+$0x0];
	v21 =	vmul.f32 v57, v47  }
0xab: {  	s19 =	sadd.s32 $0x100, s19;
	s21 =	sor.u32 s21, s0;
	v12 =	vadd.f32 v12, v44;
	v11 =	vmul.f32 v59, v11;
	v59 =	vld.idx.msk [tilespmem:v49+s1+$0x20 ss:$0x1], $0xffff;
	v61 =	vmul.f32 v20, v47  }
0xac: {  	s23 =	sand.u32 $0xFFFFFF80, s19;
	v63 =	vld [tilespmem:s21+$0x0];
	v57 =	vmul.f32 v57, v45;
	[tilespmem:s31+$0xC3C0] =	vst v8;
	v8 =	vmul.f32 v62, v47;
	v21 =	vadd.f32 v21, v46  }
0xad: {  	s25 =	sadd.s32 $0x80, s19;
	v11 =	vadd.f32 v11, v12;
	s2 =	sor.u32 s23, s4;
	v20 =	vmul.f32 v20, v45;
	v12 =	vld.idx.msk [tilespmem:v50+s31+$0xD0 ss:$0x1], $0xffff;
	v61 =	vadd.f32 v61, v46  }
0xae: {  	s21 =	sand.u32 $0xFFFFFF80, s25;
	[tilespmem:s31+$0xC330] =	vst v10;
	v10 =	vld [tilespmem:s2+$0x0];
	v57 =	vadd.f32 v57, v44;
	v8 =	vadd.f32 v8, v46;
	v21 =	vmul.f32 v21, v58  }
0xaf: {  	s26 =	sor.u32 s21, s4;
	v20 =	vadd.f32 v20, v44;
	v60 =	vmul.f32 v61, v60;
	v61 =	vmul.f32 v9, v47  }
0xb0: {  	v62 =	vmul.f32 v62, v45;
	v8 =	vmul.f32 v8, v59;
	v59 =	vld [tilespmem:s26+$0x0];
	v21 =	vadd.f32 v21, v57  }
0xb1: {  	v57 =	vld.idx.msk [tilespmem:v49+s31+$0xD0 ss:$0x1], $0xffff;
	v61 =	vadd.f32 v61, v46;
	v60 =	vadd.f32 v60, v20;
	v20 =	vmul.f32 v63, v47  }
0xb2: {  	v58 =	vld.idx.msk [tilespmem:v50+s31+$0x40 ss:$0x1], $0xffff;
	v9 =	vmul.f32 v9, v45;
	[tilespmem:s1+$0xC3A0] =	vst v21;
	v21 =	vmul.f32 v12, v47  }
0xb3: {  	v63 =	vmul.f32 v63, v45;
	v20 =	vadd.f32 v20, v46;
	v10 =	vmul.f32 v61, v10;
	v61 =	vld.idx.msk [tilespmem:v50+s1+$0xB0 ss:$0x1], $0xffff  }
0xb4: {  	[tilespmem:s30+$0xC350] =	vst v11;
	v62 =	vadd.f32 v62, v44;
	v11 =	vmul.f32 v12, v45;
	v12 =	vadd.f32 v21, v46  }
0xb5: {  	v9 =	vadd.f32 v9, v44;
	v21 =	vld.idx.msk [tilespmem:v49+s31+$0x40 ss:$0x1], $0xffff;
	v20 =	vmul.f32 v20, v59;
	v59 =	vadd.f32 v63, v44  }
0xb6: {  	v8 =	vadd.f32 v8, v62;
	v11 =	vadd.f32 v11, v44;
	v12 =	vmul.f32 v12, v57;
	v57 =	vld.idx.msk [tilespmem:v50+s30+$0x60 ss:$0x1], $0xffff  }
0xb7: {  	v9 =	vadd.f32 v10, v9;
	v63 =	vmul.f32 v58, v47;
	v10 =	vadd.f32 v20, v59;
	v20 =	vld.idx.msk [tilespmem:v49+s1+$0xB0 ss:$0x1], $0xffff  }
0xb8: {  	v32 =	vperm.xlane v30, v6;
	s2 =	simm.s32 $0x300;
	[tilespmem:s1+$0xC320] =	vst v8;
	v11 =	vadd.f32 v12, v11;
	v12 =	vmul.f32 v61, v47  }
0xb9: {  	v62 =	vperm.xlane v56, v5;
	v59 =	vadd.f32 v63, v46;
	[tilespmem:s2+$0xC380] =	vst v10;
	v10 =	vld.idx.msk [tilespmem:v50+s1+$0x30 ss:$0x1], $0xffff  }
0xba: {  	v8 =	vld.idx.msk [tilespmem:v49+s30+$0x60 ss:$0x1], $0xffff;
	[tilespmem:s2+$0xC300] =	vst v9;
	v61 =	vmul.f32 v61, v45;
	v12 =	vadd.f32 v12, v46  }
0xbb: {  	v58 =	vmul.f32 v58, v45;
	v21 =	vmul.f32 v59, v21;
	[tilespmem:s31+$0xC3D0] =	vst v11;
	v11 =	vld.idx.msk [tilespmem:v50+s2+$0x90 ss:$0x1], $0xffff  }
0xbc: {  	v61 =	vadd.f32 v61, v44;
	v9 =	vmul.f32 v57, v47;
	v59 =	vld.idx.msk [tilespmem:v50+s31+$0xE0 ss:$0x1], $0xffff;
	v12 =	vmul.f32 v12, v20  }
0xbd: {  	v58 =	vadd.f32 v58, v44;
	v63 =	vld.idx.msk [tilespmem:v50+s2+$0x10 ss:$0x1], $0xffff;
	v20 =	vadd.f32 v62, v56;
	v62 =	vmul.f32 v57, v45  }
0xbe: {  	[tilespmem:s30+$0xC3EC] =	vst v60;
	v9 =	vadd.f32 v9, v46;
	v12 =	vadd.f32 v12, v61;
	v61 =	vmul.f32 v10, v45  }
0xbf: {  	v21 =	vadd.f32 v21, v58;
	v57 =	vld.idx.msk [tilespmem:v49+s2+$0x90 ss:$0x1], $0xffff;
	v10 =	vmul.f32 v10, v47;
	v13 =	vperm.xlane v20, v6  }
0xc0: {  	v60 =	vld.idx.msk [tilespmem:v49+s2+$0x10 ss:$0x1], $0xffff;
	v56 =	vadd.f32 v62, v44;
	v8 =	vmul.f32 v9, v8;
	v9 =	vmul.f32 v11, v47  }
0xc1: {  	v58 =	vld.idx.msk [tilespmem:v49+s31+$0xE0 ss:$0x1], $0xffff;
	[tilespmem:s31+$0xC340] =	vst v21;
	v11 =	vmul.f32 v11, v45;
	v21 =	vmul.f32 v59, v47  }
0xc2: {  	[tilespmem:s1+$0xC3B0] =	vst v12;
	v12 =	vmul.f32 v63, v47;
	v8 =	vadd.f32 v8, v56;
	v9 =	vadd.f32 v9, v46  }
0xc3: {  	v59 =	vmul.f32 v59, v45;
	v63 =	vmul.f32 v63, v45;
	v56 =	vld.idx.msk [tilespmem:v49+s1+$0x30 ss:$0x1], $0xffff;
	v11 =	vadd.f32 v11, v44  }
0xc4: {  	v21 =	vadd.f32 v21, v46;
	v9 =	vmul.f32 v9, v57;
	v57 =	vld.idx.msk [tilespmem:v50+s31+$0x50 ss:$0x1], $0xffff;
	[tilespmem:s30+$0xC360] =	vst v8  }
0xc5: {  	v62 =	vld.idx.msk [tilespmem:v50+s1+$0xC0 ss:$0x1], $0xffff;
	v12 =	vadd.f32 v12, v46;
	v8 =	vadd.f32 v10, v46;
	[tilespmem:$0x1FFF0] =	vst v13  }
0xc6: {  	v10 =	vadd.f32 v59, v44;
	v58 =	vmul.f32 v21, v58;
	v9 =	vadd.f32 v9, v11;
	v11 =	vld.idx.msk [tilespmem:v49+s31+$0x50 ss:$0x1], $0xffff  }
0xc7: {  	v33 =	vperm.xlane v31, v6;
	v59 =	vadd.f32 v63, v44;
	v12 =	vmul.f32 v12, v60;
	v13 =	vld.idx.msk [tilespmem:v50+s30+$0x6C ss:$0x1], $0xffff  }
0xc8: {  	v60 =	vadd.f32 v61, v44;
	v8 =	vmul.f32 v8, v56;
	v10 =	vadd.f32 v58, v10;
	v58 =	vld.idx.msk [tilespmem:v49+s1+$0xC0 ss:$0x1], $0xffff  }
0xc9: {  	v12 =	vadd.f32 v12, v59;
	[tilespmem:s2+$0xC390] =	vst v9;
	v59 =	vmul.f32 v57, v45;
	v57 =	vmul.f32 v57, v47  }
0xca: {  	v35 =	vperm.xlane v34, v6;
	v56 =	vld.idx.msk [tilespmem:v49+s30+$0x6C ss:$0x1], $0xffff;
	v9 =	vmul.f32 v62, v47;
	[tilespmem:s31+$0xC3E0] =	vst v10  }
0xcb: {  	v8 =	vadd.f32 v8, v60;
	v63 =	vld.idx.msk [tilespmem:v50+s2+$0xA0 ss:$0x1], $0xffff;
	[tilespmem:s2+$0xC310] =	vst v12;
	v10 =	vadd.f32 v57, v46  }
0xcc: {  	v12 =	vmul.f32 v62, v45;
	v9 =	vadd.f32 v9, v46;
	v62 =	vld.idx.msk [tilespmem:v49+s2+$0x20 ss:$0x1], $0xffff;
	v60 =	vadd.f32 v59, v44  }
0xcd: {  	v57 =	vld.idx.msk [tilespmem:v50+s31+$0xEC ss:$0x1], $0xffff;
	[tilespmem:s1+$0xC330] =	vst v8;
	v59 =	vmul.f32 v13, v47;
	v61 =	vmul.f32 v10, v11  }
0xce: {  	s24 =	sadd.s32 $0x100, s24;
	s21 =	simm.s32 $0x6;
	s23 =	simm.s32 $0xC00;
	v8 =	vld.idx.msk [tilespmem:v50+s2+$0x20 ss:$0x1], $0xffff;
	v9 =	vmul.f32 v9, v58;
	v58 =	vmul.f32 v13, v45;
	v10 =	vadd.f32 v12, v44  }
.LBB2_2:
0xcf: {  	s25 =	sand.u32 $0xFFFFFF80, s24;
	s26 =	sadd.s32 $0x80, s24;
	v11 =	vld.idx.msk [tilespmem:v49+s2+$0xA0 ss:$0x1], $0xffff;
	v12 =	vadd.f32 v61, v60;
	v13 =	vadd.f32 v59, v46  }
0xd0: {  	s21 =	sadd.s32 $0x2, s21;
	s25 =	sor.u32 s25, s0;
	s26 =	sand.u32 $0xFFFFFF80, s26;
	v9 =	vadd.f32 v9, v10;
	v10 =	vld.idx.msk [tilespmem:v49+s31+$0xEC ss:$0x1], $0xffff;
	v58 =	vadd.f32 v58, v44  }
0xd1: {  	p0 =	slt.u32 s21, $0x7A;
	v60 =	vmul.f32 v63, v47;
	v59 =	vld [tilespmem:s25+$0x0];
	s25 =	sor.u32 s26, s0;
	[tilespmem:s31+$0xC350] =	vst v12;
	v12 =	vmul.f32 v13, v56  }
0xd2: {  	s19 =	sadd.s32 $0x100, s19;
	v13 =	vld [tilespmem:s25+$0x0];
	[tilespmem:s1+$0xC3C0] =	vst v9;
	v9 =	vmul.f32 v57, v47  }
0xd3: {  	v61 =	vmul.f32 v63, v45;
	s26 =	sadd.s32 $0x80, s19;
	s25 =	sand.u32 $0xFFFFFF80, s19;
	v56 =	vmul.f32 v8, v47;
	v60 =	vadd.f32 v60, v46;
	v63 =	vld.idx.msk [tilespmem:v50+s1+$0xD0 ss:$0x1], $0xffff  }
0xd4: {  	s26 =	sand.u32 $0xFFFFFF80, s26;
	v8 =	vmul.f32 v8, v45;
	v57 =	vmul.f32 v57, v45;
	s25 =	sor.u32 s25, s4;
	v16 =	vld.idx.msk [tilespmem:v50+s1+$0x40 ss:$0x1], $0xffff;
	v9 =	vadd.f32 v9, v46  }
0xd5: {  	v61 =	vadd.f32 v61, v44;
	v56 =	vadd.f32 v56, v46;
	v11 =	vmul.f32 v60, v11;
	v17 =	vld [tilespmem:s25+$0x0];
	s25 =	sor.u32 s26, s4  }
0xd6: {  	v57 =	vadd.f32 v57, v44;
	v60 =	vmul.f32 v59, v47;
	v19 =	vld [tilespmem:s25+$0x0];
	v9 =	vmul.f32 v9, v10  }
0xd7: {  	v10 =	vmul.f32 v59, v45;
	v56 =	vmul.f32 v56, v62;
	v11 =	vadd.f32 v11, v61;
	v59 =	vld.idx.msk [tilespmem:v49+s1+$0xD0 ss:$0x1], $0xffff  }
0xd8: {  	v61 =	vmul.f32 v13, v47;
	v60 =	vadd.f32 v60, v46;
	v62 =	vld.idx.msk [tilespmem:v49+s1+$0x40 ss:$0x1], $0xffff;
	v9 =	vadd.f32 v9, v57  }
0xd9: {  	v8 =	vadd.f32 v8, v44;
	v10 =	vadd.f32 v10, v44;
	[tilespmem:s2+$0xC3A0] =	vst v11;
	v11 =	vmul.f32 v63, v47  }
0xda: {  	v13 =	vmul.f32 v13, v45;
	v57 =	vadd.f32 v61, v46;
	v61 =	vld.idx.msk [tilespmem:v50+s2+$0xB0 ss:$0x1], $0xffff;
	[tilespmem:s31+$0xC3EC] =	vst v9  }
0xdb: {  	v9 =	vmul.f32 v60, v17;
	v17 =	vmul.f32 v63, v45;
	v11 =	vadd.f32 v11, v46;
	v60 =	vld.idx.msk [tilespmem:v50+s31+$0x60 ss:$0x1], $0xffff  }
0xdc: {  	v8 =	vadd.f32 v56, v8;
	v13 =	vadd.f32 v13, v44;
	v19 =	vmul.f32 v57, v19;
	v56 =	vld.idx.msk [tilespmem:v49+s31+$0x60 ss:$0x1], $0xffff  }
0xdd: {  	v9 =	vadd.f32 v9, v10;
	v10 =	vadd.f32 v17, v44;
	v11 =	vmul.f32 v11, v59  }
0xde: {  	s23 =	sadd.s32 $0x400, s23;
	v17 =	vmul.f32 v16, v47;
	v13 =	vadd.f32 v19, v13;
	[tilespmem:s2+$0xC320] =	vst v8;
	v8 =	vld.idx.msk [tilespmem:v49+s2+$0xB0 ss:$0x1], $0xffff  }
0xdf: {  	s25 =	sshra.s32 s23, $0x2;
	v16 =	vmul.f32 v16, v45;
	v19 =	vld.idx.msk [tilespmem:v50+s2+$0x30 ss:$0x1], $0xffff;
	v10 =	vadd.f32 v11, v10;
	v11 =	vadd.f32 v12, v58  }
0xe0: {  	v17 =	vadd.f32 v17, v46;
	[tilespmem:s25+$0xC380] =	vst v13;
	v12 =	vld.idx.msk [tilespmem:v49+s2+$0x30 ss:$0x1], $0xffff;
	v13 =	vmul.f32 v61, v47  }
0xe1: {  	v16 =	vadd.f32 v16, v44;
	v57 =	vld.idx.msk [tilespmem:v50+s25+$0x90 ss:$0x1], $0xffff;
	[tilespmem:s1+$0xC3D0] =	vst v10;
	v10 =	vmul.f32 v60, v47  }
0xe2: {  	[tilespmem:s25+$0xC300] =	vst v9;
	v9 =	vmul.f32 v61, v45;
	v13 =	vadd.f32 v13, v46;
	v58 =	vld.idx.msk [tilespmem:v50+s1+$0xE0 ss:$0x1], $0xffff  }
0xe3: {  	v17 =	vmul.f32 v17, v62;
	v60 =	vmul.f32 v60, v45;
	v59 =	vld.idx.msk [tilespmem:v50+s25+$0x10 ss:$0x1], $0xffff;
	v10 =	vadd.f32 v10, v46  }
0xe4: {  	v61 =	vld.idx.msk [tilespmem:v49+s25+$0x10 ss:$0x1], $0xffff;
	v9 =	vadd.f32 v9, v44;
	v8 =	vmul.f32 v13, v8;
	[tilespmem:s30+$0xC36C] =	vst v11;
	s30 =	smov.u32 s31;
	s31 =	smov.u32 s1;
	s1 =	smov.u32 s2  }
0xe5: {  	v16 =	vadd.f32 v17, v16;
	v13 =	vmul.f32 v19, v45;
	v19 =	vmul.f32 v19, v47;
	s2 =	smov.u32 s25;
	v11 =	vld.idx.msk [tilespmem:v49+s25+$0x90 ss:$0x1], $0xffff  }
0xe6: {  	v17 =	vadd.f32 v60, v44;
	v10 =	vmul.f32 v10, v56;
	v8 =	vadd.f32 v8, v9;
	v9 =	vld.idx.msk [tilespmem:v49+s31+$0xE0 ss:$0x1], $0xffff  }
0xe7: {  	v56 =	vmul.f32 v57, v47;
	v13 =	vadd.f32 v13, v44;
	v19 =	vadd.f32 v19, v46;
	[tilespmem:s31+$0xC340] =	vst v16  }
0xe8: {  	v16 =	vmul.f32 v58, v47;
	v10 =	vadd.f32 v10, v17;
	[tilespmem:s1+$0xC3B0] =	vst v8;
	v8 =	vld.idx.msk [tilespmem:v50+s31+$0x50 ss:$0x1], $0xffff  }
0xe9: {  	v57 =	vmul.f32 v57, v45;
	v17 =	vmul.f32 v59, v47;
	v56 =	vadd.f32 v56, v46;
	v62 =	vld.idx.msk [tilespmem:v50+s1+$0xC0 ss:$0x1], $0xffff  }
0xea: {  	v58 =	vmul.f32 v58, v45;
	v59 =	vmul.f32 v59, v45;
	v16 =	vadd.f32 v16, v46;
	v21 =	vld.idx.msk [tilespmem:v49+s31+$0x50 ss:$0x1], $0xffff  }
0xeb: {  	v57 =	vadd.f32 v57, v44;
	v17 =	vadd.f32 v17, v46;
	v11 =	vmul.f32 v56, v11;
	[tilespmem:s30+$0xC360] =	vst v10  }
0xec: {  	v56 =	vadd.f32 v58, v44;
	v10 =	vadd.f32 v59, v44;
	v9 =	vmul.f32 v16, v9;
	v16 =	vld.idx.msk [tilespmem:v50+s30+$0x6C ss:$0x1], $0xffff  }
0xed: {  	v12 =	vmul.f32 v19, v12;
	v17 =	vmul.f32 v17, v61;
	v11 =	vadd.f32 v11, v57;
	v19 =	vld.idx.msk [tilespmem:v49+s1+$0xC0 ss:$0x1], $0xffff  }
0xee: {  	v57 =	vmul.f32 v8, v45;
	v8 =	vmul.f32 v8, v47;
	v9 =	vadd.f32 v9, v56;
	v56 =	vld.idx.msk [tilespmem:v49+s30+$0x6C ss:$0x1], $0xffff  }
.Ltmp0:
0xef: {  	v10 =	vadd.f32 v17, v10;
	[tilespmem:s2+$0xC390] =	vst v11;
	v11 =	vadd.f32 v12, v13;
	v12 =	vmul.f32 v62, v47;
	(pc) =	sbr.rel @p0 .LBB2_2-.Ltmp0, $4  }
0xf0: {  	v60 =	vadd.f32 v57, v44;
	v13 =	vadd.f32 v8, v46;
	v63 =	vld.idx.msk [tilespmem:v50+s2+$0xA0 ss:$0x1], $0xffff;
	[tilespmem:s31+$0xC3E0] =	vst v9  }
0xf1: {  	v9 =	vmul.f32 v62, v45;
	[tilespmem:s2+$0xC310] =	vst v10;
	v12 =	vadd.f32 v12, v46;
	v57 =	vld.idx.msk [tilespmem:v50+s31+$0xEC ss:$0x1], $0xffff  }
0xf2: {  	v61 =	vmul.f32 v13, v21;
	v59 =	vmul.f32 v16, v47;
	v8 =	vld.idx.msk [tilespmem:v50+s2+$0x20 ss:$0x1], $0xffff;
	[tilespmem:s1+$0xC330] =	vst v11  }
0xf3: {  	s24 =	sadd.s32 $0x100, s24;
	v58 =	vmul.f32 v16, v45;
	v10 =	vadd.f32 v9, v44;
	v62 =	vld.idx.msk [tilespmem:v49+s2+$0x20 ss:$0x1], $0xffff;
	v9 =	vmul.f32 v12, v19  }
0xf4: {  	_ =	sdelay $0x3  }
0xf5: {  	v11 =	vld.idx.msk [tilespmem:v49+s2+$0xA0 ss:$0x1], $0xffff  }
0xf6: {  	v12 =	vmul.f32 v63, v47;
	_ =	sdelay $0x1  }
0xf7: {  	v13 =	vmul.f32 v63, v45;
	v12 =	vadd.f32 v12, v46;
	_ =	sdelay $0x1  }
0xf8: {  	v16 =	vmul.f32 v8, v47;
	v13 =	vadd.f32 v13, v44;
	v11 =	vmul.f32 v12, v11;
	_ =	sdelay $0x1  }
0xf9: {  	v8 =	vmul.f32 v8, v45;
	v12 =	vadd.f32 v16, v46;
	v11 =	vadd.f32 v11, v13;
	_ =	sdelay $0x1  }
0xfa: {  	v8 =	vadd.f32 v8, v44;
	v12 =	vmul.f32 v12, v62;
	[tilespmem:s2+$0xC3A0] =	vst v11  }
0xfb: {  	v11 =	vld.idx.msk [tilespmem:v50+s2+$0xB0 ss:$0x1], $0xffff  }
0xfc: {  	v8 =	vadd.f32 v12, v8;
	_ =	sdelay $0x1  }
0xfd: {  	[tilespmem:s2+$0xC320] =	vst v8;
	v8 =	vld.idx.msk [tilespmem:v49+s2+$0xB0 ss:$0x1], $0xffff  }
0xfe: {  	v12 =	vld.idx.msk [tilespmem:v50+s2+$0x30 ss:$0x1], $0xffff  }
0xff: {  	v13 =	vmul.f32 v11, v47;
	_ =	sdelay $0x1  }
0x100: {  	v11 =	vmul.f32 v11, v45;
	v13 =	vadd.f32 v13, v46  }
0x101: {  	v16 =	vld.idx.msk [tilespmem:v49+s2+$0x30 ss:$0x1], $0xffff  }
0x102: {  	v11 =	vadd.f32 v11, v44;
	v8 =	vmul.f32 v13, v8;
	v13 =	vmul.f32 v12, v47;
	_ =	sdelay $0x1  }
0x103: {  	v12 =	vmul.f32 v12, v45;
	v8 =	vadd.f32 v8, v11;
	v11 =	vadd.f32 v13, v46;
	_ =	sdelay $0x1  }
0x104: {  	v12 =	vadd.f32 v12, v44;
	[tilespmem:s2+$0xC3B0] =	vst v8;
	v8 =	vmul.f32 v11, v16  }
0x105: {  	v11 =	vld.idx.msk [tilespmem:v50+s2+$0xC0 ss:$0x1], $0xffff  }
0x106: {  	v13 =	vld.idx.msk [tilespmem:v50+s1+$0x40 ss:$0x1], $0xffff;
	v8 =	vadd.f32 v8, v12;
	_ =	sdelay $0x1  }
0x107: {  	v12 =	vld.idx.msk [tilespmem:v49+s2+$0xC0 ss:$0x1], $0xffff;
	[tilespmem:s2+$0xC330] =	vst v8  }
0x108: {  	v8 =	vld.idx.msk [tilespmem:v50+s2+$0x40 ss:$0x1], $0xffff  }
0x109: {  	v16 =	vld.idx.msk [tilespmem:v49+s1+$0x40 ss:$0x1], $0xffff;
	v17 =	vmul.f32 v11, v47  }
0x10a: {  	v19 =	vmul.f32 v13, v47  }
0x10b: {  	v9 =	vadd.f32 v9, v10;
	v10 =	vmul.f32 v11, v45;
	v11 =	vadd.f32 v17, v46  }
0x10c: {  	v13 =	vmul.f32 v13, v45;
	v17 =	vadd.f32 v19, v46;
	v19 =	vld.idx.msk [tilespmem:v49+s2+$0x40 ss:$0x1], $0xffff  }
0x10d: {  	[tilespmem:s1+$0xC3C0] =	vst v9;
	v9 =	vadd.f32 v10, v44;
	v10 =	vmul.f32 v11, v12;
	v11 =	vmul.f32 v8, v47  }
0x10e: {  	v13 =	vadd.f32 v13, v44;
	v12 =	vmul.f32 v17, v16;
	v16 =	vld.idx.msk [tilespmem:v50+s1+$0xD0 ss:$0x1], $0xffff  }
0x10f: {  	v8 =	vmul.f32 v8, v45;
	v9 =	vadd.f32 v10, v9;
	v10 =	vadd.f32 v11, v46  }
0x110: {  	v11 =	vadd.f32 v12, v13  }
0x111: {  	v12 =	vld.idx.msk [tilespmem:v49+s1+$0xD0 ss:$0x1], $0xffff;
	v8 =	vadd.f32 v8, v44;
	[tilespmem:s2+$0xC3C0] =	vst v9;
	v9 =	vmul.f32 v10, v19  }
0x112: {  	[tilespmem:s1+$0xC340] =	vst v11;
	v10 =	vld.idx.msk [tilespmem:v50+s2+$0xD0 ss:$0x1], $0xffff  }
0x113: {  	v11 =	vmul.f32 v16, v47;
	v13 =	vld.idx.msk [tilespmem:v50+s1+$0x50 ss:$0x1], $0xffff;
	v8 =	vadd.f32 v9, v8;
	_ =	sdelay $0x1  }
0x114: {  	v9 =	vmul.f32 v16, v45;
	v16 =	vld.idx.msk [tilespmem:v49+s2+$0xD0 ss:$0x1], $0xffff;
	v11 =	vadd.f32 v11, v46;
	[tilespmem:s2+$0xC340] =	vst v8  }
0x115: {  	v8 =	vadd.f32 v61, v60;
	v17 =	vld.idx.msk [tilespmem:v50+s2+$0x50 ss:$0x1], $0xffff  }
0x116: {  	v9 =	vadd.f32 v9, v44;
	v11 =	vmul.f32 v11, v12;
	v12 =	vld.idx.msk [tilespmem:v49+s1+$0x50 ss:$0x1], $0xffff;
	v19 =	vmul.f32 v10, v47  }
0x117: {  	[tilespmem:s31+$0xC350] =	vst v8;
	v8 =	vmul.f32 v13, v47  }
0x118: {  	v10 =	vmul.f32 v10, v45;
	v21 =	vld.idx.msk [tilespmem:v50+s31+$0x60 ss:$0x1], $0xffff;
	v9 =	vadd.f32 v11, v9;
	v11 =	vadd.f32 v19, v46  }
0x119: {  	v13 =	vmul.f32 v13, v45;
	v8 =	vadd.f32 v8, v46;
	v19 =	vld.idx.msk [tilespmem:v49+s2+$0x50 ss:$0x1], $0xffff  }
0x11a: {  	[tilespmem:s1+$0xC3D0] =	vst v9;
	v9 =	vadd.f32 v10, v44;
	v10 =	vmul.f32 v11, v16;
	v11 =	vmul.f32 v17, v47  }
0x11b: {  	v13 =	vadd.f32 v13, v44;
	v16 =	vld.idx.msk [tilespmem:v50+s1+$0xE0 ss:$0x1], $0xffff;
	v8 =	vmul.f32 v8, v12  }
0x11c: {  	v12 =	vld.idx.msk [tilespmem:v49+s31+$0x60 ss:$0x1], $0xffff;
	v9 =	vadd.f32 v10, v9;
	v10 =	vmul.f32 v17, v45;
	v11 =	vadd.f32 v11, v46  }
0x11d: {  	v17 =	vld.idx.msk [tilespmem:v49+s1+$0xE0 ss:$0x1], $0xffff  }
0x11e: {  	v8 =	vadd.f32 v8, v13;
	[tilespmem:s2+$0xC3D0] =	vst v9;
	v9 =	vadd.f32 v10, v44;
	v10 =	vmul.f32 v11, v19  }
0x11f: {  	v11 =	vmul.f32 v21, v47;
	v13 =	vld.idx.msk [tilespmem:v50+s2+$0xE0 ss:$0x1], $0xffff  }
0x120: {  	[tilespmem:s1+$0xC350] =	vst v8;
	v19 =	vmul.f32 v16, v47;
	v8 =	vadd.f32 v10, v9  }
0x121: {  	v9 =	vmul.f32 v21, v45;
	v10 =	vadd.f32 v11, v46;
	v11 =	vld.idx.msk [tilespmem:v50+s1+$0x60 ss:$0x1], $0xffff  }
0x122: {  	v16 =	vmul.f32 v16, v45;
	v21 =	vld.idx.msk [tilespmem:v49+s2+$0xE0 ss:$0x1], $0xffff;
	v19 =	vadd.f32 v19, v46;
	[tilespmem:s2+$0xC350] =	vst v8  }
0x123: {  	(v2sf) =	vpush v41, $0x0;
	v9 =	vadd.f32 v9, v44;
	v10 =	vmul.f32 v10, v12;
	v12 =	vld.idx.msk [tilespmem:v50+s2+$0x60 ss:$0x1], $0xffff  }
0x124: {  	v16 =	vadd.f32 v16, v44;
	v17 =	vmul.f32 v19, v17;
	v19 =	vmul.f32 v13, v47  }
0x125: {  	(v2sf) =	vpush v40, $0x0;
	v9 =	vadd.f32 v10, v9  }
0x126: {  	v13 =	vmul.f32 v13, v45;
	v10 =	vadd.f32 v17, v16;
	v16 =	vld.idx.msk [tilespmem:v49+s1+$0x60 ss:$0x1], $0xffff;
	v17 =	vadd.f32 v19, v46  }
0x127: {  	v58 =	vadd.f32 v58, v44;
	(v2sf) =	vpush v39, $0x0;
	v63 =	vld.idx.msk [tilespmem:v49+s2+$0x60 ss:$0x1], $0xffff;
	[tilespmem:s31+$0xC360] =	vst v9;
	v9 =	vmul.f32 v11, v47  }
0x128: {  	[tilespmem:s1+$0xC3E0] =	vst v10;
	v10 =	vadd.f32 v13, v44;
	v13 =	vmul.f32 v17, v21;
	v17 =	vmul.f32 v12, v47  }
0x129: {  	(v2sf) =	vpush v38, $0x0;
	v11 =	vmul.f32 v11, v45;
	v21 =	vld.idx.msk [tilespmem:v49+s31+$0xEC ss:$0x1], $0xffff;
	v9 =	vadd.f32 v9, v46  }
0x12a: {  	v12 =	vmul.f32 v12, v45;
	v10 =	vadd.f32 v13, v10;
	v13 =	vld.idx.msk [tilespmem:v50+s31+$0x6C ss:$0x1], $0xffff;
	v17 =	vadd.f32 v17, v46  }
0x12b: {  	v19 =	vmul.f32 v57, v47;
	v11 =	vadd.f32 v11, v44;
	v9 =	vmul.f32 v9, v16;
	v16 =	vld.idx.msk [tilespmem:v50+s1+$0xEC ss:$0x1], $0xffff  }
0x12c: {  	(v2sf) =	vpush v37, $0x0;
	v12 =	vadd.f32 v12, v44;
	v17 =	vmul.f32 v17, v63  }
0x12d: {  	v60 =	vmul.f32 v57, v45;
	v61 =	vld.idx.msk [tilespmem:v49+s31+$0x6C ss:$0x1], $0xffff;
	v19 =	vadd.f32 v19, v46;
	v9 =	vadd.f32 v9, v11  }
0x12e: {  	v8 =	vadd.f32 v59, v46;
	v11 =	vld.idx.msk [tilespmem:v49+s1+$0xEC ss:$0x1], $0xffff;
	[tilespmem:s2+$0xC3E0] =	vst v10;
	v10 =	vadd.f32 v17, v12  }
0x12f: {  	v19 =	vmul.f32 v19, v21;
	[tilespmem:s1+$0xC360] =	vst v9;
	v9 =	vld.idx.msk [tilespmem:v50+s2+$0xEC ss:$0x1], $0xffff;
	v17 =	vmul.f32 v13, v47  }
0x130: {  	v12 =	vadd.f32 v60, v44;
	v21 =	vmul.f32 v16, v47;
	v62 =	vld.idx.msk [tilespmem:v50+s1+$0x6C ss:$0x1], $0xffff;
	[tilespmem:s2+$0xC360] =	vst v10  }
0x131: {  	(v2sf) =	vpush v36, $0x0;
	v8 =	vmul.f32 v8, v56;
	v10 =	vadd.f32 v17, v46;
	v17 =	vld.idx.msk [tilespmem:v50+s2+$0x6C ss:$0x1], $0xffff  }
0x132: {  	v16 =	vmul.f32 v16, v45;
	v12 =	vadd.f32 v19, v12;
	v19 =	vadd.f32 v21, v46  }
0x133: {  	v8 =	vadd.f32 v8, v58;
	v13 =	vmul.f32 v13, v45;
	v21 =	vld.idx.msk [tilespmem:v49+s2+$0xEC ss:$0x1], $0xffff;
	v10 =	vmul.f32 v10, v61  }
0x134: {  	v16 =	vadd.f32 v16, v44;
	v11 =	vmul.f32 v19, v11;
	v19 =	vld.idx.msk [tilespmem:v49+s1+$0x6C ss:$0x1], $0xffff;
	v63 =	vmul.f32 v9, v47  }
0x135: {  	v13 =	vadd.f32 v13, v44;
	v56 =	vld.idx.msk [tilespmem:v49+s2+$0x6C ss:$0x1], $0xffff;
	v9 =	vmul.f32 v9, v45;
	v50 =	vmul.f32 v62, v47  }
0x136: {  	v11 =	vadd.f32 v11, v16;
	v16 =	vadd.f32 v63, v46;
	v57 =	vmul.f32 v17, v47  }
0x137: {  	v37 =	vmul.f32 v62, v45;
	v9 =	vadd.f32 v9, v44;
	v38 =	vadd.f32 v50, v46  }
0x138: {  	[tilespmem:s31+$0xC3EC] =	vst v12;
	v12 =	vmul.f32 v16, v21;
	v16 =	vmul.f32 v17, v45;
	v17 =	vadd.f32 v57, v46  }
0x139: {  	s4 =	spop (v2sf);
	[tilespmem:s30+$0xC36C] =	vst v8;
	v8 =	vadd.f32 v10, v13;
	v10 =	vadd.f32 v37, v44;
	v13 =	vmul.f32 v38, v19  }
0x13a: {  	s19 =	spop (v2sf);
	[tilespmem:s1+$0xC3EC] =	vst v11;
	v9 =	vadd.f32 v12, v9;
	v11 =	vadd.f32 v16, v44;
	v12 =	vmul.f32 v17, v56  }
0x13b: {  	s0 =	sshll.u32 s4, $0x7;
	s21 =	spop (v2sf);
	[tilespmem:s31+$0xC36C] =	vst v8;
	v8 =	vadd.f32 v13, v10  }
0x13c: {  	s0 =	sadd.s32 s0, s19;
	s23 =	spop (v2sf);
	s26 =	sshll.u32 s21, $0xE;
	[tilespmem:s2+$0xC3EC] =	vst v9;
	v9 =	vadd.f32 v12, v11  }
0x13d: {  	s25 =	simm.s32 $0x0;
	s24 =	spop (v2sf);
	s0 =	sadd.s32 s26, s0;
	[tilespmem:s1+$0xC36C] =	vst v8  }
0x13e: {  	s26 =	simm.s32 $0xC300;
	s1 =	sand.u32 $0x7F, s19;
	[tilespmem:s2+$0xC36C] =	vst v9;
	s2 =	sadd.s32 $0x80, s0  }
0x13f: {  	[hbm4b:s14+s25] =	stream.linear.scatter [tilespmem:s26], [sflag:$0x1], $0x3E00, $0x38;
	[tilespmem:$0x1C300] =	vst v63  }
0x140: {  	s25 =	spop (v2sf);
	s26 =	sshll.u32 s23, $0x7;
	s2 =	sand.u32 $0xFFFFFF80, s2  }
0x141: {  	s30 =	sshll.u32 s25, $0xE;
	s26 =	sadd.s32 s26, s24;
	s31 =	sor.u32 s2, s1  }
0x142: {  	s2 =	sadd.s32 s30, s26;
	v8 =	vld [tilespmem:s31+$0x0]  }
0x143: {  	s26 =	sadd.s32 $0x80, s2  }
0x144: {  	s31 =	sand.u32 $0x7F, s24;
	s26 =	sand.u32 $0xFFFFFF80, s26  }
0x145: {  	v39 =	vadd.f32 v55, v53;
	s26 =	sor.u32 s26, s31  }
0x146: {  	v9 =	vld [tilespmem:s26+$0x0]  }
0x147: {  	s4 =	sshll.u32 s4, $0x9;
	s21 =	sshll.u32 s21, $0x10;
	v37 =	vadd.f32 v51, v48;
	v38 =	vadd.f32 v54, v52;
	v10 =	vmul.f32 v8, v39  }
0x148: {  	s4 =	sadd.s32 s4, s21;
	s19 =	sshll.u32 s19, $0x2  }
0x149: {  	v36 =	vadd.f32 v43, v42;
	s4 =	sadd.s32 s19, s4;
	v8 =	vmul.f32 v8, v37;
	v10 =	vadd.f32 v10, v38  }
0x14a: {  	s4 =	sshra.s32 s4, $0x2  }
0x14b: {  	v41 =	vmov s4;
	s25 =	sshll.u32 s25, $0x10;
	s26 =	sshll.u32 s23, $0x9;
	v8 =	vadd.f32 v8, v36;
	v9 =	vmul.f32 v10, v9  }
0x14c: {  	s23 =	sshll.u32 s24, $0x2;
	s21 =	sadd.s32 s26, s25  }
0x14d: {  	s4 =	sadd.s32 s23, s21;
	v8 =	vadd.f32 v9, v8  }
0x14e: {  	s30 =	simm.s32 $0x0;
	s4 =	sshra.s32 s4, $0x2  }
0x14f: {  	s24 =	sand.u32 $0xFFFFFF80, s0;
	v40 =	vmov s4;
	[tilespmem:s30+$0x10380] =	vst v8  }
0x150: {  	s4 =	sor.u32 s24, s1;
	v8 =	vld.idx.msk [tilespmem:v41+s30+$0x90 ss:$0x1], $0xffff  }
0x151: {  	v9 =	vld [tilespmem:s4+$0x0];
	_ =	sdelay $0x1  }
0x152: {  	s25 =	sand.u32 $0xFFFFFF80, s2  }
0x153: {  	s4 =	sor.u32 s25, s31;
	v10 =	vld.idx.msk [tilespmem:v40+s30+$0x90 ss:$0x1], $0xffff  }
0x154: {  	v11 =	vld [tilespmem:s4+$0x0];
	v12 =	vmul.f32 v8, v39  }
0x155: {  	v13 =	vmul.f32 v9, v39  }
0x156: {  	v8 =	vmul.f32 v8, v37;
	v12 =	vadd.f32 v12, v38  }
0x157: {  	v9 =	vmul.f32 v9, v37;
	v13 =	vadd.f32 v13, v38  }
0x158: {  	v8 =	vadd.f32 v8, v36;
	v10 =	vmul.f32 v12, v10  }
0x159: {  	v9 =	vadd.f32 v9, v36;
	v11 =	vmul.f32 v13, v11  }
0x15a: {  	v8 =	vadd.f32 v10, v8  }
0x15b: {  	v9 =	vadd.f32 v11, v9  }
0x15c: {  	[tilespmem:s30+$0x10390] =	vst v8  }
0x15d: {  	[tilespmem:s30+$0x10300] =	vst v9;
	v8 =	vld.idx.msk [tilespmem:v41+s30+$0xA0 ss:$0x1], $0xffff  }
0x15e: {  	v9 =	vld.idx.msk [tilespmem:v41+s30+$0x10 ss:$0x1], $0xffff;
	_ =	sdelay $0x1  }
0x15f: {  	s26 =	sadd.s32 $0x100, s0  }
0x160: {  	s0 =	sadd.s32 $0x80, s26;
	v10 =	vld.idx.msk [tilespmem:v40+s30+$0xA0 ss:$0x1], $0xffff  }
0x161: {  	s0 =	sand.u32 $0xFFFFFF80, s0;
	v11 =	vld.idx.msk [tilespmem:v40+s30+$0x10 ss:$0x1], $0xffff;
	v12 =	vmul.f32 v8, v39  }
0x162: {  	s0 =	sor.u32 s0, s1;
	v13 =	vmul.f32 v9, v39  }
0x163: {  	s2 =	sadd.s32 $0x100, s2;
	v16 =	vld [tilespmem:s0+$0x0];
	v8 =	vmul.f32 v8, v37;
	v12 =	vadd.f32 v12, v38  }
0x164: {  	s19 =	sand.u32 $0xFFFFFF80, s26;
	s21 =	sadd.s32 $0x80, s2;
	v9 =	vmul.f32 v9, v37;
	v13 =	vadd.f32 v13, v38  }
0x165: {  	s0 =	sor.u32 s19, s1;
	s19 =	sand.u32 $0xFFFFFF80, s21;
	v8 =	vadd.f32 v8, v36;
	v10 =	vmul.f32 v12, v10  }
0x166: {  	s23 =	sor.u32 s19, s31;
	v9 =	vadd.f32 v9, v36;
	v11 =	vmul.f32 v13, v11;
	v12 =	vld [tilespmem:s0+$0x0]  }
0x167: {  	s24 =	sand.u32 $0xFFFFFF80, s2;
	v13 =	vld [tilespmem:s23+$0x0];
	v8 =	vadd.f32 v10, v8  }
0x168: {  	s25 =	sor.u32 s24, s31;
	v9 =	vadd.f32 v11, v9;
	v10 =	vmul.f32 v16, v39  }
0x169: {  	v11 =	vld [tilespmem:s25+$0x0];
	[tilespmem:s30+$0x103A0] =	vst v8  }
0x16a: {  	[tilespmem:s30+$0x10310] =	vst v9;
	v8 =	vmul.f32 v16, v37;
	v9 =	vadd.f32 v10, v38;
	v10 =	vld.idx.msk [tilespmem:v41+s30+$0xB0 ss:$0x1], $0xffff  }
0x16b: {  	v16 =	vld.idx.msk [tilespmem:v41+s30+$0x20 ss:$0x1], $0xffff;
	v17 =	vmul.f32 v12, v39  }
0x16c: {  	v8 =	vadd.f32 v8, v36;
	v9 =	vmul.f32 v9, v13  }
0x16d: {  	v12 =	vmul.f32 v12, v37;
	v13 =	vadd.f32 v17, v38  }
0x16e: {  	v8 =	vadd.f32 v9, v8;
	v9 =	vld.idx.msk [tilespmem:v40+s30+$0xB0 ss:$0x1], $0xffff  }
0x16f: {  	s0 =	simm.s32 $0x100;
	v17 =	vld.idx.msk [tilespmem:v40+s30+$0x20 ss:$0x1], $0xffff;
	v12 =	vadd.f32 v12, v36;
	v11 =	vmul.f32 v13, v11;
	v13 =	vmul.f32 v10, v39  }
0x170: {  	v19 =	vmul.f32 v16, v39;
	[tilespmem:s0+$0x10380] =	vst v8  }
0x171: {  	v10 =	vmul.f32 v10, v37;
	v8 =	vadd.f32 v11, v12;
	v11 =	vld.idx.msk [tilespmem:v41+s0+$0x90 ss:$0x1], $0xffff;
	v12 =	vadd.f32 v13, v38  }
0x172: {  	v13 =	vmul.f32 v16, v37;
	v16 =	vadd.f32 v19, v38  }
0x173: {  	[tilespmem:s0+$0x10300] =	vst v8;
	v8 =	vadd.f32 v10, v36;
	v9 =	vmul.f32 v12, v9  }
0x174: {  	v10 =	vmul.f32 v16, v17;
	v12 =	vadd.f32 v13, v36;
	v13 =	vld.idx.msk [tilespmem:v41+s0+$0x10 ss:$0x1], $0xffff  }
0x175: {  	v16 =	vld.idx.msk [tilespmem:v40+s0+$0x90 ss:$0x1], $0xffff;
	v8 =	vadd.f32 v9, v8  }
0x176: {  	v9 =	vadd.f32 v10, v12;
	v10 =	vmul.f32 v11, v39  }
0x177: {  	v12 =	vld.idx.msk [tilespmem:v40+s0+$0x10 ss:$0x1], $0xffff;
	[tilespmem:s30+$0x103B0] =	vst v8  }
0x178: {  	[tilespmem:s30+$0x10320] =	vst v9;
	v8 =	vmul.f32 v11, v37;
	v9 =	vadd.f32 v10, v38;
	v10 =	vld.idx.msk [tilespmem:v41+s30+$0xC0 ss:$0x1], $0xffff  }
0x179: {  	v11 =	vld.idx.msk [tilespmem:v41+s30+$0x30 ss:$0x1], $0xffff;
	v17 =	vmul.f32 v13, v39  }
0x17a: {  	v8 =	vadd.f32 v8, v36;
	v9 =	vmul.f32 v9, v16  }
0x17b: {  	v13 =	vmul.f32 v13, v37;
	v16 =	vadd.f32 v17, v38  }
0x17c: {  	v8 =	vadd.f32 v9, v8;
	v9 =	vld.idx.msk [tilespmem:v40+s30+$0xC0 ss:$0x1], $0xffff  }
0x17d: {  	v13 =	vadd.f32 v13, v36;
	v12 =	vmul.f32 v16, v12;
	v16 =	vmul.f32 v10, v39  }
0x17e: {  	v17 =	vld.idx.msk [tilespmem:v40+s30+$0x30 ss:$0x1], $0xffff;
	v19 =	vmul.f32 v11, v39;
	[tilespmem:s0+$0x10390] =	vst v8  }
0x17f: {  	v10 =	vmul.f32 v10, v37;
	v8 =	vadd.f32 v12, v13;
	v12 =	vld.idx.msk [tilespmem:v41+s0+$0xA0 ss:$0x1], $0xffff;
	v13 =	vadd.f32 v16, v38  }
0x180: {  	v11 =	vmul.f32 v11, v37  }
0x181: {  	s19 =	sadd.s32 $0x100, s26;
	v16 =	vadd.f32 v19, v38;
	[tilespmem:s0+$0x10310] =	vst v8;
	v8 =	vadd.f32 v10, v36;
	v9 =	vmul.f32 v13, v9  }
0x182: {  	s26 =	sadd.s32 $0x80, s19;
	s4 =	sand.u32 $0xFFFFFF80, s19;
	v10 =	vld.idx.msk [tilespmem:v41+s0+$0x20 ss:$0x1], $0xffff  }
0x183: {  	s21 =	sand.u32 $0xFFFFFF80, s26;
	s4 =	sor.u32 s4, s1;
	v11 =	vadd.f32 v11, v36;
	v13 =	vmul.f32 v16, v17;
	v16 =	vld.idx.msk [tilespmem:v40+s0+$0xA0 ss:$0x1], $0xffff;
	v8 =	vadd.f32 v9, v8  }
0x184: {  	s2 =	sadd.s32 $0x100, s2;
	s21 =	sor.u32 s21, s1;
	v9 =	vld [tilespmem:s4+$0x0];
	v17 =	vmul.f32 v12, v39  }
0x185: {  	s24 =	sand.u32 $0xFFFFFF80, s2;
	v11 =	vadd.f32 v13, v11;
	v13 =	vld [tilespmem:s21+$0x0];
	[tilespmem:s30+$0x103C0] =	vst v8  }
0x186: {  	s23 =	sadd.s32 $0x80, s2;
	s25 =	sor.u32 s24, s31;
	v8 =	vmul.f32 v12, v37;
	v12 =	vadd.f32 v17, v38;
	v17 =	vld.idx.msk [tilespmem:v41+s30+$0xD0 ss:$0x1], $0xffff  }
0x187: {  	v59 =	vld [tilespmem:s25+$0x0];
	s4 =	sand.u32 $0xFFFFFF80, s23  }
0x188: {  	s4 =	sor.u32 s4, s31;
	[tilespmem:s30+$0x10330] =	vst v11;
	v11 =	vld.idx.msk [tilespmem:v40+s0+$0x20 ss:$0x1], $0xffff;
	v8 =	vadd.f32 v8, v36;
	v12 =	vmul.f32 v12, v16  }
0x189: {  	v21 =	vld [tilespmem:s4+$0x0];
	v16 =	vmul.f32 v10, v39  }
0x18a: {  	v10 =	vmul.f32 v10, v37;
	v58 =	vmul.f32 v13, v39;
	v8 =	vadd.f32 v12, v8;
	v12 =	vld.idx.msk [tilespmem:v40+s30+$0xD0 ss:$0x1], $0xffff  }
0x18b: {  	v19 =	vld.idx.msk [tilespmem:v41+s30+$0x40 ss:$0x1], $0xffff;
	v60 =	vmul.f32 v9, v39;
	v16 =	vadd.f32 v16, v38;
	v61 =	vmul.f32 v17, v39  }
0x18c: {  	v9 =	vmul.f32 v9, v37;
	[tilespmem:s0+$0x103A0] =	vst v8;
	v8 =	vmul.f32 v13, v37;
	v13 =	vadd.f32 v58, v38  }
0x18d: {  	v11 =	vmul.f32 v16, v11;
	v17 =	vmul.f32 v17, v37;
	v16 =	vld.idx.msk [tilespmem:v41+s0+$0xB0 ss:$0x1], $0xffff;
	v62 =	vadd.f32 v61, v38  }
0x18e: {  	v44 =	vadd.f32 v60, v38;
	v8 =	vadd.f32 v8, v36;
	v13 =	vmul.f32 v13, v21  }
0x18f: {  	v10 =	vadd.f32 v10, v36;
	v17 =	vadd.f32 v17, v36;
	v12 =	vmul.f32 v62, v12  }
0x190: {  	v9 =	vadd.f32 v9, v36;
	v63 =	vmul.f32 v44, v59;
	v21 =	vld.idx.msk [tilespmem:v40+s30+$0x40 ss:$0x1], $0xffff;
	v8 =	vadd.f32 v13, v8  }
0x191: {  	s4 =	simm.s32 $0x200;
	v45 =	vmul.f32 v19, v39;
	v13 =	vld.idx.msk [tilespmem:v40+s0+$0xB0 ss:$0x1], $0xffff;
	v12 =	vadd.f32 v12, v17  }
0x192: {  	v10 =	vadd.f32 v11, v10;
	v9 =	vadd.f32 v63, v9;
	[tilespmem:s4+$0x10380] =	vst v8;
	v8 =	vmul.f32 v16, v39  }
0x193: {  	v11 =	vmul.f32 v19, v37;
	v17 =	vadd.f32 v45, v38;
	v19 =	vld.idx.msk [tilespmem:v41+s4+$0x90 ss:$0x1], $0xffff;
	[tilespmem:s30+$0x103D0] =	vst v12  }
0x194: {  	[tilespmem:s4+$0x10300] =	vst v9;
	v9 =	vmul.f32 v16, v37;
	v8 =	vadd.f32 v8, v38;
	v12 =	vld.idx.msk [tilespmem:v41+s30+$0xE0 ss:$0x1], $0xffff  }
0x195: {  	[tilespmem:s0+$0x10320] =	vst v10;
	v10 =	vadd.f32 v11, v36;
	v11 =	vld.idx.msk [tilespmem:v41+s4+$0x10 ss:$0x1], $0xffff;
	v16 =	vmul.f32 v17, v21  }
0x196: {  	v17 =	vld.idx.msk [tilespmem:v41+s0+$0x30 ss:$0x1], $0xffff;
	v9 =	vadd.f32 v9, v36;
	v8 =	vmul.f32 v8, v13  }
0x197: {  	v13 =	vld.idx.msk [tilespmem:v40+s4+$0x90 ss:$0x1], $0xffff;
	v10 =	vadd.f32 v16, v10  }
0x198: {  	v8 =	vadd.f32 v8, v9;
	v9 =	vld.idx.msk [tilespmem:v40+s30+$0xE0 ss:$0x1], $0xffff;
	v16 =	vmul.f32 v19, v39  }
0x199: {  	v21 =	vld.idx.msk [tilespmem:v40+s4+$0x10 ss:$0x1], $0xffff;
	[tilespmem:s30+$0x10340] =	vst v10;
	v10 =	vmul.f32 v12, v39  }
0x19a: {  	v19 =	vmul.f32 v19, v37;
	[tilespmem:s0+$0x103B0] =	vst v8;
	v8 =	vmul.f32 v11, v39;
	v16 =	vadd.f32 v16, v38  }
0x19b: {  	v11 =	vmul.f32 v11, v37;
	v12 =	vmul.f32 v12, v37;
	v46 =	vld.idx.msk [tilespmem:v41+s0+$0xC0 ss:$0x1], $0xffff;
	v10 =	vadd.f32 v10, v38  }
0x19c: {  	v47 =	vld.idx.msk [tilespmem:v41+s30+$0x50 ss:$0x1], $0xffff;
	v19 =	vadd.f32 v19, v36;
	v8 =	vadd.f32 v8, v38;
	v13 =	vmul.f32 v16, v13  }
0x19d: {  	v12 =	vadd.f32 v12, v36;
	v9 =	vmul.f32 v10, v9  }
0x19e: {  	v11 =	vadd.f32 v11, v36;
	v10 =	vld.idx.msk [tilespmem:v40+s0+$0x30 ss:$0x1], $0xffff;
	v8 =	vmul.f32 v8, v21;
	v13 =	vadd.f32 v13, v19  }
0x19f: {  	v16 =	vmul.f32 v17, v37;
	v17 =	vmul.f32 v17, v39;
	v19 =	vld.idx.msk [tilespmem:v40+s0+$0xC0 ss:$0x1], $0xffff;
	v9 =	vadd.f32 v9, v12  }
0x1a0: {  	v12 =	vld.idx.msk [tilespmem:v40+s30+$0x50 ss:$0x1], $0xffff;
	v8 =	vadd.f32 v8, v11;
	[tilespmem:s4+$0x10390] =	vst v13;
	v11 =	vmul.f32 v46, v39  }
0x1a1: {  	v13 =	vadd.f32 v17, v38;
	v17 =	vmul.f32 v47, v39;
	v21 =	vld.idx.msk [tilespmem:v41+s4+$0xA0 ss:$0x1], $0xffff;
	[tilespmem:s30+$0x103E0] =	vst v9  }
0x1a2: {  	[tilespmem:s4+$0x10310] =	vst v8;
	v8 =	vmul.f32 v46, v37;
	v9 =	vadd.f32 v11, v38;
	v11 =	vld.idx.msk [tilespmem:v41+s30+$0xEC ss:$0x1], $0xffff  }
0x1a3: {  	s24 =	sadd.s32 $0x100, s19;
	v16 =	vadd.f32 v16, v36;
	v17 =	vadd.f32 v17, v38;
	v10 =	vmul.f32 v13, v10;
	v48 =	vld.idx.msk [tilespmem:v41+s4+$0x20 ss:$0x1], $0xffff  }
0x1a4: {  	s19 =	sand.u32 $0xFFFFFF80, s24;
	v13 =	vmul.f32 v47, v37;
	v8 =	vadd.f32 v8, v36;
	v9 =	vmul.f32 v9, v19;
	v19 =	vld.idx.msk [tilespmem:v40+s4+$0xA0 ss:$0x1], $0xffff  }
0x1a5: {  	s26 =	sadd.s32 $0x80, s24;
	s19 =	sor.u32 s19, s1;
	v10 =	vadd.f32 v10, v16;
	v16 =	vld.idx.msk [tilespmem:v40+s30+$0xEC ss:$0x1], $0xffff  }
0x1a6: {  	s21 =	sand.u32 $0xFFFFFF80, s26;
	v13 =	vadd.f32 v13, v36;
	v12 =	vmul.f32 v17, v12;
	v8 =	vadd.f32 v9, v8;
	v9 =	vld [tilespmem:s19+$0x0]  }
0x1a7: {  	s23 =	sor.u32 s21, s1;
	[tilespmem:s0+$0x10330] =	vst v10;
	v10 =	vld.idx.msk [tilespmem:v40+s4+$0x20 ss:$0x1], $0xffff  }
0x1a8: {  	v17 =	vmul.f32 v21, v39;
	v12 =	vadd.f32 v12, v13;
	v13 =	vld [tilespmem:s23+$0x0]  }
0x1a9: {  	s19 =	sadd.s32 $0x100, s2;
	v21 =	vmul.f32 v21, v37;
	v49 =	vmul.f32 v11, v39;
	v51 =	vld.idx.msk [tilespmem:v41+s0+$0x40 ss:$0x1], $0xffff  }
0x1aa: {  	s2 =	sand.u32 $0xFFFFFF80, s19;
	s25 =	sadd.s32 $0x80, s19;
	[tilespmem:s0+$0x103C0] =	vst v8;
	v8 =	vmul.f32 v48, v39;
	v17 =	vadd.f32 v17, v38;
	v54 =	vld.idx.msk [tilespmem:v40+s0+$0x40 ss:$0x1], $0xffff  }
0x1ab: {  	v42 =	vmul.f32 v48, v37;
	s2 =	sor.u32 s2, s31;
	s21 =	sand.u32 $0xFFFFFF80, s25;
	v11 =	vmul.f32 v11, v37;
	v50 =	vld.idx.msk [tilespmem:v41+s0+$0xD0 ss:$0x1], $0xffff;
	v43 =	vadd.f32 v49, v38  }
0x1ac: {  	v21 =	vadd.f32 v21, v36;
	s26 =	sor.u32 s21, s31;
	v8 =	vadd.f32 v8, v38;
	v17 =	vmul.f32 v17, v19;
	v19 =	vld [tilespmem:s2+$0x0]  }
0x1ad: {  	[tilespmem:s30+$0x10350] =	vst v12;
	v12 =	vld [tilespmem:s26+$0x0];
	v11 =	vadd.f32 v11, v36;
	v42 =	vadd.f32 v42, v36;
	v16 =	vmul.f32 v43, v16  }
0x1ae: {  	v56 =	vld.idx.msk [tilespmem:v41+s30+$0x60 ss:$0x1], $0xffff;
	v8 =	vmul.f32 v8, v10;
	v10 =	vadd.f32 v17, v21;
	v53 =	vmul.f32 v13, v39  }
0x1af: {  	v52 =	vmul.f32 v9, v39;
	v9 =	vmul.f32 v9, v37;
	v17 =	vld.idx.msk [tilespmem:v40+s0+$0xD0 ss:$0x1], $0xffff;
	v11 =	vadd.f32 v16, v11  }
0x1b0: {  	v16 =	vmul.f32 v50, v39;
	[tilespmem:s4+$0x103A0] =	vst v10;
	v10 =	vmul.f32 v13, v37;
	v13 =	vadd.f32 v53, v38  }
0x1b1: {  	v21 =	vadd.f32 v52, v38;
	v8 =	vadd.f32 v8, v42;
	[tilespmem:s30+$0x103EC] =	vst v11;
	v11 =	vmul.f32 v50, v37  }
0x1b2: {  	v55 =	vld.idx.msk [tilespmem:v41+s4+$0xB0 ss:$0x1], $0xffff;
	v16 =	vadd.f32 v16, v38;
	v10 =	vadd.f32 v10, v36;
	v12 =	vmul.f32 v13, v12  }
0x1b3: {  	v9 =	vadd.f32 v9, v36;
	v13 =	vmul.f32 v21, v19;
	v19 =	vld.idx.msk [tilespmem:v40+s30+$0x60 ss:$0x1], $0xffff  }
0x1b4: {  	[tilespmem:s4+$0x10320] =	vst v8;
	v11 =	vadd.f32 v11, v36;
	v16 =	vmul.f32 v16, v17;
	v10 =	vadd.f32 v12, v10  }
0x1b5: {  	s2 =	simm.s32 $0x300;
	v9 =	vadd.f32 v13, v9;
	v12 =	vmul.f32 v51, v39;
	v13 =	vld.idx.msk [tilespmem:v41+s4+$0x30 ss:$0x1], $0xffff  }
0x1b6: {  	v44 =	vmul.f32 v56, v37;
	v8 =	vld.idx.msk [tilespmem:v40+s4+$0xB0 ss:$0x1], $0xffff;
	v11 =	vadd.f32 v16, v11;
	[tilespmem:s2+$0x10380] =	vst v10  }
0x1b7: {  	v16 =	vmul.f32 v51, v37;
	v17 =	vmul.f32 v55, v39;
	v12 =	vadd.f32 v12, v38;
	[tilespmem:s2+$0x10300] =	vst v9  }
0x1b8: {  	v9 =	vmul.f32 v55, v37;
	v21 =	vld.idx.msk [tilespmem:v41+s2+$0x90 ss:$0x1], $0xffff;
	[tilespmem:s0+$0x103D0] =	vst v11;
	v11 =	vmul.f32 v56, v39  }
0x1b9: {  	v58 =	vld.idx.msk [tilespmem:v41+s2+$0x10 ss:$0x1], $0xffff;
	v17 =	vadd.f32 v17, v38;
	v16 =	vadd.f32 v16, v36;
	v12 =	vmul.f32 v12, v54  }
0x1ba: {  	v9 =	vadd.f32 v9, v36;
	v57 =	vld.idx.msk [tilespmem:v41+s0+$0xE0 ss:$0x1], $0xffff;
	v60 =	vmul.f32 v13, v37;
	v13 =	vmul.f32 v13, v39  }
0x1bb: {  	v10 =	vld.idx.msk [tilespmem:v40+s4+$0x30 ss:$0x1], $0xffff;
	v11 =	vadd.f32 v11, v38;
	v8 =	vmul.f32 v17, v8;
	v12 =	vadd.f32 v12, v16  }
0x1bc: {  	v59 =	vld.idx.msk [tilespmem:v40+s2+$0x10 ss:$0x1], $0xffff;
	v16 =	vadd.f32 v44, v36;
	v61 =	vadd.f32 v60, v36  }
0x1bd: {  	v17 =	vld.idx.msk [tilespmem:v40+s2+$0x90 ss:$0x1], $0xffff;
	v13 =	vadd.f32 v13, v38;
	v8 =	vadd.f32 v8, v9;
	v11 =	vmul.f32 v11, v19  }
0x1be: {  	v9 =	vld.idx.msk [tilespmem:v40+s0+$0xE0 ss:$0x1], $0xffff;
	v19 =	vmul.f32 v21, v39;
	[tilespmem:s0+$0x10340] =	vst v12;
	v21 =	vmul.f32 v21, v37  }
0x1bf: {  	v43 =	vmul.f32 v58, v37;
	v63 =	vld.idx.msk [tilespmem:v40+s0+$0x50 ss:$0x1], $0xffff;
	[tilespmem:s4+$0x103B0] =	vst v8;
	v12 =	vmul.f32 v57, v39  }
0x1c0: {  	v8 =	vld.idx.msk [tilespmem:v41+s0+$0x50 ss:$0x1], $0xffff;
	v11 =	vadd.f32 v11, v16;
	v16 =	vmul.f32 v58, v39;
	v19 =	vadd.f32 v19, v38  }
0x1c1: {  	v10 =	vmul.f32 v13, v10;
	v42 =	vmul.f32 v57, v37;
	v62 =	vld.idx.msk [tilespmem:v41+s4+$0xC0 ss:$0x1], $0xffff;
	v12 =	vadd.f32 v12, v38  }
0x1c2: {  	v21 =	vadd.f32 v21, v36;
	v13 =	vld.idx.msk [tilespmem:v40+s4+$0xC0 ss:$0x1], $0xffff;
	v16 =	vadd.f32 v16, v38;
	v17 =	vmul.f32 v19, v17  }
0x1c3: {  	v10 =	vadd.f32 v10, v61;
	[tilespmem:s30+$0x10360] =	vst v11;
	v19 =	vadd.f32 v42, v36;
	v9 =	vmul.f32 v12, v9  }
0x1c4: {  	v11 =	vadd.f32 v43, v36;
	v12 =	vld.idx.msk [tilespmem:v41+s30+$0x6C ss:$0x1], $0xffff;
	v16 =	vmul.f32 v16, v59;
	v17 =	vadd.f32 v17, v21  }
0x1c5: {  	[tilespmem:s4+$0x10330] =	vst v10;
	v21 =	vmul.f32 v8, v37;
	v8 =	vmul.f32 v8, v39;
	v9 =	vadd.f32 v9, v19  }
0x1c6: {  	v42 =	vld.idx.msk [tilespmem:v40+s30+$0x6C ss:$0x1], $0xffff;
	v11 =	vadd.f32 v16, v11;
	[tilespmem:s2+$0x10390] =	vst v17;
	v16 =	vmul.f32 v62, v39  }
0x1c7: {  	v49 =	vld.idx.msk [tilespmem:v41+s2+$0xA0 ss:$0x1], $0xffff;
	v8 =	vadd.f32 v8, v38;
	[tilespmem:s0+$0x103E0] =	vst v9  }
0x1c8: {  	[tilespmem:s2+$0x10310] =	vst v11;
	v9 =	vmul.f32 v62, v37;
	v11 =	vadd.f32 v16, v38;
	v43 =	vld.idx.msk [tilespmem:v41+s0+$0xEC ss:$0x1], $0xffff  }
0x1c9: {  	v46 =	vadd.f32 v21, v36;
	v50 =	vld.idx.msk [tilespmem:v41+s2+$0x20 ss:$0x1], $0xffff;
	v47 =	vmul.f32 v8, v63;
	v45 =	vmul.f32 v12, v39  }
0x1ca: {  	s24 =	sadd.s32 $0x100, s24;
	s23 =	simm.s32 $0xC00;
	s21 =	simm.s32 $0x6;
	v48 =	vld.idx.msk [tilespmem:v40+s2+$0x20 ss:$0x1], $0xffff;
	v44 =	vmul.f32 v12, v37;
	v8 =	vadd.f32 v9, v36;
	v9 =	vmul.f32 v11, v13  }
.LBB2_4:
0x1cb: {  	s25 =	sand.u32 $0xFFFFFF80, s24;
	s26 =	sadd.s32 $0x80, s24;
	v10 =	vld.idx.msk [tilespmem:v40+s2+$0xA0 ss:$0x1], $0xffff;
	v11 =	vadd.f32 v47, v46;
	v12 =	vadd.f32 v45, v38  }
0x1cc: {  	s21 =	sadd.s32 $0x2, s21;
	s25 =	sor.u32 s25, s1;
	s26 =	sand.u32 $0xFFFFFF80, s26;
	v8 =	vadd.f32 v9, v8;
	v9 =	vld.idx.msk [tilespmem:v40+s0+$0xEC ss:$0x1], $0xffff;
	v13 =	vadd.f32 v44, v36  }
0x1cd: {  	p0 =	slt.u32 s21, $0x7A;
	v17 =	vmul.f32 v49, v39;
	v16 =	vld [tilespmem:s25+$0x0];
	s25 =	sor.u32 s26, s1;
	[tilespmem:s0+$0x10350] =	vst v11;
	v11 =	vmul.f32 v12, v42  }
0x1ce: {  	s19 =	sadd.s32 $0x100, s19;
	v12 =	vld [tilespmem:s25+$0x0];
	[tilespmem:s4+$0x103C0] =	vst v8;
	v8 =	vmul.f32 v43, v39  }
0x1cf: {  	v21 =	vmul.f32 v49, v37;
	s26 =	sadd.s32 $0x80, s19;
	s25 =	sand.u32 $0xFFFFFF80, s19;
	v19 =	vmul.f32 v50, v39;
	v17 =	vadd.f32 v17, v38;
	v42 =	vld.idx.msk [tilespmem:v41+s4+$0xD0 ss:$0x1], $0xffff  }
0x1d0: {  	s26 =	sand.u32 $0xFFFFFF80, s26;
	v44 =	vmul.f32 v50, v37;
	v43 =	vmul.f32 v43, v37;
	s25 =	sor.u32 s25, s31;
	v45 =	vld.idx.msk [tilespmem:v41+s4+$0x40 ss:$0x1], $0xffff;
	v8 =	vadd.f32 v8, v38  }
0x1d1: {  	v21 =	vadd.f32 v21, v36;
	v19 =	vadd.f32 v19, v38;
	v10 =	vmul.f32 v17, v10;
	v46 =	vld [tilespmem:s25+$0x0];
	s25 =	sor.u32 s26, s31  }
0x1d2: {  	v43 =	vadd.f32 v43, v36;
	v17 =	vmul.f32 v16, v39;
	v47 =	vld [tilespmem:s25+$0x0];
	v8 =	vmul.f32 v8, v9  }
0x1d3: {  	v9 =	vmul.f32 v16, v37;
	v16 =	vmul.f32 v19, v48;
	v10 =	vadd.f32 v10, v21;
	v19 =	vld.idx.msk [tilespmem:v40+s4+$0xD0 ss:$0x1], $0xffff  }
0x1d4: {  	v21 =	vmul.f32 v12, v39;
	v17 =	vadd.f32 v17, v38;
	v48 =	vld.idx.msk [tilespmem:v40+s4+$0x40 ss:$0x1], $0xffff;
	v8 =	vadd.f32 v8, v43  }
0x1d5: {  	v9 =	vadd.f32 v9, v36;
	v43 =	vadd.f32 v44, v36;
	[tilespmem:s2+$0x103A0] =	vst v10;
	v10 =	vmul.f32 v42, v39  }
0x1d6: {  	v12 =	vmul.f32 v12, v37;
	v21 =	vadd.f32 v21, v38;
	v44 =	vld.idx.msk [tilespmem:v41+s2+$0xB0 ss:$0x1], $0xffff;
	[tilespmem:s0+$0x103EC] =	vst v8  }
0x1d7: {  	v8 =	vmul.f32 v17, v46;
	v17 =	vmul.f32 v42, v37;
	v10 =	vadd.f32 v10, v38;
	v42 =	vld.idx.msk [tilespmem:v41+s0+$0x60 ss:$0x1], $0xffff  }
0x1d8: {  	v12 =	vadd.f32 v12, v36;
	v16 =	vadd.f32 v16, v43;
	v21 =	vmul.f32 v21, v47;
	v43 =	vld.idx.msk [tilespmem:v40+s0+$0x60 ss:$0x1], $0xffff  }
0x1d9: {  	v8 =	vadd.f32 v8, v9;
	v9 =	vadd.f32 v17, v36;
	v10 =	vmul.f32 v10, v19  }
0x1da: {  	s23 =	sadd.s32 $0x400, s23;
	v17 =	vmul.f32 v45, v39;
	v12 =	vadd.f32 v21, v12;
	[tilespmem:s2+$0x10320] =	vst v16;
	v16 =	vld.idx.msk [tilespmem:v40+s2+$0xB0 ss:$0x1], $0xffff  }
0x1db: {  	s25 =	sshra.s32 s23, $0x2;
	v21 =	vmul.f32 v45, v37;
	v19 =	vld.idx.msk [tilespmem:v41+s2+$0x30 ss:$0x1], $0xffff;
	v9 =	vadd.f32 v10, v9;
	v10 =	vadd.f32 v11, v13  }
0x1dc: {  	v13 =	vadd.f32 v17, v38;
	[tilespmem:s25+$0x10380] =	vst v12;
	v11 =	vld.idx.msk [tilespmem:v40+s2+$0x30 ss:$0x1], $0xffff;
	v12 =	vmul.f32 v44, v39  }
0x1dd: {  	v21 =	vadd.f32 v21, v36;
	v17 =	vld.idx.msk [tilespmem:v41+s25+$0x90 ss:$0x1], $0xffff;
	[tilespmem:s4+$0x103D0] =	vst v9;
	v9 =	vmul.f32 v42, v39  }
0x1de: {  	[tilespmem:s25+$0x10300] =	vst v8;
	v8 =	vmul.f32 v44, v37;
	v12 =	vadd.f32 v12, v38;
	v44 =	vld.idx.msk [tilespmem:v41+s4+$0xE0 ss:$0x1], $0xffff  }
0x1df: {  	v13 =	vmul.f32 v13, v48;
	v42 =	vmul.f32 v42, v37;
	v45 =	vld.idx.msk [tilespmem:v41+s25+$0x10 ss:$0x1], $0xffff;
	v9 =	vadd.f32 v9, v38  }
0x1e0: {  	v46 =	vld.idx.msk [tilespmem:v40+s25+$0x10 ss:$0x1], $0xffff;
	v8 =	vadd.f32 v8, v36;
	v12 =	vmul.f32 v12, v16;
	[tilespmem:s30+$0x1036C] =	vst v10;
	s30 =	smov.u32 s0;
	s0 =	smov.u32 s4;
	s4 =	smov.u32 s2  }
0x1e1: {  	v13 =	vadd.f32 v13, v21;
	v16 =	vmul.f32 v19, v37;
	v19 =	vmul.f32 v19, v39;
	s2 =	smov.u32 s25;
	v10 =	vld.idx.msk [tilespmem:v40+s25+$0x90 ss:$0x1], $0xffff  }
0x1e2: {  	v21 =	vadd.f32 v42, v36;
	v9 =	vmul.f32 v9, v43;
	v8 =	vadd.f32 v12, v8;
	v12 =	vld.idx.msk [tilespmem:v40+s0+$0xE0 ss:$0x1], $0xffff  }
0x1e3: {  	v42 =	vmul.f32 v17, v39;
	v16 =	vadd.f32 v16, v36;
	v19 =	vadd.f32 v19, v38;
	[tilespmem:s0+$0x10340] =	vst v13  }
0x1e4: {  	v13 =	vmul.f32 v44, v39;
	v9 =	vadd.f32 v9, v21;
	[tilespmem:s4+$0x103B0] =	vst v8;
	v8 =	vld.idx.msk [tilespmem:v41+s0+$0x50 ss:$0x1], $0xffff  }
0x1e5: {  	v17 =	vmul.f32 v17, v37;
	v21 =	vmul.f32 v45, v39;
	v42 =	vadd.f32 v42, v38;
	v43 =	vld.idx.msk [tilespmem:v41+s4+$0xC0 ss:$0x1], $0xffff  }
0x1e6: {  	v44 =	vmul.f32 v44, v37;
	v45 =	vmul.f32 v45, v37;
	v13 =	vadd.f32 v13, v38;
	v47 =	vld.idx.msk [tilespmem:v40+s0+$0x50 ss:$0x1], $0xffff  }
0x1e7: {  	v17 =	vadd.f32 v17, v36;
	v21 =	vadd.f32 v21, v38;
	v10 =	vmul.f32 v42, v10;
	[tilespmem:s30+$0x10360] =	vst v9  }
0x1e8: {  	v42 =	vadd.f32 v44, v36;
	v9 =	vadd.f32 v45, v36;
	v12 =	vmul.f32 v13, v12;
	v13 =	vld.idx.msk [tilespmem:v41+s30+$0x6C ss:$0x1], $0xffff  }
0x1e9: {  	v11 =	vmul.f32 v19, v11;
	v21 =	vmul.f32 v21, v46;
	v10 =	vadd.f32 v10, v17;
	v17 =	vld.idx.msk [tilespmem:v40+s4+$0xC0 ss:$0x1], $0xffff  }
0x1ea: {  	v19 =	vmul.f32 v8, v37;
	v8 =	vmul.f32 v8, v39;
	v12 =	vadd.f32 v12, v42;
	v42 =	vld.idx.msk [tilespmem:v40+s30+$0x6C ss:$0x1], $0xffff  }
.Ltmp1:
0x1eb: {  	v9 =	vadd.f32 v21, v9;
	[tilespmem:s2+$0x10390] =	vst v10;
	v10 =	vadd.f32 v11, v16;
	v11 =	vmul.f32 v43, v39;
	(pc) =	sbr.rel @p0 .LBB2_4-.Ltmp1, $4  }
0x1ec: {  	v46 =	vadd.f32 v19, v36;
	v8 =	vadd.f32 v8, v38;
	v49 =	vld.idx.msk [tilespmem:v41+s2+$0xA0 ss:$0x1], $0xffff;
	[tilespmem:s0+$0x103E0] =	vst v12  }
0x1ed: {  	[tilespmem:s2+$0x10310] =	vst v9;
	v9 =	vmul.f32 v43, v37;
	v11 =	vadd.f32 v11, v38;
	v43 =	vld.idx.msk [tilespmem:v41+s0+$0xEC ss:$0x1], $0xffff  }
0x1ee: {  	v47 =	vmul.f32 v8, v47;
	v45 =	vmul.f32 v13, v39;
	v50 =	vld.idx.msk [tilespmem:v41+s2+$0x20 ss:$0x1], $0xffff;
	[tilespmem:s4+$0x10330] =	vst v10  }
0x1ef: {  	s24 =	sadd.s32 $0x100, s24;
	v44 =	vmul.f32 v13, v37;
	v48 =	vld.idx.msk [tilespmem:v40+s2+$0x20 ss:$0x1], $0xffff;
	v8 =	vadd.f32 v9, v36;
	v9 =	vmul.f32 v11, v17  }
0x1f0: {  	_ =	sdelay $0x3  }
0x1f1: {  	v10 =	vld.idx.msk [tilespmem:v40+s2+$0xA0 ss:$0x1], $0xffff  }
0x1f2: {  	v11 =	vmul.f32 v49, v39;
	_ =	sdelay $0x1  }
0x1f3: {  	v12 =	vmul.f32 v49, v37;
	v11 =	vadd.f32 v11, v38;
	_ =	sdelay $0x1  }
0x1f4: {  	v13 =	vmul.f32 v50, v39;
	v12 =	vadd.f32 v12, v36;
	v10 =	vmul.f32 v11, v10;
	_ =	sdelay $0x1  }
0x1f5: {  	v11 =	vmul.f32 v50, v37;
	v13 =	vadd.f32 v13, v38;
	v10 =	vadd.f32 v10, v12;
	_ =	sdelay $0x1  }
0x1f6: {  	v12 =	vmul.f32 v13, v48;
	v11 =	vadd.f32 v11, v36;
	[tilespmem:s2+$0x103A0] =	vst v10  }
0x1f7: {  	v10 =	vld.idx.msk [tilespmem:v41+s2+$0xB0 ss:$0x1], $0xffff  }
0x1f8: {  	v11 =	vadd.f32 v12, v11;
	_ =	sdelay $0x1  }
0x1f9: {  	[tilespmem:s2+$0x10320] =	vst v11;
	v11 =	vld.idx.msk [tilespmem:v40+s2+$0xB0 ss:$0x1], $0xffff  }
0x1fa: {  	v12 =	vld.idx.msk [tilespmem:v41+s2+$0x30 ss:$0x1], $0xffff  }
0x1fb: {  	v13 =	vmul.f32 v10, v39;
	_ =	sdelay $0x1  }
0x1fc: {  	v10 =	vmul.f32 v10, v37;
	v13 =	vadd.f32 v13, v38  }
0x1fd: {  	v16 =	vld.idx.msk [tilespmem:v40+s2+$0x30 ss:$0x1], $0xffff  }
0x1fe: {  	v10 =	vadd.f32 v10, v36;
	v11 =	vmul.f32 v13, v11;
	v13 =	vmul.f32 v12, v39;
	_ =	sdelay $0x1  }
0x1ff: {  	v12 =	vmul.f32 v12, v37;
	v10 =	vadd.f32 v11, v10;
	v11 =	vadd.f32 v13, v38;
	_ =	sdelay $0x1  }
0x200: {  	v12 =	vadd.f32 v12, v36;
	[tilespmem:s2+$0x103B0] =	vst v10;
	v10 =	vmul.f32 v11, v16  }
0x201: {  	v11 =	vld.idx.msk [tilespmem:v41+s2+$0xC0 ss:$0x1], $0xffff  }
0x202: {  	v13 =	vld.idx.msk [tilespmem:v41+s4+$0x40 ss:$0x1], $0xffff;
	v10 =	vadd.f32 v10, v12;
	_ =	sdelay $0x1  }
0x203: {  	v12 =	vld.idx.msk [tilespmem:v40+s2+$0xC0 ss:$0x1], $0xffff;
	[tilespmem:s2+$0x10330] =	vst v10  }
0x204: {  	v10 =	vld.idx.msk [tilespmem:v41+s2+$0x40 ss:$0x1], $0xffff  }
0x205: {  	v16 =	vld.idx.msk [tilespmem:v40+s4+$0x40 ss:$0x1], $0xffff;
	v17 =	vmul.f32 v11, v39  }
0x206: {  	v19 =	vmul.f32 v13, v39  }
0x207: {  	v8 =	vadd.f32 v9, v8;
	v9 =	vmul.f32 v11, v37;
	v11 =	vadd.f32 v17, v38  }
0x208: {  	v13 =	vmul.f32 v13, v37;
	v17 =	vadd.f32 v19, v38;
	v19 =	vld.idx.msk [tilespmem:v40+s2+$0x40 ss:$0x1], $0xffff  }
0x209: {  	[tilespmem:s4+$0x103C0] =	vst v8;
	v8 =	vadd.f32 v9, v36;
	v9 =	vmul.f32 v11, v12;
	v11 =	vmul.f32 v10, v39  }
0x20a: {  	v13 =	vadd.f32 v13, v36;
	v12 =	vmul.f32 v17, v16;
	v16 =	vld.idx.msk [tilespmem:v41+s4+$0xD0 ss:$0x1], $0xffff  }
0x20b: {  	v8 =	vadd.f32 v9, v8;
	v9 =	vmul.f32 v10, v37;
	v10 =	vadd.f32 v11, v38  }
0x20c: {  	v11 =	vadd.f32 v12, v13  }
0x20d: {  	v12 =	vld.idx.msk [tilespmem:v40+s4+$0xD0 ss:$0x1], $0xffff;
	[tilespmem:s2+$0x103C0] =	vst v8;
	v8 =	vadd.f32 v9, v36;
	v9 =	vmul.f32 v10, v19  }
0x20e: {  	[tilespmem:s4+$0x10340] =	vst v11;
	v10 =	vld.idx.msk [tilespmem:v41+s2+$0xD0 ss:$0x1], $0xffff  }
0x20f: {  	v11 =	vmul.f32 v16, v39;
	v13 =	vld.idx.msk [tilespmem:v41+s4+$0x50 ss:$0x1], $0xffff;
	v8 =	vadd.f32 v9, v8;
	_ =	sdelay $0x1  }
0x210: {  	v9 =	vmul.f32 v16, v37;
	v16 =	vld.idx.msk [tilespmem:v40+s2+$0xD0 ss:$0x1], $0xffff;
	v11 =	vadd.f32 v11, v38;
	[tilespmem:s2+$0x10340] =	vst v8  }
0x211: {  	v8 =	vadd.f32 v47, v46;
	v17 =	vld.idx.msk [tilespmem:v41+s2+$0x50 ss:$0x1], $0xffff  }
0x212: {  	v9 =	vadd.f32 v9, v36;
	v11 =	vmul.f32 v11, v12;
	v12 =	vld.idx.msk [tilespmem:v40+s4+$0x50 ss:$0x1], $0xffff;
	v19 =	vmul.f32 v10, v39  }
0x213: {  	[tilespmem:s0+$0x10350] =	vst v8;
	v8 =	vmul.f32 v13, v39  }
0x214: {  	v10 =	vmul.f32 v10, v37;
	v21 =	vld.idx.msk [tilespmem:v41+s0+$0x60 ss:$0x1], $0xffff;
	v9 =	vadd.f32 v11, v9;
	v11 =	vadd.f32 v19, v38  }
0x215: {  	v13 =	vmul.f32 v13, v37;
	v8 =	vadd.f32 v8, v38;
	v19 =	vld.idx.msk [tilespmem:v40+s2+$0x50 ss:$0x1], $0xffff  }
0x216: {  	[tilespmem:s4+$0x103D0] =	vst v9;
	v9 =	vadd.f32 v10, v36;
	v10 =	vmul.f32 v11, v16;
	v11 =	vmul.f32 v17, v39  }
0x217: {  	v13 =	vadd.f32 v13, v36;
	v16 =	vld.idx.msk [tilespmem:v41+s4+$0xE0 ss:$0x1], $0xffff;
	v8 =	vmul.f32 v8, v12  }
0x218: {  	v12 =	vld.idx.msk [tilespmem:v40+s0+$0x60 ss:$0x1], $0xffff;
	v9 =	vadd.f32 v10, v9;
	v10 =	vmul.f32 v17, v37;
	v11 =	vadd.f32 v11, v38  }
0x219: {  	v17 =	vld.idx.msk [tilespmem:v40+s4+$0xE0 ss:$0x1], $0xffff  }
0x21a: {  	v8 =	vadd.f32 v8, v13;
	[tilespmem:s2+$0x103D0] =	vst v9;
	v9 =	vadd.f32 v10, v36;
	v10 =	vmul.f32 v11, v19  }
0x21b: {  	v11 =	vmul.f32 v21, v39;
	v13 =	vld.idx.msk [tilespmem:v41+s2+$0xE0 ss:$0x1], $0xffff  }
0x21c: {  	[tilespmem:s4+$0x10350] =	vst v8;
	v19 =	vmul.f32 v16, v39;
	v8 =	vadd.f32 v10, v9  }
0x21d: {  	v9 =	vmul.f32 v21, v37;
	v10 =	vadd.f32 v11, v38;
	v11 =	vld.idx.msk [tilespmem:v41+s4+$0x60 ss:$0x1], $0xffff  }
0x21e: {  	v16 =	vmul.f32 v16, v37;
	v21 =	vld.idx.msk [tilespmem:v40+s2+$0xE0 ss:$0x1], $0xffff;
	v19 =	vadd.f32 v19, v38;
	[tilespmem:s2+$0x10350] =	vst v8  }
0x21f: {  	v9 =	vadd.f32 v9, v36;
	v10 =	vmul.f32 v10, v12;
	v12 =	vld.idx.msk [tilespmem:v41+s2+$0x60 ss:$0x1], $0xffff  }
0x220: {  	v16 =	vadd.f32 v16, v36;
	v17 =	vmul.f32 v19, v17;
	v19 =	vmul.f32 v13, v39  }
0x221: {  	(v2sf) =	vpush v27, $0x0;
	v9 =	vadd.f32 v10, v9  }
0x222: {  	v13 =	vmul.f32 v13, v37;
	v10 =	vadd.f32 v17, v16;
	v16 =	vld.idx.msk [tilespmem:v40+s4+$0x60 ss:$0x1], $0xffff;
	v17 =	vadd.f32 v19, v38  }
0x223: {  	v44 =	vadd.f32 v44, v36;
	(v2sf) =	vpush v26, $0x0;
	v58 =	vld.idx.msk [tilespmem:v40+s2+$0x60 ss:$0x1], $0xffff;
	[tilespmem:s0+$0x10360] =	vst v9;
	v9 =	vmul.f32 v11, v39  }
0x224: {  	[tilespmem:s4+$0x103E0] =	vst v10;
	v10 =	vadd.f32 v13, v36;
	v13 =	vmul.f32 v17, v21;
	v17 =	vmul.f32 v12, v39  }
0x225: {  	(v2sf) =	vpush v25, $0x0;
	v11 =	vmul.f32 v11, v37;
	v21 =	vld.idx.msk [tilespmem:v40+s0+$0xEC ss:$0x1], $0xffff;
	v9 =	vadd.f32 v9, v38  }
0x226: {  	v12 =	vmul.f32 v12, v37;
	v10 =	vadd.f32 v13, v10;
	v13 =	vld.idx.msk [tilespmem:v41+s0+$0x6C ss:$0x1], $0xffff;
	v17 =	vadd.f32 v17, v38  }
0x227: {  	v19 =	vmul.f32 v43, v39;
	v11 =	vadd.f32 v11, v36;
	v9 =	vmul.f32 v9, v16;
	v16 =	vld.idx.msk [tilespmem:v41+s4+$0xEC ss:$0x1], $0xffff  }
0x228: {  	(v2sf) =	vpush v24, $0x0;
	v12 =	vadd.f32 v12, v36;
	v17 =	vmul.f32 v17, v58  }
0x229: {  	v26 =	vmul.f32 v43, v37;
	v27 =	vld.idx.msk [tilespmem:v40+s0+$0x6C ss:$0x1], $0xffff;
	v19 =	vadd.f32 v19, v38;
	v9 =	vadd.f32 v9, v11  }
0x22a: {  	v8 =	vadd.f32 v45, v38;
	v11 =	vld.idx.msk [tilespmem:v40+s4+$0xEC ss:$0x1], $0xffff;
	[tilespmem:s2+$0x103E0] =	vst v10;
	v10 =	vadd.f32 v17, v12  }
0x22b: {  	(v2sf) =	vpush v23, $0x0;
	v19 =	vmul.f32 v19, v21;
	[tilespmem:s4+$0x10360] =	vst v9;
	v9 =	vld.idx.msk [tilespmem:v41+s2+$0xEC ss:$0x1], $0xffff;
	v17 =	vmul.f32 v13, v39  }
0x22c: {  	v12 =	vadd.f32 v26, v36;
	v21 =	vmul.f32 v16, v39;
	v23 =	vld.idx.msk [tilespmem:v41+s4+$0x6C ss:$0x1], $0xffff;
	[tilespmem:s2+$0x10360] =	vst v10  }
0x22d: {  	(v2sf) =	vpush v22, $0x0;
	v8 =	vmul.f32 v8, v42;
	v10 =	vadd.f32 v17, v38;
	v17 =	vld.idx.msk [tilespmem:v41+s2+$0x6C ss:$0x1], $0xffff  }
0x22e: {  	v16 =	vmul.f32 v16, v37;
	v12 =	vadd.f32 v19, v12;
	v19 =	vadd.f32 v21, v38  }
0x22f: {  	v8 =	vadd.f32 v8, v44;
	v13 =	vmul.f32 v13, v37;
	v21 =	vld.idx.msk [tilespmem:v40+s2+$0xEC ss:$0x1], $0xffff;
	v10 =	vmul.f32 v10, v27  }
0x230: {  	v16 =	vadd.f32 v16, v36;
	v11 =	vmul.f32 v19, v11;
	v19 =	vld.idx.msk [tilespmem:v40+s4+$0x6C ss:$0x1], $0xffff;
	v22 =	vmul.f32 v9, v39  }
0x231: {  	v13 =	vadd.f32 v13, v36;
	v25 =	vld.idx.msk [tilespmem:v40+s2+$0x6C ss:$0x1], $0xffff;
	v9 =	vmul.f32 v9, v37;
	v24 =	vmul.f32 v23, v39  }
0x232: {  	v11 =	vadd.f32 v11, v16;
	v16 =	vadd.f32 v22, v38;
	v22 =	vmul.f32 v17, v39  }
0x233: {  	v23 =	vmul.f32 v23, v37;
	v9 =	vadd.f32 v9, v36;
	v24 =	vadd.f32 v24, v38  }
0x234: {  	[tilespmem:s0+$0x103EC] =	vst v12;
	v12 =	vmul.f32 v16, v21;
	v16 =	vmul.f32 v17, v37;
	v17 =	vadd.f32 v22, v38  }
0x235: {  	s19 =	spop (v2sf);
	[tilespmem:s30+$0x1036C] =	vst v8;
	v8 =	vadd.f32 v10, v13;
	v10 =	vadd.f32 v23, v36;
	v13 =	vmul.f32 v24, v19  }
0x236: {  	s21 =	spop (v2sf);
	[tilespmem:s4+$0x103EC] =	vst v11;
	v9 =	vadd.f32 v12, v9;
	v11 =	vadd.f32 v16, v36;
	v12 =	vmul.f32 v17, v25  }
0x237: {  	s26 =	sshll.u32 s19, $0x7;
	s23 =	spop (v2sf);
	[tilespmem:s0+$0x1036C] =	vst v8;
	v8 =	vadd.f32 v13, v10  }
0x238: {  	s25 =	simm.s32 $0x0;
	s1 =	sshll.u32 s23, $0xE;
	s0 =	sadd.s32 s26, s21;
	[tilespmem:s2+$0x103EC] =	vst v9;
	v9 =	vadd.f32 v12, v11  }
0x239: {  	s24 =	spop (v2sf);
	s26 =	simm.s32 $0x10300;
	s0 =	sadd.s32 s1, s0;
	[tilespmem:s4+$0x1036C] =	vst v8  }
0x23a: {  	s1 =	sand.u32 $0x7F, s21;
	s4 =	spop (v2sf);
	[tilespmem:s2+$0x1036C] =	vst v9;
	s2 =	sadd.s32 $0x80, s0  }
0x23b: {  	[hbm4b:s15+s25] =	stream.linear.scatter [tilespmem:s26], [sflag:$0x1], $0x3E00, $0x38;
	[tilespmem:$0x1C300] =	vst v63  }
0x23c: {  	s25 =	spop (v2sf);
	s26 =	sshll.u32 s24, $0x7;
	s2 =	sand.u32 $0xFFFFFF80, s2  }
0x23d: {  	s30 =	sshll.u32 s25, $0xE;
	s26 =	sadd.s32 s26, s4;
	s31 =	sor.u32 s2, s1  }
0x23e: {  	s2 =	sadd.s32 s30, s26;
	v8 =	vld [tilespmem:s31+$0x0]  }
0x23f: {  	s26 =	sadd.s32 $0x80, s2  }
0x240: {  	s31 =	sand.u32 $0x7F, s4;
	s26 =	sand.u32 $0xFFFFFF80, s26  }
0x241: {  	v25 =	vadd.f32 v35, v34;
	s26 =	sor.u32 s26, s31  }
0x242: {  	v9 =	vld [tilespmem:s26+$0x0]  }
0x243: {  	s19 =	sshll.u32 s19, $0x9;
	s23 =	sshll.u32 s23, $0x10;
	v23 =	vadd.f32 v32, v30;
	v24 =	vadd.f32 v33, v31;
	v10 =	vmul.f32 v8, v25  }
0x244: {  	s19 =	sadd.s32 s19, s23;
	s21 =	sshll.u32 s21, $0x2  }
0x245: {  	v22 =	vadd.f32 v29, v28;
	s19 =	sadd.s32 s21, s19;
	v8 =	vmul.f32 v8, v23;
	v10 =	vadd.f32 v10, v24  }
0x246: {  	s19 =	sshra.s32 s19, $0x2  }
0x247: {  	v27 =	vmov s19;
	s25 =	sshll.u32 s25, $0x10;
	s26 =	sshll.u32 s24, $0x9;
	v8 =	vadd.f32 v8, v22;
	v9 =	vmul.f32 v10, v9  }
0x248: {  	s4 =	sshll.u32 s4, $0x2;
	s23 =	sadd.s32 s26, s25  }
0x249: {  	s4 =	sadd.s32 s4, s23;
	v8 =	vadd.f32 v9, v8  }
0x24a: {  	s30 =	simm.s32 $0x0;
	s4 =	sshra.s32 s4, $0x2  }
0x24b: {  	s24 =	sand.u32 $0xFFFFFF80, s0;
	v26 =	vmov s4;
	[tilespmem:s30+$0x14380] =	vst v8  }
0x24c: {  	s4 =	sor.u32 s24, s1;
	v8 =	vld.idx.msk [tilespmem:v27+s30+$0x90 ss:$0x1], $0xffff  }
0x24d: {  	v9 =	vld [tilespmem:s4+$0x0];
	_ =	sdelay $0x1  }
0x24e: {  	s25 =	sand.u32 $0xFFFFFF80, s2  }
0x24f: {  	s4 =	sor.u32 s25, s31;
	v10 =	vld.idx.msk [tilespmem:v26+s30+$0x90 ss:$0x1], $0xffff  }
0x250: {  	v11 =	vld [tilespmem:s4+$0x0];
	v12 =	vmul.f32 v8, v25  }
0x251: {  	v13 =	vmul.f32 v9, v25  }
0x252: {  	v8 =	vmul.f32 v8, v23;
	v12 =	vadd.f32 v12, v24  }
0x253: {  	v9 =	vmul.f32 v9, v23;
	v13 =	vadd.f32 v13, v24  }
0x254: {  	v8 =	vadd.f32 v8, v22;
	v10 =	vmul.f32 v12, v10  }
0x255: {  	v9 =	vadd.f32 v9, v22;
	v11 =	vmul.f32 v13, v11  }
0x256: {  	v8 =	vadd.f32 v10, v8  }
0x257: {  	v9 =	vadd.f32 v11, v9  }
0x258: {  	[tilespmem:s30+$0x14390] =	vst v8  }
0x259: {  	[tilespmem:s30+$0x14300] =	vst v9;
	v8 =	vld.idx.msk [tilespmem:v27+s30+$0xA0 ss:$0x1], $0xffff  }
0x25a: {  	v9 =	vld.idx.msk [tilespmem:v27+s30+$0x10 ss:$0x1], $0xffff;
	_ =	sdelay $0x1  }
0x25b: {  	s26 =	sadd.s32 $0x100, s0  }
0x25c: {  	s0 =	sadd.s32 $0x80, s26;
	v10 =	vld.idx.msk [tilespmem:v26+s30+$0xA0 ss:$0x1], $0xffff  }
0x25d: {  	s0 =	sand.u32 $0xFFFFFF80, s0;
	v11 =	vld.idx.msk [tilespmem:v26+s30+$0x10 ss:$0x1], $0xffff;
	v12 =	vmul.f32 v8, v25  }
0x25e: {  	s0 =	sor.u32 s0, s1;
	v13 =	vmul.f32 v9, v25  }
0x25f: {  	s2 =	sadd.s32 $0x100, s2;
	v16 =	vld [tilespmem:s0+$0x0];
	v8 =	vmul.f32 v8, v23;
	v12 =	vadd.f32 v12, v24  }
0x260: {  	s19 =	sand.u32 $0xFFFFFF80, s26;
	s21 =	sadd.s32 $0x80, s2;
	v9 =	vmul.f32 v9, v23;
	v13 =	vadd.f32 v13, v24  }
0x261: {  	s0 =	sor.u32 s19, s1;
	s19 =	sand.u32 $0xFFFFFF80, s21;
	v8 =	vadd.f32 v8, v22;
	v10 =	vmul.f32 v12, v10  }
0x262: {  	s23 =	sor.u32 s19, s31;
	v9 =	vadd.f32 v9, v22;
	v11 =	vmul.f32 v13, v11;
	v12 =	vld [tilespmem:s0+$0x0]  }
0x263: {  	s24 =	sand.u32 $0xFFFFFF80, s2;
	v13 =	vld [tilespmem:s23+$0x0];
	v8 =	vadd.f32 v10, v8  }
0x264: {  	s25 =	sor.u32 s24, s31;
	v9 =	vadd.f32 v11, v9;
	v10 =	vmul.f32 v16, v25  }
0x265: {  	v11 =	vld [tilespmem:s25+$0x0];
	[tilespmem:s30+$0x143A0] =	vst v8  }
0x266: {  	[tilespmem:s30+$0x14310] =	vst v9;
	v8 =	vmul.f32 v16, v23;
	v9 =	vadd.f32 v10, v24;
	v10 =	vld.idx.msk [tilespmem:v27+s30+$0xB0 ss:$0x1], $0xffff  }
0x267: {  	v16 =	vld.idx.msk [tilespmem:v27+s30+$0x20 ss:$0x1], $0xffff;
	v17 =	vmul.f32 v12, v25  }
0x268: {  	v8 =	vadd.f32 v8, v22;
	v9 =	vmul.f32 v9, v13  }
0x269: {  	v12 =	vmul.f32 v12, v23;
	v13 =	vadd.f32 v17, v24  }
0x26a: {  	v8 =	vadd.f32 v9, v8;
	v9 =	vld.idx.msk [tilespmem:v26+s30+$0xB0 ss:$0x1], $0xffff  }
0x26b: {  	s0 =	simm.s32 $0x100;
	v17 =	vld.idx.msk [tilespmem:v26+s30+$0x20 ss:$0x1], $0xffff;
	v12 =	vadd.f32 v12, v22;
	v11 =	vmul.f32 v13, v11;
	v13 =	vmul.f32 v10, v25  }
0x26c: {  	v19 =	vmul.f32 v16, v25;
	[tilespmem:s0+$0x14380] =	vst v8  }
0x26d: {  	v10 =	vmul.f32 v10, v23;
	v8 =	vadd.f32 v11, v12;
	v11 =	vld.idx.msk [tilespmem:v27+s0+$0x90 ss:$0x1], $0xffff;
	v12 =	vadd.f32 v13, v24  }
0x26e: {  	v13 =	vmul.f32 v16, v23;
	v16 =	vadd.f32 v19, v24  }
0x26f: {  	[tilespmem:s0+$0x14300] =	vst v8;
	v8 =	vadd.f32 v10, v22;
	v9 =	vmul.f32 v12, v9  }
0x270: {  	v10 =	vmul.f32 v16, v17;
	v12 =	vadd.f32 v13, v22;
	v13 =	vld.idx.msk [tilespmem:v27+s0+$0x10 ss:$0x1], $0xffff  }
0x271: {  	v16 =	vld.idx.msk [tilespmem:v26+s0+$0x90 ss:$0x1], $0xffff;
	v8 =	vadd.f32 v9, v8  }
0x272: {  	v9 =	vadd.f32 v10, v12;
	v10 =	vmul.f32 v11, v25  }
0x273: {  	v12 =	vld.idx.msk [tilespmem:v26+s0+$0x10 ss:$0x1], $0xffff;
	[tilespmem:s30+$0x143B0] =	vst v8  }
0x274: {  	[tilespmem:s30+$0x14320] =	vst v9;
	v8 =	vmul.f32 v11, v23;
	v9 =	vadd.f32 v10, v24;
	v10 =	vld.idx.msk [tilespmem:v27+s30+$0xC0 ss:$0x1], $0xffff  }
0x275: {  	v11 =	vld.idx.msk [tilespmem:v27+s30+$0x30 ss:$0x1], $0xffff;
	v17 =	vmul.f32 v13, v25  }
0x276: {  	v8 =	vadd.f32 v8, v22;
	v9 =	vmul.f32 v9, v16  }
0x277: {  	v13 =	vmul.f32 v13, v23;
	v16 =	vadd.f32 v17, v24  }
0x278: {  	v8 =	vadd.f32 v9, v8;
	v9 =	vld.idx.msk [tilespmem:v26+s30+$0xC0 ss:$0x1], $0xffff  }
0x279: {  	v13 =	vadd.f32 v13, v22;
	v12 =	vmul.f32 v16, v12;
	v16 =	vmul.f32 v10, v25  }
0x27a: {  	v17 =	vld.idx.msk [tilespmem:v26+s30+$0x30 ss:$0x1], $0xffff;
	v19 =	vmul.f32 v11, v25;
	[tilespmem:s0+$0x14390] =	vst v8  }
0x27b: {  	v10 =	vmul.f32 v10, v23;
	v8 =	vadd.f32 v12, v13;
	v12 =	vld.idx.msk [tilespmem:v27+s0+$0xA0 ss:$0x1], $0xffff;
	v13 =	vadd.f32 v16, v24  }
0x27c: {  	v11 =	vmul.f32 v11, v23  }
0x27d: {  	s19 =	sadd.s32 $0x100, s26;
	v16 =	vadd.f32 v19, v24;
	[tilespmem:s0+$0x14310] =	vst v8;
	v8 =	vadd.f32 v10, v22;
	v9 =	vmul.f32 v13, v9  }
0x27e: {  	s26 =	sadd.s32 $0x80, s19;
	s4 =	sand.u32 $0xFFFFFF80, s19;
	v10 =	vld.idx.msk [tilespmem:v27+s0+$0x20 ss:$0x1], $0xffff  }
0x27f: {  	s21 =	sand.u32 $0xFFFFFF80, s26;
	s4 =	sor.u32 s4, s1;
	v11 =	vadd.f32 v11, v22;
	v13 =	vmul.f32 v16, v17;
	v16 =	vld.idx.msk [tilespmem:v26+s0+$0xA0 ss:$0x1], $0xffff;
	v8 =	vadd.f32 v9, v8  }
0x280: {  	s2 =	sadd.s32 $0x100, s2;
	s21 =	sor.u32 s21, s1;
	v9 =	vld [tilespmem:s4+$0x0];
	v17 =	vmul.f32 v12, v25  }
0x281: {  	s24 =	sand.u32 $0xFFFFFF80, s2;
	v11 =	vadd.f32 v13, v11;
	v13 =	vld [tilespmem:s21+$0x0];
	[tilespmem:s30+$0x143C0] =	vst v8  }
0x282: {  	s23 =	sadd.s32 $0x80, s2;
	s25 =	sor.u32 s24, s31;
	v8 =	vmul.f32 v12, v23;
	v12 =	vadd.f32 v17, v24;
	v17 =	vld.idx.msk [tilespmem:v27+s30+$0xD0 ss:$0x1], $0xffff  }
0x283: {  	v29 =	vld [tilespmem:s25+$0x0];
	s4 =	sand.u32 $0xFFFFFF80, s23  }
0x284: {  	s4 =	sor.u32 s4, s31;
	[tilespmem:s30+$0x14330] =	vst v11;
	v11 =	vld.idx.msk [tilespmem:v26+s0+$0x20 ss:$0x1], $0xffff;
	v8 =	vadd.f32 v8, v22;
	v12 =	vmul.f32 v12, v16  }
0x285: {  	v21 =	vld [tilespmem:s4+$0x0];
	v16 =	vmul.f32 v10, v25  }
0x286: {  	v10 =	vmul.f32 v10, v23;
	v28 =	vmul.f32 v13, v25;
	v8 =	vadd.f32 v12, v8;
	v12 =	vld.idx.msk [tilespmem:v26+s30+$0xD0 ss:$0x1], $0xffff  }
0x287: {  	v19 =	vld.idx.msk [tilespmem:v27+s30+$0x40 ss:$0x1], $0xffff;
	v30 =	vmul.f32 v9, v25;
	v16 =	vadd.f32 v16, v24;
	v31 =	vmul.f32 v17, v25  }
0x288: {  	v9 =	vmul.f32 v9, v23;
	[tilespmem:s0+$0x143A0] =	vst v8;
	v8 =	vmul.f32 v13, v23;
	v13 =	vadd.f32 v28, v24  }
0x289: {  	v11 =	vmul.f32 v16, v11;
	v17 =	vmul.f32 v17, v23;
	v16 =	vld.idx.msk [tilespmem:v27+s0+$0xB0 ss:$0x1], $0xffff;
	v28 =	vadd.f32 v31, v24  }
0x28a: {  	v30 =	vadd.f32 v30, v24;
	v8 =	vadd.f32 v8, v22;
	v13 =	vmul.f32 v13, v21  }
0x28b: {  	v10 =	vadd.f32 v10, v22;
	v17 =	vadd.f32 v17, v22;
	v12 =	vmul.f32 v28, v12  }
0x28c: {  	v9 =	vadd.f32 v9, v22;
	v21 =	vld.idx.msk [tilespmem:v26+s30+$0x40 ss:$0x1], $0xffff;
	v28 =	vmul.f32 v30, v29;
	v8 =	vadd.f32 v13, v8  }
0x28d: {  	s4 =	simm.s32 $0x200;
	v13 =	vld.idx.msk [tilespmem:v26+s0+$0xB0 ss:$0x1], $0xffff;
	v29 =	vmul.f32 v19, v25;
	v12 =	vadd.f32 v12, v17  }
0x28e: {  	v10 =	vadd.f32 v11, v10;
	v9 =	vadd.f32 v28, v9;
	[tilespmem:s4+$0x14380] =	vst v8;
	v8 =	vmul.f32 v16, v25  }
0x28f: {  	v11 =	vmul.f32 v19, v23;
	v17 =	vadd.f32 v29, v24;
	v19 =	vld.idx.msk [tilespmem:v27+s4+$0x90 ss:$0x1], $0xffff;
	[tilespmem:s30+$0x143D0] =	vst v12  }
0x290: {  	[tilespmem:s4+$0x14300] =	vst v9;
	v9 =	vmul.f32 v16, v23;
	v8 =	vadd.f32 v8, v24;
	v12 =	vld.idx.msk [tilespmem:v27+s30+$0xE0 ss:$0x1], $0xffff  }
0x291: {  	[tilespmem:s0+$0x14320] =	vst v10;
	v10 =	vadd.f32 v11, v22;
	v16 =	vmul.f32 v17, v21;
	v11 =	vld.idx.msk [tilespmem:v27+s4+$0x10 ss:$0x1], $0xffff  }
0x292: {  	v17 =	vld.idx.msk [tilespmem:v27+s0+$0x30 ss:$0x1], $0xffff;
	v9 =	vadd.f32 v9, v22;
	v8 =	vmul.f32 v8, v13  }
0x293: {  	v13 =	vld.idx.msk [tilespmem:v26+s4+$0x90 ss:$0x1], $0xffff;
	v10 =	vadd.f32 v16, v10  }
0x294: {  	v8 =	vadd.f32 v8, v9;
	v9 =	vld.idx.msk [tilespmem:v26+s30+$0xE0 ss:$0x1], $0xffff;
	v16 =	vmul.f32 v19, v25  }
0x295: {  	v21 =	vld.idx.msk [tilespmem:v26+s4+$0x10 ss:$0x1], $0xffff;
	[tilespmem:s30+$0x14340] =	vst v10;
	v10 =	vmul.f32 v12, v25  }
0x296: {  	v19 =	vmul.f32 v19, v23;
	[tilespmem:s0+$0x143B0] =	vst v8;
	v8 =	vmul.f32 v11, v25;
	v16 =	vadd.f32 v16, v24  }
0x297: {  	v11 =	vmul.f32 v11, v23;
	v12 =	vmul.f32 v12, v23;
	v28 =	vld.idx.msk [tilespmem:v27+s0+$0xC0 ss:$0x1], $0xffff;
	v10 =	vadd.f32 v10, v24  }
0x298: {  	v29 =	vld.idx.msk [tilespmem:v27+s30+$0x50 ss:$0x1], $0xffff;
	v19 =	vadd.f32 v19, v22;
	v8 =	vadd.f32 v8, v24;
	v13 =	vmul.f32 v16, v13  }
0x299: {  	v12 =	vadd.f32 v12, v22;
	v9 =	vmul.f32 v10, v9  }
0x29a: {  	v11 =	vadd.f32 v11, v22;
	v10 =	vld.idx.msk [tilespmem:v26+s0+$0x30 ss:$0x1], $0xffff;
	v8 =	vmul.f32 v8, v21;
	v13 =	vadd.f32 v13, v19  }
0x29b: {  	v16 =	vmul.f32 v17, v23;
	v17 =	vmul.f32 v17, v25;
	v19 =	vld.idx.msk [tilespmem:v26+s0+$0xC0 ss:$0x1], $0xffff;
	v9 =	vadd.f32 v9, v12  }
0x29c: {  	v12 =	vld.idx.msk [tilespmem:v26+s30+$0x50 ss:$0x1], $0xffff;
	v8 =	vadd.f32 v8, v11;
	[tilespmem:s4+$0x14390] =	vst v13;
	v11 =	vmul.f32 v28, v25  }
0x29d: {  	v13 =	vadd.f32 v17, v24;
	v17 =	vmul.f32 v29, v25;
	v21 =	vld.idx.msk [tilespmem:v27+s4+$0xA0 ss:$0x1], $0xffff;
	[tilespmem:s30+$0x143E0] =	vst v9  }
0x29e: {  	[tilespmem:s4+$0x14310] =	vst v8;
	v8 =	vmul.f32 v28, v23;
	v9 =	vadd.f32 v11, v24;
	v11 =	vld.idx.msk [tilespmem:v27+s30+$0xEC ss:$0x1], $0xffff  }
0x29f: {  	s24 =	sadd.s32 $0x100, s19;
	v16 =	vadd.f32 v16, v22;
	v17 =	vadd.f32 v17, v24;
	v10 =	vmul.f32 v13, v10;
	v28 =	vld.idx.msk [tilespmem:v27+s4+$0x20 ss:$0x1], $0xffff  }
0x2a0: {  	s19 =	sand.u32 $0xFFFFFF80, s24;
	v13 =	vmul.f32 v29, v23;
	v8 =	vadd.f32 v8, v22;
	v9 =	vmul.f32 v9, v19;
	v19 =	vld.idx.msk [tilespmem:v26+s4+$0xA0 ss:$0x1], $0xffff  }
0x2a1: {  	s26 =	sadd.s32 $0x80, s24;
	s19 =	sor.u32 s19, s1;
	v10 =	vadd.f32 v10, v16;
	v16 =	vld.idx.msk [tilespmem:v26+s30+$0xEC ss:$0x1], $0xffff  }
0x2a2: {  	s21 =	sand.u32 $0xFFFFFF80, s26;
	v13 =	vadd.f32 v13, v22;
	v12 =	vmul.f32 v17, v12;
	v8 =	vadd.f32 v9, v8;
	v9 =	vld [tilespmem:s19+$0x0]  }
0x2a3: {  	s23 =	sor.u32 s21, s1;
	v17 =	vmul.f32 v21, v25;
	[tilespmem:s0+$0x14330] =	vst v10;
	v10 =	vld.idx.msk [tilespmem:v26+s4+$0x20 ss:$0x1], $0xffff  }
0x2a4: {  	s19 =	sadd.s32 $0x100, s2;
	v21 =	vmul.f32 v21, v23;
	v12 =	vadd.f32 v12, v13;
	v13 =	vld [tilespmem:s23+$0x0];
	v29 =	vmul.f32 v11, v25;
	[tilespmem:s0+$0x143C0] =	vst v8  }
0x2a5: {  	s25 =	sadd.s32 $0x80, s19;
	v8 =	vmul.f32 v28, v25;
	v17 =	vadd.f32 v17, v24;
	v31 =	vld.idx.msk [tilespmem:v27+s0+$0x40 ss:$0x1], $0xffff;
	v11 =	vmul.f32 v11, v23  }
0x2a6: {  	v28 =	vmul.f32 v28, v23;
	s21 =	sand.u32 $0xFFFFFF80, s25;
	v21 =	vadd.f32 v21, v22;
	v30 =	vld.idx.msk [tilespmem:v27+s0+$0xD0 ss:$0x1], $0xffff;
	v29 =	vadd.f32 v29, v24  }
0x2a7: {  	s2 =	sand.u32 $0xFFFFFF80, s19;
	v60 =	vld.idx.msk [tilespmem:v26+s0+$0x40 ss:$0x1], $0xffff;
	s26 =	sor.u32 s21, s31;
	v8 =	vadd.f32 v8, v24;
	v17 =	vmul.f32 v17, v19;
	v11 =	vadd.f32 v11, v22  }
0x2a8: {  	s2 =	sor.u32 s2, s31;
	[tilespmem:s30+$0x14350] =	vst v12;
	v12 =	vld [tilespmem:s26+$0x0];
	v28 =	vadd.f32 v28, v22;
	v59 =	vmul.f32 v9, v25;
	v16 =	vmul.f32 v29, v16  }
0x2a9: {  	v19 =	vld [tilespmem:s2+$0x0];
	v8 =	vmul.f32 v8, v10;
	v10 =	vadd.f32 v17, v21;
	v29 =	vmul.f32 v13, v25  }
0x2aa: {  	v9 =	vmul.f32 v9, v23;
	v17 =	vld.idx.msk [tilespmem:v26+s0+$0xD0 ss:$0x1], $0xffff;
	v21 =	vadd.f32 v59, v24;
	v11 =	vadd.f32 v16, v11  }
0x2ab: {  	v16 =	vmul.f32 v30, v25;
	[tilespmem:s4+$0x143A0] =	vst v10;
	v10 =	vmul.f32 v13, v23;
	v13 =	vadd.f32 v29, v24  }
0x2ac: {  	v8 =	vadd.f32 v8, v28;
	v29 =	vld.idx.msk [tilespmem:v27+s4+$0xB0 ss:$0x1], $0xffff;
	[tilespmem:s30+$0x143EC] =	vst v11;
	v11 =	vmul.f32 v30, v23  }
0x2ad: {  	v16 =	vadd.f32 v16, v24;
	v30 =	vld.idx.msk [tilespmem:v27+s30+$0x60 ss:$0x1], $0xffff;
	v10 =	vadd.f32 v10, v22;
	v12 =	vmul.f32 v13, v12  }
0x2ae: {  	v9 =	vadd.f32 v9, v22;
	v13 =	vmul.f32 v21, v19;
	v19 =	vld.idx.msk [tilespmem:v26+s30+$0x60 ss:$0x1], $0xffff  }
0x2af: {  	[tilespmem:s4+$0x14320] =	vst v8;
	v11 =	vadd.f32 v11, v22;
	v16 =	vmul.f32 v16, v17;
	v10 =	vadd.f32 v12, v10  }
0x2b0: {  	s2 =	simm.s32 $0x300;
	v9 =	vadd.f32 v13, v9;
	v12 =	vmul.f32 v31, v25;
	v13 =	vld.idx.msk [tilespmem:v27+s4+$0x30 ss:$0x1], $0xffff  }
0x2b1: {  	v8 =	vld.idx.msk [tilespmem:v26+s4+$0xB0 ss:$0x1], $0xffff;
	v11 =	vadd.f32 v16, v11;
	[tilespmem:s2+$0x14380] =	vst v10;
	v17 =	vmul.f32 v29, v25  }
0x2b2: {  	v16 =	vmul.f32 v31, v23;
	v10 =	vld.idx.msk [tilespmem:v26+s4+$0x30 ss:$0x1], $0xffff;
	v12 =	vadd.f32 v12, v24;
	[tilespmem:s2+$0x14300] =	vst v9  }
0x2b3: {  	v9 =	vmul.f32 v29, v23;
	[tilespmem:s0+$0x143D0] =	vst v11;
	v11 =	vmul.f32 v30, v25;
	v17 =	vadd.f32 v17, v24  }
0x2b4: {  	v21 =	vld.idx.msk [tilespmem:v27+s2+$0x90 ss:$0x1], $0xffff;
	v16 =	vadd.f32 v16, v22;
	v12 =	vmul.f32 v12, v60;
	v30 =	vmul.f32 v30, v23  }
0x2b5: {  	v9 =	vadd.f32 v9, v22;
	v28 =	vld.idx.msk [tilespmem:v27+s0+$0xE0 ss:$0x1], $0xffff;
	v61 =	vmul.f32 v13, v23;
	v13 =	vmul.f32 v13, v25  }
0x2b6: {  	v29 =	vld.idx.msk [tilespmem:v27+s2+$0x10 ss:$0x1], $0xffff;
	v11 =	vadd.f32 v11, v24;
	v8 =	vmul.f32 v17, v8;
	v12 =	vadd.f32 v12, v16  }
0x2b7: {  	v31 =	vld.idx.msk [tilespmem:v26+s2+$0x10 ss:$0x1], $0xffff;
	v16 =	vadd.f32 v30, v22;
	v30 =	vadd.f32 v61, v22  }
0x2b8: {  	v17 =	vld.idx.msk [tilespmem:v26+s2+$0x90 ss:$0x1], $0xffff;
	v13 =	vadd.f32 v13, v24;
	v8 =	vadd.f32 v8, v9;
	v11 =	vmul.f32 v11, v19  }
0x2b9: {  	v9 =	vld.idx.msk [tilespmem:v26+s0+$0xE0 ss:$0x1], $0xffff;
	v19 =	vmul.f32 v21, v25;
	[tilespmem:s0+$0x14340] =	vst v12;
	v21 =	vmul.f32 v21, v23  }
0x2ba: {  	v63 =	vld.idx.msk [tilespmem:v26+s0+$0x50 ss:$0x1], $0xffff;
	v10 =	vmul.f32 v13, v10;
	[tilespmem:s4+$0x143B0] =	vst v8;
	v12 =	vmul.f32 v28, v25  }
0x2bb: {  	v8 =	vld.idx.msk [tilespmem:v27+s0+$0x50 ss:$0x1], $0xffff;
	v11 =	vadd.f32 v11, v16;
	v16 =	vmul.f32 v29, v25;
	v19 =	vadd.f32 v19, v24  }
0x2bc: {  	v29 =	vmul.f32 v29, v23;
	v28 =	vmul.f32 v28, v23;
	v62 =	vld.idx.msk [tilespmem:v27+s4+$0xC0 ss:$0x1], $0xffff;
	v12 =	vadd.f32 v12, v24  }
0x2bd: {  	v21 =	vadd.f32 v21, v22;
	v13 =	vld.idx.msk [tilespmem:v26+s4+$0xC0 ss:$0x1], $0xffff;
	v16 =	vadd.f32 v16, v24;
	v17 =	vmul.f32 v19, v17  }
0x2be: {  	v10 =	vadd.f32 v10, v30;
	[tilespmem:s30+$0x14360] =	vst v11;
	v19 =	vadd.f32 v28, v22;
	v9 =	vmul.f32 v12, v9  }
0x2bf: {  	v11 =	vadd.f32 v29, v22;
	v12 =	vld.idx.msk [tilespmem:v27+s30+$0x6C ss:$0x1], $0xffff;
	v16 =	vmul.f32 v16, v31;
	v17 =	vadd.f32 v17, v21  }
0x2c0: {  	[tilespmem:s4+$0x14330] =	vst v10;
	v21 =	vmul.f32 v8, v23;
	v8 =	vmul.f32 v8, v25;
	v9 =	vadd.f32 v9, v19  }
0x2c1: {  	v28 =	vld.idx.msk [tilespmem:v26+s30+$0x6C ss:$0x1], $0xffff;
	v11 =	vadd.f32 v16, v11;
	[tilespmem:s2+$0x14390] =	vst v17;
	v16 =	vmul.f32 v62, v25  }
0x2c2: {  	v35 =	vld.idx.msk [tilespmem:v27+s2+$0xA0 ss:$0x1], $0xffff;
	v8 =	vadd.f32 v8, v24;
	[tilespmem:s0+$0x143E0] =	vst v9  }
0x2c3: {  	[tilespmem:s2+$0x14310] =	vst v11;
	v9 =	vmul.f32 v62, v23;
	v11 =	vadd.f32 v16, v24;
	v29 =	vld.idx.msk [tilespmem:v27+s0+$0xEC ss:$0x1], $0xffff  }
0x2c4: {  	v32 =	vadd.f32 v21, v22;
	v36 =	vld.idx.msk [tilespmem:v27+s2+$0x20 ss:$0x1], $0xffff;
	v33 =	vmul.f32 v8, v63;
	v31 =	vmul.f32 v12, v25  }
0x2c5: {  	s24 =	sadd.s32 $0x100, s24;
	s23 =	simm.s32 $0xC00;
	s21 =	simm.s32 $0x6;
	v34 =	vld.idx.msk [tilespmem:v26+s2+$0x20 ss:$0x1], $0xffff;
	v30 =	vmul.f32 v12, v23;
	v8 =	vadd.f32 v9, v22;
	v9 =	vmul.f32 v11, v13  }
.LBB2_6:
0x2c6: {  	s25 =	sand.u32 $0xFFFFFF80, s24;
	s26 =	sadd.s32 $0x80, s24;
	v10 =	vld.idx.msk [tilespmem:v26+s2+$0xA0 ss:$0x1], $0xffff;
	v11 =	vadd.f32 v33, v32;
	v12 =	vadd.f32 v31, v24  }
0x2c7: {  	s21 =	sadd.s32 $0x2, s21;
	s25 =	sor.u32 s25, s1;
	s26 =	sand.u32 $0xFFFFFF80, s26;
	v8 =	vadd.f32 v9, v8;
	v9 =	vld.idx.msk [tilespmem:v26+s0+$0xEC ss:$0x1], $0xffff;
	v13 =	vadd.f32 v30, v22  }
0x2c8: {  	p0 =	slt.u32 s21, $0x7A;
	v17 =	vmul.f32 v35, v25;
	v16 =	vld [tilespmem:s25+$0x0];
	s25 =	sor.u32 s26, s1;
	[tilespmem:s0+$0x14350] =	vst v11;
	v11 =	vmul.f32 v12, v28  }
0x2c9: {  	s19 =	sadd.s32 $0x100, s19;
	v12 =	vld [tilespmem:s25+$0x0];
	[tilespmem:s4+$0x143C0] =	vst v8;
	v8 =	vmul.f32 v29, v25  }
0x2ca: {  	v21 =	vmul.f32 v35, v23;
	s26 =	sadd.s32 $0x80, s19;
	s25 =	sand.u32 $0xFFFFFF80, s19;
	v19 =	vmul.f32 v36, v25;
	v17 =	vadd.f32 v17, v24;
	v28 =	vld.idx.msk [tilespmem:v27+s4+$0xD0 ss:$0x1], $0xffff  }
0x2cb: {  	s26 =	sand.u32 $0xFFFFFF80, s26;
	v30 =	vmul.f32 v36, v23;
	v29 =	vmul.f32 v29, v23;
	s25 =	sor.u32 s25, s31;
	v31 =	vld.idx.msk [tilespmem:v27+s4+$0x40 ss:$0x1], $0xffff;
	v8 =	vadd.f32 v8, v24  }
0x2cc: {  	v21 =	vadd.f32 v21, v22;
	v19 =	vadd.f32 v19, v24;
	v10 =	vmul.f32 v17, v10;
	v32 =	vld [tilespmem:s25+$0x0];
	s25 =	sor.u32 s26, s31  }
0x2cd: {  	v29 =	vadd.f32 v29, v22;
	v17 =	vmul.f32 v16, v25;
	v33 =	vld [tilespmem:s25+$0x0];
	v8 =	vmul.f32 v8, v9  }
0x2ce: {  	v9 =	vmul.f32 v16, v23;
	v16 =	vmul.f32 v19, v34;
	v10 =	vadd.f32 v10, v21;
	v19 =	vld.idx.msk [tilespmem:v26+s4+$0xD0 ss:$0x1], $0xffff  }
0x2cf: {  	v21 =	vmul.f32 v12, v25;
	v17 =	vadd.f32 v17, v24;
	v34 =	vld.idx.msk [tilespmem:v26+s4+$0x40 ss:$0x1], $0xffff;
	v8 =	vadd.f32 v8, v29  }
0x2d0: {  	v9 =	vadd.f32 v9, v22;
	v29 =	vadd.f32 v30, v22;
	[tilespmem:s2+$0x143A0] =	vst v10;
	v10 =	vmul.f32 v28, v25  }
0x2d1: {  	v12 =	vmul.f32 v12, v23;
	v21 =	vadd.f32 v21, v24;
	v30 =	vld.idx.msk [tilespmem:v27+s2+$0xB0 ss:$0x1], $0xffff;
	[tilespmem:s0+$0x143EC] =	vst v8  }
0x2d2: {  	v8 =	vmul.f32 v17, v32;
	v17 =	vmul.f32 v28, v23;
	v10 =	vadd.f32 v10, v24;
	v28 =	vld.idx.msk [tilespmem:v27+s0+$0x60 ss:$0x1], $0xffff  }
0x2d3: {  	v12 =	vadd.f32 v12, v22;
	v16 =	vadd.f32 v16, v29;
	v21 =	vmul.f32 v21, v33;
	v29 =	vld.idx.msk [tilespmem:v26+s0+$0x60 ss:$0x1], $0xffff  }
0x2d4: {  	v8 =	vadd.f32 v8, v9;
	v9 =	vadd.f32 v17, v22;
	v10 =	vmul.f32 v10, v19  }
0x2d5: {  	s23 =	sadd.s32 $0x400, s23;
	v17 =	vmul.f32 v31, v25;
	v12 =	vadd.f32 v21, v12;
	[tilespmem:s2+$0x14320] =	vst v16;
	v16 =	vld.idx.msk [tilespmem:v26+s2+$0xB0 ss:$0x1], $0xffff  }
0x2d6: {  	s25 =	sshra.s32 s23, $0x2;
	v21 =	vmul.f32 v31, v23;
	v19 =	vld.idx.msk [tilespmem:v27+s2+$0x30 ss:$0x1], $0xffff;
	v9 =	vadd.f32 v10, v9;
	v10 =	vadd.f32 v11, v13  }
0x2d7: {  	v13 =	vadd.f32 v17, v24;
	[tilespmem:s25+$0x14380] =	vst v12;
	v11 =	vld.idx.msk [tilespmem:v26+s2+$0x30 ss:$0x1], $0xffff;
	v12 =	vmul.f32 v30, v25  }
0x2d8: {  	v21 =	vadd.f32 v21, v22;
	v17 =	vld.idx.msk [tilespmem:v27+s25+$0x90 ss:$0x1], $0xffff;
	[tilespmem:s4+$0x143D0] =	vst v9;
	v9 =	vmul.f32 v28, v25  }
0x2d9: {  	[tilespmem:s25+$0x14300] =	vst v8;
	v8 =	vmul.f32 v30, v23;
	v12 =	vadd.f32 v12, v24;
	v30 =	vld.idx.msk [tilespmem:v27+s4+$0xE0 ss:$0x1], $0xffff  }
0x2da: {  	v13 =	vmul.f32 v13, v34;
	v28 =	vmul.f32 v28, v23;
	v31 =	vld.idx.msk [tilespmem:v27+s25+$0x10 ss:$0x1], $0xffff;
	v9 =	vadd.f32 v9, v24  }
0x2db: {  	v32 =	vld.idx.msk [tilespmem:v26+s25+$0x10 ss:$0x1], $0xffff;
	v8 =	vadd.f32 v8, v22;
	v12 =	vmul.f32 v12, v16;
	[tilespmem:s30+$0x1436C] =	vst v10;
	s30 =	smov.u32 s0;
	s0 =	smov.u32 s4;
	s4 =	smov.u32 s2  }
0x2dc: {  	v13 =	vadd.f32 v13, v21;
	v16 =	vmul.f32 v19, v23;
	v19 =	vmul.f32 v19, v25;
	s2 =	smov.u32 s25;
	v10 =	vld.idx.msk [tilespmem:v26+s25+$0x90 ss:$0x1], $0xffff  }
0x2dd: {  	v21 =	vadd.f32 v28, v22;
	v9 =	vmul.f32 v9, v29;
	v8 =	vadd.f32 v12, v8;
	v12 =	vld.idx.msk [tilespmem:v26+s0+$0xE0 ss:$0x1], $0xffff  }
0x2de: {  	v28 =	vmul.f32 v17, v25;
	v16 =	vadd.f32 v16, v22;
	v19 =	vadd.f32 v19, v24;
	[tilespmem:s0+$0x14340] =	vst v13  }
0x2df: {  	v13 =	vmul.f32 v30, v25;
	v9 =	vadd.f32 v9, v21;
	[tilespmem:s4+$0x143B0] =	vst v8;
	v8 =	vld.idx.msk [tilespmem:v27+s0+$0x50 ss:$0x1], $0xffff  }
0x2e0: {  	v17 =	vmul.f32 v17, v23;
	v21 =	vmul.f32 v31, v25;
	v28 =	vadd.f32 v28, v24;
	v29 =	vld.idx.msk [tilespmem:v27+s4+$0xC0 ss:$0x1], $0xffff  }
0x2e1: {  	v30 =	vmul.f32 v30, v23;
	v31 =	vmul.f32 v31, v23;
	v13 =	vadd.f32 v13, v24;
	v33 =	vld.idx.msk [tilespmem:v26+s0+$0x50 ss:$0x1], $0xffff  }
0x2e2: {  	v17 =	vadd.f32 v17, v22;
	v21 =	vadd.f32 v21, v24;
	v10 =	vmul.f32 v28, v10;
	[tilespmem:s30+$0x14360] =	vst v9  }
0x2e3: {  	v28 =	vadd.f32 v30, v22;
	v9 =	vadd.f32 v31, v22;
	v12 =	vmul.f32 v13, v12;
	v13 =	vld.idx.msk [tilespmem:v27+s30+$0x6C ss:$0x1], $0xffff  }
0x2e4: {  	v11 =	vmul.f32 v19, v11;
	v21 =	vmul.f32 v21, v32;
	v10 =	vadd.f32 v10, v17;
	v17 =	vld.idx.msk [tilespmem:v26+s4+$0xC0 ss:$0x1], $0xffff  }
0x2e5: {  	v19 =	vmul.f32 v8, v23;
	v8 =	vmul.f32 v8, v25;
	v12 =	vadd.f32 v12, v28;
	v28 =	vld.idx.msk [tilespmem:v26+s30+$0x6C ss:$0x1], $0xffff  }
.Ltmp2:
0x2e6: {  	v9 =	vadd.f32 v21, v9;
	[tilespmem:s2+$0x14390] =	vst v10;
	v10 =	vadd.f32 v11, v16;
	v11 =	vmul.f32 v29, v25;
	(pc) =	sbr.rel @p0 .LBB2_6-.Ltmp2, $4  }
0x2e7: {  	v32 =	vadd.f32 v19, v22;
	v8 =	vadd.f32 v8, v24;
	v35 =	vld.idx.msk [tilespmem:v27+s2+$0xA0 ss:$0x1], $0xffff;
	[tilespmem:s0+$0x143E0] =	vst v12  }
0x2e8: {  	[tilespmem:s2+$0x14310] =	vst v9;
	v9 =	vmul.f32 v29, v23;
	v11 =	vadd.f32 v11, v24;
	v29 =	vld.idx.msk [tilespmem:v27+s0+$0xEC ss:$0x1], $0xffff  }
0x2e9: {  	v33 =	vmul.f32 v8, v33;
	v31 =	vmul.f32 v13, v25;
	v36 =	vld.idx.msk [tilespmem:v27+s2+$0x20 ss:$0x1], $0xffff;
	[tilespmem:s4+$0x14330] =	vst v10  }
0x2ea: {  	s24 =	sadd.s32 $0x100, s24;
	v30 =	vmul.f32 v13, v23;
	v34 =	vld.idx.msk [tilespmem:v26+s2+$0x20 ss:$0x1], $0xffff;
	v8 =	vadd.f32 v9, v22;
	v9 =	vmul.f32 v11, v17  }
0x2eb: {  	_ =	sdelay $0x3  }
0x2ec: {  	v10 =	vld.idx.msk [tilespmem:v26+s2+$0xA0 ss:$0x1], $0xffff  }
0x2ed: {  	v11 =	vmul.f32 v35, v25;
	_ =	sdelay $0x1  }
0x2ee: {  	v12 =	vmul.f32 v35, v23;
	v11 =	vadd.f32 v11, v24;
	_ =	sdelay $0x1  }
0x2ef: {  	v12 =	vadd.f32 v12, v22;
	v10 =	vmul.f32 v11, v10  }
0x2f0: {  	v13 =	vmul.f32 v36, v25  }
0x2f1: {  	v10 =	vadd.f32 v10, v12  }
0x2f2: {  	v11 =	vmul.f32 v36, v23;
	v13 =	vadd.f32 v13, v24  }
0x2f3: {  	[tilespmem:s2+$0x143A0] =	vst v10  }
0x2f4: {  	v12 =	vmul.f32 v13, v34;
	v11 =	vadd.f32 v11, v22;
	v10 =	vld.idx.msk [tilespmem:v27+s2+$0xB0 ss:$0x1], $0xffff;
	_ =	sdelay $0x1  }
0x2f5: {  	v11 =	vadd.f32 v12, v11;
	_ =	sdelay $0x1  }
0x2f6: {  	[tilespmem:s2+$0x14320] =	vst v11;
	v11 =	vld.idx.msk [tilespmem:v26+s2+$0xB0 ss:$0x1], $0xffff  }
0x2f7: {  	v12 =	vld.idx.msk [tilespmem:v27+s2+$0x30 ss:$0x1], $0xffff;
	v13 =	vmul.f32 v10, v25;
	_ =	sdelay $0x1  }
0x2f8: {  	v10 =	vmul.f32 v10, v23;
	v13 =	vadd.f32 v13, v24;
	_ =	sdelay $0x1  }
0x2f9: {  	v16 =	vld.idx.msk [tilespmem:v26+s2+$0x30 ss:$0x1], $0xffff;
	v10 =	vadd.f32 v10, v22;
	v11 =	vmul.f32 v13, v11  }
0x2fa: {  	v13 =	vmul.f32 v12, v25  }
0x2fb: {  	v10 =	vadd.f32 v11, v10  }
0x2fc: {  	v12 =	vmul.f32 v12, v23;
	v11 =	vadd.f32 v13, v24  }
0x2fd: {  	[tilespmem:s2+$0x143B0] =	vst v10  }
0x2fe: {  	v12 =	vadd.f32 v12, v22;
	v10 =	vmul.f32 v11, v16;
	v11 =	vld.idx.msk [tilespmem:v27+s2+$0xC0 ss:$0x1], $0xffff  }
0x2ff: {  	v13 =	vld.idx.msk [tilespmem:v27+s4+$0x40 ss:$0x1], $0xffff  }
0x300: {  	v10 =	vadd.f32 v10, v12  }
0x301: {  	v16 =	vld.idx.msk [tilespmem:v26+s4+$0x40 ss:$0x1], $0xffff  }
0x302: {  	v12 =	vld.idx.msk [tilespmem:v26+s2+$0xC0 ss:$0x1], $0xffff;
	[tilespmem:s2+$0x14330] =	vst v10  }
0x303: {  	v10 =	vld.idx.msk [tilespmem:v27+s2+$0x40 ss:$0x1], $0xffff;
	v17 =	vmul.f32 v11, v25  }
0x304: {  	v8 =	vadd.f32 v9, v8;
	v19 =	vmul.f32 v13, v25  }
0x305: {  	v9 =	vmul.f32 v11, v23;
	v11 =	vadd.f32 v17, v24  }
0x306: {  	[tilespmem:s4+$0x143C0] =	vst v8;
	v17 =	vadd.f32 v19, v24  }
0x307: {  	v13 =	vmul.f32 v13, v23;
	v19 =	vld.idx.msk [tilespmem:v26+s2+$0x40 ss:$0x1], $0xffff;
	v8 =	vadd.f32 v9, v22;
	v9 =	vmul.f32 v11, v12  }
0x308: {  	v11 =	vmul.f32 v10, v25;
	v12 =	vmul.f32 v17, v16;
	v16 =	vld.idx.msk [tilespmem:v27+s4+$0xD0 ss:$0x1], $0xffff  }
0x309: {  	v13 =	vadd.f32 v13, v22  }
0x30a: {  	v8 =	vadd.f32 v9, v8;
	v9 =	vmul.f32 v10, v23;
	v10 =	vadd.f32 v11, v24  }
0x30b: {  	v11 =	vadd.f32 v12, v13  }
0x30c: {  	v12 =	vld.idx.msk [tilespmem:v26+s4+$0xD0 ss:$0x1], $0xffff;
	[tilespmem:s2+$0x143C0] =	vst v8;
	v8 =	vadd.f32 v9, v22;
	v9 =	vmul.f32 v10, v19  }
0x30d: {  	[tilespmem:s4+$0x14340] =	vst v11;
	v10 =	vld.idx.msk [tilespmem:v27+s2+$0xD0 ss:$0x1], $0xffff;
	v11 =	vmul.f32 v16, v25  }
0x30e: {  	v13 =	vld.idx.msk [tilespmem:v27+s4+$0x50 ss:$0x1], $0xffff;
	v8 =	vadd.f32 v9, v8  }
0x30f: {  	v9 =	vmul.f32 v16, v23;
	v11 =	vadd.f32 v11, v24  }
0x310: {  	v16 =	vld.idx.msk [tilespmem:v26+s2+$0xD0 ss:$0x1], $0xffff;
	[tilespmem:s2+$0x14340] =	vst v8  }
0x311: {  	v8 =	vadd.f32 v33, v32;
	v9 =	vadd.f32 v9, v22;
	v17 =	vld.idx.msk [tilespmem:v27+s2+$0x50 ss:$0x1], $0xffff;
	v11 =	vmul.f32 v11, v12  }
0x312: {  	v12 =	vld.idx.msk [tilespmem:v26+s4+$0x50 ss:$0x1], $0xffff;
	v19 =	vmul.f32 v10, v25  }
0x313: {  	[tilespmem:s0+$0x14350] =	vst v8;
	v8 =	vmul.f32 v13, v25;
	v9 =	vadd.f32 v11, v9  }
0x314: {  	v10 =	vmul.f32 v10, v23;
	v21 =	vld.idx.msk [tilespmem:v27+s0+$0x60 ss:$0x1], $0xffff;
	v11 =	vadd.f32 v19, v24  }
0x315: {  	v13 =	vmul.f32 v13, v23;
	v8 =	vadd.f32 v8, v24;
	v19 =	vld.idx.msk [tilespmem:v26+s2+$0x50 ss:$0x1], $0xffff;
	[tilespmem:s4+$0x143D0] =	vst v9  }
0x316: {  	v9 =	vadd.f32 v10, v22;
	v10 =	vmul.f32 v11, v16;
	v11 =	vmul.f32 v17, v25;
	v16 =	vld.idx.msk [tilespmem:v27+s4+$0xE0 ss:$0x1], $0xffff  }
0x317: {  	v13 =	vadd.f32 v13, v22;
	v8 =	vmul.f32 v8, v12  }
0x318: {  	v12 =	vld.idx.msk [tilespmem:v26+s0+$0x60 ss:$0x1], $0xffff;
	v9 =	vadd.f32 v10, v9;
	v10 =	vmul.f32 v17, v23;
	v11 =	vadd.f32 v11, v24  }
0x319: {  	v17 =	vld.idx.msk [tilespmem:v26+s4+$0xE0 ss:$0x1], $0xffff;
	v8 =	vadd.f32 v8, v13  }
0x31a: {  	[tilespmem:s2+$0x143D0] =	vst v9;
	v9 =	vadd.f32 v10, v22;
	v10 =	vmul.f32 v11, v19;
	v11 =	vmul.f32 v21, v25  }
0x31b: {  	v13 =	vld.idx.msk [tilespmem:v27+s2+$0xE0 ss:$0x1], $0xffff;
	v19 =	vmul.f32 v16, v25  }
0x31c: {  	[tilespmem:s4+$0x14350] =	vst v8;
	v8 =	vadd.f32 v10, v9;
	v9 =	vmul.f32 v21, v23;
	v10 =	vadd.f32 v11, v24  }
0x31d: {  	v16 =	vmul.f32 v16, v23;
	v11 =	vld.idx.msk [tilespmem:v27+s4+$0x60 ss:$0x1], $0xffff;
	v19 =	vadd.f32 v19, v24  }
0x31e: {  	v21 =	vld.idx.msk [tilespmem:v26+s2+$0xE0 ss:$0x1], $0xffff;
	[tilespmem:s2+$0x14350] =	vst v8;
	v9 =	vadd.f32 v9, v22;
	v10 =	vmul.f32 v10, v12  }
0x31f: {  	v16 =	vadd.f32 v16, v22;
	v12 =	vld.idx.msk [tilespmem:v27+s2+$0x60 ss:$0x1], $0xffff;
	v17 =	vmul.f32 v19, v17  }
0x320: {  	v19 =	vmul.f32 v13, v25;
	v9 =	vadd.f32 v10, v9  }
0x321: {  	v10 =	vadd.f32 v17, v16  }
0x322: {  	v13 =	vmul.f32 v13, v23;
	v16 =	vld.idx.msk [tilespmem:v26+s4+$0x60 ss:$0x1], $0xffff;
	v17 =	vadd.f32 v19, v24;
	[tilespmem:s0+$0x14360] =	vst v9  }
0x323: {  	v52 =	vld.idx.msk [tilespmem:v26+s2+$0x60 ss:$0x1], $0xffff;
	v9 =	vmul.f32 v11, v25;
	[tilespmem:s4+$0x143E0] =	vst v10  }
0x324: {  	v10 =	vadd.f32 v13, v22;
	v55 =	vld.idx.msk [tilespmem:v26+s0+$0x6C ss:$0x1], $0xffff;
	v13 =	vmul.f32 v17, v21;
	v17 =	vmul.f32 v12, v25  }
0x325: {  	v11 =	vmul.f32 v11, v23;
	v21 =	vld.idx.msk [tilespmem:v26+s0+$0xEC ss:$0x1], $0xffff;
	v9 =	vadd.f32 v9, v24  }
0x326: {  	v12 =	vmul.f32 v12, v23;
	v53 =	vld [tilespmem:$0x1FF70];
	v17 =	vadd.f32 v17, v24  }
0x327: {  	v11 =	vadd.f32 v11, v22;
	v10 =	vadd.f32 v13, v10;
	v9 =	vmul.f32 v9, v16;
	v16 =	vld [tilespmem:$0x1FF60]  }
0x328: {  	v13 =	vld.idx.msk [tilespmem:v27+s0+$0x6C ss:$0x1], $0xffff;
	v12 =	vadd.f32 v12, v22;
	v17 =	vmul.f32 v17, v52  }
0x329: {  	v9 =	vadd.f32 v9, v11;
	v11 =	vld [tilespmem:$0x1FF80];
	[tilespmem:s2+$0x143E0] =	vst v10  }
0x32a: {  	v10 =	vadd.f32 v17, v12;
	v12 =	vld [tilespmem:$0x1FF90]  }
0x32b: {  	[tilespmem:s4+$0x14360] =	vst v9;
	v9 =	vld.idx.msk [tilespmem:v27+s2+$0xEC ss:$0x1], $0xffff  }
0x32c: {  	(v2sf) =	vpush v16, $0x0;
	v16 =	vld.idx.msk [tilespmem:v27+s4+$0xEC ss:$0x1], $0xffff  }
0x32d: {  	v19 =	vmul.f32 v29, v25;
	v17 =	vmul.f32 v13, v25;
	v56 =	vld [tilespmem:$0x1FFA0]  }
0x32e: {  	v8 =	vadd.f32 v31, v24;
	v57 =	vld.idx.msk [tilespmem:v27+s4+$0x6C ss:$0x1], $0xffff;
	[tilespmem:s2+$0x14360] =	vst v10  }
0x32f: {  	v19 =	vadd.f32 v19, v24;
	v10 =	vadd.f32 v17, v24;
	v17 =	vld.idx.msk [tilespmem:v27+s2+$0x6C ss:$0x1], $0xffff  }
0x330: {  	v30 =	vadd.f32 v30, v22;
	v54 =	vmul.f32 v29, v23;
	(v2sf) =	vpush v53, $0x0;
	v27 =	vld [tilespmem:$0x1FFB0]  }
0x331: {  	v8 =	vmul.f32 v8, v28;
	v19 =	vmul.f32 v19, v21;
	(v2sf) =	vpush v11, $0x0;
	v11 =	vld.idx.msk [tilespmem:v26+s4+$0xEC ss:$0x1], $0xffff  }
0x332: {  	(v2sf) =	vpush v12, $0x0;
	v12 =	vadd.f32 v54, v22;
	v21 =	vmul.f32 v16, v25  }
0x333: {  	v8 =	vadd.f32 v8, v30;
	(v2sf) =	vpush v56, $0x0  }
0x334: {  	v16 =	vmul.f32 v16, v23;
	v12 =	vadd.f32 v19, v12;
	v19 =	vadd.f32 v21, v24  }
0x335: {  	v13 =	vmul.f32 v13, v23;
	v10 =	vmul.f32 v10, v55;
	(v2sf) =	vpush v27, $0x0;
	v21 =	vld.idx.msk [tilespmem:v26+s2+$0xEC ss:$0x1], $0xffff  }
0x336: {  	v16 =	vadd.f32 v16, v22;
	v27 =	vmul.f32 v9, v25;
	v11 =	vmul.f32 v19, v11;
	v19 =	vld.idx.msk [tilespmem:v26+s4+$0x6C ss:$0x1], $0xffff  }
0x337: {  	v13 =	vadd.f32 v13, v22;
	v58 =	vmul.f32 v57, v25;
	v9 =	vmul.f32 v9, v23;
	v26 =	vld.idx.msk [tilespmem:v26+s2+$0x6C ss:$0x1], $0xffff  }
0x338: {  	v25 =	vmul.f32 v17, v25;
	v11 =	vadd.f32 v11, v16;
	v16 =	vadd.f32 v27, v24  }
0x339: {  	v28 =	vadd.f32 v58, v24;
	v9 =	vadd.f32 v9, v22;
	v27 =	vmul.f32 v57, v23  }
0x33a: {  	[tilespmem:s0+$0x143EC] =	vst v12;
	v12 =	vmul.f32 v16, v21;
	v16 =	vmul.f32 v17, v23;
	v17 =	vadd.f32 v25, v24  }
0x33b: {  	[tilespmem:s30+$0x1436C] =	vst v8;
	v8 =	vadd.f32 v10, v13;
	v10 =	vadd.f32 v27, v22;
	v13 =	vmul.f32 v28, v19  }
0x33c: {  	[tilespmem:s4+$0x143EC] =	vst v11;
	v9 =	vadd.f32 v12, v9;
	v11 =	vadd.f32 v16, v22;
	v12 =	vmul.f32 v17, v26  }
0x33d: {  	[tilespmem:s0+$0x1436C] =	vst v8;
	v8 =	vadd.f32 v13, v10  }
0x33e: {  	[tilespmem:s2+$0x143EC] =	vst v9;
	v9 =	vadd.f32 v12, v11  }
0x33f: {  	[tilespmem:s4+$0x1436C] =	vst v8  }
0x340: {  	[tilespmem:s2+$0x1436C] =	vst v9  }
0x341: {  	v8 =	vld [tilespmem:$0x1FFF0];
	_ =	sdelay $0x3  }
0x342: {  	s19 =	spop (v2sf)  }
0x343: {  	s21 =	spop (v2sf);
	v11 =	vadd.f32 v8, v20;
	v8 =	vld [tilespmem:$0x1FFD0]  }
0x344: {  	s26 =	sshll.u32 s19, $0x7;
	s23 =	spop (v2sf)  }
0x345: {  	s0 =	sadd.s32 s26, s21;
	s1 =	sshll.u32 s23, $0xE;
	s4 =	simm.s32 $0x14300  }
0x346: {  	s24 =	spop (v2sf);
	s0 =	sadd.s32 s1, s0;
	s2 =	simm.s32 $0x0  }
0x347: {  	[hbm4b:s16+s2] =	stream.linear.scatter [tilespmem:s4], [sflag:$0x1], $0x3E00, $0x38;
	[tilespmem:$0x1C300] =	vst v63  }
0x348: {  	s1 =	sand.u32 $0x7F, s21;
	s25 =	spop (v2sf);
	s2 =	sadd.s32 $0x80, s0;
	v9 =	vadd.f32 v8, v15;
	v8 =	vld [tilespmem:$0x1FFE0]  }
0x349: {  	s4 =	sshll.u32 s24, $0x7;
	s2 =	sand.u32 $0xFFFFFF80, s2;
	s26 =	spop (v2sf)  }
0x34a: {  	s4 =	sadd.s32 s4, s25;
	s31 =	sor.u32 s2, s1;
	s30 =	sshll.u32 s26, $0xE  }
0x34b: {  	v12 =	vld [tilespmem:s31+$0x0];
	s2 =	sadd.s32 s30, s4  }
0x34c: {  	s30 =	sadd.s32 $0x80, s2  }
0x34d: {  	s4 =	sand.u32 $0x7F, s25;
	s30 =	sand.u32 $0xFFFFFF80, s30;
	v10 =	vadd.f32 v8, v18;
	v8 =	vld [tilespmem:$0x1FFC0]  }
0x34e: {  	s30 =	sor.u32 s30, s4  }
0x34f: {  	v16 =	vld [tilespmem:s30+$0x0]  }
0x350: {  	s19 =	sshll.u32 s19, $0x9;
	s23 =	sshll.u32 s23, $0x10;
	v13 =	vmul.f32 v12, v11  }
0x351: {  	s19 =	sadd.s32 s19, s23;
	s21 =	sshll.u32 s21, $0x2  }
0x352: {  	s19 =	sadd.s32 s21, s19;
	v12 =	vmul.f32 v12, v9;
	v8 =	vadd.f32 v8, v14;
	v14 =	vadd.f32 v13, v10  }
0x353: {  	s19 =	sshra.s32 s19, $0x2  }
0x354: {  	s23 =	sshll.u32 s26, $0x10;
	s26 =	sshll.u32 s24, $0x9;
	v13 =	vmov s19;
	v12 =	vadd.f32 v12, v8;
	v14 =	vmul.f32 v14, v16  }
0x355: {  	s24 =	sadd.s32 s26, s23;
	s25 =	sshll.u32 s25, $0x2  }
0x356: {  	s19 =	sadd.s32 s25, s24;
	v14 =	vadd.f32 v14, v12  }
0x357: {  	s30 =	simm.s32 $0x0;
	s19 =	sshra.s32 s19, $0x2  }
0x358: {  	s26 =	sand.u32 $0xFFFFFF80, s0;
	v12 =	vmov s19;
	[tilespmem:s30+$0x18380] =	vst v14  }
0x359: {  	s19 =	sor.u32 s26, s1;
	v14 =	vld.idx.msk [tilespmem:v13+s30+$0x90 ss:$0x1], $0xffff  }
0x35a: {  	v15 =	vld [tilespmem:s19+$0x0];
	_ =	sdelay $0x1  }
0x35b: {  	s21 =	sand.u32 $0xFFFFFF80, s2  }
0x35c: {  	s19 =	sor.u32 s21, s4;
	v16 =	vld.idx.msk [tilespmem:v12+s30+$0x90 ss:$0x1], $0xffff  }
0x35d: {  	v17 =	vld [tilespmem:s19+$0x0];
	v18 =	vmul.f32 v14, v11  }
0x35e: {  	v19 =	vmul.f32 v15, v11  }
0x35f: {  	v14 =	vmul.f32 v14, v9;
	v18 =	vadd.f32 v18, v10  }
0x360: {  	v15 =	vmul.f32 v15, v9;
	v19 =	vadd.f32 v19, v10  }
0x361: {  	v14 =	vadd.f32 v14, v8;
	v16 =	vmul.f32 v18, v16  }
0x362: {  	v15 =	vadd.f32 v15, v8;
	v17 =	vmul.f32 v19, v17  }
0x363: {  	v14 =	vadd.f32 v16, v14  }
0x364: {  	v15 =	vadd.f32 v17, v15  }
0x365: {  	[tilespmem:s30+$0x18390] =	vst v14  }
0x366: {  	[tilespmem:s30+$0x18300] =	vst v15;
	v14 =	vld.idx.msk [tilespmem:v13+s30+$0xA0 ss:$0x1], $0xffff  }
0x367: {  	v15 =	vld.idx.msk [tilespmem:v13+s30+$0x10 ss:$0x1], $0xffff;
	_ =	sdelay $0x1  }
0x368: {  	s19 =	sadd.s32 $0x100, s0  }
0x369: {  	s0 =	sadd.s32 $0x80, s19;
	v16 =	vld.idx.msk [tilespmem:v12+s30+$0xA0 ss:$0x1], $0xffff  }
0x36a: {  	s0 =	sand.u32 $0xFFFFFF80, s0;
	v17 =	vld.idx.msk [tilespmem:v12+s30+$0x10 ss:$0x1], $0xffff;
	v18 =	vmul.f32 v14, v11  }
0x36b: {  	s0 =	sor.u32 s0, s1;
	v19 =	vmul.f32 v15, v11  }
0x36c: {  	s2 =	sadd.s32 $0x100, s2;
	v20 =	vld [tilespmem:s0+$0x0];
	v14 =	vmul.f32 v14, v9;
	v18 =	vadd.f32 v18, v10  }
0x36d: {  	s24 =	sadd.s32 $0x80, s2;
	s23 =	sand.u32 $0xFFFFFF80, s19;
	v15 =	vmul.f32 v15, v9;
	v19 =	vadd.f32 v19, v10  }
0x36e: {  	s21 =	sand.u32 $0xFFFFFF80, s24;
	s0 =	sor.u32 s23, s1;
	v14 =	vadd.f32 v14, v8;
	v16 =	vmul.f32 v18, v16  }
0x36f: {  	s25 =	sor.u32 s21, s4;
	v15 =	vadd.f32 v15, v8;
	v17 =	vmul.f32 v19, v17;
	v18 =	vld [tilespmem:s0+$0x0]  }
0x370: {  	s26 =	sand.u32 $0xFFFFFF80, s2;
	v19 =	vld [tilespmem:s25+$0x0];
	v14 =	vadd.f32 v16, v14  }
0x371: {  	s23 =	sor.u32 s26, s4;
	v15 =	vadd.f32 v17, v15;
	v16 =	vmul.f32 v20, v11  }
0x372: {  	v17 =	vld [tilespmem:s23+$0x0];
	[tilespmem:s30+$0x183A0] =	vst v14  }
0x373: {  	[tilespmem:s30+$0x18310] =	vst v15;
	v14 =	vmul.f32 v20, v9;
	v15 =	vadd.f32 v16, v10;
	v16 =	vld.idx.msk [tilespmem:v13+s30+$0xB0 ss:$0x1], $0xffff  }
0x374: {  	v20 =	vld.idx.msk [tilespmem:v13+s30+$0x20 ss:$0x1], $0xffff;
	v21 =	vmul.f32 v18, v11  }
0x375: {  	v14 =	vadd.f32 v14, v8;
	v15 =	vmul.f32 v15, v19  }
0x376: {  	v18 =	vmul.f32 v18, v9;
	v19 =	vadd.f32 v21, v10  }
0x377: {  	v14 =	vadd.f32 v15, v14;
	v15 =	vld.idx.msk [tilespmem:v12+s30+$0xB0 ss:$0x1], $0xffff  }
0x378: {  	s0 =	simm.s32 $0x100;
	v21 =	vld.idx.msk [tilespmem:v12+s30+$0x20 ss:$0x1], $0xffff;
	v18 =	vadd.f32 v18, v8;
	v17 =	vmul.f32 v19, v17;
	v19 =	vmul.f32 v16, v11  }
0x379: {  	v22 =	vmul.f32 v20, v11;
	[tilespmem:s0+$0x18380] =	vst v14  }
0x37a: {  	v16 =	vmul.f32 v16, v9;
	v14 =	vadd.f32 v17, v18;
	v17 =	vld.idx.msk [tilespmem:v13+s0+$0x90 ss:$0x1], $0xffff;
	v18 =	vadd.f32 v19, v10  }
0x37b: {  	v19 =	vmul.f32 v20, v9;
	v20 =	vadd.f32 v22, v10  }
0x37c: {  	[tilespmem:s0+$0x18300] =	vst v14;
	v14 =	vadd.f32 v16, v8;
	v15 =	vmul.f32 v18, v15  }
0x37d: {  	v16 =	vmul.f32 v20, v21;
	v18 =	vadd.f32 v19, v8;
	v19 =	vld.idx.msk [tilespmem:v13+s0+$0x10 ss:$0x1], $0xffff  }
0x37e: {  	v20 =	vld.idx.msk [tilespmem:v12+s0+$0x90 ss:$0x1], $0xffff;
	v14 =	vadd.f32 v15, v14  }
0x37f: {  	v15 =	vadd.f32 v16, v18;
	v16 =	vmul.f32 v17, v11  }
0x380: {  	v18 =	vld.idx.msk [tilespmem:v12+s0+$0x10 ss:$0x1], $0xffff;
	[tilespmem:s30+$0x183B0] =	vst v14  }
0x381: {  	[tilespmem:s30+$0x18320] =	vst v15;
	v14 =	vmul.f32 v17, v9;
	v15 =	vadd.f32 v16, v10;
	v16 =	vld.idx.msk [tilespmem:v13+s30+$0xC0 ss:$0x1], $0xffff  }
0x382: {  	v17 =	vld.idx.msk [tilespmem:v13+s30+$0x30 ss:$0x1], $0xffff;
	v21 =	vmul.f32 v19, v11  }
0x383: {  	v14 =	vadd.f32 v14, v8;
	v15 =	vmul.f32 v15, v20  }
0x384: {  	v19 =	vmul.f32 v19, v9;
	v20 =	vadd.f32 v21, v10  }
0x385: {  	v14 =	vadd.f32 v15, v14;
	v15 =	vld.idx.msk [tilespmem:v12+s30+$0xC0 ss:$0x1], $0xffff  }
0x386: {  	v19 =	vadd.f32 v19, v8;
	v18 =	vmul.f32 v20, v18;
	v20 =	vmul.f32 v16, v11  }
0x387: {  	v21 =	vld.idx.msk [tilespmem:v12+s30+$0x30 ss:$0x1], $0xffff;
	v22 =	vmul.f32 v17, v11;
	[tilespmem:s0+$0x18390] =	vst v14  }
0x388: {  	v16 =	vmul.f32 v16, v9;
	v14 =	vadd.f32 v18, v19;
	v18 =	vld.idx.msk [tilespmem:v13+s0+$0xA0 ss:$0x1], $0xffff;
	v19 =	vadd.f32 v20, v10  }
0x389: {  	v17 =	vmul.f32 v17, v9  }
0x38a: {  	s19 =	sadd.s32 $0x100, s19;
	v20 =	vadd.f32 v22, v10;
	[tilespmem:s0+$0x18310] =	vst v14;
	v14 =	vadd.f32 v16, v8;
	v15 =	vmul.f32 v19, v15  }
0x38b: {  	s24 =	sand.u32 $0xFFFFFF80, s19;
	s25 =	sadd.s32 $0x80, s19;
	v16 =	vld.idx.msk [tilespmem:v13+s0+$0x20 ss:$0x1], $0xffff  }
0x38c: {  	s21 =	sor.u32 s24, s1;
	s23 =	sand.u32 $0xFFFFFF80, s25;
	v17 =	vadd.f32 v17, v8;
	v19 =	vmul.f32 v20, v21;
	v20 =	vld.idx.msk [tilespmem:v12+s0+$0xA0 ss:$0x1], $0xffff;
	v14 =	vadd.f32 v15, v14  }
0x38d: {  	s2 =	sadd.s32 $0x100, s2;
	s26 =	sor.u32 s23, s1;
	v15 =	vld [tilespmem:s21+$0x0];
	v21 =	vmul.f32 v18, v11  }
0x38e: {  	s24 =	sand.u32 $0xFFFFFF80, s2;
	v17 =	vadd.f32 v19, v17;
	v19 =	vld [tilespmem:s26+$0x0];
	[tilespmem:s30+$0x183C0] =	vst v14  }
0x38f: {  	s25 =	sor.u32 s24, s4;
	s23 =	sadd.s32 $0x80, s2;
	v14 =	vmul.f32 v18, v9;
	v18 =	vadd.f32 v21, v10;
	v21 =	vld.idx.msk [tilespmem:v13+s30+$0xD0 ss:$0x1], $0xffff  }
0x390: {  	v25 =	vld [tilespmem:s25+$0x0];
	s21 =	sand.u32 $0xFFFFFF80, s23  }
0x391: {  	s21 =	sor.u32 s21, s4;
	[tilespmem:s30+$0x18330] =	vst v17;
	v17 =	vld.idx.msk [tilespmem:v12+s0+$0x20 ss:$0x1], $0xffff;
	v14 =	vadd.f32 v14, v8;
	v18 =	vmul.f32 v18, v20  }
0x392: {  	v23 =	vld [tilespmem:s21+$0x0];
	v20 =	vmul.f32 v16, v11  }
0x393: {  	v16 =	vmul.f32 v16, v9;
	v24 =	vmul.f32 v19, v11;
	v14 =	vadd.f32 v18, v14;
	v18 =	vld.idx.msk [tilespmem:v12+s30+$0xD0 ss:$0x1], $0xffff  }
0x394: {  	v22 =	vld.idx.msk [tilespmem:v13+s30+$0x40 ss:$0x1], $0xffff;
	v26 =	vmul.f32 v15, v11;
	v20 =	vadd.f32 v20, v10;
	v27 =	vmul.f32 v21, v11  }
0x395: {  	v15 =	vmul.f32 v15, v9;
	[tilespmem:s0+$0x183A0] =	vst v14;
	v14 =	vmul.f32 v19, v9;
	v19 =	vadd.f32 v24, v10  }
0x396: {  	v17 =	vmul.f32 v20, v17;
	v21 =	vmul.f32 v21, v9;
	v20 =	vld.idx.msk [tilespmem:v13+s0+$0xB0 ss:$0x1], $0xffff;
	v24 =	vadd.f32 v27, v10  }
0x397: {  	v26 =	vadd.f32 v26, v10;
	v14 =	vadd.f32 v14, v8;
	v19 =	vmul.f32 v19, v23  }
0x398: {  	v16 =	vadd.f32 v16, v8;
	v21 =	vadd.f32 v21, v8;
	v18 =	vmul.f32 v24, v18  }
0x399: {  	v15 =	vadd.f32 v15, v8;
	v23 =	vld.idx.msk [tilespmem:v12+s30+$0x40 ss:$0x1], $0xffff;
	v24 =	vmul.f32 v26, v25;
	v14 =	vadd.f32 v19, v14  }
0x39a: {  	s31 =	simm.s32 $0x200;
	v19 =	vld.idx.msk [tilespmem:v12+s0+$0xB0 ss:$0x1], $0xffff;
	v25 =	vmul.f32 v22, v11;
	v18 =	vadd.f32 v18, v21  }
0x39b: {  	v16 =	vadd.f32 v17, v16;
	v15 =	vadd.f32 v24, v15;
	[tilespmem:s31+$0x18380] =	vst v14;
	v14 =	vmul.f32 v20, v11  }
0x39c: {  	v17 =	vmul.f32 v22, v9;
	v21 =	vadd.f32 v25, v10;
	v22 =	vld.idx.msk [tilespmem:v13+s31+$0x90 ss:$0x1], $0xffff;
	[tilespmem:s30+$0x183D0] =	vst v18  }
0x39d: {  	[tilespmem:s31+$0x18300] =	vst v15;
	v15 =	vmul.f32 v20, v9;
	v14 =	vadd.f32 v14, v10;
	v18 =	vld.idx.msk [tilespmem:v13+s30+$0xE0 ss:$0x1], $0xffff  }
0x39e: {  	[tilespmem:s0+$0x18320] =	vst v16;
	v16 =	vadd.f32 v17, v8;
	v20 =	vmul.f32 v21, v23;
	v17 =	vld.idx.msk [tilespmem:v13+s31+$0x10 ss:$0x1], $0xffff  }
0x39f: {  	v21 =	vld.idx.msk [tilespmem:v13+s0+$0x30 ss:$0x1], $0xffff;
	v15 =	vadd.f32 v15, v8;
	v14 =	vmul.f32 v14, v19  }
0x3a0: {  	v19 =	vld.idx.msk [tilespmem:v12+s31+$0x90 ss:$0x1], $0xffff;
	v16 =	vadd.f32 v20, v16  }
0x3a1: {  	v14 =	vadd.f32 v14, v15;
	v15 =	vld.idx.msk [tilespmem:v12+s30+$0xE0 ss:$0x1], $0xffff;
	v20 =	vmul.f32 v22, v11  }
0x3a2: {  	v23 =	vld.idx.msk [tilespmem:v12+s31+$0x10 ss:$0x1], $0xffff;
	[tilespmem:s30+$0x18340] =	vst v16;
	v16 =	vmul.f32 v18, v11  }
0x3a3: {  	v22 =	vmul.f32 v22, v9;
	[tilespmem:s0+$0x183B0] =	vst v14;
	v14 =	vmul.f32 v17, v11;
	v20 =	vadd.f32 v20, v10  }
0x3a4: {  	v17 =	vmul.f32 v17, v9;
	v18 =	vmul.f32 v18, v9;
	v24 =	vld.idx.msk [tilespmem:v13+s0+$0xC0 ss:$0x1], $0xffff;
	v16 =	vadd.f32 v16, v10  }
0x3a5: {  	v25 =	vld.idx.msk [tilespmem:v13+s30+$0x50 ss:$0x1], $0xffff;
	v22 =	vadd.f32 v22, v8;
	v14 =	vadd.f32 v14, v10;
	v19 =	vmul.f32 v20, v19  }
0x3a6: {  	v18 =	vadd.f32 v18, v8;
	v15 =	vmul.f32 v16, v15  }
0x3a7: {  	v17 =	vadd.f32 v17, v8;
	v16 =	vld.idx.msk [tilespmem:v12+s0+$0x30 ss:$0x1], $0xffff;
	v14 =	vmul.f32 v14, v23;
	v19 =	vadd.f32 v19, v22  }
0x3a8: {  	v20 =	vmul.f32 v21, v9;
	v21 =	vmul.f32 v21, v11;
	v22 =	vld.idx.msk [tilespmem:v12+s0+$0xC0 ss:$0x1], $0xffff;
	v15 =	vadd.f32 v15, v18  }
0x3a9: {  	v18 =	vld.idx.msk [tilespmem:v12+s30+$0x50 ss:$0x1], $0xffff;
	v14 =	vadd.f32 v14, v17;
	[tilespmem:s31+$0x18390] =	vst v19;
	v17 =	vmul.f32 v24, v11  }
0x3aa: {  	v19 =	vadd.f32 v21, v10;
	v21 =	vmul.f32 v25, v11;
	v23 =	vld.idx.msk [tilespmem:v13+s31+$0xA0 ss:$0x1], $0xffff;
	[tilespmem:s30+$0x183E0] =	vst v15  }
0x3ab: {  	[tilespmem:s31+$0x18310] =	vst v14;
	v14 =	vmul.f32 v24, v9;
	v15 =	vadd.f32 v17, v10;
	v17 =	vld.idx.msk [tilespmem:v13+s30+$0xEC ss:$0x1], $0xffff  }
0x3ac: {  	s24 =	sadd.s32 $0x100, s19;
	v20 =	vadd.f32 v20, v8;
	v21 =	vadd.f32 v21, v10;
	v16 =	vmul.f32 v19, v16;
	v24 =	vld.idx.msk [tilespmem:v13+s31+$0x20 ss:$0x1], $0xffff  }
0x3ad: {  	s19 =	sand.u32 $0xFFFFFF80, s24;
	v19 =	vmul.f32 v25, v9;
	v14 =	vadd.f32 v14, v8;
	v15 =	vmul.f32 v15, v22;
	v22 =	vld.idx.msk [tilespmem:v12+s31+$0xA0 ss:$0x1], $0xffff  }
0x3ae: {  	s19 =	sor.u32 s19, s1;
	s26 =	sadd.s32 $0x80, s24;
	v16 =	vadd.f32 v16, v20;
	v20 =	vld.idx.msk [tilespmem:v12+s30+$0xEC ss:$0x1], $0xffff  }
0x3af: {  	s21 =	sand.u32 $0xFFFFFF80, s26;
	v19 =	vadd.f32 v19, v8;
	v18 =	vmul.f32 v21, v18;
	v14 =	vadd.f32 v15, v14;
	v15 =	vld [tilespmem:s19+$0x0]  }
0x3b0: {  	s23 =	sor.u32 s21, s1;
	v21 =	vmul.f32 v23, v11;
	[tilespmem:s0+$0x18330] =	vst v16;
	v16 =	vld.idx.msk [tilespmem:v12+s31+$0x20 ss:$0x1], $0xffff  }
0x3b1: {  	s19 =	sadd.s32 $0x100, s2;
	v23 =	vmul.f32 v23, v9;
	v18 =	vadd.f32 v18, v19;
	v19 =	vld [tilespmem:s23+$0x0];
	v25 =	vmul.f32 v17, v11;
	[tilespmem:s0+$0x183C0] =	vst v14  }
0x3b2: {  	s25 =	sadd.s32 $0x80, s19;
	v14 =	vmul.f32 v24, v11;
	v21 =	vadd.f32 v21, v10;
	v27 =	vld.idx.msk [tilespmem:v13+s0+$0x40 ss:$0x1], $0xffff;
	v17 =	vmul.f32 v17, v9  }
0x3b3: {  	v24 =	vmul.f32 v24, v9;
	s21 =	sand.u32 $0xFFFFFF80, s25;
	v23 =	vadd.f32 v23, v8;
	v26 =	vld.idx.msk [tilespmem:v13+s0+$0xD0 ss:$0x1], $0xffff;
	v25 =	vadd.f32 v25, v10  }
0x3b4: {  	s2 =	sand.u32 $0xFFFFFF80, s19;
	v60 =	vld.idx.msk [tilespmem:v12+s0+$0x40 ss:$0x1], $0xffff;
	s26 =	sor.u32 s21, s4;
	v14 =	vadd.f32 v14, v10;
	v21 =	vmul.f32 v21, v22;
	v17 =	vadd.f32 v17, v8  }
0x3b5: {  	s2 =	sor.u32 s2, s4;
	[tilespmem:s30+$0x18350] =	vst v18;
	v18 =	vld [tilespmem:s26+$0x0];
	v24 =	vadd.f32 v24, v8;
	v59 =	vmul.f32 v15, v11;
	v20 =	vmul.f32 v25, v20  }
0x3b6: {  	v22 =	vld [tilespmem:s2+$0x0];
	v14 =	vmul.f32 v14, v16;
	v16 =	vadd.f32 v21, v23;
	v25 =	vmul.f32 v19, v11  }
0x3b7: {  	v15 =	vmul.f32 v15, v9;
	v21 =	vld.idx.msk [tilespmem:v12+s0+$0xD0 ss:$0x1], $0xffff;
	v23 =	vadd.f32 v59, v10;
	v17 =	vadd.f32 v20, v17  }
0x3b8: {  	v20 =	vmul.f32 v26, v11;
	[tilespmem:s31+$0x183A0] =	vst v16;
	v16 =	vmul.f32 v19, v9;
	v19 =	vadd.f32 v25, v10  }
0x3b9: {  	v14 =	vadd.f32 v14, v24;
	v25 =	vld.idx.msk [tilespmem:v13+s31+$0xB0 ss:$0x1], $0xffff;
	[tilespmem:s30+$0x183EC] =	vst v17;
	v17 =	vmul.f32 v26, v9  }
0x3ba: {  	v20 =	vadd.f32 v20, v10;
	v26 =	vld.idx.msk [tilespmem:v13+s30+$0x60 ss:$0x1], $0xffff;
	v16 =	vadd.f32 v16, v8;
	v18 =	vmul.f32 v19, v18  }
0x3bb: {  	v15 =	vadd.f32 v15, v8;
	v19 =	vmul.f32 v23, v22;
	v22 =	vld.idx.msk [tilespmem:v12+s30+$0x60 ss:$0x1], $0xffff  }
0x3bc: {  	[tilespmem:s31+$0x18320] =	vst v14;
	v17 =	vadd.f32 v17, v8;
	v20 =	vmul.f32 v20, v21;
	v16 =	vadd.f32 v18, v16  }
0x3bd: {  	s2 =	simm.s32 $0x300;
	v15 =	vadd.f32 v19, v15;
	v18 =	vmul.f32 v27, v11;
	v19 =	vld.idx.msk [tilespmem:v13+s31+$0x30 ss:$0x1], $0xffff  }
0x3be: {  	v14 =	vld.idx.msk [tilespmem:v12+s31+$0xB0 ss:$0x1], $0xffff;
	v17 =	vadd.f32 v20, v17;
	[tilespmem:s2+$0x18380] =	vst v16  }
0x3bf: {  	v20 =	vmul.f32 v27, v9;
	v21 =	vmul.f32 v25, v11;
	v18 =	vadd.f32 v18, v10;
	[tilespmem:s2+$0x18300] =	vst v15  }
0x3c0: {  	v16 =	vld.idx.msk [tilespmem:v12+s31+$0x30 ss:$0x1], $0xffff;
	v15 =	vmul.f32 v25, v9;
	[tilespmem:s0+$0x183D0] =	vst v17;
	v17 =	vmul.f32 v26, v11  }
0x3c1: {  	v23 =	vld.idx.msk [tilespmem:v13+s2+$0x90 ss:$0x1], $0xffff;
	v21 =	vadd.f32 v21, v10;
	v20 =	vadd.f32 v20, v8;
	v18 =	vmul.f32 v18, v60  }
0x3c2: {  	v26 =	vmul.f32 v26, v9;
	v15 =	vadd.f32 v15, v8;
	v24 =	vld.idx.msk [tilespmem:v13+s0+$0xE0 ss:$0x1], $0xffff;
	v61 =	vmul.f32 v19, v9  }
0x3c3: {  	v25 =	vld.idx.msk [tilespmem:v13+s2+$0x10 ss:$0x1], $0xffff;
	v19 =	vmul.f32 v19, v11;
	v17 =	vadd.f32 v17, v10;
	v14 =	vmul.f32 v21, v14  }
0x3c4: {  	v27 =	vld.idx.msk [tilespmem:v12+s2+$0x10 ss:$0x1], $0xffff;
	v18 =	vadd.f32 v18, v20;
	v20 =	vadd.f32 v26, v8  }
0x3c5: {  	v21 =	vld.idx.msk [tilespmem:v12+s2+$0x90 ss:$0x1], $0xffff;
	v19 =	vadd.f32 v19, v10;
	v14 =	vadd.f32 v14, v15;
	v17 =	vmul.f32 v17, v22  }
0x3c6: {  	v15 =	vld.idx.msk [tilespmem:v12+s0+$0xE0 ss:$0x1], $0xffff;
	v22 =	vmul.f32 v23, v11;
	[tilespmem:s0+$0x18340] =	vst v18;
	v23 =	vmul.f32 v23, v9  }
0x3c7: {  	v26 =	vadd.f32 v61, v8;
	v16 =	vmul.f32 v19, v16;
	[tilespmem:s31+$0x183B0] =	vst v14;
	v18 =	vmul.f32 v24, v11  }
0x3c8: {  	v14 =	vld.idx.msk [tilespmem:v13+s0+$0x50 ss:$0x1], $0xffff;
	v17 =	vadd.f32 v17, v20;
	v20 =	vmul.f32 v25, v11;
	v22 =	vadd.f32 v22, v10  }
0x3c9: {  	v25 =	vmul.f32 v25, v9;
	v24 =	vmul.f32 v24, v9;
	v62 =	vld.idx.msk [tilespmem:v13+s31+$0xC0 ss:$0x1], $0xffff;
	v18 =	vadd.f32 v18, v10  }
0x3ca: {  	v63 =	vld.idx.msk [tilespmem:v12+s0+$0x50 ss:$0x1], $0xffff;
	v23 =	vadd.f32 v23, v8;
	v20 =	vadd.f32 v20, v10;
	v21 =	vmul.f32 v22, v21  }
0x3cb: {  	v16 =	vadd.f32 v16, v26;
	[tilespmem:s30+$0x18360] =	vst v17;
	v22 =	vadd.f32 v24, v8;
	v15 =	vmul.f32 v18, v15  }
0x3cc: {  	v17 =	vadd.f32 v25, v8;
	v25 =	vld.idx.msk [tilespmem:v13+s30+$0x6C ss:$0x1], $0xffff;
	v18 =	vmul.f32 v20, v27;
	v20 =	vadd.f32 v21, v23  }
0x3cd: {  	v24 =	vld.idx.msk [tilespmem:v12+s31+$0xC0 ss:$0x1], $0xffff;
	v19 =	vmul.f32 v14, v9;
	v23 =	vmul.f32 v14, v11;
	v15 =	vadd.f32 v15, v22  }
0x3ce: {  	v14 =	vld.idx.msk [tilespmem:v12+s30+$0x6C ss:$0x1], $0xffff;
	v17 =	vadd.f32 v18, v17;
	[tilespmem:s2+$0x18390] =	vst v20;
	v20 =	vmul.f32 v62, v11  }
0x3cf: {  	v21 =	vld.idx.msk [tilespmem:v13+s2+$0xA0 ss:$0x1], $0xffff;
	v18 =	vadd.f32 v19, v8;
	v19 =	vadd.f32 v23, v10;
	[tilespmem:s0+$0x183E0] =	vst v15  }
0x3d0: {  	v23 =	vmul.f32 v62, v9;
	[tilespmem:s2+$0x18310] =	vst v17;
	v26 =	vadd.f32 v20, v10;
	v15 =	vld.idx.msk [tilespmem:v13+s0+$0xEC ss:$0x1], $0xffff  }
0x3d1: {  	[tilespmem:s31+$0x18330] =	vst v16;
	v17 =	vmul.f32 v25, v11;
	v22 =	vld.idx.msk [tilespmem:v13+s2+$0x20 ss:$0x1], $0xffff;
	v19 =	vmul.f32 v19, v63  }
0x3d2: {  	s24 =	sadd.s32 $0x100, s24;
	s23 =	simm.s32 $0xC00;
	s21 =	simm.s32 $0x6;
	v16 =	vmul.f32 v25, v9;
	v20 =	vld.idx.msk [tilespmem:v12+s2+$0x20 ss:$0x1], $0xffff;
	v23 =	vadd.f32 v23, v8;
	v24 =	vmul.f32 v26, v24  }
.LBB2_8:
0x3d3: {  	s25 =	sand.u32 $0xFFFFFF80, s24;
	s26 =	sadd.s32 $0x80, s24;
	v25 =	vld.idx.msk [tilespmem:v12+s2+$0xA0 ss:$0x1], $0xffff;
	v18 =	vadd.f32 v19, v18;
	v17 =	vadd.f32 v17, v10  }
0x3d4: {  	s21 =	sadd.s32 $0x2, s21;
	s25 =	sor.u32 s25, s1;
	s26 =	sand.u32 $0xFFFFFF80, s26;
	v19 =	vadd.f32 v24, v23;
	v23 =	vld.idx.msk [tilespmem:v12+s0+$0xEC ss:$0x1], $0xffff;
	v16 =	vadd.f32 v16, v8  }
0x3d5: {  	p0 =	slt.u32 s21, $0x7A;
	v26 =	vmul.f32 v21, v11;
	v24 =	vld [tilespmem:s25+$0x0];
	s25 =	sor.u32 s26, s1;
	[tilespmem:s0+$0x18350] =	vst v18;
	v14 =	vmul.f32 v17, v14  }
0x3d6: {  	s19 =	sadd.s32 $0x100, s19;
	v18 =	vmul.f32 v15, v11;
	v17 =	vld [tilespmem:s25+$0x0];
	[tilespmem:s31+$0x183C0] =	vst v19  }
0x3d7: {  	v21 =	vmul.f32 v21, v9;
	s26 =	sadd.s32 $0x80, s19;
	s25 =	sand.u32 $0xFFFFFF80, s19;
	v19 =	vmul.f32 v22, v11;
	v26 =	vadd.f32 v26, v10;
	v27 =	vld.idx.msk [tilespmem:v13+s31+$0xD0 ss:$0x1], $0xffff  }
0x3d8: {  	v15 =	vmul.f32 v15, v9;
	s26 =	sand.u32 $0xFFFFFF80, s26;
	v22 =	vmul.f32 v22, v9;
	s25 =	sor.u32 s25, s4;
	v18 =	vadd.f32 v18, v10;
	v28 =	vld.idx.msk [tilespmem:v13+s31+$0x40 ss:$0x1], $0xffff  }
0x3d9: {  	v21 =	vadd.f32 v21, v8;
	v19 =	vadd.f32 v19, v10;
	v25 =	vmul.f32 v26, v25;
	v29 =	vld [tilespmem:s25+$0x0];
	s25 =	sor.u32 s26, s4  }
0x3da: {  	v15 =	vadd.f32 v15, v8;
	v18 =	vmul.f32 v18, v23;
	v26 =	vmul.f32 v24, v11;
	v30 =	vld [tilespmem:s25+$0x0]  }
0x3db: {  	v23 =	vmul.f32 v24, v9;
	v19 =	vmul.f32 v19, v20;
	v20 =	vadd.f32 v25, v21;
	v21 =	vld.idx.msk [tilespmem:v12+s31+$0xD0 ss:$0x1], $0xffff  }
0x3dc: {  	v25 =	vmul.f32 v17, v11;
	v15 =	vadd.f32 v18, v15;
	v24 =	vadd.f32 v26, v10;
	v26 =	vld.idx.msk [tilespmem:v12+s31+$0x40 ss:$0x1], $0xffff  }
0x3dd: {  	v22 =	vadd.f32 v22, v8;
	v18 =	vadd.f32 v23, v8;
	[tilespmem:s2+$0x183A0] =	vst v20;
	v20 =	vmul.f32 v27, v11  }
0x3de: {  	v17 =	vmul.f32 v17, v9;
	v23 =	vadd.f32 v25, v10;
	v25 =	vld.idx.msk [tilespmem:v13+s2+$0xB0 ss:$0x1], $0xffff;
	[tilespmem:s0+$0x183EC] =	vst v15  }
0x3df: {  	v15 =	vmul.f32 v24, v29;
	v24 =	vmul.f32 v27, v9;
	v20 =	vadd.f32 v20, v10;
	v27 =	vld.idx.msk [tilespmem:v13+s0+$0x60 ss:$0x1], $0xffff  }
0x3e0: {  	v19 =	vadd.f32 v19, v22;
	v17 =	vadd.f32 v17, v8;
	v23 =	vmul.f32 v23, v30;
	v22 =	vld.idx.msk [tilespmem:v12+s0+$0x60 ss:$0x1], $0xffff  }
0x3e1: {  	v15 =	vadd.f32 v15, v18;
	v18 =	vadd.f32 v24, v8;
	v20 =	vmul.f32 v20, v21  }
0x3e2: {  	s23 =	sadd.s32 $0x400, s23;
	v17 =	vadd.f32 v23, v17;
	v21 =	vmul.f32 v28, v11;
	[tilespmem:s2+$0x18320] =	vst v19;
	v19 =	vld.idx.msk [tilespmem:v12+s2+$0xB0 ss:$0x1], $0xffff  }
0x3e3: {  	v14 =	vadd.f32 v14, v16;
	s25 =	sshra.s32 s23, $0x2;
	v24 =	vmul.f32 v28, v9;
	v23 =	vld.idx.msk [tilespmem:v13+s2+$0x30 ss:$0x1], $0xffff;
	v18 =	vadd.f32 v20, v18  }
0x3e4: {  	v20 =	vadd.f32 v21, v10;
	[tilespmem:s25+$0x18380] =	vst v17;
	v16 =	vld.idx.msk [tilespmem:v12+s2+$0x30 ss:$0x1], $0xffff;
	v17 =	vmul.f32 v25, v11  }
0x3e5: {  	v24 =	vadd.f32 v24, v8;
	v21 =	vld.idx.msk [tilespmem:v13+s25+$0x90 ss:$0x1], $0xffff;
	[tilespmem:s31+$0x183D0] =	vst v18;
	v18 =	vmul.f32 v27, v11  }
0x3e6: {  	[tilespmem:s25+$0x18300] =	vst v15;
	v15 =	vmul.f32 v25, v9;
	v17 =	vadd.f32 v17, v10;
	v25 =	vld.idx.msk [tilespmem:v13+s31+$0xE0 ss:$0x1], $0xffff  }
0x3e7: {  	v20 =	vmul.f32 v20, v26;
	v26 =	vmul.f32 v27, v9;
	v28 =	vld.idx.msk [tilespmem:v13+s25+$0x10 ss:$0x1], $0xffff;
	v18 =	vadd.f32 v18, v10  }
0x3e8: {  	v27 =	vld.idx.msk [tilespmem:v12+s25+$0x10 ss:$0x1], $0xffff;
	v15 =	vadd.f32 v15, v8;
	v17 =	vmul.f32 v17, v19;
	[tilespmem:s30+$0x1836C] =	vst v14;
	s30 =	smov.u32 s0;
	s0 =	smov.u32 s31;
	s31 =	smov.u32 s2  }
0x3e9: {  	v20 =	vadd.f32 v20, v24;
	v19 =	vmul.f32 v23, v9;
	v23 =	vmul.f32 v23, v11;
	s2 =	smov.u32 s25;
	v14 =	vld.idx.msk [tilespmem:v12+s25+$0x90 ss:$0x1], $0xffff  }
0x3ea: {  	v24 =	vadd.f32 v26, v8;
	v18 =	vmul.f32 v18, v22;
	v15 =	vadd.f32 v17, v15;
	v17 =	vld.idx.msk [tilespmem:v12+s0+$0xE0 ss:$0x1], $0xffff  }
0x3eb: {  	v22 =	vmul.f32 v21, v11;
	v19 =	vadd.f32 v19, v8;
	v23 =	vadd.f32 v23, v10;
	[tilespmem:s0+$0x18340] =	vst v20  }
0x3ec: {  	v20 =	vmul.f32 v25, v11;
	v18 =	vadd.f32 v18, v24;
	[tilespmem:s31+$0x183B0] =	vst v15;
	v15 =	vld.idx.msk [tilespmem:v13+s0+$0x50 ss:$0x1], $0xffff  }
0x3ed: {  	v21 =	vmul.f32 v21, v9;
	v24 =	vmul.f32 v28, v11;
	v22 =	vadd.f32 v22, v10;
	v26 =	vld.idx.msk [tilespmem:v13+s31+$0xC0 ss:$0x1], $0xffff  }
0x3ee: {  	v25 =	vmul.f32 v25, v9;
	v28 =	vmul.f32 v28, v9;
	v20 =	vadd.f32 v20, v10;
	v29 =	vld.idx.msk [tilespmem:v12+s0+$0x50 ss:$0x1], $0xffff  }
0x3ef: {  	v21 =	vadd.f32 v21, v8;
	v24 =	vadd.f32 v24, v10;
	v14 =	vmul.f32 v22, v14;
	[tilespmem:s30+$0x18360] =	vst v18  }
0x3f0: {  	v22 =	vadd.f32 v25, v8;
	v18 =	vadd.f32 v28, v8;
	v17 =	vmul.f32 v20, v17;
	v25 =	vld.idx.msk [tilespmem:v13+s30+$0x6C ss:$0x1], $0xffff  }
0x3f1: {  	v16 =	vmul.f32 v23, v16;
	v20 =	vmul.f32 v24, v27;
	v21 =	vadd.f32 v14, v21;
	v24 =	vld.idx.msk [tilespmem:v12+s31+$0xC0 ss:$0x1], $0xffff  }
0x3f2: {  	v23 =	vmul.f32 v15, v9;
	v15 =	vmul.f32 v15, v11;
	v17 =	vadd.f32 v17, v22;
	v14 =	vld.idx.msk [tilespmem:v12+s30+$0x6C ss:$0x1], $0xffff  }
.Ltmp3:
0x3f3: {  	v16 =	vadd.f32 v16, v19;
	v20 =	vadd.f32 v20, v18;
	v19 =	vmul.f32 v26, v11;
	[tilespmem:s2+$0x18390] =	vst v21;
	(pc) =	sbr.rel @p0 .LBB2_8-.Ltmp3, $4  }
0x3f4: {  	v18 =	vadd.f32 v23, v8;
	v23 =	vadd.f32 v15, v10;
	v21 =	vld.idx.msk [tilespmem:v13+s2+$0xA0 ss:$0x1], $0xffff;
	[tilespmem:s0+$0x183E0] =	vst v17  }
0x3f5: {  	v26 =	vmul.f32 v26, v9;
	v27 =	vadd.f32 v19, v10;
	[tilespmem:s2+$0x18310] =	vst v20;
	v15 =	vld.idx.msk [tilespmem:v13+s0+$0xEC ss:$0x1], $0xffff  }
0x3f6: {  	v19 =	vmul.f32 v23, v29;
	v17 =	vmul.f32 v25, v11;
	v22 =	vld.idx.msk [tilespmem:v13+s2+$0x20 ss:$0x1], $0xffff;
	[tilespmem:s31+$0x18330] =	vst v16  }
0x3f7: {  	s24 =	sadd.s32 $0x100, s24;
	v23 =	vadd.f32 v26, v8;
	v24 =	vmul.f32 v27, v24;
	v16 =	vmul.f32 v25, v9;
	v20 =	vld.idx.msk [tilespmem:v12+s2+$0x20 ss:$0x1], $0xffff  }
0x3f8: {  	_ =	sdelay $0x3  }
0x3f9: {  	v25 =	vld.idx.msk [tilespmem:v12+s2+$0xA0 ss:$0x1], $0xffff  }
0x3fa: {  	v26 =	vmul.f32 v21, v11  }
0x3fb: {  	v33 =	vmul.f32 v21, v9  }
0x3fc: {  	v26 =	vadd.f32 v26, v10;
	v27 =	vmul.f32 v22, v11  }
0x3fd: {  	v21 =	vadd.f32 v33, v8  }
0x3fe: {  	v34 =	vmul.f32 v22, v9;
	v25 =	vmul.f32 v26, v25;
	v35 =	vadd.f32 v27, v10;
	_ =	sdelay $0x1  }
0x3ff: {  	v22 =	vadd.f32 v34, v8;
	v21 =	vadd.f32 v25, v21;
	v20 =	vmul.f32 v35, v20;
	_ =	sdelay $0x1  }
0x400: {  	[tilespmem:s2+$0x183A0] =	vst v21;
	v20 =	vadd.f32 v20, v22  }
0x401: {  	v21 =	vld.idx.msk [tilespmem:v13+s2+$0xB0 ss:$0x1], $0xffff  }
0x402: {  	[tilespmem:s2+$0x18320] =	vst v20  }
0x403: {  	v37 =	vld.idx.msk [tilespmem:v13+s2+$0x30 ss:$0x1], $0xffff;
	_ =	sdelay $0x1  }
0x404: {  	v36 =	vld.idx.msk [tilespmem:v12+s2+$0xB0 ss:$0x1], $0xffff  }
0x405: {  	v38 =	vmul.f32 v21, v11  }
0x406: {  	v39 =	vld.idx.msk [tilespmem:v12+s2+$0x30 ss:$0x1], $0xffff;
	v21 =	vmul.f32 v21, v9  }
0x407: {  	v25 =	vadd.f32 v38, v10;
	v40 =	vmul.f32 v37, v11  }
0x408: {  	v21 =	vadd.f32 v21, v8  }
0x409: {  	v22 =	vmul.f32 v37, v9;
	v20 =	vmul.f32 v25, v36;
	v41 =	vadd.f32 v40, v10;
	_ =	sdelay $0x1  }
0x40a: {  	v22 =	vadd.f32 v22, v8;
	v20 =	vadd.f32 v20, v21;
	v42 =	vmul.f32 v41, v39;
	_ =	sdelay $0x1  }
0x40b: {  	v44 =	vld.idx.msk [tilespmem:v13+s31+$0x40 ss:$0x1], $0xffff;
	[tilespmem:s2+$0x183B0] =	vst v20;
	v20 =	vadd.f32 v42, v22  }
0x40c: {  	v43 =	vld.idx.msk [tilespmem:v13+s2+$0xC0 ss:$0x1], $0xffff  }
0x40d: {  	[tilespmem:s2+$0x18330] =	vst v20  }
0x40e: {  	v20 =	vld.idx.msk [tilespmem:v13+s2+$0x40 ss:$0x1], $0xffff  }
0x40f: {  	v46 =	vld.idx.msk [tilespmem:v12+s31+$0x40 ss:$0x1], $0xffff  }
0x410: {  	v28 =	vmul.f32 v44, v11;
	v45 =	vld.idx.msk [tilespmem:v12+s2+$0xC0 ss:$0x1], $0xffff  }
0x411: {  	v47 =	vmul.f32 v43, v11  }
0x412: {  	v48 =	vmul.f32 v44, v9;
	v49 =	vadd.f32 v28, v10;
	v50 =	vld.idx.msk [tilespmem:v12+s2+$0x40 ss:$0x1], $0xffff;
	v21 =	vmul.f32 v43, v9  }
0x413: {  	v23 =	vadd.f32 v24, v23;
	v27 =	vadd.f32 v47, v10;
	v51 =	vmul.f32 v20, v11  }
0x414: {  	v52 =	vadd.f32 v48, v8;
	v53 =	vmul.f32 v49, v46;
	v21 =	vadd.f32 v21, v8  }
0x415: {  	[tilespmem:s31+$0x183C0] =	vst v23;
	v20 =	vmul.f32 v20, v9;
	v22 =	vmul.f32 v27, v45;
	v55 =	vadd.f32 v51, v10  }
0x416: {  	v54 =	vld.idx.msk [tilespmem:v13+s31+$0xD0 ss:$0x1], $0xffff;
	v23 =	vadd.f32 v53, v52  }
0x417: {  	v20 =	vadd.f32 v20, v8;
	v21 =	vadd.f32 v22, v21;
	v57 =	vmul.f32 v55, v50  }
0x418: {  	v56 =	vld.idx.msk [tilespmem:v12+s31+$0xD0 ss:$0x1], $0xffff;
	[tilespmem:s31+$0x18340] =	vst v23  }
0x419: {  	v23 =	vld.idx.msk [tilespmem:v13+s31+$0x50 ss:$0x1], $0xffff;
	[tilespmem:s2+$0x183C0] =	vst v21;
	v20 =	vadd.f32 v57, v20  }
0x41a: {  	v58 =	vld.idx.msk [tilespmem:v13+s2+$0xD0 ss:$0x1], $0xffff  }
0x41b: {  	v59 =	vmul.f32 v54, v11;
	[tilespmem:s2+$0x18340] =	vst v20  }
0x41c: {  	v62 =	vld.idx.msk [tilespmem:v13+s2+$0x50 ss:$0x1], $0xffff  }
0x41d: {  	v61 =	vmul.f32 v54, v9;
	v63 =	vld.idx.msk [tilespmem:v12+s31+$0x50 ss:$0x1], $0xffff;
	v21 =	vadd.f32 v59, v10  }
0x41e: {  	v18 =	vadd.f32 v19, v18;
	v32 =	vmul.f32 v23, v11;
	v60 =	vld.idx.msk [tilespmem:v12+s2+$0xD0 ss:$0x1], $0xffff  }
0x41f: {  	v20 =	vadd.f32 v61, v8;
	v21 =	vmul.f32 v21, v56;
	v31 =	vmul.f32 v58, v11  }
0x420: {  	v35 =	vmul.f32 v23, v9;
	v36 =	vadd.f32 v32, v10;
	v37 =	vld.idx.msk [tilespmem:v12+s2+$0x50 ss:$0x1], $0xffff;
	v33 =	vmul.f32 v58, v9  }
0x421: {  	[tilespmem:s0+$0x18350] =	vst v18;
	v20 =	vadd.f32 v21, v20;
	v34 =	vadd.f32 v31, v10;
	v39 =	vmul.f32 v62, v11  }
0x422: {  	v38 =	vld.idx.msk [tilespmem:v13+s0+$0x60 ss:$0x1], $0xffff;
	v19 =	vmul.f32 v36, v63;
	v21 =	vadd.f32 v35, v8;
	v18 =	vadd.f32 v33, v8  }
0x423: {  	[tilespmem:s31+$0x183D0] =	vst v20;
	v41 =	vmul.f32 v62, v9;
	v22 =	vmul.f32 v34, v60;
	v42 =	vadd.f32 v39, v10  }
0x424: {  	v19 =	vadd.f32 v19, v21;
	v43 =	vld.idx.msk [tilespmem:v13+s31+$0xE0 ss:$0x1], $0xffff  }
0x425: {  	v44 =	vadd.f32 v41, v8;
	v18 =	vadd.f32 v22, v18;
	v45 =	vmul.f32 v42, v37  }
0x426: {  	v40 =	vld.idx.msk [tilespmem:v12+s0+$0x60 ss:$0x1], $0xffff;
	[tilespmem:s31+$0x18350] =	vst v19  }
0x427: {  	v51 =	vld.idx.msk [tilespmem:v13+s31+$0x60 ss:$0x1], $0xffff;
	[tilespmem:s2+$0x183D0] =	vst v18;
	v18 =	vadd.f32 v45, v44  }
0x428: {  	v46 =	vmul.f32 v38, v11;
	v48 =	vld.idx.msk [tilespmem:v12+s31+$0xE0 ss:$0x1], $0xffff  }
0x429: {  	v52 =	vmul.f32 v43, v11;
	v47 =	vld.idx.msk [tilespmem:v13+s2+$0xE0 ss:$0x1], $0xffff;
	[tilespmem:s2+$0x18350] =	vst v18  }
0x42a: {  	v49 =	vmul.f32 v38, v9;
	v50 =	vadd.f32 v46, v10;
	v56 =	vld.idx.msk [tilespmem:v13+s2+$0x60 ss:$0x1], $0xffff  }
0x42b: {  	v17 =	vadd.f32 v17, v10;
	v60 =	vld.idx.msk [tilespmem:v12+s31+$0x60 ss:$0x1], $0xffff;
	v23 =	vmul.f32 v43, v9;
	v25 =	vadd.f32 v52, v10  }
0x42c: {  	v54 =	vadd.f32 v49, v8;
	v55 =	vmul.f32 v50, v40;
	v62 =	vmul.f32 v51, v11  }
0x42d: {  	v58 =	vadd.f32 v23, v8;
	v21 =	vmul.f32 v51, v9;
	v53 =	vld.idx.msk [tilespmem:v12+s2+$0xE0 ss:$0x1], $0xffff;
	v59 =	vmul.f32 v25, v48  }
0x42e: {  	v18 =	vadd.f32 v55, v54;
	v33 =	vadd.f32 v62, v10;
	v63 =	vld.idx.msk [tilespmem:v12+s2+$0x60 ss:$0x1], $0xffff;
	v57 =	vmul.f32 v47, v11  }
0x42f: {  	v21 =	vadd.f32 v21, v8;
	v29 =	vadd.f32 v59, v58;
	v31 =	vmul.f32 v56, v11  }
0x430: {  	[tilespmem:s0+$0x18360] =	vst v18;
	v24 =	vmul.f32 v33, v60;
	v22 =	vmul.f32 v47, v9;
	v61 =	vadd.f32 v57, v10  }
0x431: {  	v34 =	vld.idx.msk [tilespmem:v13+s0+$0x6C ss:$0x1], $0xffff;
	[tilespmem:s31+$0x183E0] =	vst v29;
	v20 =	vmul.f32 v56, v9;
	v23 =	vadd.f32 v31, v10  }
0x432: {  	v36 =	vmul.f32 v15, v11;
	v35 =	vld.idx.msk [tilespmem:v13+s31+$0xEC ss:$0x1], $0xffff;
	v22 =	vadd.f32 v22, v8;
	v30 =	vmul.f32 v61, v53  }
0x433: {  	v32 =	vld.idx.msk [tilespmem:v12+s0+$0xEC ss:$0x1], $0xffff;
	v21 =	vadd.f32 v24, v21;
	v20 =	vadd.f32 v20, v8;
	v23 =	vmul.f32 v23, v63  }
0x434: {  	v16 =	vadd.f32 v16, v8;
	v38 =	vld.idx.msk [tilespmem:v12+s0+$0x6C ss:$0x1], $0xffff;
	v19 =	vadd.f32 v30, v22  }
0x435: {  	v26 =	vadd.f32 v36, v10;
	v39 =	vld.idx.msk [tilespmem:v12+s31+$0xEC ss:$0x1], $0xffff;
	[tilespmem:s31+$0x18360] =	vst v21;
	v20 =	vadd.f32 v23, v20  }
0x436: {  	v37 =	vmul.f32 v15, v9;
	v43 =	vld.idx.msk [tilespmem:v13+s31+$0x6C ss:$0x1], $0xffff;
	v40 =	vmul.f32 v34, v11;
	[tilespmem:s2+$0x183E0] =	vst v19  }
0x437: {  	v14 =	vmul.f32 v17, v14;
	v42 =	vmul.f32 v35, v11;
	v41 =	vld.idx.msk [tilespmem:v13+s2+$0xEC ss:$0x1], $0xffff;
	[tilespmem:s2+$0x18360] =	vst v20  }
0x438: {  	v15 =	vadd.f32 v37, v8;
	v25 =	vmul.f32 v26, v32;
	v44 =	vadd.f32 v40, v10;
	v45 =	vld.idx.msk [tilespmem:v13+s2+$0x6C ss:$0x1], $0xffff  }
0x439: {  	v14 =	vadd.f32 v14, v16;
	v47 =	vmul.f32 v34, v9;
	v46 =	vadd.f32 v42, v10  }
0x43a: {  	v15 =	vadd.f32 v25, v15;
	v49 =	vld.idx.msk [tilespmem:v12+s31+$0x6C ss:$0x1], $0xffff;
	v22 =	vmul.f32 v35, v9;
	v17 =	vmul.f32 v44, v38  }
0x43b: {  	v16 =	vadd.f32 v47, v8;
	v51 =	vmul.f32 v43, v11;
	v48 =	vld.idx.msk [tilespmem:v12+s2+$0xEC ss:$0x1], $0xffff;
	v19 =	vmul.f32 v46, v39  }
0x43c: {  	v22 =	vadd.f32 v22, v8;
	v20 =	vmul.f32 v43, v9;
	v52 =	vld.idx.msk [tilespmem:v12+s2+$0x6C ss:$0x1], $0xffff;
	v50 =	vmul.f32 v41, v11  }
0x43d: {  	v55 =	vadd.f32 v51, v10;
	v59 =	vadd.f32 v17, v16;
	v54 =	vmul.f32 v45, v11  }
0x43e: {  	v60 =	vadd.f32 v20, v8;
	v21 =	vmul.f32 v41, v9;
	v53 =	vadd.f32 v50, v10  }
0x43f: {  	[tilespmem:s30+$0x1836C] =	vst v14;
	v61 =	vmul.f32 v55, v49;
	v57 =	vmul.f32 v45, v9;
	v58 =	vadd.f32 v54, v10  }
0x440: {  	[tilespmem:s0+$0x183EC] =	vst v15;
	v19 =	vadd.f32 v19, v22;
	v21 =	vadd.f32 v21, v8;
	v56 =	vmul.f32 v53, v48  }
0x441: {  	[tilespmem:s0+$0x1836C] =	vst v59;
	v63 =	vadd.f32 v61, v60;
	v8 =	vadd.f32 v57, v8;
	v62 =	vmul.f32 v58, v52  }
0x442: {  	[tilespmem:s31+$0x183EC] =	vst v19;
	v15 =	vadd.f32 v56, v21  }
0x443: {  	[tilespmem:s31+$0x1836C] =	vst v63;
	v8 =	vadd.f32 v62, v8  }
0x444: {  	[tilespmem:s2+$0x183EC] =	vst v15  }
0x445: {  	s31 =	simm.s32 $0x18300;
	[tilespmem:s2+$0x1836C] =	vst v8  }
0x446: {  	[hbm4b:s17+s3] =	stream.linear.scatter [tilespmem:s31], [sflag:$0x1], $0x3E00, $0x38;
	[tilespmem:$0x1C300] =	vst v63  }
0x447: {  	_ =	swait.ge [sflag:s28], $0x3E00  }
0x448: {  	[sflag:s28] =	ssyncset.done $0x0  }
0x449: {  	[sflag:s28] =	ssyncadd.s32 $0xFFFFC200  }
0x44a: {  	_ =	swait.ge [sflag:s28], $0x3E00  }
0x44b: {  	[sflag:s28] =	ssyncset.done $0x0  }
0x44c: {  	s29 =	sadd.s32 $0x1, s29;
	[sflag:s28] =	ssyncadd.s32 $0xFFFFC200  }
0x44d: {  	p0 =	sne.s32 s29, s18;
	_ =	swait.ge [sflag:s28], $0x3E00  }
.Ltmp4:
0x44e: {  	[sflag:s28] =	ssyncset.done $0x0;
	(pc) =	sbr.rel @p0 .LBB2_1-.Ltmp4, $4  }
0x44f: {  	[sflag:s28] =	ssyncadd.s32 $0xFFFFC200  }
0x450: {  	_ =	swait.ge [sflag:s28], $0x3E00  }
0x451: {  	[sflag:s28] =	ssyncset.done $0x0  }
0x452: {  	[sflag:s28] =	ssyncadd.s32 $0xFFFFC200  }
0x453: {  	_ =	sfence.sel $0x180000  }
0x454: {  	[bflag:$0x0] =	sbarrier.arrive $0xFFFF  }
0x455: {  	_ =	strace $0x90000047  }
0x456: {  	s0 =	stileid.u32;
	[bflag:$0x2] =	sbarrier.arrive $0xFFFF  }
0x457: {  	p0 =	sne.s32 s0, $0x0;
	s0 =	rddreg [dreg:$0x4]  }
0x458: {  	s0 =	sadd.s32 @!p0 $0x100000, s0  }
0x459: {  	[sflag:s0] =	ssyncadd.tile.s32 @!p0 $0x1;
	_ =	shalt  }
.Lfunc_end2:
_tile_overlayer_lowered:
.L_overlay_start_2:
0x45a: {  	(tag) =	ssettag $0x2  }
0x45b: {  	s0 =	rddreg [dreg:$0x0];
	s2 =	stileid.u32  }
0x45c: {  	s1 =	rddreg [dreg:$0x1];
	p0 =	sne.s32 s2, $0x0  }
0x45d: {  	s3 =	rddreg [dreg:$0x2];
	[bflag:$0x3] =	sbarrier.arrive $0xFFFF;
	s2 =	simm.s32 @!p0 $0x1C03  }
0x45e: {  	[timem:s3], [sflag:s2] =	dma.local @!p0 [hbm:s0], s1  }
0x45f: {  	s0 =	simm.s32 @!p0 $0x3  }
0x460: {  	_ =	swait.ge @!p0 [sflag:s0], s1  }
0x461: {  	s1 =	ssub.s32 @!p0 $0x0, s1;
	[sflag:s0] =	ssyncset.done @!p0 $0x0  }
0x462: {  	[sflag:s0] =	ssyncadd.s32 @!p0 s1  }
0x463: {  	[bflag:$0x3] =	sbarrier.arrive $0xFFFF  }
0x464: {  	_ =	shalt  }

</sc_bundles>
